<compile_context>
chip_gen: v7x
topology: tpu7x:2x2x1
jax: 0.10.2.dev20260603
libtpu: 0.0.44.dev20260713+nightly
codegen_flags: <defaults>
</compile_context>

<pallas_src>
import functools

import jax
import jax.numpy as jnp
from jax import lax
from jax.experimental import pallas as pl
from jax.experimental.pallas import tpu as pltpu
from jax.experimental.pallas import tpu_sc as plsc

N = 10000
E = 320000
D = 128
NC = 2
NS = 16
NW = NC * NS
CH = 128
EPT = E // NW
NCHT = 80
EPTP = NCHT * CH
NACC = 10016
ZR = 48
RPS = 624
TAIL = NACC - NS * RPS


def _sc_spmm(features, edata):
    mesh = plsc.VectorSubcoreMesh(core_axis_name="c", subcore_axis_name="s")

    @functools.partial(
        pl.kernel,
        out_type=jax.ShapeDtypeStruct((NC, NACC, D), jnp.float32),
        mesh=mesh,
        scratch_types=[
            pltpu.VMEM((3, CH), jnp.int32),
            pltpu.VMEM((3, CH), jnp.int32),
            pltpu.VMEM((CH,), jnp.int32),
            pltpu.VMEM((CH,), jnp.int32),
            pltpu.VMEM((CH, D), jnp.float32),
            pltpu.VMEM((CH, D), jnp.float32),
            pltpu.VMEM((ZR, D), jnp.float32),
            pltpu.VMEM_SHARED((NACC, D), jnp.float32),
            pltpu.SemaphoreType.DMA,
            pltpu.SemaphoreType.DMA,
            pltpu.SemaphoreType.DMA,
            pltpu.SemaphoreType.DMA,
            pltpu.SemaphoreType.DMA,
            pltpu.SemaphoreType.DMA,
        ],
        compiler_params=pltpu.CompilerParams(needs_layout_passes=False),
    )
    def k(feat_hbm, edata_hbm, out_hbm,
          ed0, ed1, dc0, dc1, rows0, rows1, zbuf, acc,
          g0, g1, s0, s1, e0, e1):
        c = lax.axis_index("c")
        s = lax.axis_index("s")
        wid = s * NC + c
        eds = (ed0, ed1)
        dstc = (dc0, dc1)
        rows = (rows0, rows1)
        gsem = (g0, g1)
        ssem = (s0, s1)
        esem = (e0, e1)
        base_g = wid * NCHT

        def zero_row(r, _):
            for d in range(D // 16):
                zbuf[r, pl.ds(d * 16, 16)] = jnp.zeros((16,), jnp.float32)
            return _
        lax.fori_loop(0, ZR, zero_row, None)
        for j in range(RPS // ZR):
            pltpu.sync_copy(zbuf, acc.at[pl.ds(s * RPS + j * ZR, ZR)])

        @pl.when(s == 0)
        def _():
            pltpu.sync_copy(zbuf.at[pl.ds(0, TAIL)],
                            acc.at[pl.ds(NS * RPS, TAIL)])
        plsc.subcore_barrier()

        def issue_edata(i, p):
            pltpu.async_copy(edata_hbm.at[base_g + i], eds[p], esem[p])

        def wait_edata(i, p):
            pltpu.make_async_copy(edata_hbm.at[base_g + i], eds[p],
                                  esem[p]).wait()

        def issue_gather(p):
            pltpu.async_copy(feat_hbm.at[eds[p].at[0]], rows[p], gsem[p])

        def wait_gather(p):
            pltpu.make_async_copy(feat_hbm.at[eds[p].at[0]], rows[p],
                                  gsem[p]).wait()

        def copy_dst(p):
            for r in range(CH // 16):
                sl = pl.ds(r * 16, 16)
                dstc[p][sl] = eds[p][1, sl]

        def issue_scatter(p):
            pltpu.async_copy(rows[p], acc.at[dstc[p]], ssem[p], add=True)

        def wait_scatter(p):
            pltpu.make_async_copy(rows[p], acc.at[dstc[p]], ssem[p]).wait()

        def scale(p):
            @plsc.parallel_loop(0, CH, unroll=8)
            def _(e):
                vi = plsc.load_gather(eds[p].at[2],
                                      [jnp.full((16,), e, jnp.int32)])
                vv = plsc.bitcast(vi, jnp.float32)
                for d in range(D // 16):
                    sl = pl.ds(d * 16, 16)
                    rows[p][e, sl] = rows[p][e, sl] * vv

        issue_edata(0, 0)
        issue_edata(1, 1)
        wait_edata(0, 0)
        issue_gather(0)
        wait_gather(0)
        copy_dst(0)
        wait_edata(1, 1)
        issue_gather(1)
        scale(0)
        issue_scatter(0)
        issue_edata(2, 0)
        wait_gather(1)
        copy_dst(1)
        wait_scatter(0)
        wait_edata(2, 0)
        issue_gather(0)
        scale(1)
        issue_scatter(1)
        issue_edata(3, 1)

        def step(i, p):
            wait_gather(p)
            copy_dst(p)
            wait_scatter(1 - p)

            @pl.when(i + 1 < NCHT)
            def _():
                wait_edata(i + 1, 1 - p)
                issue_gather(1 - p)
            scale(p)
            issue_scatter(p)

            @pl.when(i + 2 < NCHT)
            def _():
                issue_edata(i + 2, p)

        def pair(i2, _):
            i = 2 + 2 * i2
            step(i, 0)
            step(i + 1, 1)
            return _
        lax.fori_loop(0, (NCHT - 2) // 2, pair, None)

        wait_scatter(1)

        plsc.subcore_barrier()
        for j in range(RPS // ZR):
            off = s * RPS + j * ZR
            pltpu.sync_copy(acc.at[pl.ds(off, ZR)],
                            out_hbm.at[c].at[pl.ds(off, ZR)])

        @pl.when(s == 0)
        def _():
            pltpu.sync_copy(acc.at[pl.ds(NS * RPS, TAIL)],
                            out_hbm.at[c].at[pl.ds(NS * RPS, TAIL)])

    return k(features, edata)


def _tc_combine(features, partial, W1, b1, W2, b2):
    BN = 1000
    bias = (b1 + b2).reshape(1, D)
    p0 = partial[0, :N]
    p1 = partial[1, :N]

    def body(f_ref, p0_ref, p1_ref, w1_ref, w2_ref, b_ref, o_ref):
        lap = p0_ref[...] + p1_ref[...]
        f = f_ref[...]
        m1 = lap + f
        m2 = lap * f
        dn = (((1,), (1,)), ((), ()))
        o_ref[...] = (
            lax.dot_general(m1, w1_ref[...], dn,
                            preferred_element_type=jnp.float32)
            + lax.dot_general(m2, w2_ref[...], dn,
                              preferred_element_type=jnp.float32)
            + b_ref[...]
        )

    row_spec = pl.BlockSpec((BN, D), lambda i: (i, 0))
    full_spec = pl.BlockSpec((D, D), lambda i: (0, 0))
    return pl.pallas_call(
        body,
        grid=(N // BN,),
        in_specs=[row_spec, row_spec, row_spec, full_spec, full_spec,
                  pl.BlockSpec((1, D), lambda i: (0, 0))],
        out_specs=row_spec,
        out_shape=jax.ShapeDtypeStruct((N, D), jnp.float32),
    )(features, p0, p1, W1, W2, bias)


@jax.jit
def kernel(features, edge_index, edge_vals, W1, b1, W2, b2):
    dst = edge_index[0]
    src = edge_index[1]
    vals_i = lax.bitcast_convert_type(edge_vals, jnp.int32)
    pad = EPTP - EPT
    src_p = jnp.pad(src.reshape(NW, EPT), ((0, 0), (0, pad)))
    dst_p = jnp.pad(dst.reshape(NW, EPT), ((0, 0), (0, pad)),
                    constant_values=N)
    val_p = jnp.pad(vals_i.reshape(NW, EPT), ((0, 0), (0, pad)))
    edata = jnp.stack([src_p.reshape(NW * NCHT, CH),
                       dst_p.reshape(NW * NCHT, CH),
                       val_p.reshape(NW * NCHT, CH)], axis=1)
    partial = _sc_spmm(features, edata)
    return _tc_combine(features, partial, W1, b1, W2, b2)

# --- scband reference (transcript-rebuilt; emitter-appended) ---
"""Pipeline reference for scband-gnnlayer-65910568124532 (READ-ONLY COPY).

The authoritative reference and input builder live on the scoring server;
editing this copy changes nothing except your own understanding.
"""

import jax, jax.numpy as jnp
import numpy as np

N_NODES = 10000
N_EDGES = 320000
D_IN = 128
D_OUT = 128


def setup_inputs(seed: int = 0) -> dict:
    key = jax.random.key(seed)
    k1, k2, k3, k4, k5, k6, k7 = jax.random.split(key, 7)
    features = jax.random.normal(k1, (N_NODES, D_IN), dtype=jnp.float32)
    edge_index = jax.random.randint(k2, (2, N_EDGES), 0, N_NODES, dtype=jnp.int64 if jax.config.jax_enable_x64 else jnp.int32).astype(jnp.int32)
    edge_vals = jax.random.uniform(k3, (N_EDGES,), dtype=jnp.float32)
    bound = 1.0 / np.sqrt(D_IN)
    W1 = jax.random.uniform(k4, (D_OUT, D_IN), dtype=jnp.float32, minval=-bound, maxval=bound)
    b1 = jax.random.uniform(k5, (D_OUT,), dtype=jnp.float32, minval=-bound, maxval=bound)
    W2 = jax.random.uniform(k6, (D_OUT, D_IN), dtype=jnp.float32, minval=-bound, maxval=bound)
    b2 = jax.random.uniform(k7, (D_OUT,), dtype=jnp.float32, minval=-bound, maxval=bound)
    return {"features": features, "edge_index": edge_index, "edge_vals": edge_vals,
            "W1": W1, "b1": b1, "W2": W2, "b2": b2}


def reference(features, edge_index, edge_vals, W1, b1, W2, b2):
    # laplacianMat is a sparse NxN matrix in COO form (edge_index rows = [dst, src], edge_vals).
    # selfLoop is the NxN identity, so spmm(lap + I, x) = spmm(lap, x) + x.
    n = features.shape[0]
    dst = edge_index[0]
    src = edge_index[1]
    # L2 @ features  (sparse matmul via gather + scatter-add / segment_sum)
    msg = edge_vals[:, None] * jnp.take(features, src, axis=0)
    lap_x = jax.ops.segment_sum(msg, dst, num_segments=n)
    # L1 @ features = (lap + I) @ features
    l1_x = lap_x + features
    inter_part1 = l1_x @ W1.T + b1
    inter_feature = lap_x * features
    inter_part2 = inter_feature @ W2.T + b2
    return inter_part1 + inter_part2

if __name__ == "__main__":
    import jax
    _d = setup_inputs()
    print(jax.jit(kernel)(*tuple(_d.values())))

</pallas_src>

<mosaic_0001>
#map = affine_map<(d0, d1) -> (0, 0)>
#map1 = affine_map<(d0, d1) -> (0, 0, 0)>
module attributes {stable_mosaic.version = 14 : i64} {
  func.func @k(%arg0: i32, %arg1: i32, %arg2: memref<10000x128xf32, #tpu.memory_space<hbm>>, %arg3: memref<2560x3x128xi32, #tpu.memory_space<hbm>>, %arg4: memref<2x10016x128xf32, #tpu.memory_space<hbm>>, %arg5: memref<3x128xi32, #tpu.memory_space<vmem>>, %arg6: memref<3x128xi32, #tpu.memory_space<vmem>>, %arg7: memref<128xi32, #tpu.memory_space<vmem>>, %arg8: memref<128xi32, #tpu.memory_space<vmem>>, %arg9: memref<128x128xf32, #tpu.memory_space<vmem>>, %arg10: memref<128x128xf32, #tpu.memory_space<vmem>>, %arg11: memref<48x128xf32, #tpu.memory_space<vmem>>, %arg12: memref<10016x128xf32, #tpu.memory_space<vmem_shared>>, %arg13: memref<!tpu.dma_semaphore, #tpu.memory_space<semaphore_mem>>, %arg14: memref<!tpu.dma_semaphore, #tpu.memory_space<semaphore_mem>>, %arg15: memref<!tpu.dma_semaphore, #tpu.memory_space<semaphore_mem>>, %arg16: memref<!tpu.dma_semaphore, #tpu.memory_space<semaphore_mem>>, %arg17: memref<!tpu.dma_semaphore, #tpu.memory_space<semaphore_mem>>, %arg18: memref<!tpu.dma_semaphore, #tpu.memory_space<semaphore_mem>>) attributes {dimension_semantics = [#tpu.dimension_semantics<core_parallel>, #tpu.dimension_semantics<subcore_parallel>], iteration_bounds = array<i64: 2, 16>, scalar_prefetch = 0 : i64, scratch_operands = 14 : i64, tpu.core_type = #tpu.core_type<sc_vector_subcore>, window_params = [{transform_indices = #map}, {transform_indices = #map1}, {transform_indices = #map1}]} {
    %mul3A = arith.constant 2 : i32
    %mul3A_0 = arith.muli %arg1, %mul3A : i32
    %add3A = arith.addi %mul3A_0, %arg0 : i32
    %mul3A_1 = arith.constant 80 : i32
    %mul3A_2 = arith.muli %add3A, %mul3A_1 : i32
    %scan3A = arith.constant 0 : i32
    %scan3A_3 = arith.constant 48 : i32
    %scan3A_4 = arith.addi %scan3A, %scan3A_3 : i32
    %scan3A_5 = arith.constant 1 : i32
    scf.for %scan3A_338 = %scan3A to %scan3A_4 step %scan3A_5  : i32 {
      %broadcast_in_dim3A = arith.constant 0.000000e+00 : f32
      %broadcast_in_dim3A_339 = vector.broadcast %broadcast_in_dim3A : f32 to vector<16xf32>
      %swap3A_340 = arith.index_cast %scan3A_338 : i32 to index
      %swap3A_341 = arith.constant 0 : index
      %swap3A_342 = tpu.vector_load %arg11[%swap3A_340, %swap3A_341] {strides = array<i32>} : memref<48x128xf32, #tpu.memory_space<vmem>>, vector<16xf32>,
      tpu.vector_store %arg11[%swap3A_340, %swap3A_341], %broadcast_in_dim3A_339 {strides = array<i32>} : memref<48x128xf32, #tpu.memory_space<vmem>>, vector<16xf32>,
      %broadcast_in_dim3A_343 = arith.constant 0.000000e+00 : f32
      %broadcast_in_dim3A_344 = vector.broadcast %broadcast_in_dim3A_343 : f32 to vector<16xf32>
      %swap3A_345 = arith.index_cast %scan3A_338 : i32 to index
      %swap3A_346 = arith.constant 16 : index
      %swap3A_347 = tpu.vector_load %arg11[%swap3A_345, %swap3A_346] {strides = array<i32>} : memref<48x128xf32, #tpu.memory_space<vmem>>, vector<16xf32>,
      tpu.vector_store %arg11[%swap3A_345, %swap3A_346], %broadcast_in_dim3A_344 {strides = array<i32>} : memref<48x128xf32, #tpu.memory_space<vmem>>, vector<16xf32>,
      %broadcast_in_dim3A_348 = arith.constant 0.000000e+00 : f32
      %broadcast_in_dim3A_349 = vector.broadcast %broadcast_in_dim3A_348 : f32 to vector<16xf32>
      %swap3A_350 = arith.index_cast %scan3A_338 : i32 to index
      %swap3A_351 = arith.constant 32 : index
      %swap3A_352 = tpu.vector_load %arg11[%swap3A_350, %swap3A_351] {strides = array<i32>} : memref<48x128xf32, #tpu.memory_space<vmem>>, vector<16xf32>,
      tpu.vector_store %arg11[%swap3A_350, %swap3A_351], %broadcast_in_dim3A_349 {strides = array<i32>} : memref<48x128xf32, #tpu.memory_space<vmem>>, vector<16xf32>,
      %broadcast_in_dim3A_353 = arith.constant 0.000000e+00 : f32
      %broadcast_in_dim3A_354 = vector.broadcast %broadcast_in_dim3A_353 : f32 to vector<16xf32>
      %swap3A_355 = arith.index_cast %scan3A_338 : i32 to index
      %swap3A_356 = arith.constant 48 : index
      %swap3A_357 = tpu.vector_load %arg11[%swap3A_355, %swap3A_356] {strides = array<i32>} : memref<48x128xf32, #tpu.memory_space<vmem>>, vector<16xf32>,
      tpu.vector_store %arg11[%swap3A_355, %swap3A_356], %broadcast_in_dim3A_354 {strides = array<i32>} : memref<48x128xf32, #tpu.memory_space<vmem>>, vector<16xf32>,
      %broadcast_in_dim3A_358 = arith.constant 0.000000e+00 : f32
      %broadcast_in_dim3A_359 = vector.broadcast %broadcast_in_dim3A_358 : f32 to vector<16xf32>
      %swap3A_360 = arith.index_cast %scan3A_338 : i32 to index
      %swap3A_361 = arith.constant 64 : index
      %swap3A_362 = tpu.vector_load %arg11[%swap3A_360, %swap3A_361] {strides = array<i32>} : memref<48x128xf32, #tpu.memory_space<vmem>>, vector<16xf32>,
      tpu.vector_store %arg11[%swap3A_360, %swap3A_361], %broadcast_in_dim3A_359 {strides = array<i32>} : memref<48x128xf32, #tpu.memory_space<vmem>>, vector<16xf32>,
      %broadcast_in_dim3A_363 = arith.constant 0.000000e+00 : f32
      %broadcast_in_dim3A_364 = vector.broadcast %broadcast_in_dim3A_363 : f32 to vector<16xf32>
      %swap3A_365 = arith.index_cast %scan3A_338 : i32 to index
      %swap3A_366 = arith.constant 80 : index
      %swap3A_367 = tpu.vector_load %arg11[%swap3A_365, %swap3A_366] {strides = array<i32>} : memref<48x128xf32, #tpu.memory_space<vmem>>, vector<16xf32>,
      tpu.vector_store %arg11[%swap3A_365, %swap3A_366], %broadcast_in_dim3A_364 {strides = array<i32>} : memref<48x128xf32, #tpu.memory_space<vmem>>, vector<16xf32>,
      %broadcast_in_dim3A_368 = arith.constant 0.000000e+00 : f32
      %broadcast_in_dim3A_369 = vector.broadcast %broadcast_in_dim3A_368 : f32 to vector<16xf32>
      %swap3A_370 = arith.index_cast %scan3A_338 : i32 to index
      %swap3A_371 = arith.constant 96 : index
      %swap3A_372 = tpu.vector_load %arg11[%swap3A_370, %swap3A_371] {strides = array<i32>} : memref<48x128xf32, #tpu.memory_space<vmem>>, vector<16xf32>,
      tpu.vector_store %arg11[%swap3A_370, %swap3A_371], %broadcast_in_dim3A_369 {strides = array<i32>} : memref<48x128xf32, #tpu.memory_space<vmem>>, vector<16xf32>,
      %broadcast_in_dim3A_373 = arith.constant 0.000000e+00 : f32
      %broadcast_in_dim3A_374 = vector.broadcast %broadcast_in_dim3A_373 : f32 to vector<16xf32>
      %swap3A_375 = arith.index_cast %scan3A_338 : i32 to index
      %swap3A_376 = arith.constant 112 : index
      %swap3A_377 = tpu.vector_load %arg11[%swap3A_375, %swap3A_376] {strides = array<i32>} : memref<48x128xf32, #tpu.memory_space<vmem>>, vector<16xf32>,
      tpu.vector_store %arg11[%swap3A_375, %swap3A_376], %broadcast_in_dim3A_374 {strides = array<i32>} : memref<48x128xf32, #tpu.memory_space<vmem>>, vector<16xf32>,
    }
    %scan3A_6 = arith.constant 48 : i32
    %mul3A_7 = arith.constant 624 : i32
    %mul3A_8 = arith.muli %arg1, %mul3A_7 : i32
    %add3A_9 = arith.constant 0 : i32
    %add3A_10 = arith.addi %mul3A_8, %add3A_9 : i32
    "tpu.region"() ({
      %run_scoped3A = tpu.sem_alloc : memref<!tpu.dma_semaphore, #tpu.memory_space<semaphore_mem>>
      %dma_start3A_338 = arith.constant 0 : i32
      %dma_start3A_339 = tpu.memref_slice %arg12[%add3A_10, %dma_start3A_338] : memref<10016x128xf32, #tpu.memory_space<vmem_shared>> -> memref<48x128xf32, #tpu.memory_space<vmem_shared>>
      %dma_start3A_340 = arith.constant 0 : i32
      %dma_start3A_341 = tpu.memref_slice %arg12[%add3A_10, %dma_start3A_340] : memref<10016x128xf32, #tpu.memory_space<vmem_shared>> -> memref<48x128xf32, #tpu.memory_space<vmem_shared>>
      tpu.enqueue_dma source(%arg11 : memref<48x128xf32, #tpu.memory_space<vmem>>) target(%dma_start3A_341 : memref<48x128xf32, #tpu.memory_space<vmem_shared>>) target_semaphore(%run_scoped3A : memref<!tpu.dma_semaphore, #tpu.memory_space<semaphore_mem>>)
      %dma_wait3A_342 = arith.constant 0 : i32
      %dma_wait3A_343 = tpu.memref_slice %arg12[%add3A_10, %dma_wait3A_342] : memref<10016x128xf32, #tpu.memory_space<vmem_shared>> -> memref<48x128xf32, #tpu.memory_space<vmem_shared>>
      %dma_wait3A_344 = arith.constant 0 : i32
      %dma_wait3A_345 = tpu.memref_slice %arg12[%add3A_10, %dma_wait3A_344] : memref<10016x128xf32, #tpu.memory_space<vmem_shared>> -> memref<48x128xf32, #tpu.memory_space<vmem_shared>>
      tpu.wait_dma2 semaphore(%run_scoped3A : memref<!tpu.dma_semaphore, #tpu.memory_space<semaphore_mem>>) src(%arg11 : memref<48x128xf32, #tpu.memory_space<vmem>>) dst(%dma_wait3A_345 : memref<48x128xf32, #tpu.memory_space<vmem_shared>>)
      tpu.yield
    }) : () -> ()
    %mul3A_11 = arith.constant 624 : i32
    %mul3A_12 = arith.muli %arg1, %mul3A_11 : i32
    %add3A_13 = arith.constant 48 : i32
    %add3A_14 = arith.addi %mul3A_12, %add3A_13 : i32
    "tpu.region"() ({
      %run_scoped3A = tpu.sem_alloc : memref<!tpu.dma_semaphore, #tpu.memory_space<semaphore_mem>>
      %dma_start3A_338 = arith.constant 0 : i32
      %dma_start3A_339 = tpu.memref_slice %arg12[%add3A_14, %dma_start3A_338] : memref<10016x128xf32, #tpu.memory_space<vmem_shared>> -> memref<48x128xf32, #tpu.memory_space<vmem_shared>>
      %dma_start3A_340 = arith.constant 0 : i32
      %dma_start3A_341 = tpu.memref_slice %arg12[%add3A_14, %dma_start3A_340] : memref<10016x128xf32, #tpu.memory_space<vmem_shared>> -> memref<48x128xf32, #tpu.memory_space<vmem_shared>>
      tpu.enqueue_dma source(%arg11 : memref<48x128xf32, #tpu.memory_space<vmem>>) target(%dma_start3A_341 : memref<48x128xf32, #tpu.memory_space<vmem_shared>>) target_semaphore(%run_scoped3A : memref<!tpu.dma_semaphore, #tpu.memory_space<semaphore_mem>>)
      %dma_wait3A_342 = arith.constant 0 : i32
      %dma_wait3A_343 = tpu.memref_slice %arg12[%add3A_14, %dma_wait3A_342] : memref<10016x128xf32, #tpu.memory_space<vmem_shared>> -> memref<48x128xf32, #tpu.memory_space<vmem_shared>>
      %dma_wait3A_344 = arith.constant 0 : i32
      %dma_wait3A_345 = tpu.memref_slice %arg12[%add3A_14, %dma_wait3A_344] : memref<10016x128xf32, #tpu.memory_space<vmem_shared>> -> memref<48x128xf32, #tpu.memory_space<vmem_shared>>
      tpu.wait_dma2 semaphore(%run_scoped3A : memref<!tpu.dma_semaphore, #tpu.memory_space<semaphore_mem>>) src(%arg11 : memref<48x128xf32, #tpu.memory_space<vmem>>) dst(%dma_wait3A_345 : memref<48x128xf32, #tpu.memory_space<vmem_shared>>)
      tpu.yield
    }) : () -> ()
    %mul3A_15 = arith.constant 624 : i32
    %mul3A_16 = arith.muli %arg1, %mul3A_15 : i32
    %add3A_17 = arith.constant 96 : i32
    %add3A_18 = arith.addi %mul3A_16, %add3A_17 : i32
    "tpu.region"() ({
      %run_scoped3A = tpu.sem_alloc : memref<!tpu.dma_semaphore, #tpu.memory_space<semaphore_mem>>
      %dma_start3A_338 = arith.constant 0 : i32
      %dma_start3A_339 = tpu.memref_slice %arg12[%add3A_18, %dma_start3A_338] : memref<10016x128xf32, #tpu.memory_space<vmem_shared>> -> memref<48x128xf32, #tpu.memory_space<vmem_shared>>
      %dma_start3A_340 = arith.constant 0 : i32
      %dma_start3A_341 = tpu.memref_slice %arg12[%add3A_18, %dma_start3A_340] : memref<10016x128xf32, #tpu.memory_space<vmem_shared>> -> memref<48x128xf32, #tpu.memory_space<vmem_shared>>
      tpu.enqueue_dma source(%arg11 : memref<48x128xf32, #tpu.memory_space<vmem>>) target(%dma_start3A_341 : memref<48x128xf32, #tpu.memory_space<vmem_shared>>) target_semaphore(%run_scoped3A : memref<!tpu.dma_semaphore, #tpu.memory_space<semaphore_mem>>)
      %dma_wait3A_342 = arith.constant 0 : i32
      %dma_wait3A_343 = tpu.memref_slice %arg12[%add3A_18, %dma_wait3A_342] : memref<10016x128xf32, #tpu.memory_space<vmem_shared>> -> memref<48x128xf32, #tpu.memory_space<vmem_shared>>
      %dma_wait3A_344 = arith.constant 0 : i32
      %dma_wait3A_345 = tpu.memref_slice %arg12[%add3A_18, %dma_wait3A_344] : memref<10016x128xf32, #tpu.memory_space<vmem_shared>> -> memref<48x128xf32, #tpu.memory_space<vmem_shared>>
      tpu.wait_dma2 semaphore(%run_scoped3A : memref<!tpu.dma_semaphore, #tpu.memory_space<semaphore_mem>>) src(%arg11 : memref<48x128xf32, #tpu.memory_space<vmem>>) dst(%dma_wait3A_345 : memref<48x128xf32, #tpu.memory_space<vmem_shared>>)
      tpu.yield
    }) : () -> ()
    %mul3A_19 = arith.constant 624 : i32
    %mul3A_20 = arith.muli %arg1, %mul3A_19 : i32
    %add3A_21 = arith.constant 144 : i32
    %add3A_22 = arith.addi %mul3A_20, %add3A_21 : i32
    "tpu.region"() ({
      %run_scoped3A = tpu.sem_alloc : memref<!tpu.dma_semaphore, #tpu.memory_space<semaphore_mem>>
      %dma_start3A_338 = arith.constant 0 : i32
      %dma_start3A_339 = tpu.memref_slice %arg12[%add3A_22, %dma_start3A_338] : memref<10016x128xf32, #tpu.memory_space<vmem_shared>> -> memref<48x128xf32, #tpu.memory_space<vmem_shared>>
      %dma_start3A_340 = arith.constant 0 : i32
      %dma_start3A_341 = tpu.memref_slice %arg12[%add3A_22, %dma_start3A_340] : memref<10016x128xf32, #tpu.memory_space<vmem_shared>> -> memref<48x128xf32, #tpu.memory_space<vmem_shared>>
      tpu.enqueue_dma source(%arg11 : memref<48x128xf32, #tpu.memory_space<vmem>>) target(%dma_start3A_341 : memref<48x128xf32, #tpu.memory_space<vmem_shared>>) target_semaphore(%run_scoped3A : memref<!tpu.dma_semaphore, #tpu.memory_space<semaphore_mem>>)
      %dma_wait3A_342 = arith.constant 0 : i32
      %dma_wait3A_343 = tpu.memref_slice %arg12[%add3A_22, %dma_wait3A_342] : memref<10016x128xf32, #tpu.memory_space<vmem_shared>> -> memref<48x128xf32, #tpu.memory_space<vmem_shared>>
      %dma_wait3A_344 = arith.constant 0 : i32
      %dma_wait3A_345 = tpu.memref_slice %arg12[%add3A_22, %dma_wait3A_344] : memref<10016x128xf32, #tpu.memory_space<vmem_shared>> -> memref<48x128xf32, #tpu.memory_space<vmem_shared>>
      tpu.wait_dma2 semaphore(%run_scoped3A : memref<!tpu.dma_semaphore, #tpu.memory_space<semaphore_mem>>) src(%arg11 : memref<48x128xf32, #tpu.memory_space<vmem>>) dst(%dma_wait3A_345 : memref<48x128xf32, #tpu.memory_space<vmem_shared>>)
      tpu.yield
    }) : () -> ()
    %mul3A_23 = arith.constant 624 : i32
    %mul3A_24 = arith.muli %arg1, %mul3A_23 : i32
    %add3A_25 = arith.constant 192 : i32
    %add3A_26 = arith.addi %mul3A_24, %add3A_25 : i32
    "tpu.region"() ({
      %run_scoped3A = tpu.sem_alloc : memref<!tpu.dma_semaphore, #tpu.memory_space<semaphore_mem>>
      %dma_start3A_338 = arith.constant 0 : i32
      %dma_start3A_339 = tpu.memref_slice %arg12[%add3A_26, %dma_start3A_338] : memref<10016x128xf32, #tpu.memory_space<vmem_shared>> -> memref<48x128xf32, #tpu.memory_space<vmem_shared>>
      %dma_start3A_340 = arith.constant 0 : i32
      %dma_start3A_341 = tpu.memref_slice %arg12[%add3A_26, %dma_start3A_340] : memref<10016x128xf32, #tpu.memory_space<vmem_shared>> -> memref<48x128xf32, #tpu.memory_space<vmem_shared>>
      tpu.enqueue_dma source(%arg11 : memref<48x128xf32, #tpu.memory_space<vmem>>) target(%dma_start3A_341 : memref<48x128xf32, #tpu.memory_space<vmem_shared>>) target_semaphore(%run_scoped3A : memref<!tpu.dma_semaphore, #tpu.memory_space<semaphore_mem>>)
      %dma_wait3A_342 = arith.constant 0 : i32
      %dma_wait3A_343 = tpu.memref_slice %arg12[%add3A_26, %dma_wait3A_342] : memref<10016x128xf32, #tpu.memory_space<vmem_shared>> -> memref<48x128xf32, #tpu.memory_space<vmem_shared>>
      %dma_wait3A_344 = arith.constant 0 : i32
      %dma_wait3A_345 = tpu.memref_slice %arg12[%add3A_26, %dma_wait3A_344] : memref<10016x128xf32, #tpu.memory_space<vmem_shared>> -> memref<48x128xf32, #tpu.memory_space<vmem_shared>>
      tpu.wait_dma2 semaphore(%run_scoped3A : memref<!tpu.dma_semaphore, #tpu.memory_space<semaphore_mem>>) src(%arg11 : memref<48x128xf32, #tpu.memory_space<vmem>>) dst(%dma_wait3A_345 : memref<48x128xf32, #tpu.memory_space<vmem_shared>>)
      tpu.yield
    }) : () -> ()
    %mul3A_27 = arith.constant 624 : i32
    %mul3A_28 = arith.muli %arg1, %mul3A_27 : i32
    %add3A_29 = arith.constant 240 : i32
    %add3A_30 = arith.addi %mul3A_28, %add3A_29 : i32
    "tpu.region"() ({
      %run_scoped3A = tpu.sem_alloc : memref<!tpu.dma_semaphore, #tpu.memory_space<semaphore_mem>>
      %dma_start3A_338 = arith.constant 0 : i32
      %dma_start3A_339 = tpu.memref_slice %arg12[%add3A_30, %dma_start3A_338] : memref<10016x128xf32, #tpu.memory_space<vmem_shared>> -> memref<48x128xf32, #tpu.memory_space<vmem_shared>>
      %dma_start3A_340 = arith.constant 0 : i32
      %dma_start3A_341 = tpu.memref_slice %arg12[%add3A_30, %dma_start3A_340] : memref<10016x128xf32, #tpu.memory_space<vmem_shared>> -> memref<48x128xf32, #tpu.memory_space<vmem_shared>>
      tpu.enqueue_dma source(%arg11 : memref<48x128xf32, #tpu.memory_space<vmem>>) target(%dma_start3A_341 : memref<48x128xf32, #tpu.memory_space<vmem_shared>>) target_semaphore(%run_scoped3A : memref<!tpu.dma_semaphore, #tpu.memory_space<semaphore_mem>>)
      %dma_wait3A_342 = arith.constant 0 : i32
      %dma_wait3A_343 = tpu.memref_slice %arg12[%add3A_30, %dma_wait3A_342] : memref<10016x128xf32, #tpu.memory_space<vmem_shared>> -> memref<48x128xf32, #tpu.memory_space<vmem_shared>>
      %dma_wait3A_344 = arith.constant 0 : i32
      %dma_wait3A_345 = tpu.memref_slice %arg12[%add3A_30, %dma_wait3A_344] : memref<10016x128xf32, #tpu.memory_space<vmem_shared>> -> memref<48x128xf32, #tpu.memory_space<vmem_shared>>
      tpu.wait_dma2 semaphore(%run_scoped3A : memref<!tpu.dma_semaphore, #tpu.memory_space<semaphore_mem>>) src(%arg11 : memref<48x128xf32, #tpu.memory_space<vmem>>) dst(%dma_wait3A_345 : memref<48x128xf32, #tpu.memory_space<vmem_shared>>)
      tpu.yield
    }) : () -> ()
    %mul3A_31 = arith.constant 624 : i32
    %mul3A_32 = arith.muli %arg1, %mul3A_31 : i32
    %add3A_33 = arith.constant 288 : i32
    %add3A_34 = arith.addi %mul3A_32, %add3A_33 : i32
    "tpu.region"() ({
      %run_scoped3A = tpu.sem_alloc : memref<!tpu.dma_semaphore, #tpu.memory_space<semaphore_mem>>
      %dma_start3A_338 = arith.constant 0 : i32
      %dma_start3A_339 = tpu.memref_slice %arg12[%add3A_34, %dma_start3A_338] : memref<10016x128xf32, #tpu.memory_space<vmem_shared>> -> memref<48x128xf32, #tpu.memory_space<vmem_shared>>
      %dma_start3A_340 = arith.constant 0 : i32
      %dma_start3A_341 = tpu.memref_slice %arg12[%add3A_34, %dma_start3A_340] : memref<10016x128xf32, #tpu.memory_space<vmem_shared>> -> memref<48x128xf32, #tpu.memory_space<vmem_shared>>
      tpu.enqueue_dma source(%arg11 : memref<48x128xf32, #tpu.memory_space<vmem>>) target(%dma_start3A_341 : memref<48x128xf32, #tpu.memory_space<vmem_shared>>) target_semaphore(%run_scoped3A : memref<!tpu.dma_semaphore, #tpu.memory_space<semaphore_mem>>)
      %dma_wait3A_342 = arith.constant 0 : i32
      %dma_wait3A_343 = tpu.memref_slice %arg12[%add3A_34, %dma_wait3A_342] : memref<10016x128xf32, #tpu.memory_space<vmem_shared>> -> memref<48x128xf32, #tpu.memory_space<vmem_shared>>
      %dma_wait3A_344 = arith.constant 0 : i32
      %dma_wait3A_345 = tpu.memref_slice %arg12[%add3A_34, %dma_wait3A_344] : memref<10016x128xf32, #tpu.memory_space<vmem_shared>> -> memref<48x128xf32, #tpu.memory_space<vmem_shared>>
      tpu.wait_dma2 semaphore(%run_scoped3A : memref<!tpu.dma_semaphore, #tpu.memory_space<semaphore_mem>>) src(%arg11 : memref<48x128xf32, #tpu.memory_space<vmem>>) dst(%dma_wait3A_345 : memref<48x128xf32, #tpu.memory_space<vmem_shared>>)
      tpu.yield
    }) : () -> ()
    %mul3A_35 = arith.constant 624 : i32
    %mul3A_36 = arith.muli %arg1, %mul3A_35 : i32
    %add3A_37 = arith.constant 336 : i32
    %add3A_38 = arith.addi %mul3A_36, %add3A_37 : i32
    "tpu.region"() ({
      %run_scoped3A = tpu.sem_alloc : memref<!tpu.dma_semaphore, #tpu.memory_space<semaphore_mem>>
      %dma_start3A_338 = arith.constant 0 : i32
      %dma_start3A_339 = tpu.memref_slice %arg12[%add3A_38, %dma_start3A_338] : memref<10016x128xf32, #tpu.memory_space<vmem_shared>> -> memref<48x128xf32, #tpu.memory_space<vmem_shared>>
      %dma_start3A_340 = arith.constant 0 : i32
      %dma_start3A_341 = tpu.memref_slice %arg12[%add3A_38, %dma_start3A_340] : memref<10016x128xf32, #tpu.memory_space<vmem_shared>> -> memref<48x128xf32, #tpu.memory_space<vmem_shared>>
      tpu.enqueue_dma source(%arg11 : memref<48x128xf32, #tpu.memory_space<vmem>>) target(%dma_start3A_341 : memref<48x128xf32, #tpu.memory_space<vmem_shared>>) target_semaphore(%run_scoped3A : memref<!tpu.dma_semaphore, #tpu.memory_space<semaphore_mem>>)
      %dma_wait3A_342 = arith.constant 0 : i32
      %dma_wait3A_343 = tpu.memref_slice %arg12[%add3A_38, %dma_wait3A_342] : memref<10016x128xf32, #tpu.memory_space<vmem_shared>> -> memref<48x128xf32, #tpu.memory_space<vmem_shared>>
      %dma_wait3A_344 = arith.constant 0 : i32
      %dma_wait3A_345 = tpu.memref_slice %arg12[%add3A_38, %dma_wait3A_344] : memref<10016x128xf32, #tpu.memory_space<vmem_shared>> -> memref<48x128xf32, #tpu.memory_space<vmem_shared>>
      tpu.wait_dma2 semaphore(%run_scoped3A : memref<!tpu.dma_semaphore, #tpu.memory_space<semaphore_mem>>) src(%arg11 : memref<48x128xf32, #tpu.memory_space<vmem>>) dst(%dma_wait3A_345 : memref<48x128xf32, #tpu.memory_space<vmem_shared>>)
      tpu.yield
    }) : () -> ()
    %mul3A_39 = arith.constant 624 : i32
    %mul3A_40 = arith.muli %arg1, %mul3A_39 : i32
    %add3A_41 = arith.constant 384 : i32
    %add3A_42 = arith.addi %mul3A_40, %add3A_41 : i32
    "tpu.region"() ({
      %run_scoped3A = tpu.sem_alloc : memref<!tpu.dma_semaphore, #tpu.memory_space<semaphore_mem>>
      %dma_start3A_338 = arith.constant 0 : i32
      %dma_start3A_339 = tpu.memref_slice %arg12[%add3A_42, %dma_start3A_338] : memref<10016x128xf32, #tpu.memory_space<vmem_shared>> -> memref<48x128xf32, #tpu.memory_space<vmem_shared>>
      %dma_start3A_340 = arith.constant 0 : i32
      %dma_start3A_341 = tpu.memref_slice %arg12[%add3A_42, %dma_start3A_340] : memref<10016x128xf32, #tpu.memory_space<vmem_shared>> -> memref<48x128xf32, #tpu.memory_space<vmem_shared>>
      tpu.enqueue_dma source(%arg11 : memref<48x128xf32, #tpu.memory_space<vmem>>) target(%dma_start3A_341 : memref<48x128xf32, #tpu.memory_space<vmem_shared>>) target_semaphore(%run_scoped3A : memref<!tpu.dma_semaphore, #tpu.memory_space<semaphore_mem>>)
      %dma_wait3A_342 = arith.constant 0 : i32
      %dma_wait3A_343 = tpu.memref_slice %arg12[%add3A_42, %dma_wait3A_342] : memref<10016x128xf32, #tpu.memory_space<vmem_shared>> -> memref<48x128xf32, #tpu.memory_space<vmem_shared>>
      %dma_wait3A_344 = arith.constant 0 : i32
      %dma_wait3A_345 = tpu.memref_slice %arg12[%add3A_42, %dma_wait3A_344] : memref<10016x128xf32, #tpu.memory_space<vmem_shared>> -> memref<48x128xf32, #tpu.memory_space<vmem_shared>>
      tpu.wait_dma2 semaphore(%run_scoped3A : memref<!tpu.dma_semaphore, #tpu.memory_space<semaphore_mem>>) src(%arg11 : memref<48x128xf32, #tpu.memory_space<vmem>>) dst(%dma_wait3A_345 : memref<48x128xf32, #tpu.memory_space<vmem_shared>>)
      tpu.yield
    }) : () -> ()
    %mul3A_43 = arith.constant 624 : i32
    %mul3A_44 = arith.muli %arg1, %mul3A_43 : i32
    %add3A_45 = arith.constant 432 : i32
    %add3A_46 = arith.addi %mul3A_44, %add3A_45 : i32
    "tpu.region"() ({
      %run_scoped3A = tpu.sem_alloc : memref<!tpu.dma_semaphore, #tpu.memory_space<semaphore_mem>>
      %dma_start3A_338 = arith.constant 0 : i32
      %dma_start3A_339 = tpu.memref_slice %arg12[%add3A_46, %dma_start3A_338] : memref<10016x128xf32, #tpu.memory_space<vmem_shared>> -> memref<48x128xf32, #tpu.memory_space<vmem_shared>>
      %dma_start3A_340 = arith.constant 0 : i32
      %dma_start3A_341 = tpu.memref_slice %arg12[%add3A_46, %dma_start3A_340] : memref<10016x128xf32, #tpu.memory_space<vmem_shared>> -> memref<48x128xf32, #tpu.memory_space<vmem_shared>>
      tpu.enqueue_dma source(%arg11 : memref<48x128xf32, #tpu.memory_space<vmem>>) target(%dma_start3A_341 : memref<48x128xf32, #tpu.memory_space<vmem_shared>>) target_semaphore(%run_scoped3A : memref<!tpu.dma_semaphore, #tpu.memory_space<semaphore_mem>>)
      %dma_wait3A_342 = arith.constant 0 : i32
      %dma_wait3A_343 = tpu.memref_slice %arg12[%add3A_46, %dma_wait3A_342] : memref<10016x128xf32, #tpu.memory_space<vmem_shared>> -> memref<48x128xf32, #tpu.memory_space<vmem_shared>>
      %dma_wait3A_344 = arith.constant 0 : i32
      %dma_wait3A_345 = tpu.memref_slice %arg12[%add3A_46, %dma_wait3A_344] : memref<10016x128xf32, #tpu.memory_space<vmem_shared>> -> memref<48x128xf32, #tpu.memory_space<vmem_shared>>
      tpu.wait_dma2 semaphore(%run_scoped3A : memref<!tpu.dma_semaphore, #tpu.memory_space<semaphore_mem>>) src(%arg11 : memref<48x128xf32, #tpu.memory_space<vmem>>) dst(%dma_wait3A_345 : memref<48x128xf32, #tpu.memory_space<vmem_shared>>)
      tpu.yield
    }) : () -> ()
    %mul3A_47 = arith.constant 624 : i32
    %mul3A_48 = arith.muli %arg1, %mul3A_47 : i32
    %add3A_49 = arith.constant 480 : i32
    %add3A_50 = arith.addi %mul3A_48, %add3A_49 : i32
    "tpu.region"() ({
      %run_scoped3A = tpu.sem_alloc : memref<!tpu.dma_semaphore, #tpu.memory_space<semaphore_mem>>
      %dma_start3A_338 = arith.constant 0 : i32
      %dma_start3A_339 = tpu.memref_slice %arg12[%add3A_50, %dma_start3A_338] : memref<10016x128xf32, #tpu.memory_space<vmem_shared>> -> memref<48x128xf32, #tpu.memory_space<vmem_shared>>
      %dma_start3A_340 = arith.constant 0 : i32
      %dma_start3A_341 = tpu.memref_slice %arg12[%add3A_50, %dma_start3A_340] : memref<10016x128xf32, #tpu.memory_space<vmem_shared>> -> memref<48x128xf32, #tpu.memory_space<vmem_shared>>
      tpu.enqueue_dma source(%arg11 : memref<48x128xf32, #tpu.memory_space<vmem>>) target(%dma_start3A_341 : memref<48x128xf32, #tpu.memory_space<vmem_shared>>) target_semaphore(%run_scoped3A : memref<!tpu.dma_semaphore, #tpu.memory_space<semaphore_mem>>)
      %dma_wait3A_342 = arith.constant 0 : i32
      %dma_wait3A_343 = tpu.memref_slice %arg12[%add3A_50, %dma_wait3A_342] : memref<10016x128xf32, #tpu.memory_space<vmem_shared>> -> memref<48x128xf32, #tpu.memory_space<vmem_shared>>
      %dma_wait3A_344 = arith.constant 0 : i32
      %dma_wait3A_345 = tpu.memref_slice %arg12[%add3A_50, %dma_wait3A_344] : memref<10016x128xf32, #tpu.memory_space<vmem_shared>> -> memref<48x128xf32, #tpu.memory_space<vmem_shared>>
      tpu.wait_dma2 semaphore(%run_scoped3A : memref<!tpu.dma_semaphore, #tpu.memory_space<semaphore_mem>>) src(%arg11 : memref<48x128xf32, #tpu.memory_space<vmem>>) dst(%dma_wait3A_345 : memref<48x128xf32, #tpu.memory_space<vmem_shared>>)
      tpu.yield
    }) : () -> ()
    %mul3A_51 = arith.constant 624 : i32
    %mul3A_52 = arith.muli %arg1, %mul3A_51 : i32
    %add3A_53 = arith.constant 528 : i32
    %add3A_54 = arith.addi %mul3A_52, %add3A_53 : i32
    "tpu.region"() ({
      %run_scoped3A = tpu.sem_alloc : memref<!tpu.dma_semaphore, #tpu.memory_space<semaphore_mem>>
      %dma_start3A_338 = arith.constant 0 : i32
      %dma_start3A_339 = tpu.memref_slice %arg12[%add3A_54, %dma_start3A_338] : memref<10016x128xf32, #tpu.memory_space<vmem_shared>> -> memref<48x128xf32, #tpu.memory_space<vmem_shared>>
      %dma_start3A_340 = arith.constant 0 : i32
      %dma_start3A_341 = tpu.memref_slice %arg12[%add3A_54, %dma_start3A_340] : memref<10016x128xf32, #tpu.memory_space<vmem_shared>> -> memref<48x128xf32, #tpu.memory_space<vmem_shared>>
      tpu.enqueue_dma source(%arg11 : memref<48x128xf32, #tpu.memory_space<vmem>>) target(%dma_start3A_341 : memref<48x128xf32, #tpu.memory_space<vmem_shared>>) target_semaphore(%run_scoped3A : memref<!tpu.dma_semaphore, #tpu.memory_space<semaphore_mem>>)
      %dma_wait3A_342 = arith.constant 0 : i32
      %dma_wait3A_343 = tpu.memref_slice %arg12[%add3A_54, %dma_wait3A_342] : memref<10016x128xf32, #tpu.memory_space<vmem_shared>> -> memref<48x128xf32, #tpu.memory_space<vmem_shared>>
      %dma_wait3A_344 = arith.constant 0 : i32
      %dma_wait3A_345 = tpu.memref_slice %arg12[%add3A_54, %dma_wait3A_344] : memref<10016x128xf32, #tpu.memory_space<vmem_shared>> -> memref<48x128xf32, #tpu.memory_space<vmem_shared>>
      tpu.wait_dma2 semaphore(%run_scoped3A : memref<!tpu.dma_semaphore, #tpu.memory_space<semaphore_mem>>) src(%arg11 : memref<48x128xf32, #tpu.memory_space<vmem>>) dst(%dma_wait3A_345 : memref<48x128xf32, #tpu.memory_space<vmem_shared>>)
      tpu.yield
    }) : () -> ()
    %mul3A_55 = arith.constant 624 : i32
    %mul3A_56 = arith.muli %arg1, %mul3A_55 : i32
    %add3A_57 = arith.constant 576 : i32
    %add3A_58 = arith.addi %mul3A_56, %add3A_57 : i32
    "tpu.region"() ({
      %run_scoped3A = tpu.sem_alloc : memref<!tpu.dma_semaphore, #tpu.memory_space<semaphore_mem>>
      %dma_start3A_338 = arith.constant 0 : i32
      %dma_start3A_339 = tpu.memref_slice %arg12[%add3A_58, %dma_start3A_338] : memref<10016x128xf32, #tpu.memory_space<vmem_shared>> -> memref<48x128xf32, #tpu.memory_space<vmem_shared>>
      %dma_start3A_340 = arith.constant 0 : i32
      %dma_start3A_341 = tpu.memref_slice %arg12[%add3A_58, %dma_start3A_340] : memref<10016x128xf32, #tpu.memory_space<vmem_shared>> -> memref<48x128xf32, #tpu.memory_space<vmem_shared>>
      tpu.enqueue_dma source(%arg11 : memref<48x128xf32, #tpu.memory_space<vmem>>) target(%dma_start3A_341 : memref<48x128xf32, #tpu.memory_space<vmem_shared>>) target_semaphore(%run_scoped3A : memref<!tpu.dma_semaphore, #tpu.memory_space<semaphore_mem>>)
      %dma_wait3A_342 = arith.constant 0 : i32
      %dma_wait3A_343 = tpu.memref_slice %arg12[%add3A_58, %dma_wait3A_342] : memref<10016x128xf32, #tpu.memory_space<vmem_shared>> -> memref<48x128xf32, #tpu.memory_space<vmem_shared>>
      %dma_wait3A_344 = arith.constant 0 : i32
      %dma_wait3A_345 = tpu.memref_slice %arg12[%add3A_58, %dma_wait3A_344] : memref<10016x128xf32, #tpu.memory_space<vmem_shared>> -> memref<48x128xf32, #tpu.memory_space<vmem_shared>>
      tpu.wait_dma2 semaphore(%run_scoped3A : memref<!tpu.dma_semaphore, #tpu.memory_space<semaphore_mem>>) src(%arg11 : memref<48x128xf32, #tpu.memory_space<vmem>>) dst(%dma_wait3A_345 : memref<48x128xf32, #tpu.memory_space<vmem_shared>>)
      tpu.yield
    }) : () -> ()
    %eq3A = arith.constant 0 : i32
    %eq3A_59 = arith.cmpi eq, %arg1, %eq3A : i32
    %convert_element_type3A = arith.extui %eq3A_59 : i1 to i32
    %cond3A = arith.constant 0 : i32
    %cond3A_60 = arith.cmpi ne, %convert_element_type3A, %cond3A : i32
    scf.if %cond3A_60 {
      "tpu.region"() ({
        %run_scoped3A = tpu.sem_alloc : memref<!tpu.dma_semaphore, #tpu.memory_space<semaphore_mem>>
        %dma_start3A_338 = arith.constant 0 : i32
        %dma_start3A_339 = arith.constant 0 : i32
        %dma_start3A_340 = tpu.memref_slice %arg11[%dma_start3A_338, %dma_start3A_339] : memref<48x128xf32, #tpu.memory_space<vmem>> -> memref<32x128xf32, #tpu.memory_space<vmem>>
        %dma_start3A_341 = arith.constant 9984 : i32
        %dma_start3A_342 = arith.constant 0 : i32
        %dma_start3A_343 = tpu.memref_slice %arg12[%dma_start3A_341, %dma_start3A_342] : memref<10016x128xf32, #tpu.memory_space<vmem_shared>> -> memref<32x128xf32, #tpu.memory_space<vmem_shared>>
        %dma_start3A_344 = arith.constant 9984 : i32
        %dma_start3A_345 = arith.constant 0 : i32
        %dma_start3A_346 = tpu.memref_slice %arg12[%dma_start3A_344, %dma_start3A_345] : memref<10016x128xf32, #tpu.memory_space<vmem_shared>> -> memref<32x128xf32, #tpu.memory_space<vmem_shared>>
        %dma_start3A_347 = arith.constant 0 : i32
        %dma_start3A_348 = arith.constant 0 : i32
        %dma_start3A_349 = tpu.memref_slice %arg11[%dma_start3A_347, %dma_start3A_348] : memref<48x128xf32, #tpu.memory_space<vmem>> -> memref<32x128xf32, #tpu.memory_space<vmem>>
        tpu.enqueue_dma source(%dma_start3A_349 : memref<32x128xf32, #tpu.memory_space<vmem>>) target(%dma_start3A_346 : memref<32x128xf32, #tpu.memory_space<vmem_shared>>) target_semaphore(%run_scoped3A : memref<!tpu.dma_semaphore, #tpu.memory_space<semaphore_mem>>)
        %dma_wait3A_350 = arith.constant 0 : i32
        %dma_wait3A_351 = arith.constant 0 : i32
        %dma_wait3A_352 = tpu.memref_slice %arg11[%dma_wait3A_350, %dma_wait3A_351] : memref<48x128xf32, #tpu.memory_space<vmem>> -> memref<32x128xf32, #tpu.memory_space<vmem>>
        %dma_wait3A_353 = arith.constant 9984 : i32
        %dma_wait3A_354 = arith.constant 0 : i32
        %dma_wait3A_355 = tpu.memref_slice %arg12[%dma_wait3A_353, %dma_wait3A_354] : memref<10016x128xf32, #tpu.memory_space<vmem_shared>> -> memref<32x128xf32, #tpu.memory_space<vmem_shared>>
        %dma_wait3A_356 = arith.constant 9984 : i32
        %dma_wait3A_357 = arith.constant 0 : i32
        %dma_wait3A_358 = tpu.memref_slice %arg12[%dma_wait3A_356, %dma_wait3A_357] : memref<10016x128xf32, #tpu.memory_space<vmem_shared>> -> memref<32x128xf32, #tpu.memory_space<vmem_shared>>
        %dma_wait3A_359 = arith.constant 0 : i32
        %dma_wait3A_360 = arith.constant 0 : i32
        %dma_wait3A_361 = tpu.memref_slice %arg11[%dma_wait3A_359, %dma_wait3A_360] : memref<48x128xf32, #tpu.memory_space<vmem>> -> memref<32x128xf32, #tpu.memory_space<vmem>>
        tpu.wait_dma2 semaphore(%run_scoped3A : memref<!tpu.dma_semaphore, #tpu.memory_space<semaphore_mem>>) src(%dma_wait3A_361 : memref<32x128xf32, #tpu.memory_space<vmem>>) dst(%dma_wait3A_358 : memref<32x128xf32, #tpu.memory_space<vmem_shared>>)
        tpu.yield
      }) : () -> ()
    } else {
    }
    %barrier3A = arith.constant 0 : index
    tpu.barrier barrier_id(%barrier3A)
    %add3A_61 = arith.constant 0 : i32
    %add3A_62 = arith.addi %mul3A_2, %add3A_61 : i32
    %dma_start3A = arith.constant 0 : i32
    %dma_start3A_63 = arith.constant 0 : i32
    %dma_start3A_64 = tpu.memref_slice %arg3[%add3A_62, %dma_start3A, %dma_start3A_63] : memref<2560x3x128xi32, #tpu.memory_space<hbm>> -> memref<1x3x128xi32, #tpu.memory_space<hbm>>
    %dma_start3A_65 = tpu.memref_squeeze %dma_start3A_64 : memref<1x3x128xi32, #tpu.memory_space<hbm>> -> memref<3x128xi32, #tpu.memory_space<hbm>>
    %dma_start3A_66 = arith.constant 0 : i32
    %dma_start3A_67 = arith.constant 0 : i32
    %dma_start3A_68 = tpu.memref_slice %arg3[%add3A_62, %dma_start3A_66, %dma_start3A_67] : memref<2560x3x128xi32, #tpu.memory_space<hbm>> -> memref<1x3x128xi32, #tpu.memory_space<hbm>>
    %dma_start3A_69 = tpu.memref_squeeze %dma_start3A_68 : memref<1x3x128xi32, #tpu.memory_space<hbm>> -> memref<3x128xi32, #tpu.memory_space<hbm>>
    tpu.enqueue_dma source(%dma_start3A_69 : memref<3x128xi32, #tpu.memory_space<hbm>>) target(%arg5 : memref<3x128xi32, #tpu.memory_space<vmem>>) target_semaphore(%arg17 : memref<!tpu.dma_semaphore, #tpu.memory_space<semaphore_mem>>)
    %add3A_70 = arith.constant 1 : i32
    %add3A_71 = arith.addi %mul3A_2, %add3A_70 : i32
    %dma_start3A_72 = arith.constant 0 : i32
    %dma_start3A_73 = arith.constant 0 : i32
    %dma_start3A_74 = tpu.memref_slice %arg3[%add3A_71, %dma_start3A_72, %dma_start3A_73] : memref<2560x3x128xi32, #tpu.memory_space<hbm>> -> memref<1x3x128xi32, #tpu.memory_space<hbm>>
    %dma_start3A_75 = tpu.memref_squeeze %dma_start3A_74 : memref<1x3x128xi32, #tpu.memory_space<hbm>> -> memref<3x128xi32, #tpu.memory_space<hbm>>
    %dma_start3A_76 = arith.constant 0 : i32
    %dma_start3A_77 = arith.constant 0 : i32
    %dma_start3A_78 = tpu.memref_slice %arg3[%add3A_71, %dma_start3A_76, %dma_start3A_77] : memref<2560x3x128xi32, #tpu.memory_space<hbm>> -> memref<1x3x128xi32, #tpu.memory_space<hbm>>
    %dma_start3A_79 = tpu.memref_squeeze %dma_start3A_78 : memref<1x3x128xi32, #tpu.memory_space<hbm>> -> memref<3x128xi32, #tpu.memory_space<hbm>>
    tpu.enqueue_dma source(%dma_start3A_79 : memref<3x128xi32, #tpu.memory_space<hbm>>) target(%arg6 : memref<3x128xi32, #tpu.memory_space<vmem>>) target_semaphore(%arg18 : memref<!tpu.dma_semaphore, #tpu.memory_space<semaphore_mem>>)
    %add3A_80 = arith.constant 0 : i32
    %add3A_81 = arith.addi %mul3A_2, %add3A_80 : i32
    %dma_wait3A = arith.constant 0 : i32
    %dma_wait3A_82 = arith.constant 0 : i32
    %dma_wait3A_83 = tpu.memref_slice %arg3[%add3A_81, %dma_wait3A, %dma_wait3A_82] : memref<2560x3x128xi32, #tpu.memory_space<hbm>> -> memref<1x3x128xi32, #tpu.memory_space<hbm>>
    %dma_wait3A_84 = tpu.memref_squeeze %dma_wait3A_83 : memref<1x3x128xi32, #tpu.memory_space<hbm>> -> memref<3x128xi32, #tpu.memory_space<hbm>>
    %dma_wait3A_85 = arith.constant 0 : i32
    %dma_wait3A_86 = arith.constant 0 : i32
    %dma_wait3A_87 = tpu.memref_slice %arg3[%add3A_81, %dma_wait3A_85, %dma_wait3A_86] : memref<2560x3x128xi32, #tpu.memory_space<hbm>> -> memref<1x3x128xi32, #tpu.memory_space<hbm>>
    %dma_wait3A_88 = tpu.memref_squeeze %dma_wait3A_87 : memref<1x3x128xi32, #tpu.memory_space<hbm>> -> memref<3x128xi32, #tpu.memory_space<hbm>>
    tpu.wait_dma2 semaphore(%arg17 : memref<!tpu.dma_semaphore, #tpu.memory_space<semaphore_mem>>) src(%dma_wait3A_88 : memref<3x128xi32, #tpu.memory_space<hbm>>) dst(%arg5 : memref<3x128xi32, #tpu.memory_space<vmem>>)
    %dma_start3A_89 = arith.constant 0 : i32
    %dma_start3A_90 = arith.constant 0 : i32
    %dma_start3A_91 = tpu.memref_slice %arg5[%dma_start3A_89, %dma_start3A_90] : memref<3x128xi32, #tpu.memory_space<vmem>> -> memref<1x128xi32, #tpu.memory_space<vmem>>
    %dma_start3A_92 = tpu.memref_squeeze %dma_start3A_91 : memref<1x128xi32, #tpu.memory_space<vmem>> -> memref<128xi32, #tpu.memory_space<vmem>>
    %dma_start3A_93 = arith.constant 0 : i32
    %dma_start3A_94 = arith.constant 0 : i32
    %dma_start3A_95 = tpu.memref_slice %arg2[%dma_start3A_93, %dma_start3A_94] : memref<10000x128xf32, #tpu.memory_space<hbm>> -> memref<10000x128xf32, #tpu.memory_space<hbm>>
    tpu.enqueue_indirect_dma source(%dma_start3A_95 : memref<10000x128xf32, #tpu.memory_space<hbm>>) target(%arg9 : memref<128x128xf32, #tpu.memory_space<vmem>>) offsets(%dma_start3A_92 : memref<128xi32, #tpu.memory_space<vmem>>) semaphore(%arg13 : memref<!tpu.dma_semaphore, #tpu.memory_space<semaphore_mem>>)
    %dma_wait3A_96 = arith.constant 0 : i32
    %dma_wait3A_97 = arith.constant 0 : i32
    %dma_wait3A_98 = tpu.memref_slice %arg5[%dma_wait3A_96, %dma_wait3A_97] : memref<3x128xi32, #tpu.memory_space<vmem>> -> memref<1x128xi32, #tpu.memory_space<vmem>>
    %dma_wait3A_99 = tpu.memref_squeeze %dma_wait3A_98 : memref<1x128xi32, #tpu.memory_space<vmem>> -> memref<128xi32, #tpu.memory_space<vmem>>
    %dma_wait3A_100 = arith.constant 0 : i32
    %dma_wait3A_101 = arith.constant 0 : i32
    %dma_wait3A_102 = tpu.memref_slice %arg2[%dma_wait3A_100, %dma_wait3A_101] : memref<10000x128xf32, #tpu.memory_space<hbm>> -> memref<10000x128xf32, #tpu.memory_space<hbm>>
    tpu.wait_indirect_dma semaphore(%arg13 : memref<!tpu.dma_semaphore, #tpu.memory_space<semaphore_mem>>) src(%dma_wait3A_102 : memref<10000x128xf32, #tpu.memory_space<hbm>>) dst(%arg9 : memref<128x128xf32, #tpu.memory_space<vmem>>)
    %get3A = arith.constant 1 : i32
    %get3A_103 = arith.index_cast %get3A : i32 to index
    %get3A_104 = arith.constant 0 : index
    %get3A_105 = tpu.vector_load %arg5[%get3A_103, %get3A_104] {strides = array<i32>} : memref<3x128xi32, #tpu.memory_space<vmem>>, vector<16xi32>,
    %swap3A = arith.constant 0 : index
    %swap3A_106 = tpu.vector_load %arg7[%swap3A] {strides = array<i32>} : memref<128xi32, #tpu.memory_space<vmem>>, vector<16xi32>,
    tpu.vector_store %arg7[%swap3A], %get3A_105 {strides = array<i32>} : memref<128xi32, #tpu.memory_space<vmem>>, vector<16xi32>,
    %get3A_107 = arith.constant 1 : i32
    %get3A_108 = arith.index_cast %get3A_107 : i32 to index
    %get3A_109 = arith.constant 16 : index
    %get3A_110 = tpu.vector_load %arg5[%get3A_108, %get3A_109] {strides = array<i32>} : memref<3x128xi32, #tpu.memory_space<vmem>>, vector<16xi32>,
    %swap3A_111 = arith.constant 16 : index
    %swap3A_112 = tpu.vector_load %arg7[%swap3A_111] {strides = array<i32>} : memref<128xi32, #tpu.memory_space<vmem>>, vector<16xi32>,
    tpu.vector_store %arg7[%swap3A_111], %get3A_110 {strides = array<i32>} : memref<128xi32, #tpu.memory_space<vmem>>, vector<16xi32>,
    %get3A_113 = arith.constant 1 : i32
    %get3A_114 = arith.index_cast %get3A_113 : i32 to index
    %get3A_115 = arith.constant 32 : index
    %get3A_116 = tpu.vector_load %arg5[%get3A_114, %get3A_115] {strides = array<i32>} : memref<3x128xi32, #tpu.memory_space<vmem>>, vector<16xi32>,
    %swap3A_117 = arith.constant 32 : index
    %swap3A_118 = tpu.vector_load %arg7[%swap3A_117] {strides = array<i32>} : memref<128xi32, #tpu.memory_space<vmem>>, vector<16xi32>,
    tpu.vector_store %arg7[%swap3A_117], %get3A_116 {strides = array<i32>} : memref<128xi32, #tpu.memory_space<vmem>>, vector<16xi32>,
    %get3A_119 = arith.constant 1 : i32
    %get3A_120 = arith.index_cast %get3A_119 : i32 to index
    %get3A_121 = arith.constant 48 : index
    %get3A_122 = tpu.vector_load %arg5[%get3A_120, %get3A_121] {strides = array<i32>} : memref<3x128xi32, #tpu.memory_space<vmem>>, vector<16xi32>,
    %swap3A_123 = arith.constant 48 : index
    %swap3A_124 = tpu.vector_load %arg7[%swap3A_123] {strides = array<i32>} : memref<128xi32, #tpu.memory_space<vmem>>, vector<16xi32>,
    tpu.vector_store %arg7[%swap3A_123], %get3A_122 {strides = array<i32>} : memref<128xi32, #tpu.memory_space<vmem>>, vector<16xi32>,
    %get3A_125 = arith.constant 1 : i32
    %get3A_126 = arith.index_cast %get3A_125 : i32 to index
    %get3A_127 = arith.constant 64 : index
    %get3A_128 = tpu.vector_load %arg5[%get3A_126, %get3A_127] {strides = array<i32>} : memref<3x128xi32, #tpu.memory_space<vmem>>, vector<16xi32>,
    %swap3A_129 = arith.constant 64 : index
    %swap3A_130 = tpu.vector_load %arg7[%swap3A_129] {strides = array<i32>} : memref<128xi32, #tpu.memory_space<vmem>>, vector<16xi32>,
    tpu.vector_store %arg7[%swap3A_129], %get3A_128 {strides = array<i32>} : memref<128xi32, #tpu.memory_space<vmem>>, vector<16xi32>,
    %get3A_131 = arith.constant 1 : i32
    %get3A_132 = arith.index_cast %get3A_131 : i32 to index
    %get3A_133 = arith.constant 80 : index
    %get3A_134 = tpu.vector_load %arg5[%get3A_132, %get3A_133] {strides = array<i32>} : memref<3x128xi32, #tpu.memory_space<vmem>>, vector<16xi32>,
    %swap3A_135 = arith.constant 80 : index
    %swap3A_136 = tpu.vector_load %arg7[%swap3A_135] {strides = array<i32>} : memref<128xi32, #tpu.memory_space<vmem>>, vector<16xi32>,
    tpu.vector_store %arg7[%swap3A_135], %get3A_134 {strides = array<i32>} : memref<128xi32, #tpu.memory_space<vmem>>, vector<16xi32>,
    %get3A_137 = arith.constant 1 : i32
    %get3A_138 = arith.index_cast %get3A_137 : i32 to index
    %get3A_139 = arith.constant 96 : index
    %get3A_140 = tpu.vector_load %arg5[%get3A_138, %get3A_139] {strides = array<i32>} : memref<3x128xi32, #tpu.memory_space<vmem>>, vector<16xi32>,
    %swap3A_141 = arith.constant 96 : index
    %swap3A_142 = tpu.vector_load %arg7[%swap3A_141] {strides = array<i32>} : memref<128xi32, #tpu.memory_space<vmem>>, vector<16xi32>,
    tpu.vector_store %arg7[%swap3A_141], %get3A_140 {strides = array<i32>} : memref<128xi32, #tpu.memory_space<vmem>>, vector<16xi32>,
    %get3A_143 = arith.constant 1 : i32
    %get3A_144 = arith.index_cast %get3A_143 : i32 to index
    %get3A_145 = arith.constant 112 : index
    %get3A_146 = tpu.vector_load %arg5[%get3A_144, %get3A_145] {strides = array<i32>} : memref<3x128xi32, #tpu.memory_space<vmem>>, vector<16xi32>,
    %swap3A_147 = arith.constant 112 : index
    %swap3A_148 = tpu.vector_load %arg7[%swap3A_147] {strides = array<i32>} : memref<128xi32, #tpu.memory_space<vmem>>, vector<16xi32>,
    tpu.vector_store %arg7[%swap3A_147], %get3A_146 {strides = array<i32>} : memref<128xi32, #tpu.memory_space<vmem>>, vector<16xi32>,
    %add3A_149 = arith.constant 1 : i32
    %add3A_150 = arith.addi %mul3A_2, %add3A_149 : i32
    %dma_wait3A_151 = arith.constant 0 : i32
    %dma_wait3A_152 = arith.constant 0 : i32
    %dma_wait3A_153 = tpu.memref_slice %arg3[%add3A_150, %dma_wait3A_151, %dma_wait3A_152] : memref<2560x3x128xi32, #tpu.memory_space<hbm>> -> memref<1x3x128xi32, #tpu.memory_space<hbm>>
    %dma_wait3A_154 = tpu.memref_squeeze %dma_wait3A_153 : memref<1x3x128xi32, #tpu.memory_space<hbm>> -> memref<3x128xi32, #tpu.memory_space<hbm>>
    %dma_wait3A_155 = arith.constant 0 : i32
    %dma_wait3A_156 = arith.constant 0 : i32
    %dma_wait3A_157 = tpu.memref_slice %arg3[%add3A_150, %dma_wait3A_155, %dma_wait3A_156] : memref<2560x3x128xi32, #tpu.memory_space<hbm>> -> memref<1x3x128xi32, #tpu.memory_space<hbm>>
    %dma_wait3A_158 = tpu.memref_squeeze %dma_wait3A_157 : memref<1x3x128xi32, #tpu.memory_space<hbm>> -> memref<3x128xi32, #tpu.memory_space<hbm>>
    tpu.wait_dma2 semaphore(%arg18 : memref<!tpu.dma_semaphore, #tpu.memory_space<semaphore_mem>>) src(%dma_wait3A_158 : memref<3x128xi32, #tpu.memory_space<hbm>>) dst(%arg6 : memref<3x128xi32, #tpu.memory_space<vmem>>)
    %dma_start3A_159 = arith.constant 0 : i32
    %dma_start3A_160 = arith.constant 0 : i32
    %dma_start3A_161 = tpu.memref_slice %arg6[%dma_start3A_159, %dma_start3A_160] : memref<3x128xi32, #tpu.memory_space<vmem>> -> memref<1x128xi32, #tpu.memory_space<vmem>>
    %dma_start3A_162 = tpu.memref_squeeze %dma_start3A_161 : memref<1x128xi32, #tpu.memory_space<vmem>> -> memref<128xi32, #tpu.memory_space<vmem>>
    %dma_start3A_163 = arith.constant 0 : i32
    %dma_start3A_164 = arith.constant 0 : i32
    %dma_start3A_165 = tpu.memref_slice %arg2[%dma_start3A_163, %dma_start3A_164] : memref<10000x128xf32, #tpu.memory_space<hbm>> -> memref<10000x128xf32, #tpu.memory_space<hbm>>
    tpu.enqueue_indirect_dma source(%dma_start3A_165 : memref<10000x128xf32, #tpu.memory_space<hbm>>) target(%arg10 : memref<128x128xf32, #tpu.memory_space<vmem>>) offsets(%dma_start3A_162 : memref<128xi32, #tpu.memory_space<vmem>>) semaphore(%arg14 : memref<!tpu.dma_semaphore, #tpu.memory_space<semaphore_mem>>)
    %parallel_loop3A = arith.constant 0 : i32
    %parallel_loop3A_166 = arith.constant 128 : i32
    %parallel_loop3A_167 = arith.constant 1 : i32
    scf.for %parallel_loop3A_338 = %parallel_loop3A to %parallel_loop3A_166 step %parallel_loop3A_167  : i32 {
      %parallel_loop3A_339 = vector.broadcast %parallel_loop3A_338 : i32 to vector<16xi32>
      %parallel_loop3A_340 = arith.constant 2 : i32
      %parallel_loop3A_341 = arith.constant 0 : i32
      %parallel_loop3A_342 = tpu.memref_slice %arg5[%parallel_loop3A_340, %parallel_loop3A_341] : memref<3x128xi32, #tpu.memory_space<vmem>> -> memref<1x128xi32, #tpu.memory_space<vmem>>
      %parallel_loop3A_343 = tpu.memref_squeeze %parallel_loop3A_342 : memref<1x128xi32, #tpu.memory_space<vmem>> -> memref<128xi32, #tpu.memory_space<vmem>>
      %parallel_loop3A_344 = tpu.vector_load_idx %parallel_loop3A_343[%parallel_loop3A_339] : memref<128xi32, #tpu.memory_space<vmem>>[vector<16xi32>], vector<16xi32>,
      %parallel_loop3A_345 = vector.bitcast %parallel_loop3A_344 : vector<16xi32> to vector<16xf32>
      %parallel_loop3A_346 = arith.index_cast %parallel_loop3A_338 : i32 to index
      %parallel_loop3A_347 = arith.constant 0 : index
      %parallel_loop3A_348 = tpu.vector_load %arg9[%parallel_loop3A_346, %parallel_loop3A_347] {strides = array<i32>} : memref<128x128xf32, #tpu.memory_space<vmem>>, vector<16xf32>,
      %parallel_loop3A_349 = arith.mulf %parallel_loop3A_348, %parallel_loop3A_345 : vector<16xf32>
      %parallel_loop3A_350 = arith.index_cast %parallel_loop3A_338 : i32 to index
      %parallel_loop3A_351 = arith.constant 0 : index
      %parallel_loop3A_352 = tpu.vector_load %arg9[%parallel_loop3A_350, %parallel_loop3A_351] {strides = array<i32>} : memref<128x128xf32, #tpu.memory_space<vmem>>, vector<16xf32>,
      tpu.vector_store %arg9[%parallel_loop3A_350, %parallel_loop3A_351], %parallel_loop3A_349 {strides = array<i32>} : memref<128x128xf32, #tpu.memory_space<vmem>>, vector<16xf32>,
      %parallel_loop3A_353 = arith.index_cast %parallel_loop3A_338 : i32 to index
      %parallel_loop3A_354 = arith.constant 16 : index
      %parallel_loop3A_355 = tpu.vector_load %arg9[%parallel_loop3A_353, %parallel_loop3A_354] {strides = array<i32>} : memref<128x128xf32, #tpu.memory_space<vmem>>, vector<16xf32>,
      %parallel_loop3A_356 = arith.mulf %parallel_loop3A_355, %parallel_loop3A_345 : vector<16xf32>
      %parallel_loop3A_357 = arith.index_cast %parallel_loop3A_338 : i32 to index
      %parallel_loop3A_358 = arith.constant 16 : index
      %parallel_loop3A_359 = tpu.vector_load %arg9[%parallel_loop3A_357, %parallel_loop3A_358] {strides = array<i32>} : memref<128x128xf32, #tpu.memory_space<vmem>>, vector<16xf32>,
      tpu.vector_store %arg9[%parallel_loop3A_357, %parallel_loop3A_358], %parallel_loop3A_356 {strides = array<i32>} : memref<128x128xf32, #tpu.memory_space<vmem>>, vector<16xf32>,
      %parallel_loop3A_360 = arith.index_cast %parallel_loop3A_338 : i32 to index
      %parallel_loop3A_361 = arith.constant 32 : index
      %parallel_loop3A_362 = tpu.vector_load %arg9[%parallel_loop3A_360, %parallel_loop3A_361] {strides = array<i32>} : memref<128x128xf32, #tpu.memory_space<vmem>>, vector<16xf32>,
      %parallel_loop3A_363 = arith.mulf %parallel_loop3A_362, %parallel_loop3A_345 : vector<16xf32>
      %parallel_loop3A_364 = arith.index_cast %parallel_loop3A_338 : i32 to index
      %parallel_loop3A_365 = arith.constant 32 : index
      %parallel_loop3A_366 = tpu.vector_load %arg9[%parallel_loop3A_364, %parallel_loop3A_365] {strides = array<i32>} : memref<128x128xf32, #tpu.memory_space<vmem>>, vector<16xf32>,
      tpu.vector_store %arg9[%parallel_loop3A_364, %parallel_loop3A_365], %parallel_loop3A_363 {strides = array<i32>} : memref<128x128xf32, #tpu.memory_space<vmem>>, vector<16xf32>,
      %parallel_loop3A_367 = arith.index_cast %parallel_loop3A_338 : i32 to index
      %parallel_loop3A_368 = arith.constant 48 : index
      %parallel_loop3A_369 = tpu.vector_load %arg9[%parallel_loop3A_367, %parallel_loop3A_368] {strides = array<i32>} : memref<128x128xf32, #tpu.memory_space<vmem>>, vector<16xf32>,
      %parallel_loop3A_370 = arith.mulf %parallel_loop3A_369, %parallel_loop3A_345 : vector<16xf32>
      %parallel_loop3A_371 = arith.index_cast %parallel_loop3A_338 : i32 to index
      %parallel_loop3A_372 = arith.constant 48 : index
      %parallel_loop3A_373 = tpu.vector_load %arg9[%parallel_loop3A_371, %parallel_loop3A_372] {strides = array<i32>} : memref<128x128xf32, #tpu.memory_space<vmem>>, vector<16xf32>,
      tpu.vector_store %arg9[%parallel_loop3A_371, %parallel_loop3A_372], %parallel_loop3A_370 {strides = array<i32>} : memref<128x128xf32, #tpu.memory_space<vmem>>, vector<16xf32>,
      %parallel_loop3A_374 = arith.index_cast %parallel_loop3A_338 : i32 to index
      %parallel_loop3A_375 = arith.constant 64 : index
      %parallel_loop3A_376 = tpu.vector_load %arg9[%parallel_loop3A_374, %parallel_loop3A_375] {strides = array<i32>} : memref<128x128xf32, #tpu.memory_space<vmem>>, vector<16xf32>,
      %parallel_loop3A_377 = arith.mulf %parallel_loop3A_376, %parallel_loop3A_345 : vector<16xf32>
      %parallel_loop3A_378 = arith.index_cast %parallel_loop3A_338 : i32 to index
      %parallel_loop3A_379 = arith.constant 64 : index
      %parallel_loop3A_380 = tpu.vector_load %arg9[%parallel_loop3A_378, %parallel_loop3A_379] {strides = array<i32>} : memref<128x128xf32, #tpu.memory_space<vmem>>, vector<16xf32>,
      tpu.vector_store %arg9[%parallel_loop3A_378, %parallel_loop3A_379], %parallel_loop3A_377 {strides = array<i32>} : memref<128x128xf32, #tpu.memory_space<vmem>>, vector<16xf32>,
      %parallel_loop3A_381 = arith.index_cast %parallel_loop3A_338 : i32 to index
      %parallel_loop3A_382 = arith.constant 80 : index
      %parallel_loop3A_383 = tpu.vector_load %arg9[%parallel_loop3A_381, %parallel_loop3A_382] {strides = array<i32>} : memref<128x128xf32, #tpu.memory_space<vmem>>, vector<16xf32>,
      %parallel_loop3A_384 = arith.mulf %parallel_loop3A_383, %parallel_loop3A_345 : vector<16xf32>
      %parallel_loop3A_385 = arith.index_cast %parallel_loop3A_338 : i32 to index
      %parallel_loop3A_386 = arith.constant 80 : index
      %parallel_loop3A_387 = tpu.vector_load %arg9[%parallel_loop3A_385, %parallel_loop3A_386] {strides = array<i32>} : memref<128x128xf32, #tpu.memory_space<vmem>>, vector<16xf32>,
      tpu.vector_store %arg9[%parallel_loop3A_385, %parallel_loop3A_386], %parallel_loop3A_384 {strides = array<i32>} : memref<128x128xf32, #tpu.memory_space<vmem>>, vector<16xf32>,
      %parallel_loop3A_388 = arith.index_cast %parallel_loop3A_338 : i32 to index
      %parallel_loop3A_389 = arith.constant 96 : index
      %parallel_loop3A_390 = tpu.vector_load %arg9[%parallel_loop3A_388, %parallel_loop3A_389] {strides = array<i32>} : memref<128x128xf32, #tpu.memory_space<vmem>>, vector<16xf32>,
      %parallel_loop3A_391 = arith.mulf %parallel_loop3A_390, %parallel_loop3A_345 : vector<16xf32>
      %parallel_loop3A_392 = arith.index_cast %parallel_loop3A_338 : i32 to index
      %parallel_loop3A_393 = arith.constant 96 : index
      %parallel_loop3A_394 = tpu.vector_load %arg9[%parallel_loop3A_392, %parallel_loop3A_393] {strides = array<i32>} : memref<128x128xf32, #tpu.memory_space<vmem>>, vector<16xf32>,
      tpu.vector_store %arg9[%parallel_loop3A_392, %parallel_loop3A_393], %parallel_loop3A_391 {strides = array<i32>} : memref<128x128xf32, #tpu.memory_space<vmem>>, vector<16xf32>,
      %parallel_loop3A_395 = arith.index_cast %parallel_loop3A_338 : i32 to index
      %parallel_loop3A_396 = arith.constant 112 : index
      %parallel_loop3A_397 = tpu.vector_load %arg9[%parallel_loop3A_395, %parallel_loop3A_396] {strides = array<i32>} : memref<128x128xf32, #tpu.memory_space<vmem>>, vector<16xf32>,
      %parallel_loop3A_398 = arith.mulf %parallel_loop3A_397, %parallel_loop3A_345 : vector<16xf32>
      %parallel_loop3A_399 = arith.index_cast %parallel_loop3A_338 : i32 to index
      %parallel_loop3A_400 = arith.constant 112 : index
      %parallel_loop3A_401 = tpu.vector_load %arg9[%parallel_loop3A_399, %parallel_loop3A_400] {strides = array<i32>} : memref<128x128xf32, #tpu.memory_space<vmem>>, vector<16xf32>,
      tpu.vector_store %arg9[%parallel_loop3A_399, %parallel_loop3A_400], %parallel_loop3A_398 {strides = array<i32>} : memref<128x128xf32, #tpu.memory_space<vmem>>, vector<16xf32>,
    } {sc.loop_unroll_factor = 8 : i64, sc.parallel_access}
    %dma_start3A_168 = arith.constant 0 : i32
    %dma_start3A_169 = arith.constant 0 : i32
    %dma_start3A_170 = tpu.memref_slice %arg12[%dma_start3A_168, %dma_start3A_169] : memref<10016x128xf32, #tpu.memory_space<vmem_shared>> -> memref<10016x128xf32, #tpu.memory_space<vmem_shared>>
    tpu.enqueue_indirect_dma source(%arg9 : memref<128x128xf32, #tpu.memory_space<vmem>>) target(%dma_start3A_170 : memref<10016x128xf32, #tpu.memory_space<vmem_shared>>) offsets(%arg7 : memref<128xi32, #tpu.memory_space<vmem>>) semaphore(%arg15 : memref<!tpu.dma_semaphore, #tpu.memory_space<semaphore_mem>>) {add = true}
    %add3A_171 = arith.constant 2 : i32
    %add3A_172 = arith.addi %mul3A_2, %add3A_171 : i32
    %dma_start3A_173 = arith.constant 0 : i32
    %dma_start3A_174 = arith.constant 0 : i32
    %dma_start3A_175 = tpu.memref_slice %arg3[%add3A_172, %dma_start3A_173, %dma_start3A_174] : memref<2560x3x128xi32, #tpu.memory_space<hbm>> -> memref<1x3x128xi32, #tpu.memory_space<hbm>>
    %dma_start3A_176 = tpu.memref_squeeze %dma_start3A_175 : memref<1x3x128xi32, #tpu.memory_space<hbm>> -> memref<3x128xi32, #tpu.memory_space<hbm>>
    %dma_start3A_177 = arith.constant 0 : i32
    %dma_start3A_178 = arith.constant 0 : i32
    %dma_start3A_179 = tpu.memref_slice %arg3[%add3A_172, %dma_start3A_177, %dma_start3A_178] : memref<2560x3x128xi32, #tpu.memory_space<hbm>> -> memref<1x3x128xi32, #tpu.memory_space<hbm>>
    %dma_start3A_180 = tpu.memref_squeeze %dma_start3A_179 : memref<1x3x128xi32, #tpu.memory_space<hbm>> -> memref<3x128xi32, #tpu.memory_space<hbm>>
    tpu.enqueue_dma source(%dma_start3A_180 : memref<3x128xi32, #tpu.memory_space<hbm>>) target(%arg5 : memref<3x128xi32, #tpu.memory_space<vmem>>) target_semaphore(%arg17 : memref<!tpu.dma_semaphore, #tpu.memory_space<semaphore_mem>>)
    %dma_wait3A_181 = arith.constant 0 : i32
    %dma_wait3A_182 = arith.constant 0 : i32
    %dma_wait3A_183 = tpu.memref_slice %arg6[%dma_wait3A_181, %dma_wait3A_182] : memref<3x128xi32, #tpu.memory_space<vmem>> -> memref<1x128xi32, #tpu.memory_space<vmem>>
    %dma_wait3A_184 = tpu.memref_squeeze %dma_wait3A_183 : memref<1x128xi32, #tpu.memory_space<vmem>> -> memref<128xi32, #tpu.memory_space<vmem>>
    %dma_wait3A_185 = arith.constant 0 : i32
    %dma_wait3A_186 = arith.constant 0 : i32
    %dma_wait3A_187 = tpu.memref_slice %arg2[%dma_wait3A_185, %dma_wait3A_186] : memref<10000x128xf32, #tpu.memory_space<hbm>> -> memref<10000x128xf32, #tpu.memory_space<hbm>>
    tpu.wait_indirect_dma semaphore(%arg14 : memref<!tpu.dma_semaphore, #tpu.memory_space<semaphore_mem>>) src(%dma_wait3A_187 : memref<10000x128xf32, #tpu.memory_space<hbm>>) dst(%arg10 : memref<128x128xf32, #tpu.memory_space<vmem>>)
    %get3A_188 = arith.constant 1 : i32
    %get3A_189 = arith.index_cast %get3A_188 : i32 to index
    %get3A_190 = arith.constant 0 : index
    %get3A_191 = tpu.vector_load %arg6[%get3A_189, %get3A_190] {strides = array<i32>} : memref<3x128xi32, #tpu.memory_space<vmem>>, vector<16xi32>,
    %swap3A_192 = arith.constant 0 : index
    %swap3A_193 = tpu.vector_load %arg8[%swap3A_192] {strides = array<i32>} : memref<128xi32, #tpu.memory_space<vmem>>, vector<16xi32>,
    tpu.vector_store %arg8[%swap3A_192], %get3A_191 {strides = array<i32>} : memref<128xi32, #tpu.memory_space<vmem>>, vector<16xi32>,
    %get3A_194 = arith.constant 1 : i32
    %get3A_195 = arith.index_cast %get3A_194 : i32 to index
    %get3A_196 = arith.constant 16 : index
    %get3A_197 = tpu.vector_load %arg6[%get3A_195, %get3A_196] {strides = array<i32>} : memref<3x128xi32, #tpu.memory_space<vmem>>, vector<16xi32>,
    %swap3A_198 = arith.constant 16 : index
    %swap3A_199 = tpu.vector_load %arg8[%swap3A_198] {strides = array<i32>} : memref<128xi32, #tpu.memory_space<vmem>>, vector<16xi32>,
    tpu.vector_store %arg8[%swap3A_198], %get3A_197 {strides = array<i32>} : memref<128xi32, #tpu.memory_space<vmem>>, vector<16xi32>,
    %get3A_200 = arith.constant 1 : i32
    %get3A_201 = arith.index_cast %get3A_200 : i32 to index
    %get3A_202 = arith.constant 32 : index
    %get3A_203 = tpu.vector_load %arg6[%get3A_201, %get3A_202] {strides = array<i32>} : memref<3x128xi32, #tpu.memory_space<vmem>>, vector<16xi32>,
    %swap3A_204 = arith.constant 32 : index
    %swap3A_205 = tpu.vector_load %arg8[%swap3A_204] {strides = array<i32>} : memref<128xi32, #tpu.memory_space<vmem>>, vector<16xi32>,
    tpu.vector_store %arg8[%swap3A_204], %get3A_203 {strides = array<i32>} : memref<128xi32, #tpu.memory_space<vmem>>, vector<16xi32>,
    %get3A_206 = arith.constant 1 : i32
    %get3A_207 = arith.index_cast %get3A_206 : i32 to index
    %get3A_208 = arith.constant 48 : index
    %get3A_209 = tpu.vector_load %arg6[%get3A_207, %get3A_208] {strides = array<i32>} : memref<3x128xi32, #tpu.memory_space<vmem>>, vector<16xi32>,
    %swap3A_210 = arith.constant 48 : index
    %swap3A_211 = tpu.vector_load %arg8[%swap3A_210] {strides = array<i32>} : memref<128xi32, #tpu.memory_space<vmem>>, vector<16xi32>,
    tpu.vector_store %arg8[%swap3A_210], %get3A_209 {strides = array<i32>} : memref<128xi32, #tpu.memory_space<vmem>>, vector<16xi32>,
    %get3A_212 = arith.constant 1 : i32
    %get3A_213 = arith.index_cast %get3A_212 : i32 to index
    %get3A_214 = arith.constant 64 : index
    %get3A_215 = tpu.vector_load %arg6[%get3A_213, %get3A_214] {strides = array<i32>} : memref<3x128xi32, #tpu.memory_space<vmem>>, vector<16xi32>,
    %swap3A_216 = arith.constant 64 : index
    %swap3A_217 = tpu.vector_load %arg8[%swap3A_216] {strides = array<i32>} : memref<128xi32, #tpu.memory_space<vmem>>, vector<16xi32>,
    tpu.vector_store %arg8[%swap3A_216], %get3A_215 {strides = array<i32>} : memref<128xi32, #tpu.memory_space<vmem>>, vector<16xi32>,
    %get3A_218 = arith.constant 1 : i32
    %get3A_219 = arith.index_cast %get3A_218 : i32 to index
    %get3A_220 = arith.constant 80 : index
    %get3A_221 = tpu.vector_load %arg6[%get3A_219, %get3A_220] {strides = array<i32>} : memref<3x128xi32, #tpu.memory_space<vmem>>, vector<16xi32>,
    %swap3A_222 = arith.constant 80 : index
    %swap3A_223 = tpu.vector_load %arg8[%swap3A_222] {strides = array<i32>} : memref<128xi32, #tpu.memory_space<vmem>>, vector<16xi32>,
    tpu.vector_store %arg8[%swap3A_222], %get3A_221 {strides = array<i32>} : memref<128xi32, #tpu.memory_space<vmem>>, vector<16xi32>,
    %get3A_224 = arith.constant 1 : i32
    %get3A_225 = arith.index_cast %get3A_224 : i32 to index
    %get3A_226 = arith.constant 96 : index
    %get3A_227 = tpu.vector_load %arg6[%get3A_225, %get3A_226] {strides = array<i32>} : memref<3x128xi32, #tpu.memory_space<vmem>>, vector<16xi32>,
    %swap3A_228 = arith.constant 96 : index
    %swap3A_229 = tpu.vector_load %arg8[%swap3A_228] {strides = array<i32>} : memref<128xi32, #tpu.memory_space<vmem>>, vector<16xi32>,
    tpu.vector_store %arg8[%swap3A_228], %get3A_227 {strides = array<i32>} : memref<128xi32, #tpu.memory_space<vmem>>, vector<16xi32>,
    %get3A_230 = arith.constant 1 : i32
    %get3A_231 = arith.index_cast %get3A_230 : i32 to index
    %get3A_232 = arith.constant 112 : index
    %get3A_233 = tpu.vector_load %arg6[%get3A_231, %get3A_232] {strides = array<i32>} : memref<3x128xi32, #tpu.memory_space<vmem>>, vector<16xi32>,
    %swap3A_234 = arith.constant 112 : index
    %swap3A_235 = tpu.vector_load %arg8[%swap3A_234] {strides = array<i32>} : memref<128xi32, #tpu.memory_space<vmem>>, vector<16xi32>,
    tpu.vector_store %arg8[%swap3A_234], %get3A_233 {strides = array<i32>} : memref<128xi32, #tpu.memory_space<vmem>>, vector<16xi32>,
    %dma_wait3A_236 = arith.constant 0 : i32
    %dma_wait3A_237 = arith.constant 0 : i32
    %dma_wait3A_238 = tpu.memref_slice %arg12[%dma_wait3A_236, %dma_wait3A_237] : memref<10016x128xf32, #tpu.memory_space<vmem_shared>> -> memref<10016x128xf32, #tpu.memory_space<vmem_shared>>
    tpu.wait_indirect_dma semaphore(%arg15 : memref<!tpu.dma_semaphore, #tpu.memory_space<semaphore_mem>>) src(%arg9 : memref<128x128xf32, #tpu.memory_space<vmem>>) dst(%dma_wait3A_238 : memref<10016x128xf32, #tpu.memory_space<vmem_shared>>)
    %add3A_239 = arith.constant 2 : i32
    %add3A_240 = arith.addi %mul3A_2, %add3A_239 : i32
    %dma_wait3A_241 = arith.constant 0 : i32
    %dma_wait3A_242 = arith.constant 0 : i32
    %dma_wait3A_243 = tpu.memref_slice %arg3[%add3A_240, %dma_wait3A_241, %dma_wait3A_242] : memref<2560x3x128xi32, #tpu.memory_space<hbm>> -> memref<1x3x128xi32, #tpu.memory_space<hbm>>
    %dma_wait3A_244 = tpu.memref_squeeze %dma_wait3A_243 : memref<1x3x128xi32, #tpu.memory_space<hbm>> -> memref<3x128xi32, #tpu.memory_space<hbm>>
    %dma_wait3A_245 = arith.constant 0 : i32
    %dma_wait3A_246 = arith.constant 0 : i32
    %dma_wait3A_247 = tpu.memref_slice %arg3[%add3A_240, %dma_wait3A_245, %dma_wait3A_246] : memref<2560x3x128xi32, #tpu.memory_space<hbm>> -> memref<1x3x128xi32, #tpu.memory_space<hbm>>
    %dma_wait3A_248 = tpu.memref_squeeze %dma_wait3A_247 : memref<1x3x128xi32, #tpu.memory_space<hbm>> -> memref<3x128xi32, #tpu.memory_space<hbm>>
    tpu.wait_dma2 semaphore(%arg17 : memref<!tpu.dma_semaphore, #tpu.memory_space<semaphore_mem>>) src(%dma_wait3A_248 : memref<3x128xi32, #tpu.memory_space<hbm>>) dst(%arg5 : memref<3x128xi32, #tpu.memory_space<vmem>>)
    %dma_start3A_249 = arith.constant 0 : i32
    %dma_start3A_250 = arith.constant 0 : i32
    %dma_start3A_251 = tpu.memref_slice %arg5[%dma_start3A_249, %dma_start3A_250] : memref<3x128xi32, #tpu.memory_space<vmem>> -> memref<1x128xi32, #tpu.memory_space<vmem>>
    %dma_start3A_252 = tpu.memref_squeeze %dma_start3A_251 : memref<1x128xi32, #tpu.memory_space<vmem>> -> memref<128xi32, #tpu.memory_space<vmem>>
    %dma_start3A_253 = arith.constant 0 : i32
    %dma_start3A_254 = arith.constant 0 : i32
    %dma_start3A_255 = tpu.memref_slice %arg2[%dma_start3A_253, %dma_start3A_254] : memref<10000x128xf32, #tpu.memory_space<hbm>> -> memref<10000x128xf32, #tpu.memory_space<hbm>>
    tpu.enqueue_indirect_dma source(%dma_start3A_255 : memref<10000x128xf32, #tpu.memory_space<hbm>>) target(%arg9 : memref<128x128xf32, #tpu.memory_space<vmem>>) offsets(%dma_start3A_252 : memref<128xi32, #tpu.memory_space<vmem>>) semaphore(%arg13 : memref<!tpu.dma_semaphore, #tpu.memory_space<semaphore_mem>>)
    %parallel_loop3A_256 = arith.constant 0 : i32
    %parallel_loop3A_257 = arith.constant 128 : i32
    %parallel_loop3A_258 = arith.constant 1 : i32
    scf.for %parallel_loop3A_338 = %parallel_loop3A_256 to %parallel_loop3A_257 step %parallel_loop3A_258  : i32 {
      %parallel_loop3A_339 = vector.broadcast %parallel_loop3A_338 : i32 to vector<16xi32>
      %parallel_loop3A_340 = arith.constant 2 : i32
      %parallel_loop3A_341 = arith.constant 0 : i32
      %parallel_loop3A_342 = tpu.memref_slice %arg6[%parallel_loop3A_340, %parallel_loop3A_341] : memref<3x128xi32, #tpu.memory_space<vmem>> -> memref<1x128xi32, #tpu.memory_space<vmem>>
      %parallel_loop3A_343 = tpu.memref_squeeze %parallel_loop3A_342 : memref<1x128xi32, #tpu.memory_space<vmem>> -> memref<128xi32, #tpu.memory_space<vmem>>
      %parallel_loop3A_344 = tpu.vector_load_idx %parallel_loop3A_343[%parallel_loop3A_339] : memref<128xi32, #tpu.memory_space<vmem>>[vector<16xi32>], vector<16xi32>,
      %parallel_loop3A_345 = vector.bitcast %parallel_loop3A_344 : vector<16xi32> to vector<16xf32>
      %parallel_loop3A_346 = arith.index_cast %parallel_loop3A_338 : i32 to index
      %parallel_loop3A_347 = arith.constant 0 : index
      %parallel_loop3A_348 = tpu.vector_load %arg10[%parallel_loop3A_346, %parallel_loop3A_347] {strides = array<i32>} : memref<128x128xf32, #tpu.memory_space<vmem>>, vector<16xf32>,
      %parallel_loop3A_349 = arith.mulf %parallel_loop3A_348, %parallel_loop3A_345 : vector<16xf32>
      %parallel_loop3A_350 = arith.index_cast %parallel_loop3A_338 : i32 to index
      %parallel_loop3A_351 = arith.constant 0 : index
      %parallel_loop3A_352 = tpu.vector_load %arg10[%parallel_loop3A_350, %parallel_loop3A_351] {strides = array<i32>} : memref<128x128xf32, #tpu.memory_space<vmem>>, vector<16xf32>,
      tpu.vector_store %arg10[%parallel_loop3A_350, %parallel_loop3A_351], %parallel_loop3A_349 {strides = array<i32>} : memref<128x128xf32, #tpu.memory_space<vmem>>, vector<16xf32>,
      %parallel_loop3A_353 = arith.index_cast %parallel_loop3A_338 : i32 to index
      %parallel_loop3A_354 = arith.constant 16 : index
      %parallel_loop3A_355 = tpu.vector_load %arg10[%parallel_loop3A_353, %parallel_loop3A_354] {strides = array<i32>} : memref<128x128xf32, #tpu.memory_space<vmem>>, vector<16xf32>,
      %parallel_loop3A_356 = arith.mulf %parallel_loop3A_355, %parallel_loop3A_345 : vector<16xf32>
      %parallel_loop3A_357 = arith.index_cast %parallel_loop3A_338 : i32 to index
      %parallel_loop3A_358 = arith.constant 16 : index
      %parallel_loop3A_359 = tpu.vector_load %arg10[%parallel_loop3A_357, %parallel_loop3A_358] {strides = array<i32>} : memref<128x128xf32, #tpu.memory_space<vmem>>, vector<16xf32>,
      tpu.vector_store %arg10[%parallel_loop3A_357, %parallel_loop3A_358], %parallel_loop3A_356 {strides = array<i32>} : memref<128x128xf32, #tpu.memory_space<vmem>>, vector<16xf32>,
      %parallel_loop3A_360 = arith.index_cast %parallel_loop3A_338 : i32 to index
      %parallel_loop3A_361 = arith.constant 32 : index
      %parallel_loop3A_362 = tpu.vector_load %arg10[%parallel_loop3A_360, %parallel_loop3A_361] {strides = array<i32>} : memref<128x128xf32, #tpu.memory_space<vmem>>, vector<16xf32>,
      %parallel_loop3A_363 = arith.mulf %parallel_loop3A_362, %parallel_loop3A_345 : vector<16xf32>
      %parallel_loop3A_364 = arith.index_cast %parallel_loop3A_338 : i32 to index
      %parallel_loop3A_365 = arith.constant 32 : index
      %parallel_loop3A_366 = tpu.vector_load %arg10[%parallel_loop3A_364, %parallel_loop3A_365] {strides = array<i32>} : memref<128x128xf32, #tpu.memory_space<vmem>>, vector<16xf32>,
      tpu.vector_store %arg10[%parallel_loop3A_364, %parallel_loop3A_365], %parallel_loop3A_363 {strides = array<i32>} : memref<128x128xf32, #tpu.memory_space<vmem>>, vector<16xf32>,
      %parallel_loop3A_367 = arith.index_cast %parallel_loop3A_338 : i32 to index
      %parallel_loop3A_368 = arith.constant 48 : index
      %parallel_loop3A_369 = tpu.vector_load %arg10[%parallel_loop3A_367, %parallel_loop3A_368] {strides = array<i32>} : memref<128x128xf32, #tpu.memory_space<vmem>>, vector<16xf32>,
      %parallel_loop3A_370 = arith.mulf %parallel_loop3A_369, %parallel_loop3A_345 : vector<16xf32>
      %parallel_loop3A_371 = arith.index_cast %parallel_loop3A_338 : i32 to index
      %parallel_loop3A_372 = arith.constant 48 : index
      %parallel_loop3A_373 = tpu.vector_load %arg10[%parallel_loop3A_371, %parallel_loop3A_372] {strides = array<i32>} : memref<128x128xf32, #tpu.memory_space<vmem>>, vector<16xf32>,
      tpu.vector_store %arg10[%parallel_loop3A_371, %parallel_loop3A_372], %parallel_loop3A_370 {strides = array<i32>} : memref<128x128xf32, #tpu.memory_space<vmem>>, vector<16xf32>,
      %parallel_loop3A_374 = arith.index_cast %parallel_loop3A_338 : i32 to index
      %parallel_loop3A_375 = arith.constant 64 : index
      %parallel_loop3A_376 = tpu.vector_load %arg10[%parallel_loop3A_374, %parallel_loop3A_375] {strides = array<i32>} : memref<128x128xf32, #tpu.memory_space<vmem>>, vector<16xf32>,
      %parallel_loop3A_377 = arith.mulf %parallel_loop3A_376, %parallel_loop3A_345 : vector<16xf32>
      %parallel_loop3A_378 = arith.index_cast %parallel_loop3A_338 : i32 to index
      %parallel_loop3A_379 = arith.constant 64 : index
      %parallel_loop3A_380 = tpu.vector_load %arg10[%parallel_loop3A_378, %parallel_loop3A_379] {strides = array<i32>} : memref<128x128xf32, #tpu.memory_space<vmem>>, vector<16xf32>,
      tpu.vector_store %arg10[%parallel_loop3A_378, %parallel_loop3A_379], %parallel_loop3A_377 {strides = array<i32>} : memref<128x128xf32, #tpu.memory_space<vmem>>, vector<16xf32>,
      %parallel_loop3A_381 = arith.index_cast %parallel_loop3A_338 : i32 to index
      %parallel_loop3A_382 = arith.constant 80 : index
      %parallel_loop3A_383 = tpu.vector_load %arg10[%parallel_loop3A_381, %parallel_loop3A_382] {strides = array<i32>} : memref<128x128xf32, #tpu.memory_space<vmem>>, vector<16xf32>,
      %parallel_loop3A_384 = arith.mulf %parallel_loop3A_383, %parallel_loop3A_345 : vector<16xf32>
      %parallel_loop3A_385 = arith.index_cast %parallel_loop3A_338 : i32 to index
      %parallel_loop3A_386 = arith.constant 80 : index
      %parallel_loop3A_387 = tpu.vector_load %arg10[%parallel_loop3A_385, %parallel_loop3A_386] {strides = array<i32>} : memref<128x128xf32, #tpu.memory_space<vmem>>, vector<16xf32>,
      tpu.vector_store %arg10[%parallel_loop3A_385, %parallel_loop3A_386], %parallel_loop3A_384 {strides = array<i32>} : memref<128x128xf32, #tpu.memory_space<vmem>>, vector<16xf32>,
      %parallel_loop3A_388 = arith.index_cast %parallel_loop3A_338 : i32 to index
      %parallel_loop3A_389 = arith.constant 96 : index
      %parallel_loop3A_390 = tpu.vector_load %arg10[%parallel_loop3A_388, %parallel_loop3A_389] {strides = array<i32>} : memref<128x128xf32, #tpu.memory_space<vmem>>, vector<16xf32>,
      %parallel_loop3A_391 = arith.mulf %parallel_loop3A_390, %parallel_loop3A_345 : vector<16xf32>
      %parallel_loop3A_392 = arith.index_cast %parallel_loop3A_338 : i32 to index
      %parallel_loop3A_393 = arith.constant 96 : index
      %parallel_loop3A_394 = tpu.vector_load %arg10[%parallel_loop3A_392, %parallel_loop3A_393] {strides = array<i32>} : memref<128x128xf32, #tpu.memory_space<vmem>>, vector<16xf32>,
      tpu.vector_store %arg10[%parallel_loop3A_392, %parallel_loop3A_393], %parallel_loop3A_391 {strides = array<i32>} : memref<128x128xf32, #tpu.memory_space<vmem>>, vector<16xf32>,
      %parallel_loop3A_395 = arith.index_cast %parallel_loop3A_338 : i32 to index
      %parallel_loop3A_396 = arith.constant 112 : index
      %parallel_loop3A_397 = tpu.vector_load %arg10[%parallel_loop3A_395, %parallel_loop3A_396] {strides = array<i32>} : memref<128x128xf32, #tpu.memory_space<vmem>>, vector<16xf32>,
      %parallel_loop3A_398 = arith.mulf %parallel_loop3A_397, %parallel_loop3A_345 : vector<16xf32>
      %parallel_loop3A_399 = arith.index_cast %parallel_loop3A_338 : i32 to index
      %parallel_loop3A_400 = arith.constant 112 : index
      %parallel_loop3A_401 = tpu.vector_load %arg10[%parallel_loop3A_399, %parallel_loop3A_400] {strides = array<i32>} : memref<128x128xf32, #tpu.memory_space<vmem>>, vector<16xf32>,
      tpu.vector_store %arg10[%parallel_loop3A_399, %parallel_loop3A_400], %parallel_loop3A_398 {strides = array<i32>} : memref<128x128xf32, #tpu.memory_space<vmem>>, vector<16xf32>,
    } {sc.loop_unroll_factor = 8 : i64, sc.parallel_access}
    %dma_start3A_259 = arith.constant 0 : i32
    %dma_start3A_260 = arith.constant 0 : i32
    %dma_start3A_261 = tpu.memref_slice %arg12[%dma_start3A_259, %dma_start3A_260] : memref<10016x128xf32, #tpu.memory_space<vmem_shared>> -> memref<10016x128xf32, #tpu.memory_space<vmem_shared>>
    tpu.enqueue_indirect_dma source(%arg10 : memref<128x128xf32, #tpu.memory_space<vmem>>) target(%dma_start3A_261 : memref<10016x128xf32, #tpu.memory_space<vmem_shared>>) offsets(%arg8 : memref<128xi32, #tpu.memory_space<vmem>>) semaphore(%arg16 : memref<!tpu.dma_semaphore, #tpu.memory_space<semaphore_mem>>) {add = true}
    %add3A_262 = arith.constant 3 : i32
    %add3A_263 = arith.addi %mul3A_2, %add3A_262 : i32
    %dma_start3A_264 = arith.constant 0 : i32
    %dma_start3A_265 = arith.constant 0 : i32
    %dma_start3A_266 = tpu.memref_slice %arg3[%add3A_263, %dma_start3A_264, %dma_start3A_265] : memref<2560x3x128xi32, #tpu.memory_space<hbm>> -> memref<1x3x128xi32, #tpu.memory_space<hbm>>
    %dma_start3A_267 = tpu.memref_squeeze %dma_start3A_266 : memref<1x3x128xi32, #tpu.memory_space<hbm>> -> memref<3x128xi32, #tpu.memory_space<hbm>>
    %dma_start3A_268 = arith.constant 0 : i32
    %dma_start3A_269 = arith.constant 0 : i32
    %dma_start3A_270 = tpu.memref_slice %arg3[%add3A_263, %dma_start3A_268, %dma_start3A_269] : memref<2560x3x128xi32, #tpu.memory_space<hbm>> -> memref<1x3x128xi32, #tpu.memory_space<hbm>>
    %dma_start3A_271 = tpu.memref_squeeze %dma_start3A_270 : memref<1x3x128xi32, #tpu.memory_space<hbm>> -> memref<3x128xi32, #tpu.memory_space<hbm>>
    tpu.enqueue_dma source(%dma_start3A_271 : memref<3x128xi32, #tpu.memory_space<hbm>>) target(%arg6 : memref<3x128xi32, #tpu.memory_space<vmem>>) target_semaphore(%arg18 : memref<!tpu.dma_semaphore, #tpu.memory_space<semaphore_mem>>)
    %scan3A_272 = arith.constant 0 : i32
    %scan3A_273 = arith.constant 39 : i32
    %scan3A_274 = arith.addi %scan3A_272, %scan3A_273 : i32
    %scan3A_275 = arith.constant 1 : i32
    scf.for %scan3A_338 = %scan3A_272 to %scan3A_274 step %scan3A_275  : i32 {
      %mul3A_339 = arith.constant 2 : i32
      %mul3A_340 = arith.muli %mul3A_339, %scan3A_338 : i32
      %add3A_341 = arith.constant 2 : i32
      %add3A_342 = arith.addi %add3A_341, %mul3A_340 : i32
      %dma_wait3A_343 = arith.constant 0 : i32
      %dma_wait3A_344 = arith.constant 0 : i32
      %dma_wait3A_345 = tpu.memref_slice %arg5[%dma_wait3A_343, %dma_wait3A_344] : memref<3x128xi32, #tpu.memory_space<vmem>> -> memref<1x128xi32, #tpu.memory_space<vmem>>
      %dma_wait3A_346 = tpu.memref_squeeze %dma_wait3A_345 : memref<1x128xi32, #tpu.memory_space<vmem>> -> memref<128xi32, #tpu.memory_space<vmem>>
      %dma_wait3A_347 = arith.constant 0 : i32
      %dma_wait3A_348 = arith.constant 0 : i32
      %dma_wait3A_349 = tpu.memref_slice %arg2[%dma_wait3A_347, %dma_wait3A_348] : memref<10000x128xf32, #tpu.memory_space<hbm>> -> memref<10000x128xf32, #tpu.memory_space<hbm>>
      tpu.wait_indirect_dma semaphore(%arg13 : memref<!tpu.dma_semaphore, #tpu.memory_space<semaphore_mem>>) src(%dma_wait3A_349 : memref<10000x128xf32, #tpu.memory_space<hbm>>) dst(%arg9 : memref<128x128xf32, #tpu.memory_space<vmem>>)
      %get3A_350 = arith.constant 1 : i32
      %get3A_351 = arith.index_cast %get3A_350 : i32 to index
      %get3A_352 = arith.constant 0 : index
      %get3A_353 = tpu.vector_load %arg5[%get3A_351, %get3A_352] {strides = array<i32>} : memref<3x128xi32, #tpu.memory_space<vmem>>, vector<16xi32>,
      %swap3A_354 = arith.constant 0 : index
      %swap3A_355 = tpu.vector_load %arg7[%swap3A_354] {strides = array<i32>} : memref<128xi32, #tpu.memory_space<vmem>>, vector<16xi32>,
      tpu.vector_store %arg7[%swap3A_354], %get3A_353 {strides = array<i32>} : memref<128xi32, #tpu.memory_space<vmem>>, vector<16xi32>,
      %get3A_356 = arith.constant 1 : i32
      %get3A_357 = arith.index_cast %get3A_356 : i32 to index
      %get3A_358 = arith.constant 16 : index
      %get3A_359 = tpu.vector_load %arg5[%get3A_357, %get3A_358] {strides = array<i32>} : memref<3x128xi32, #tpu.memory_space<vmem>>, vector<16xi32>,
      %swap3A_360 = arith.constant 16 : index
      %swap3A_361 = tpu.vector_load %arg7[%swap3A_360] {strides = array<i32>} : memref<128xi32, #tpu.memory_space<vmem>>, vector<16xi32>,
      tpu.vector_store %arg7[%swap3A_360], %get3A_359 {strides = array<i32>} : memref<128xi32, #tpu.memory_space<vmem>>, vector<16xi32>,
      %get3A_362 = arith.constant 1 : i32
      %get3A_363 = arith.index_cast %get3A_362 : i32 to index
      %get3A_364 = arith.constant 32 : index
      %get3A_365 = tpu.vector_load %arg5[%get3A_363, %get3A_364] {strides = array<i32>} : memref<3x128xi32, #tpu.memory_space<vmem>>, vector<16xi32>,
      %swap3A_366 = arith.constant 32 : index
      %swap3A_367 = tpu.vector_load %arg7[%swap3A_366] {strides = array<i32>} : memref<128xi32, #tpu.memory_space<vmem>>, vector<16xi32>,
      tpu.vector_store %arg7[%swap3A_366], %get3A_365 {strides = array<i32>} : memref<128xi32, #tpu.memory_space<vmem>>, vector<16xi32>,
      %get3A_368 = arith.constant 1 : i32
      %get3A_369 = arith.index_cast %get3A_368 : i32 to index
      %get3A_370 = arith.constant 48 : index
      %get3A_371 = tpu.vector_load %arg5[%get3A_369, %get3A_370] {strides = array<i32>} : memref<3x128xi32, #tpu.memory_space<vmem>>, vector<16xi32>,
      %swap3A_372 = arith.constant 48 : index
      %swap3A_373 = tpu.vector_load %arg7[%swap3A_372] {strides = array<i32>} : memref<128xi32, #tpu.memory_space<vmem>>, vector<16xi32>,
      tpu.vector_store %arg7[%swap3A_372], %get3A_371 {strides = array<i32>} : memref<128xi32, #tpu.memory_space<vmem>>, vector<16xi32>,
      %get3A_374 = arith.constant 1 : i32
      %get3A_375 = arith.index_cast %get3A_374 : i32 to index
      %get3A_376 = arith.constant 64 : index
      %get3A_377 = tpu.vector_load %arg5[%get3A_375, %get3A_376] {strides = array<i32>} : memref<3x128xi32, #tpu.memory_space<vmem>>, vector<16xi32>,
      %swap3A_378 = arith.constant 64 : index
      %swap3A_379 = tpu.vector_load %arg7[%swap3A_378] {strides = array<i32>} : memref<128xi32, #tpu.memory_space<vmem>>, vector<16xi32>,
      tpu.vector_store %arg7[%swap3A_378], %get3A_377 {strides = array<i32>} : memref<128xi32, #tpu.memory_space<vmem>>, vector<16xi32>,
      %get3A_380 = arith.constant 1 : i32
      %get3A_381 = arith.index_cast %get3A_380 : i32 to index
      %get3A_382 = arith.constant 80 : index
      %get3A_383 = tpu.vector_load %arg5[%get3A_381, %get3A_382] {strides = array<i32>} : memref<3x128xi32, #tpu.memory_space<vmem>>, vector<16xi32>,
      %swap3A_384 = arith.constant 80 : index
      %swap3A_385 = tpu.vector_load %arg7[%swap3A_384] {strides = array<i32>} : memref<128xi32, #tpu.memory_space<vmem>>, vector<16xi32>,
      tpu.vector_store %arg7[%swap3A_384], %get3A_383 {strides = array<i32>} : memref<128xi32, #tpu.memory_space<vmem>>, vector<16xi32>,
      %get3A_386 = arith.constant 1 : i32
      %get3A_387 = arith.index_cast %get3A_386 : i32 to index
      %get3A_388 = arith.constant 96 : index
      %get3A_389 = tpu.vector_load %arg5[%get3A_387, %get3A_388] {strides = array<i32>} : memref<3x128xi32, #tpu.memory_space<vmem>>, vector<16xi32>,
      %swap3A_390 = arith.constant 96 : index
      %swap3A_391 = tpu.vector_load %arg7[%swap3A_390] {strides = array<i32>} : memref<128xi32, #tpu.memory_space<vmem>>, vector<16xi32>,
      tpu.vector_store %arg7[%swap3A_390], %get3A_389 {strides = array<i32>} : memref<128xi32, #tpu.memory_space<vmem>>, vector<16xi32>,
      %get3A_392 = arith.constant 1 : i32
      %get3A_393 = arith.index_cast %get3A_392 : i32 to index
      %get3A_394 = arith.constant 112 : index
      %get3A_395 = tpu.vector_load %arg5[%get3A_393, %get3A_394] {strides = array<i32>} : memref<3x128xi32, #tpu.memory_space<vmem>>, vector<16xi32>,
      %swap3A_396 = arith.constant 112 : index
      %swap3A_397 = tpu.vector_load %arg7[%swap3A_396] {strides = array<i32>} : memref<128xi32, #tpu.memory_space<vmem>>, vector<16xi32>,
      tpu.vector_store %arg7[%swap3A_396], %get3A_395 {strides = array<i32>} : memref<128xi32, #tpu.memory_space<vmem>>, vector<16xi32>,
      %dma_wait3A_398 = arith.constant 0 : i32
      %dma_wait3A_399 = arith.constant 0 : i32
      %dma_wait3A_400 = tpu.memref_slice %arg12[%dma_wait3A_398, %dma_wait3A_399] : memref<10016x128xf32, #tpu.memory_space<vmem_shared>> -> memref<10016x128xf32, #tpu.memory_space<vmem_shared>>
      tpu.wait_indirect_dma semaphore(%arg16 : memref<!tpu.dma_semaphore, #tpu.memory_space<semaphore_mem>>) src(%arg10 : memref<128x128xf32, #tpu.memory_space<vmem>>) dst(%dma_wait3A_400 : memref<10016x128xf32, #tpu.memory_space<vmem_shared>>)
      %add3A_401 = arith.constant 1 : i32
      %add3A_402 = arith.addi %add3A_342, %add3A_401 : i32
      %lt3A = arith.constant 80 : i32
      %lt3A_403 = arith.cmpi slt, %add3A_402, %lt3A : i32
      %convert_element_type3A_404 = arith.extui %lt3A_403 : i1 to i32
      %cond3A_405 = arith.constant 0 : i32
      %cond3A_406 = arith.cmpi ne, %convert_element_type3A_404, %cond3A_405 : i32
      scf.if %cond3A_406 {
        %add3A_500 = arith.constant 1 : i32
        %add3A_501 = arith.addi %add3A_342, %add3A_500 : i32
        %add3A_502 = arith.addi %mul3A_2, %add3A_501 : i32
        %dma_wait3A_503 = arith.constant 0 : i32
        %dma_wait3A_504 = arith.constant 0 : i32
        %dma_wait3A_505 = tpu.memref_slice %arg3[%add3A_502, %dma_wait3A_503, %dma_wait3A_504] : memref<2560x3x128xi32, #tpu.memory_space<hbm>> -> memref<1x3x128xi32, #tpu.memory_space<hbm>>
        %dma_wait3A_506 = tpu.memref_squeeze %dma_wait3A_505 : memref<1x3x128xi32, #tpu.memory_space<hbm>> -> memref<3x128xi32, #tpu.memory_space<hbm>>
        %dma_wait3A_507 = arith.constant 0 : i32
        %dma_wait3A_508 = arith.constant 0 : i32
        %dma_wait3A_509 = tpu.memref_slice %arg3[%add3A_502, %dma_wait3A_507, %dma_wait3A_508] : memref<2560x3x128xi32, #tpu.memory_space<hbm>> -> memref<1x3x128xi32, #tpu.memory_space<hbm>>
        %dma_wait3A_510 = tpu.memref_squeeze %dma_wait3A_509 : memref<1x3x128xi32, #tpu.memory_space<hbm>> -> memref<3x128xi32, #tpu.memory_space<hbm>>
        tpu.wait_dma2 semaphore(%arg18 : memref<!tpu.dma_semaphore, #tpu.memory_space<semaphore_mem>>) src(%dma_wait3A_510 : memref<3x128xi32, #tpu.memory_space<hbm>>) dst(%arg6 : memref<3x128xi32, #tpu.memory_space<vmem>>)
        %dma_start3A_511 = arith.constant 0 : i32
        %dma_start3A_512 = arith.constant 0 : i32
        %dma_start3A_513 = tpu.memref_slice %arg6[%dma_start3A_511, %dma_start3A_512] : memref<3x128xi32, #tpu.memory_space<vmem>> -> memref<1x128xi32, #tpu.memory_space<vmem>>
        %dma_start3A_514 = tpu.memref_squeeze %dma_start3A_513 : memref<1x128xi32, #tpu.memory_space<vmem>> -> memref<128xi32, #tpu.memory_space<vmem>>
        %dma_start3A_515 = arith.constant 0 : i32
        %dma_start3A_516 = arith.constant 0 : i32
        %dma_start3A_517 = tpu.memref_slice %arg2[%dma_start3A_515, %dma_start3A_516] : memref<10000x128xf32, #tpu.memory_space<hbm>> -> memref<10000x128xf32, #tpu.memory_space<hbm>>
        tpu.enqueue_indirect_dma source(%dma_start3A_517 : memref<10000x128xf32, #tpu.memory_space<hbm>>) target(%arg10 : memref<128x128xf32, #tpu.memory_space<vmem>>) offsets(%dma_start3A_514 : memref<128xi32, #tpu.memory_space<vmem>>) semaphore(%arg14 : memref<!tpu.dma_semaphore, #tpu.memory_space<semaphore_mem>>)
      } else {
      }
      %parallel_loop3A_407 = arith.constant 0 : i32
      %parallel_loop3A_408 = arith.constant 128 : i32
      %parallel_loop3A_409 = arith.constant 1 : i32
      scf.for %parallel_loop3A_500 = %parallel_loop3A_407 to %parallel_loop3A_408 step %parallel_loop3A_409  : i32 {
        %parallel_loop3A_501 = vector.broadcast %parallel_loop3A_500 : i32 to vector<16xi32>
        %parallel_loop3A_502 = arith.constant 2 : i32
        %parallel_loop3A_503 = arith.constant 0 : i32
        %parallel_loop3A_504 = tpu.memref_slice %arg5[%parallel_loop3A_502, %parallel_loop3A_503] : memref<3x128xi32, #tpu.memory_space<vmem>> -> memref<1x128xi32, #tpu.memory_space<vmem>>
        %parallel_loop3A_505 = tpu.memref_squeeze %parallel_loop3A_504 : memref<1x128xi32, #tpu.memory_space<vmem>> -> memref<128xi32, #tpu.memory_space<vmem>>
        %parallel_loop3A_506 = tpu.vector_load_idx %parallel_loop3A_505[%parallel_loop3A_501] : memref<128xi32, #tpu.memory_space<vmem>>[vector<16xi32>], vector<16xi32>,
        %parallel_loop3A_507 = vector.bitcast %parallel_loop3A_506 : vector<16xi32> to vector<16xf32>
        %parallel_loop3A_508 = arith.index_cast %parallel_loop3A_500 : i32 to index
        %parallel_loop3A_509 = arith.constant 0 : index
        %parallel_loop3A_510 = tpu.vector_load %arg9[%parallel_loop3A_508, %parallel_loop3A_509] {strides = array<i32>} : memref<128x128xf32, #tpu.memory_space<vmem>>, vector<16xf32>,
        %parallel_loop3A_511 = arith.mulf %parallel_loop3A_510, %parallel_loop3A_507 : vector<16xf32>
        %parallel_loop3A_512 = arith.index_cast %parallel_loop3A_500 : i32 to index
        %parallel_loop3A_513 = arith.constant 0 : index
        %parallel_loop3A_514 = tpu.vector_load %arg9[%parallel_loop3A_512, %parallel_loop3A_513] {strides = array<i32>} : memref<128x128xf32, #tpu.memory_space<vmem>>, vector<16xf32>,
        tpu.vector_store %arg9[%parallel_loop3A_512, %parallel_loop3A_513], %parallel_loop3A_511 {strides = array<i32>} : memref<128x128xf32, #tpu.memory_space<vmem>>, vector<16xf32>,
        %parallel_loop3A_515 = arith.index_cast %parallel_loop3A_500 : i32 to index
        %parallel_loop3A_516 = arith.constant 16 : index
        %parallel_loop3A_517 = tpu.vector_load %arg9[%parallel_loop3A_515, %parallel_loop3A_516] {strides = array<i32>} : memref<128x128xf32, #tpu.memory_space<vmem>>, vector<16xf32>,
        %parallel_loop3A_518 = arith.mulf %parallel_loop3A_517, %parallel_loop3A_507 : vector<16xf32>
        %parallel_loop3A_519 = arith.index_cast %parallel_loop3A_500 : i32 to index
        %parallel_loop3A_520 = arith.constant 16 : index
        %parallel_loop3A_521 = tpu.vector_load %arg9[%parallel_loop3A_519, %parallel_loop3A_520] {strides = array<i32>} : memref<128x128xf32, #tpu.memory_space<vmem>>, vector<16xf32>,
        tpu.vector_store %arg9[%parallel_loop3A_519, %parallel_loop3A_520], %parallel_loop3A_518 {strides = array<i32>} : memref<128x128xf32, #tpu.memory_space<vmem>>, vector<16xf32>,
        %parallel_loop3A_522 = arith.index_cast %parallel_loop3A_500 : i32 to index
        %parallel_loop3A_523 = arith.constant 32 : index
        %parallel_loop3A_524 = tpu.vector_load %arg9[%parallel_loop3A_522, %parallel_loop3A_523] {strides = array<i32>} : memref<128x128xf32, #tpu.memory_space<vmem>>, vector<16xf32>,
        %parallel_loop3A_525 = arith.mulf %parallel_loop3A_524, %parallel_loop3A_507 : vector<16xf32>
        %parallel_loop3A_526 = arith.index_cast %parallel_loop3A_500 : i32 to index
        %parallel_loop3A_527 = arith.constant 32 : index
        %parallel_loop3A_528 = tpu.vector_load %arg9[%parallel_loop3A_526, %parallel_loop3A_527] {strides = array<i32>} : memref<128x128xf32, #tpu.memory_space<vmem>>, vector<16xf32>,
        tpu.vector_store %arg9[%parallel_loop3A_526, %parallel_loop3A_527], %parallel_loop3A_525 {strides = array<i32>} : memref<128x128xf32, #tpu.memory_space<vmem>>, vector<16xf32>,
        %parallel_loop3A_529 = arith.index_cast %parallel_loop3A_500 : i32 to index
        %parallel_loop3A_530 = arith.constant 48 : index
        %parallel_loop3A_531 = tpu.vector_load %arg9[%parallel_loop3A_529, %parallel_loop3A_530] {strides = array<i32>} : memref<128x128xf32, #tpu.memory_space<vmem>>, vector<16xf32>,
        %parallel_loop3A_532 = arith.mulf %parallel_loop3A_531, %parallel_loop3A_507 : vector<16xf32>
        %parallel_loop3A_533 = arith.index_cast %parallel_loop3A_500 : i32 to index
        %parallel_loop3A_534 = arith.constant 48 : index
        %parallel_loop3A_535 = tpu.vector_load %arg9[%parallel_loop3A_533, %parallel_loop3A_534] {strides = array<i32>} : memref<128x128xf32, #tpu.memory_space<vmem>>, vector<16xf32>,
        tpu.vector_store %arg9[%parallel_loop3A_533, %parallel_loop3A_534], %parallel_loop3A_532 {strides = array<i32>} : memref<128x128xf32, #tpu.memory_space<vmem>>, vector<16xf32>,
        %parallel_loop3A_536 = arith.index_cast %parallel_loop3A_500 : i32 to index
        %parallel_loop3A_537 = arith.constant 64 : index
        %parallel_loop3A_538 = tpu.vector_load %arg9[%parallel_loop3A_536, %parallel_loop3A_537] {strides = array<i32>} : memref<128x128xf32, #tpu.memory_space<vmem>>, vector<16xf32>,
        %parallel_loop3A_539 = arith.mulf %parallel_loop3A_538, %parallel_loop3A_507 : vector<16xf32>
        %parallel_loop3A_540 = arith.index_cast %parallel_loop3A_500 : i32 to index
        %parallel_loop3A_541 = arith.constant 64 : index
        %parallel_loop3A_542 = tpu.vector_load %arg9[%parallel_loop3A_540, %parallel_loop3A_541] {strides = array<i32>} : memref<128x128xf32, #tpu.memory_space<vmem>>, vector<16xf32>,
        tpu.vector_store %arg9[%parallel_loop3A_540, %parallel_loop3A_541], %parallel_loop3A_539 {strides = array<i32>} : memref<128x128xf32, #tpu.memory_space<vmem>>, vector<16xf32>,
        %parallel_loop3A_543 = arith.index_cast %parallel_loop3A_500 : i32 to index
        %parallel_loop3A_544 = arith.constant 80 : index
        %parallel_loop3A_545 = tpu.vector_load %arg9[%parallel_loop3A_543, %parallel_loop3A_544] {strides = array<i32>} : memref<128x128xf32, #tpu.memory_space<vmem>>, vector<16xf32>,
        %parallel_loop3A_546 = arith.mulf %parallel_loop3A_545, %parallel_loop3A_507 : vector<16xf32>
        %parallel_loop3A_547 = arith.index_cast %parallel_loop3A_500 : i32 to index
        %parallel_loop3A_548 = arith.constant 80 : index
        %parallel_loop3A_549 = tpu.vector_load %arg9[%parallel_loop3A_547, %parallel_loop3A_548] {strides = array<i32>} : memref<128x128xf32, #tpu.memory_space<vmem>>, vector<16xf32>,
        tpu.vector_store %arg9[%parallel_loop3A_547, %parallel_loop3A_548], %parallel_loop3A_546 {strides = array<i32>} : memref<128x128xf32, #tpu.memory_space<vmem>>, vector<16xf32>,
        %parallel_loop3A_550 = arith.index_cast %parallel_loop3A_500 : i32 to index
        %parallel_loop3A_551 = arith.constant 96 : index
        %parallel_loop3A_552 = tpu.vector_load %arg9[%parallel_loop3A_550, %parallel_loop3A_551] {strides = array<i32>} : memref<128x128xf32, #tpu.memory_space<vmem>>, vector<16xf32>,
        %parallel_loop3A_553 = arith.mulf %parallel_loop3A_552, %parallel_loop3A_507 : vector<16xf32>
        %parallel_loop3A_554 = arith.index_cast %parallel_loop3A_500 : i32 to index
        %parallel_loop3A_555 = arith.constant 96 : index
        %parallel_loop3A_556 = tpu.vector_load %arg9[%parallel_loop3A_554, %parallel_loop3A_555] {strides = array<i32>} : memref<128x128xf32, #tpu.memory_space<vmem>>, vector<16xf32>,
        tpu.vector_store %arg9[%parallel_loop3A_554, %parallel_loop3A_555], %parallel_loop3A_553 {strides = array<i32>} : memref<128x128xf32, #tpu.memory_space<vmem>>, vector<16xf32>,
        %parallel_loop3A_557 = arith.index_cast %parallel_loop3A_500 : i32 to index
        %parallel_loop3A_558 = arith.constant 112 : index
        %parallel_loop3A_559 = tpu.vector_load %arg9[%parallel_loop3A_557, %parallel_loop3A_558] {strides = array<i32>} : memref<128x128xf32, #tpu.memory_space<vmem>>, vector<16xf32>,
        %parallel_loop3A_560 = arith.mulf %parallel_loop3A_559, %parallel_loop3A_507 : vector<16xf32>
        %parallel_loop3A_561 = arith.index_cast %parallel_loop3A_500 : i32 to index
        %parallel_loop3A_562 = arith.constant 112 : index
        %parallel_loop3A_563 = tpu.vector_load %arg9[%parallel_loop3A_561, %parallel_loop3A_562] {strides = array<i32>} : memref<128x128xf32, #tpu.memory_space<vmem>>, vector<16xf32>,
        tpu.vector_store %arg9[%parallel_loop3A_561, %parallel_loop3A_562], %parallel_loop3A_560 {strides = array<i32>} : memref<128x128xf32, #tpu.memory_space<vmem>>, vector<16xf32>,
      } {sc.loop_unroll_factor = 8 : i64, sc.parallel_access}
      %dma_start3A_410 = arith.constant 0 : i32
      %dma_start3A_411 = arith.constant 0 : i32
      %dma_start3A_412 = tpu.memref_slice %arg12[%dma_start3A_410, %dma_start3A_411] : memref<10016x128xf32, #tpu.memory_space<vmem_shared>> -> memref<10016x128xf32, #tpu.memory_space<vmem_shared>>
      tpu.enqueue_indirect_dma source(%arg9 : memref<128x128xf32, #tpu.memory_space<vmem>>) target(%dma_start3A_412 : memref<10016x128xf32, #tpu.memory_space<vmem_shared>>) offsets(%arg7 : memref<128xi32, #tpu.memory_space<vmem>>) semaphore(%arg15 : memref<!tpu.dma_semaphore, #tpu.memory_space<semaphore_mem>>) {add = true}
      %add3A_413 = arith.constant 2 : i32
      %add3A_414 = arith.addi %add3A_342, %add3A_413 : i32
      %lt3A_415 = arith.constant 80 : i32
      %lt3A_416 = arith.cmpi slt, %add3A_414, %lt3A_415 : i32
      %convert_element_type3A_417 = arith.extui %lt3A_416 : i1 to i32
      %cond3A_418 = arith.constant 0 : i32
      %cond3A_419 = arith.cmpi ne, %convert_element_type3A_417, %cond3A_418 : i32
      scf.if %cond3A_419 {
        %add3A_500 = arith.constant 2 : i32
        %add3A_501 = arith.addi %add3A_342, %add3A_500 : i32
        %add3A_502 = arith.addi %mul3A_2, %add3A_501 : i32
        %dma_start3A_503 = arith.constant 0 : i32
        %dma_start3A_504 = arith.constant 0 : i32
        %dma_start3A_505 = tpu.memref_slice %arg3[%add3A_502, %dma_start3A_503, %dma_start3A_504] : memref<2560x3x128xi32, #tpu.memory_space<hbm>> -> memref<1x3x128xi32, #tpu.memory_space<hbm>>
        %dma_start3A_506 = tpu.memref_squeeze %dma_start3A_505 : memref<1x3x128xi32, #tpu.memory_space<hbm>> -> memref<3x128xi32, #tpu.memory_space<hbm>>
        %dma_start3A_507 = arith.constant 0 : i32
        %dma_start3A_508 = arith.constant 0 : i32
        %dma_start3A_509 = tpu.memref_slice %arg3[%add3A_502, %dma_start3A_507, %dma_start3A_508] : memref<2560x3x128xi32, #tpu.memory_space<hbm>> -> memref<1x3x128xi32, #tpu.memory_space<hbm>>
        %dma_start3A_510 = tpu.memref_squeeze %dma_start3A_509 : memref<1x3x128xi32, #tpu.memory_space<hbm>> -> memref<3x128xi32, #tpu.memory_space<hbm>>
        tpu.enqueue_dma source(%dma_start3A_510 : memref<3x128xi32, #tpu.memory_space<hbm>>) target(%arg5 : memref<3x128xi32, #tpu.memory_space<vmem>>) target_semaphore(%arg17 : memref<!tpu.dma_semaphore, #tpu.memory_space<semaphore_mem>>)
      } else {
      }
      %add3A_420 = arith.constant 1 : i32
      %add3A_421 = arith.addi %add3A_342, %add3A_420 : i32
      %dma_wait3A_422 = arith.constant 0 : i32
      %dma_wait3A_423 = arith.constant 0 : i32
      %dma_wait3A_424 = tpu.memref_slice %arg6[%dma_wait3A_422, %dma_wait3A_423] : memref<3x128xi32, #tpu.memory_space<vmem>> -> memref<1x128xi32, #tpu.memory_space<vmem>>
      %dma_wait3A_425 = tpu.memref_squeeze %dma_wait3A_424 : memref<1x128xi32, #tpu.memory_space<vmem>> -> memref<128xi32, #tpu.memory_space<vmem>>
      %dma_wait3A_426 = arith.constant 0 : i32
      %dma_wait3A_427 = arith.constant 0 : i32
      %dma_wait3A_428 = tpu.memref_slice %arg2[%dma_wait3A_426, %dma_wait3A_427] : memref<10000x128xf32, #tpu.memory_space<hbm>> -> memref<10000x128xf32, #tpu.memory_space<hbm>>
      tpu.wait_indirect_dma semaphore(%arg14 : memref<!tpu.dma_semaphore, #tpu.memory_space<semaphore_mem>>) src(%dma_wait3A_428 : memref<10000x128xf32, #tpu.memory_space<hbm>>) dst(%arg10 : memref<128x128xf32, #tpu.memory_space<vmem>>)
      %get3A_429 = arith.constant 1 : i32
      %get3A_430 = arith.index_cast %get3A_429 : i32 to index
      %get3A_431 = arith.constant 0 : index
      %get3A_432 = tpu.vector_load %arg6[%get3A_430, %get3A_431] {strides = array<i32>} : memref<3x128xi32, #tpu.memory_space<vmem>>, vector<16xi32>,
      %swap3A_433 = arith.constant 0 : index
      %swap3A_434 = tpu.vector_load %arg8[%swap3A_433] {strides = array<i32>} : memref<128xi32, #tpu.memory_space<vmem>>, vector<16xi32>,
      tpu.vector_store %arg8[%swap3A_433], %get3A_432 {strides = array<i32>} : memref<128xi32, #tpu.memory_space<vmem>>, vector<16xi32>,
      %get3A_435 = arith.constant 1 : i32
      %get3A_436 = arith.index_cast %get3A_435 : i32 to index
      %get3A_437 = arith.constant 16 : index
      %get3A_438 = tpu.vector_load %arg6[%get3A_436, %get3A_437] {strides = array<i32>} : memref<3x128xi32, #tpu.memory_space<vmem>>, vector<16xi32>,
      %swap3A_439 = arith.constant 16 : index
      %swap3A_440 = tpu.vector_load %arg8[%swap3A_439] {strides = array<i32>} : memref<128xi32, #tpu.memory_space<vmem>>, vector<16xi32>,
      tpu.vector_store %arg8[%swap3A_439], %get3A_438 {strides = array<i32>} : memref<128xi32, #tpu.memory_space<vmem>>, vector<16xi32>,
      %get3A_441 = arith.constant 1 : i32
      %get3A_442 = arith.index_cast %get3A_441 : i32 to index
      %get3A_443 = arith.constant 32 : index
      %get3A_444 = tpu.vector_load %arg6[%get3A_442, %get3A_443] {strides = array<i32>} : memref<3x128xi32, #tpu.memory_space<vmem>>, vector<16xi32>,
      %swap3A_445 = arith.constant 32 : index
      %swap3A_446 = tpu.vector_load %arg8[%swap3A_445] {strides = array<i32>} : memref<128xi32, #tpu.memory_space<vmem>>, vector<16xi32>,
      tpu.vector_store %arg8[%swap3A_445], %get3A_444 {strides = array<i32>} : memref<128xi32, #tpu.memory_space<vmem>>, vector<16xi32>,
      %get3A_447 = arith.constant 1 : i32
      %get3A_448 = arith.index_cast %get3A_447 : i32 to index
      %get3A_449 = arith.constant 48 : index
      %get3A_450 = tpu.vector_load %arg6[%get3A_448, %get3A_449] {strides = array<i32>} : memref<3x128xi32, #tpu.memory_space<vmem>>, vector<16xi32>,
      %swap3A_451 = arith.constant 48 : index
      %swap3A_452 = tpu.vector_load %arg8[%swap3A_451] {strides = array<i32>} : memref<128xi32, #tpu.memory_space<vmem>>, vector<16xi32>,
      tpu.vector_store %arg8[%swap3A_451], %get3A_450 {strides = array<i32>} : memref<128xi32, #tpu.memory_space<vmem>>, vector<16xi32>,
      %get3A_453 = arith.constant 1 : i32
      %get3A_454 = arith.index_cast %get3A_453 : i32 to index
      %get3A_455 = arith.constant 64 : index
      %get3A_456 = tpu.vector_load %arg6[%get3A_454, %get3A_455] {strides = array<i32>} : memref<3x128xi32, #tpu.memory_space<vmem>>, vector<16xi32>,
      %swap3A_457 = arith.constant 64 : index
      %swap3A_458 = tpu.vector_load %arg8[%swap3A_457] {strides = array<i32>} : memref<128xi32, #tpu.memory_space<vmem>>, vector<16xi32>,
      tpu.vector_store %arg8[%swap3A_457], %get3A_456 {strides = array<i32>} : memref<128xi32, #tpu.memory_space<vmem>>, vector<16xi32>,
      %get3A_459 = arith.constant 1 : i32
      %get3A_460 = arith.index_cast %get3A_459 : i32 to index
      %get3A_461 = arith.constant 80 : index
      %get3A_462 = tpu.vector_load %arg6[%get3A_460, %get3A_461] {strides = array<i32>} : memref<3x128xi32, #tpu.memory_space<vmem>>, vector<16xi32>,
      %swap3A_463 = arith.constant 80 : index
      %swap3A_464 = tpu.vector_load %arg8[%swap3A_463] {strides = array<i32>} : memref<128xi32, #tpu.memory_space<vmem>>, vector<16xi32>,
      tpu.vector_store %arg8[%swap3A_463], %get3A_462 {strides = array<i32>} : memref<128xi32, #tpu.memory_space<vmem>>, vector<16xi32>,
      %get3A_465 = arith.constant 1 : i32
      %get3A_466 = arith.index_cast %get3A_465 : i32 to index
      %get3A_467 = arith.constant 96 : index
      %get3A_468 = tpu.vector_load %arg6[%get3A_466, %get3A_467] {strides = array<i32>} : memref<3x128xi32, #tpu.memory_space<vmem>>, vector<16xi32>,
      %swap3A_469 = arith.constant 96 : index
      %swap3A_470 = tpu.vector_load %arg8[%swap3A_469] {strides = array<i32>} : memref<128xi32, #tpu.memory_space<vmem>>, vector<16xi32>,
      tpu.vector_store %arg8[%swap3A_469], %get3A_468 {strides = array<i32>} : memref<128xi32, #tpu.memory_space<vmem>>, vector<16xi32>,
      %get3A_471 = arith.constant 1 : i32
      %get3A_472 = arith.index_cast %get3A_471 : i32 to index
      %get3A_473 = arith.constant 112 : index
      %get3A_474 = tpu.vector_load %arg6[%get3A_472, %get3A_473] {strides = array<i32>} : memref<3x128xi32, #tpu.memory_space<vmem>>, vector<16xi32>,
      %swap3A_475 = arith.constant 112 : index
      %swap3A_476 = tpu.vector_load %arg8[%swap3A_475] {strides = array<i32>} : memref<128xi32, #tpu.memory_space<vmem>>, vector<16xi32>,
      tpu.vector_store %arg8[%swap3A_475], %get3A_474 {strides = array<i32>} : memref<128xi32, #tpu.memory_space<vmem>>, vector<16xi32>,
      %dma_wait3A_477 = arith.constant 0 : i32
      %dma_wait3A_478 = arith.constant 0 : i32
      %dma_wait3A_479 = tpu.memref_slice %arg12[%dma_wait3A_477, %dma_wait3A_478] : memref<10016x128xf32, #tpu.memory_space<vmem_shared>> -> memref<10016x128xf32, #tpu.memory_space<vmem_shared>>
      tpu.wait_indirect_dma semaphore(%arg15 : memref<!tpu.dma_semaphore, #tpu.memory_space<semaphore_mem>>) src(%arg9 : memref<128x128xf32, #tpu.memory_space<vmem>>) dst(%dma_wait3A_479 : memref<10016x128xf32, #tpu.memory_space<vmem_shared>>)
      %add3A_480 = arith.constant 1 : i32
      %add3A_481 = arith.addi %add3A_421, %add3A_480 : i32
      %lt3A_482 = arith.constant 80 : i32
      %lt3A_483 = arith.cmpi slt, %add3A_481, %lt3A_482 : i32
      %convert_element_type3A_484 = arith.extui %lt3A_483 : i1 to i32
      %cond3A_485 = arith.constant 0 : i32
      %cond3A_486 = arith.cmpi ne, %convert_element_type3A_484, %cond3A_485 : i32
      scf.if %cond3A_486 {
        %add3A_500 = arith.constant 1 : i32
        %add3A_501 = arith.addi %add3A_421, %add3A_500 : i32
        %add3A_502 = arith.addi %mul3A_2, %add3A_501 : i32
        %dma_wait3A_503 = arith.constant 0 : i32
        %dma_wait3A_504 = arith.constant 0 : i32
        %dma_wait3A_505 = tpu.memref_slice %arg3[%add3A_502, %dma_wait3A_503, %dma_wait3A_504] : memref<2560x3x128xi32, #tpu.memory_space<hbm>> -> memref<1x3x128xi32, #tpu.memory_space<hbm>>
        %dma_wait3A_506 = tpu.memref_squeeze %dma_wait3A_505 : memref<1x3x128xi32, #tpu.memory_space<hbm>> -> memref<3x128xi32, #tpu.memory_space<hbm>>
        %dma_wait3A_507 = arith.constant 0 : i32
        %dma_wait3A_508 = arith.constant 0 : i32
        %dma_wait3A_509 = tpu.memref_slice %arg3[%add3A_502, %dma_wait3A_507, %dma_wait3A_508] : memref<2560x3x128xi32, #tpu.memory_space<hbm>> -> memref<1x3x128xi32, #tpu.memory_space<hbm>>
        %dma_wait3A_510 = tpu.memref_squeeze %dma_wait3A_509 : memref<1x3x128xi32, #tpu.memory_space<hbm>> -> memref<3x128xi32, #tpu.memory_space<hbm>>
        tpu.wait_dma2 semaphore(%arg17 : memref<!tpu.dma_semaphore, #tpu.memory_space<semaphore_mem>>) src(%dma_wait3A_510 : memref<3x128xi32, #tpu.memory_space<hbm>>) dst(%arg5 : memref<3x128xi32, #tpu.memory_space<vmem>>)
        %dma_start3A_511 = arith.constant 0 : i32
        %dma_start3A_512 = arith.constant 0 : i32
        %dma_start3A_513 = tpu.memref_slice %arg5[%dma_start3A_511, %dma_start3A_512] : memref<3x128xi32, #tpu.memory_space<vmem>> -> memref<1x128xi32, #tpu.memory_space<vmem>>
        %dma_start3A_514 = tpu.memref_squeeze %dma_start3A_513 : memref<1x128xi32, #tpu.memory_space<vmem>> -> memref<128xi32, #tpu.memory_space<vmem>>
        %dma_start3A_515 = arith.constant 0 : i32
        %dma_start3A_516 = arith.constant 0 : i32
        %dma_start3A_517 = tpu.memref_slice %arg2[%dma_start3A_515, %dma_start3A_516] : memref<10000x128xf32, #tpu.memory_space<hbm>> -> memref<10000x128xf32, #tpu.memory_space<hbm>>
        tpu.enqueue_indirect_dma source(%dma_start3A_517 : memref<10000x128xf32, #tpu.memory_space<hbm>>) target(%arg9 : memref<128x128xf32, #tpu.memory_space<vmem>>) offsets(%dma_start3A_514 : memref<128xi32, #tpu.memory_space<vmem>>) semaphore(%arg13 : memref<!tpu.dma_semaphore, #tpu.memory_space<semaphore_mem>>)
      } else {
      }
      %parallel_loop3A_487 = arith.constant 0 : i32
      %parallel_loop3A_488 = arith.constant 128 : i32
      %parallel_loop3A_489 = arith.constant 1 : i32
      scf.for %parallel_loop3A_500 = %parallel_loop3A_487 to %parallel_loop3A_488 step %parallel_loop3A_489  : i32 {
        %parallel_loop3A_501 = vector.broadcast %parallel_loop3A_500 : i32 to vector<16xi32>
        %parallel_loop3A_502 = arith.constant 2 : i32
        %parallel_loop3A_503 = arith.constant 0 : i32
        %parallel_loop3A_504 = tpu.memref_slice %arg6[%parallel_loop3A_502, %parallel_loop3A_503] : memref<3x128xi32, #tpu.memory_space<vmem>> -> memref<1x128xi32, #tpu.memory_space<vmem>>
        %parallel_loop3A_505 = tpu.memref_squeeze %parallel_loop3A_504 : memref<1x128xi32, #tpu.memory_space<vmem>> -> memref<128xi32, #tpu.memory_space<vmem>>
        %parallel_loop3A_506 = tpu.vector_load_idx %parallel_loop3A_505[%parallel_loop3A_501] : memref<128xi32, #tpu.memory_space<vmem>>[vector<16xi32>], vector<16xi32>,
        %parallel_loop3A_507 = vector.bitcast %parallel_loop3A_506 : vector<16xi32> to vector<16xf32>
        %parallel_loop3A_508 = arith.index_cast %parallel_loop3A_500 : i32 to index
        %parallel_loop3A_509 = arith.constant 0 : index
        %parallel_loop3A_510 = tpu.vector_load %arg10[%parallel_loop3A_508, %parallel_loop3A_509] {strides = array<i32>} : memref<128x128xf32, #tpu.memory_space<vmem>>, vector<16xf32>,
        %parallel_loop3A_511 = arith.mulf %parallel_loop3A_510, %parallel_loop3A_507 : vector<16xf32>
        %parallel_loop3A_512 = arith.index_cast %parallel_loop3A_500 : i32 to index
        %parallel_loop3A_513 = arith.constant 0 : index
        %parallel_loop3A_514 = tpu.vector_load %arg10[%parallel_loop3A_512, %parallel_loop3A_513] {strides = array<i32>} : memref<128x128xf32, #tpu.memory_space<vmem>>, vector<16xf32>,
        tpu.vector_store %arg10[%parallel_loop3A_512, %parallel_loop3A_513], %parallel_loop3A_511 {strides = array<i32>} : memref<128x128xf32, #tpu.memory_space<vmem>>, vector<16xf32>,
        %parallel_loop3A_515 = arith.index_cast %parallel_loop3A_500 : i32 to index
        %parallel_loop3A_516 = arith.constant 16 : index
        %parallel_loop3A_517 = tpu.vector_load %arg10[%parallel_loop3A_515, %parallel_loop3A_516] {strides = array<i32>} : memref<128x128xf32, #tpu.memory_space<vmem>>, vector<16xf32>,
        %parallel_loop3A_518 = arith.mulf %parallel_loop3A_517, %parallel_loop3A_507 : vector<16xf32>
        %parallel_loop3A_519 = arith.index_cast %parallel_loop3A_500 : i32 to index
        %parallel_loop3A_520 = arith.constant 16 : index
        %parallel_loop3A_521 = tpu.vector_load %arg10[%parallel_loop3A_519, %parallel_loop3A_520] {strides = array<i32>} : memref<128x128xf32, #tpu.memory_space<vmem>>, vector<16xf32>,
        tpu.vector_store %arg10[%parallel_loop3A_519, %parallel_loop3A_520], %parallel_loop3A_518 {strides = array<i32>} : memref<128x128xf32, #tpu.memory_space<vmem>>, vector<16xf32>,
        %parallel_loop3A_522 = arith.index_cast %parallel_loop3A_500 : i32 to index
        %parallel_loop3A_523 = arith.constant 32 : index
        %parallel_loop3A_524 = tpu.vector_load %arg10[%parallel_loop3A_522, %parallel_loop3A_523] {strides = array<i32>} : memref<128x128xf32, #tpu.memory_space<vmem>>, vector<16xf32>,
        %parallel_loop3A_525 = arith.mulf %parallel_loop3A_524, %parallel_loop3A_507 : vector<16xf32>
        %parallel_loop3A_526 = arith.index_cast %parallel_loop3A_500 : i32 to index
        %parallel_loop3A_527 = arith.constant 32 : index
        %parallel_loop3A_528 = tpu.vector_load %arg10[%parallel_loop3A_526, %parallel_loop3A_527] {strides = array<i32>} : memref<128x128xf32, #tpu.memory_space<vmem>>, vector<16xf32>,
        tpu.vector_store %arg10[%parallel_loop3A_526, %parallel_loop3A_527], %parallel_loop3A_525 {strides = array<i32>} : memref<128x128xf32, #tpu.memory_space<vmem>>, vector<16xf32>,
        %parallel_loop3A_529 = arith.index_cast %parallel_loop3A_500 : i32 to index
        %parallel_loop3A_530 = arith.constant 48 : index
        %parallel_loop3A_531 = tpu.vector_load %arg10[%parallel_loop3A_529, %parallel_loop3A_530] {strides = array<i32>} : memref<128x128xf32, #tpu.memory_space<vmem>>, vector<16xf32>,
        %parallel_loop3A_532 = arith.mulf %parallel_loop3A_531, %parallel_loop3A_507 : vector<16xf32>
        %parallel_loop3A_533 = arith.index_cast %parallel_loop3A_500 : i32 to index
        %parallel_loop3A_534 = arith.constant 48 : index
        %parallel_loop3A_535 = tpu.vector_load %arg10[%parallel_loop3A_533, %parallel_loop3A_534] {strides = array<i32>} : memref<128x128xf32, #tpu.memory_space<vmem>>, vector<16xf32>,
        tpu.vector_store %arg10[%parallel_loop3A_533, %parallel_loop3A_534], %parallel_loop3A_532 {strides = array<i32>} : memref<128x128xf32, #tpu.memory_space<vmem>>, vector<16xf32>,
        %parallel_loop3A_536 = arith.index_cast %parallel_loop3A_500 : i32 to index
        %parallel_loop3A_537 = arith.constant 64 : index
        %parallel_loop3A_538 = tpu.vector_load %arg10[%parallel_loop3A_536, %parallel_loop3A_537] {strides = array<i32>} : memref<128x128xf32, #tpu.memory_space<vmem>>, vector<16xf32>,
        %parallel_loop3A_539 = arith.mulf %parallel_loop3A_538, %parallel_loop3A_507 : vector<16xf32>
        %parallel_loop3A_540 = arith.index_cast %parallel_loop3A_500 : i32 to index
        %parallel_loop3A_541 = arith.constant 64 : index
        %parallel_loop3A_542 = tpu.vector_load %arg10[%parallel_loop3A_540, %parallel_loop3A_541] {strides = array<i32>} : memref<128x128xf32, #tpu.memory_space<vmem>>, vector<16xf32>,
        tpu.vector_store %arg10[%parallel_loop3A_540, %parallel_loop3A_541], %parallel_loop3A_539 {strides = array<i32>} : memref<128x128xf32, #tpu.memory_space<vmem>>, vector<16xf32>,
        %parallel_loop3A_543 = arith.index_cast %parallel_loop3A_500 : i32 to index
        %parallel_loop3A_544 = arith.constant 80 : index
        %parallel_loop3A_545 = tpu.vector_load %arg10[%parallel_loop3A_543, %parallel_loop3A_544] {strides = array<i32>} : memref<128x128xf32, #tpu.memory_space<vmem>>, vector<16xf32>,
        %parallel_loop3A_546 = arith.mulf %parallel_loop3A_545, %parallel_loop3A_507 : vector<16xf32>
        %parallel_loop3A_547 = arith.index_cast %parallel_loop3A_500 : i32 to index
        %parallel_loop3A_548 = arith.constant 80 : index
        %parallel_loop3A_549 = tpu.vector_load %arg10[%parallel_loop3A_547, %parallel_loop3A_548] {strides = array<i32>} : memref<128x128xf32, #tpu.memory_space<vmem>>, vector<16xf32>,
        tpu.vector_store %arg10[%parallel_loop3A_547, %parallel_loop3A_548], %parallel_loop3A_546 {strides = array<i32>} : memref<128x128xf32, #tpu.memory_space<vmem>>, vector<16xf32>,
        %parallel_loop3A_550 = arith.index_cast %parallel_loop3A_500 : i32 to index
        %parallel_loop3A_551 = arith.constant 96 : index
        %parallel_loop3A_552 = tpu.vector_load %arg10[%parallel_loop3A_550, %parallel_loop3A_551] {strides = array<i32>} : memref<128x128xf32, #tpu.memory_space<vmem>>, vector<16xf32>,
        %parallel_loop3A_553 = arith.mulf %parallel_loop3A_552, %parallel_loop3A_507 : vector<16xf32>
        %parallel_loop3A_554 = arith.index_cast %parallel_loop3A_500 : i32 to index
        %parallel_loop3A_555 = arith.constant 96 : index
        %parallel_loop3A_556 = tpu.vector_load %arg10[%parallel_loop3A_554, %parallel_loop3A_555] {strides = array<i32>} : memref<128x128xf32, #tpu.memory_space<vmem>>, vector<16xf32>,
        tpu.vector_store %arg10[%parallel_loop3A_554, %parallel_loop3A_555], %parallel_loop3A_553 {strides = array<i32>} : memref<128x128xf32, #tpu.memory_space<vmem>>, vector<16xf32>,
        %parallel_loop3A_557 = arith.index_cast %parallel_loop3A_500 : i32 to index
        %parallel_loop3A_558 = arith.constant 112 : index
        %parallel_loop3A_559 = tpu.vector_load %arg10[%parallel_loop3A_557, %parallel_loop3A_558] {strides = array<i32>} : memref<128x128xf32, #tpu.memory_space<vmem>>, vector<16xf32>,
        %parallel_loop3A_560 = arith.mulf %parallel_loop3A_559, %parallel_loop3A_507 : vector<16xf32>
        %parallel_loop3A_561 = arith.index_cast %parallel_loop3A_500 : i32 to index
        %parallel_loop3A_562 = arith.constant 112 : index
        %parallel_loop3A_563 = tpu.vector_load %arg10[%parallel_loop3A_561, %parallel_loop3A_562] {strides = array<i32>} : memref<128x128xf32, #tpu.memory_space<vmem>>, vector<16xf32>,
        tpu.vector_store %arg10[%parallel_loop3A_561, %parallel_loop3A_562], %parallel_loop3A_560 {strides = array<i32>} : memref<128x128xf32, #tpu.memory_space<vmem>>, vector<16xf32>,
      } {sc.loop_unroll_factor = 8 : i64, sc.parallel_access}
      %dma_start3A_490 = arith.constant 0 : i32
      %dma_start3A_491 = arith.constant 0 : i32
      %dma_start3A_492 = tpu.memref_slice %arg12[%dma_start3A_490, %dma_start3A_491] : memref<10016x128xf32, #tpu.memory_space<vmem_shared>> -> memref<10016x128xf32, #tpu.memory_space<vmem_shared>>
      tpu.enqueue_indirect_dma source(%arg10 : memref<128x128xf32, #tpu.memory_space<vmem>>) target(%dma_start3A_492 : memref<10016x128xf32, #tpu.memory_space<vmem_shared>>) offsets(%arg8 : memref<128xi32, #tpu.memory_space<vmem>>) semaphore(%arg16 : memref<!tpu.dma_semaphore, #tpu.memory_space<semaphore_mem>>) {add = true}
      %add3A_493 = arith.constant 2 : i32
      %add3A_494 = arith.addi %add3A_421, %add3A_493 : i32
      %lt3A_495 = arith.constant 80 : i32
      %lt3A_496 = arith.cmpi slt, %add3A_494, %lt3A_495 : i32
      %convert_element_type3A_497 = arith.extui %lt3A_496 : i1 to i32
      %cond3A_498 = arith.constant 0 : i32
      %cond3A_499 = arith.cmpi ne, %convert_element_type3A_497, %cond3A_498 : i32
      scf.if %cond3A_499 {
        %add3A_500 = arith.constant 2 : i32
        %add3A_501 = arith.addi %add3A_421, %add3A_500 : i32
        %add3A_502 = arith.addi %mul3A_2, %add3A_501 : i32
        %dma_start3A_503 = arith.constant 0 : i32
        %dma_start3A_504 = arith.constant 0 : i32
        %dma_start3A_505 = tpu.memref_slice %arg3[%add3A_502, %dma_start3A_503, %dma_start3A_504] : memref<2560x3x128xi32, #tpu.memory_space<hbm>> -> memref<1x3x128xi32, #tpu.memory_space<hbm>>
        %dma_start3A_506 = tpu.memref_squeeze %dma_start3A_505 : memref<1x3x128xi32, #tpu.memory_space<hbm>> -> memref<3x128xi32, #tpu.memory_space<hbm>>
        %dma_start3A_507 = arith.constant 0 : i32
        %dma_start3A_508 = arith.constant 0 : i32
        %dma_start3A_509 = tpu.memref_slice %arg3[%add3A_502, %dma_start3A_507, %dma_start3A_508] : memref<2560x3x128xi32, #tpu.memory_space<hbm>> -> memref<1x3x128xi32, #tpu.memory_space<hbm>>
        %dma_start3A_510 = tpu.memref_squeeze %dma_start3A_509 : memref<1x3x128xi32, #tpu.memory_space<hbm>> -> memref<3x128xi32, #tpu.memory_space<hbm>>
        tpu.enqueue_dma source(%dma_start3A_510 : memref<3x128xi32, #tpu.memory_space<hbm>>) target(%arg6 : memref<3x128xi32, #tpu.memory_space<vmem>>) target_semaphore(%arg18 : memref<!tpu.dma_semaphore, #tpu.memory_space<semaphore_mem>>)
      } else {
      }
    }
    %scan3A_276 = arith.constant 39 : i32
    %dma_wait3A_277 = arith.constant 0 : i32
    %dma_wait3A_278 = arith.constant 0 : i32
    %dma_wait3A_279 = tpu.memref_slice %arg12[%dma_wait3A_277, %dma_wait3A_278] : memref<10016x128xf32, #tpu.memory_space<vmem_shared>> -> memref<10016x128xf32, #tpu.memory_space<vmem_shared>>
    tpu.wait_indirect_dma semaphore(%arg16 : memref<!tpu.dma_semaphore, #tpu.memory_space<semaphore_mem>>) src(%arg10 : memref<128x128xf32, #tpu.memory_space<vmem>>) dst(%dma_wait3A_279 : memref<10016x128xf32, #tpu.memory_space<vmem_shared>>)
    %barrier3A_280 = arith.constant 0 : index
    tpu.barrier barrier_id(%barrier3A_280)
    %mul3A_281 = arith.constant 624 : i32
    %mul3A_282 = arith.muli %arg1, %mul3A_281 : i32
    %add3A_283 = arith.constant 0 : i32
    %add3A_284 = arith.addi %mul3A_282, %add3A_283 : i32
    "tpu.region"() ({
      %run_scoped3A = tpu.sem_alloc : memref<!tpu.dma_semaphore, #tpu.memory_space<semaphore_mem>>
      %dma_start3A_338 = arith.constant 0 : i32
      %dma_start3A_339 = arith.constant 0 : i32
      %dma_start3A_340 = tpu.memref_slice %arg4[%arg0, %dma_start3A_338, %dma_start3A_339] : memref<2x10016x128xf32, #tpu.memory_space<hbm>> -> memref<1x10016x128xf32, #tpu.memory_space<hbm>>
      %dma_start3A_341 = tpu.memref_squeeze %dma_start3A_340 : memref<1x10016x128xf32, #tpu.memory_space<hbm>> -> memref<10016x128xf32, #tpu.memory_space<hbm>>
      %dma_start3A_342 = arith.constant 0 : i32
      %dma_start3A_343 = tpu.memref_slice %dma_start3A_341[%add3A_284, %dma_start3A_342] : memref<10016x128xf32, #tpu.memory_space<hbm>> -> memref<48x128xf32, #tpu.memory_space<hbm>>
      %dma_start3A_344 = arith.constant 0 : i32
      %dma_start3A_345 = tpu.memref_slice %arg12[%add3A_284, %dma_start3A_344] : memref<10016x128xf32, #tpu.memory_space<vmem_shared>> -> memref<48x128xf32, #tpu.memory_space<vmem_shared>>
      tpu.enqueue_dma source(%dma_start3A_345 : memref<48x128xf32, #tpu.memory_space<vmem_shared>>) target(%dma_start3A_343 : memref<48x128xf32, #tpu.memory_space<hbm>>) target_semaphore(%run_scoped3A : memref<!tpu.dma_semaphore, #tpu.memory_space<semaphore_mem>>)
      %dma_wait3A_346 = arith.constant 0 : i32
      %dma_wait3A_347 = arith.constant 0 : i32
      %dma_wait3A_348 = tpu.memref_slice %arg4[%arg0, %dma_wait3A_346, %dma_wait3A_347] : memref<2x10016x128xf32, #tpu.memory_space<hbm>> -> memref<1x10016x128xf32, #tpu.memory_space<hbm>>
      %dma_wait3A_349 = tpu.memref_squeeze %dma_wait3A_348 : memref<1x10016x128xf32, #tpu.memory_space<hbm>> -> memref<10016x128xf32, #tpu.memory_space<hbm>>
      %dma_wait3A_350 = arith.constant 0 : i32
      %dma_wait3A_351 = tpu.memref_slice %dma_wait3A_349[%add3A_284, %dma_wait3A_350] : memref<10016x128xf32, #tpu.memory_space<hbm>> -> memref<48x128xf32, #tpu.memory_space<hbm>>
      %dma_wait3A_352 = arith.constant 0 : i32
      %dma_wait3A_353 = tpu.memref_slice %arg12[%add3A_284, %dma_wait3A_352] : memref<10016x128xf32, #tpu.memory_space<vmem_shared>> -> memref<48x128xf32, #tpu.memory_space<vmem_shared>>
      tpu.wait_dma2 semaphore(%run_scoped3A : memref<!tpu.dma_semaphore, #tpu.memory_space<semaphore_mem>>) src(%dma_wait3A_353 : memref<48x128xf32, #tpu.memory_space<vmem_shared>>) dst(%dma_wait3A_351 : memref<48x128xf32, #tpu.memory_space<hbm>>)
      tpu.yield
    }) : () -> ()
    %mul3A_285 = arith.constant 624 : i32
    %mul3A_286 = arith.muli %arg1, %mul3A_285 : i32
    %add3A_287 = arith.constant 48 : i32
    %add3A_288 = arith.addi %mul3A_286, %add3A_287 : i32
    "tpu.region"() ({
      %run_scoped3A = tpu.sem_alloc : memref<!tpu.dma_semaphore, #tpu.memory_space<semaphore_mem>>
      %dma_start3A_338 = arith.constant 0 : i32
      %dma_start3A_339 = arith.constant 0 : i32
      %dma_start3A_340 = tpu.memref_slice %arg4[%arg0, %dma_start3A_338, %dma_start3A_339] : memref<2x10016x128xf32, #tpu.memory_space<hbm>> -> memref<1x10016x128xf32, #tpu.memory_space<hbm>>
      %dma_start3A_341 = tpu.memref_squeeze %dma_start3A_340 : memref<1x10016x128xf32, #tpu.memory_space<hbm>> -> memref<10016x128xf32, #tpu.memory_space<hbm>>
      %dma_start3A_342 = arith.constant 0 : i32
      %dma_start3A_343 = tpu.memref_slice %dma_start3A_341[%add3A_288, %dma_start3A_342] : memref<10016x128xf32, #tpu.memory_space<hbm>> -> memref<48x128xf32, #tpu.memory_space<hbm>>
      %dma_start3A_344 = arith.constant 0 : i32
      %dma_start3A_345 = tpu.memref_slice %arg12[%add3A_288, %dma_start3A_344] : memref<10016x128xf32, #tpu.memory_space<vmem_shared>> -> memref<48x128xf32, #tpu.memory_space<vmem_shared>>
      tpu.enqueue_dma source(%dma_start3A_345 : memref<48x128xf32, #tpu.memory_space<vmem_shared>>) target(%dma_start3A_343 : memref<48x128xf32, #tpu.memory_space<hbm>>) target_semaphore(%run_scoped3A : memref<!tpu.dma_semaphore, #tpu.memory_space<semaphore_mem>>)
      %dma_wait3A_346 = arith.constant 0 : i32
      %dma_wait3A_347 = arith.constant 0 : i32
      %dma_wait3A_348 = tpu.memref_slice %arg4[%arg0, %dma_wait3A_346, %dma_wait3A_347] : memref<2x10016x128xf32, #tpu.memory_space<hbm>> -> memref<1x10016x128xf32, #tpu.memory_space<hbm>>
      %dma_wait3A_349 = tpu.memref_squeeze %dma_wait3A_348 : memref<1x10016x128xf32, #tpu.memory_space<hbm>> -> memref<10016x128xf32, #tpu.memory_space<hbm>>
      %dma_wait3A_350 = arith.constant 0 : i32
      %dma_wait3A_351 = tpu.memref_slice %dma_wait3A_349[%add3A_288, %dma_wait3A_350] : memref<10016x128xf32, #tpu.memory_space<hbm>> -> memref<48x128xf32, #tpu.memory_space<hbm>>
      %dma_wait3A_352 = arith.constant 0 : i32
      %dma_wait3A_353 = tpu.memref_slice %arg12[%add3A_288, %dma_wait3A_352] : memref<10016x128xf32, #tpu.memory_space<vmem_shared>> -> memref<48x128xf32, #tpu.memory_space<vmem_shared>>
      tpu.wait_dma2 semaphore(%run_scoped3A : memref<!tpu.dma_semaphore, #tpu.memory_space<semaphore_mem>>) src(%dma_wait3A_353 : memref<48x128xf32, #tpu.memory_space<vmem_shared>>) dst(%dma_wait3A_351 : memref<48x128xf32, #tpu.memory_space<hbm>>)
      tpu.yield
    }) : () -> ()
    %mul3A_289 = arith.constant 624 : i32
    %mul3A_290 = arith.muli %arg1, %mul3A_289 : i32
    %add3A_291 = arith.constant 96 : i32
    %add3A_292 = arith.addi %mul3A_290, %add3A_291 : i32
    "tpu.region"() ({
      %run_scoped3A = tpu.sem_alloc : memref<!tpu.dma_semaphore, #tpu.memory_space<semaphore_mem>>
      %dma_start3A_338 = arith.constant 0 : i32
      %dma_start3A_339 = arith.constant 0 : i32
      %dma_start3A_340 = tpu.memref_slice %arg4[%arg0, %dma_start3A_338, %dma_start3A_339] : memref<2x10016x128xf32, #tpu.memory_space<hbm>> -> memref<1x10016x128xf32, #tpu.memory_space<hbm>>
      %dma_start3A_341 = tpu.memref_squeeze %dma_start3A_340 : memref<1x10016x128xf32, #tpu.memory_space<hbm>> -> memref<10016x128xf32, #tpu.memory_space<hbm>>
      %dma_start3A_342 = arith.constant 0 : i32
      %dma_start3A_343 = tpu.memref_slice %dma_start3A_341[%add3A_292, %dma_start3A_342] : memref<10016x128xf32, #tpu.memory_space<hbm>> -> memref<48x128xf32, #tpu.memory_space<hbm>>
      %dma_start3A_344 = arith.constant 0 : i32
      %dma_start3A_345 = tpu.memref_slice %arg12[%add3A_292, %dma_start3A_344] : memref<10016x128xf32, #tpu.memory_space<vmem_shared>> -> memref<48x128xf32, #tpu.memory_space<vmem_shared>>
      tpu.enqueue_dma source(%dma_start3A_345 : memref<48x128xf32, #tpu.memory_space<vmem_shared>>) target(%dma_start3A_343 : memref<48x128xf32, #tpu.memory_space<hbm>>) target_semaphore(%run_scoped3A : memref<!tpu.dma_semaphore, #tpu.memory_space<semaphore_mem>>)
      %dma_wait3A_346 = arith.constant 0 : i32
      %dma_wait3A_347 = arith.constant 0 : i32
      %dma_wait3A_348 = tpu.memref_slice %arg4[%arg0, %dma_wait3A_346, %dma_wait3A_347] : memref<2x10016x128xf32, #tpu.memory_space<hbm>> -> memref<1x10016x128xf32, #tpu.memory_space<hbm>>
      %dma_wait3A_349 = tpu.memref_squeeze %dma_wait3A_348 : memref<1x10016x128xf32, #tpu.memory_space<hbm>> -> memref<10016x128xf32, #tpu.memory_space<hbm>>
      %dma_wait3A_350 = arith.constant 0 : i32
      %dma_wait3A_351 = tpu.memref_slice %dma_wait3A_349[%add3A_292, %dma_wait3A_350] : memref<10016x128xf32, #tpu.memory_space<hbm>> -> memref<48x128xf32, #tpu.memory_space<hbm>>
      %dma_wait3A_352 = arith.constant 0 : i32
      %dma_wait3A_353 = tpu.memref_slice %arg12[%add3A_292, %dma_wait3A_352] : memref<10016x128xf32, #tpu.memory_space<vmem_shared>> -> memref<48x128xf32, #tpu.memory_space<vmem_shared>>
      tpu.wait_dma2 semaphore(%run_scoped3A : memref<!tpu.dma_semaphore, #tpu.memory_space<semaphore_mem>>) src(%dma_wait3A_353 : memref<48x128xf32, #tpu.memory_space<vmem_shared>>) dst(%dma_wait3A_351 : memref<48x128xf32, #tpu.memory_space<hbm>>)
      tpu.yield
    }) : () -> ()
    %mul3A_293 = arith.constant 624 : i32
    %mul3A_294 = arith.muli %arg1, %mul3A_293 : i32
    %add3A_295 = arith.constant 144 : i32
    %add3A_296 = arith.addi %mul3A_294, %add3A_295 : i32
    "tpu.region"() ({
      %run_scoped3A = tpu.sem_alloc : memref<!tpu.dma_semaphore, #tpu.memory_space<semaphore_mem>>
      %dma_start3A_338 = arith.constant 0 : i32
      %dma_start3A_339 = arith.constant 0 : i32
      %dma_start3A_340 = tpu.memref_slice %arg4[%arg0, %dma_start3A_338, %dma_start3A_339] : memref<2x10016x128xf32, #tpu.memory_space<hbm>> -> memref<1x10016x128xf32, #tpu.memory_space<hbm>>
      %dma_start3A_341 = tpu.memref_squeeze %dma_start3A_340 : memref<1x10016x128xf32, #tpu.memory_space<hbm>> -> memref<10016x128xf32, #tpu.memory_space<hbm>>
      %dma_start3A_342 = arith.constant 0 : i32
      %dma_start3A_343 = tpu.memref_slice %dma_start3A_341[%add3A_296, %dma_start3A_342] : memref<10016x128xf32, #tpu.memory_space<hbm>> -> memref<48x128xf32, #tpu.memory_space<hbm>>
      %dma_start3A_344 = arith.constant 0 : i32
      %dma_start3A_345 = tpu.memref_slice %arg12[%add3A_296, %dma_start3A_344] : memref<10016x128xf32, #tpu.memory_space<vmem_shared>> -> memref<48x128xf32, #tpu.memory_space<vmem_shared>>
      tpu.enqueue_dma source(%dma_start3A_345 : memref<48x128xf32, #tpu.memory_space<vmem_shared>>) target(%dma_start3A_343 : memref<48x128xf32, #tpu.memory_space<hbm>>) target_semaphore(%run_scoped3A : memref<!tpu.dma_semaphore, #tpu.memory_space<semaphore_mem>>)
      %dma_wait3A_346 = arith.constant 0 : i32
      %dma_wait3A_347 = arith.constant 0 : i32
      %dma_wait3A_348 = tpu.memref_slice %arg4[%arg0, %dma_wait3A_346, %dma_wait3A_347] : memref<2x10016x128xf32, #tpu.memory_space<hbm>> -> memref<1x10016x128xf32, #tpu.memory_space<hbm>>
      %dma_wait3A_349 = tpu.memref_squeeze %dma_wait3A_348 : memref<1x10016x128xf32, #tpu.memory_space<hbm>> -> memref<10016x128xf32, #tpu.memory_space<hbm>>
      %dma_wait3A_350 = arith.constant 0 : i32
      %dma_wait3A_351 = tpu.memref_slice %dma_wait3A_349[%add3A_296, %dma_wait3A_350] : memref<10016x128xf32, #tpu.memory_space<hbm>> -> memref<48x128xf32, #tpu.memory_space<hbm>>
      %dma_wait3A_352 = arith.constant 0 : i32
      %dma_wait3A_353 = tpu.memref_slice %arg12[%add3A_296, %dma_wait3A_352] : memref<10016x128xf32, #tpu.memory_space<vmem_shared>> -> memref<48x128xf32, #tpu.memory_space<vmem_shared>>
      tpu.wait_dma2 semaphore(%run_scoped3A : memref<!tpu.dma_semaphore, #tpu.memory_space<semaphore_mem>>) src(%dma_wait3A_353 : memref<48x128xf32, #tpu.memory_space<vmem_shared>>) dst(%dma_wait3A_351 : memref<48x128xf32, #tpu.memory_space<hbm>>)
      tpu.yield
    }) : () -> ()
    %mul3A_297 = arith.constant 624 : i32
    %mul3A_298 = arith.muli %arg1, %mul3A_297 : i32
    %add3A_299 = arith.constant 192 : i32
    %add3A_300 = arith.addi %mul3A_298, %add3A_299 : i32
    "tpu.region"() ({
      %run_scoped3A = tpu.sem_alloc : memref<!tpu.dma_semaphore, #tpu.memory_space<semaphore_mem>>
      %dma_start3A_338 = arith.constant 0 : i32
      %dma_start3A_339 = arith.constant 0 : i32
      %dma_start3A_340 = tpu.memref_slice %arg4[%arg0, %dma_start3A_338, %dma_start3A_339] : memref<2x10016x128xf32, #tpu.memory_space<hbm>> -> memref<1x10016x128xf32, #tpu.memory_space<hbm>>
      %dma_start3A_341 = tpu.memref_squeeze %dma_start3A_340 : memref<1x10016x128xf32, #tpu.memory_space<hbm>> -> memref<10016x128xf32, #tpu.memory_space<hbm>>
      %dma_start3A_342 = arith.constant 0 : i32
      %dma_start3A_343 = tpu.memref_slice %dma_start3A_341[%add3A_300, %dma_start3A_342] : memref<10016x128xf32, #tpu.memory_space<hbm>> -> memref<48x128xf32, #tpu.memory_space<hbm>>
      %dma_start3A_344 = arith.constant 0 : i32
      %dma_start3A_345 = tpu.memref_slice %arg12[%add3A_300, %dma_start3A_344] : memref<10016x128xf32, #tpu.memory_space<vmem_shared>> -> memref<48x128xf32, #tpu.memory_space<vmem_shared>>
      tpu.enqueue_dma source(%dma_start3A_345 : memref<48x128xf32, #tpu.memory_space<vmem_shared>>) target(%dma_start3A_343 : memref<48x128xf32, #tpu.memory_space<hbm>>) target_semaphore(%run_scoped3A : memref<!tpu.dma_semaphore, #tpu.memory_space<semaphore_mem>>)
      %dma_wait3A_346 = arith.constant 0 : i32
      %dma_wait3A_347 = arith.constant 0 : i32
      %dma_wait3A_348 = tpu.memref_slice %arg4[%arg0, %dma_wait3A_346, %dma_wait3A_347] : memref<2x10016x128xf32, #tpu.memory_space<hbm>> -> memref<1x10016x128xf32, #tpu.memory_space<hbm>>
      %dma_wait3A_349 = tpu.memref_squeeze %dma_wait3A_348 : memref<1x10016x128xf32, #tpu.memory_space<hbm>> -> memref<10016x128xf32, #tpu.memory_space<hbm>>
      %dma_wait3A_350 = arith.constant 0 : i32
      %dma_wait3A_351 = tpu.memref_slice %dma_wait3A_349[%add3A_300, %dma_wait3A_350] : memref<10016x128xf32, #tpu.memory_space<hbm>> -> memref<48x128xf32, #tpu.memory_space<hbm>>
      %dma_wait3A_352 = arith.constant 0 : i32
      %dma_wait3A_353 = tpu.memref_slice %arg12[%add3A_300, %dma_wait3A_352] : memref<10016x128xf32, #tpu.memory_space<vmem_shared>> -> memref<48x128xf32, #tpu.memory_space<vmem_shared>>
      tpu.wait_dma2 semaphore(%run_scoped3A : memref<!tpu.dma_semaphore, #tpu.memory_space<semaphore_mem>>) src(%dma_wait3A_353 : memref<48x128xf32, #tpu.memory_space<vmem_shared>>) dst(%dma_wait3A_351 : memref<48x128xf32, #tpu.memory_space<hbm>>)
      tpu.yield
    }) : () -> ()
    %mul3A_301 = arith.constant 624 : i32
    %mul3A_302 = arith.muli %arg1, %mul3A_301 : i32
    %add3A_303 = arith.constant 240 : i32
    %add3A_304 = arith.addi %mul3A_302, %add3A_303 : i32
    "tpu.region"() ({
      %run_scoped3A = tpu.sem_alloc : memref<!tpu.dma_semaphore, #tpu.memory_space<semaphore_mem>>
      %dma_start3A_338 = arith.constant 0 : i32
      %dma_start3A_339 = arith.constant 0 : i32
      %dma_start3A_340 = tpu.memref_slice %arg4[%arg0, %dma_start3A_338, %dma_start3A_339] : memref<2x10016x128xf32, #tpu.memory_space<hbm>> -> memref<1x10016x128xf32, #tpu.memory_space<hbm>>
      %dma_start3A_341 = tpu.memref_squeeze %dma_start3A_340 : memref<1x10016x128xf32, #tpu.memory_space<hbm>> -> memref<10016x128xf32, #tpu.memory_space<hbm>>
      %dma_start3A_342 = arith.constant 0 : i32
      %dma_start3A_343 = tpu.memref_slice %dma_start3A_341[%add3A_304, %dma_start3A_342] : memref<10016x128xf32, #tpu.memory_space<hbm>> -> memref<48x128xf32, #tpu.memory_space<hbm>>
      %dma_start3A_344 = arith.constant 0 : i32
      %dma_start3A_345 = tpu.memref_slice %arg12[%add3A_304, %dma_start3A_344] : memref<10016x128xf32, #tpu.memory_space<vmem_shared>> -> memref<48x128xf32, #tpu.memory_space<vmem_shared>>
      tpu.enqueue_dma source(%dma_start3A_345 : memref<48x128xf32, #tpu.memory_space<vmem_shared>>) target(%dma_start3A_343 : memref<48x128xf32, #tpu.memory_space<hbm>>) target_semaphore(%run_scoped3A : memref<!tpu.dma_semaphore, #tpu.memory_space<semaphore_mem>>)
      %dma_wait3A_346 = arith.constant 0 : i32
      %dma_wait3A_347 = arith.constant 0 : i32
      %dma_wait3A_348 = tpu.memref_slice %arg4[%arg0, %dma_wait3A_346, %dma_wait3A_347] : memref<2x10016x128xf32, #tpu.memory_space<hbm>> -> memref<1x10016x128xf32, #tpu.memory_space<hbm>>
      %dma_wait3A_349 = tpu.memref_squeeze %dma_wait3A_348 : memref<1x10016x128xf32, #tpu.memory_space<hbm>> -> memref<10016x128xf32, #tpu.memory_space<hbm>>
      %dma_wait3A_350 = arith.constant 0 : i32
      %dma_wait3A_351 = tpu.memref_slice %dma_wait3A_349[%add3A_304, %dma_wait3A_350] : memref<10016x128xf32, #tpu.memory_space<hbm>> -> memref<48x128xf32, #tpu.memory_space<hbm>>
      %dma_wait3A_352 = arith.constant 0 : i32
      %dma_wait3A_353 = tpu.memref_slice %arg12[%add3A_304, %dma_wait3A_352] : memref<10016x128xf32, #tpu.memory_space<vmem_shared>> -> memref<48x128xf32, #tpu.memory_space<vmem_shared>>
      tpu.wait_dma2 semaphore(%run_scoped3A : memref<!tpu.dma_semaphore, #tpu.memory_space<semaphore_mem>>) src(%dma_wait3A_353 : memref<48x128xf32, #tpu.memory_space<vmem_shared>>) dst(%dma_wait3A_351 : memref<48x128xf32, #tpu.memory_space<hbm>>)
      tpu.yield
    }) : () -> ()
    %mul3A_305 = arith.constant 624 : i32
    %mul3A_306 = arith.muli %arg1, %mul3A_305 : i32
    %add3A_307 = arith.constant 288 : i32
    %add3A_308 = arith.addi %mul3A_306, %add3A_307 : i32
    "tpu.region"() ({
      %run_scoped3A = tpu.sem_alloc : memref<!tpu.dma_semaphore, #tpu.memory_space<semaphore_mem>>
      %dma_start3A_338 = arith.constant 0 : i32
      %dma_start3A_339 = arith.constant 0 : i32
      %dma_start3A_340 = tpu.memref_slice %arg4[%arg0, %dma_start3A_338, %dma_start3A_339] : memref<2x10016x128xf32, #tpu.memory_space<hbm>> -> memref<1x10016x128xf32, #tpu.memory_space<hbm>>
      %dma_start3A_341 = tpu.memref_squeeze %dma_start3A_340 : memref<1x10016x128xf32, #tpu.memory_space<hbm>> -> memref<10016x128xf32, #tpu.memory_space<hbm>>
      %dma_start3A_342 = arith.constant 0 : i32
      %dma_start3A_343 = tpu.memref_slice %dma_start3A_341[%add3A_308, %dma_start3A_342] : memref<10016x128xf32, #tpu.memory_space<hbm>> -> memref<48x128xf32, #tpu.memory_space<hbm>>
      %dma_start3A_344 = arith.constant 0 : i32
      %dma_start3A_345 = tpu.memref_slice %arg12[%add3A_308, %dma_start3A_344] : memref<10016x128xf32, #tpu.memory_space<vmem_shared>> -> memref<48x128xf32, #tpu.memory_space<vmem_shared>>
      tpu.enqueue_dma source(%dma_start3A_345 : memref<48x128xf32, #tpu.memory_space<vmem_shared>>) target(%dma_start3A_343 : memref<48x128xf32, #tpu.memory_space<hbm>>) target_semaphore(%run_scoped3A : memref<!tpu.dma_semaphore, #tpu.memory_space<semaphore_mem>>)
      %dma_wait3A_346 = arith.constant 0 : i32
      %dma_wait3A_347 = arith.constant 0 : i32
      %dma_wait3A_348 = tpu.memref_slice %arg4[%arg0, %dma_wait3A_346, %dma_wait3A_347] : memref<2x10016x128xf32, #tpu.memory_space<hbm>> -> memref<1x10016x128xf32, #tpu.memory_space<hbm>>
      %dma_wait3A_349 = tpu.memref_squeeze %dma_wait3A_348 : memref<1x10016x128xf32, #tpu.memory_space<hbm>> -> memref<10016x128xf32, #tpu.memory_space<hbm>>
      %dma_wait3A_350 = arith.constant 0 : i32
      %dma_wait3A_351 = tpu.memref_slice %dma_wait3A_349[%add3A_308, %dma_wait3A_350] : memref<10016x128xf32, #tpu.memory_space<hbm>> -> memref<48x128xf32, #tpu.memory_space<hbm>>
      %dma_wait3A_352 = arith.constant 0 : i32
      %dma_wait3A_353 = tpu.memref_slice %arg12[%add3A_308, %dma_wait3A_352] : memref<10016x128xf32, #tpu.memory_space<vmem_shared>> -> memref<48x128xf32, #tpu.memory_space<vmem_shared>>
      tpu.wait_dma2 semaphore(%run_scoped3A : memref<!tpu.dma_semaphore, #tpu.memory_space<semaphore_mem>>) src(%dma_wait3A_353 : memref<48x128xf32, #tpu.memory_space<vmem_shared>>) dst(%dma_wait3A_351 : memref<48x128xf32, #tpu.memory_space<hbm>>)
      tpu.yield
    }) : () -> ()
    %mul3A_309 = arith.constant 624 : i32
    %mul3A_310 = arith.muli %arg1, %mul3A_309 : i32
    %add3A_311 = arith.constant 336 : i32
    %add3A_312 = arith.addi %mul3A_310, %add3A_311 : i32
    "tpu.region"() ({
      %run_scoped3A = tpu.sem_alloc : memref<!tpu.dma_semaphore, #tpu.memory_space<semaphore_mem>>
      %dma_start3A_338 = arith.constant 0 : i32
      %dma_start3A_339 = arith.constant 0 : i32
      %dma_start3A_340 = tpu.memref_slice %arg4[%arg0, %dma_start3A_338, %dma_start3A_339] : memref<2x10016x128xf32, #tpu.memory_space<hbm>> -> memref<1x10016x128xf32, #tpu.memory_space<hbm>>
      %dma_start3A_341 = tpu.memref_squeeze %dma_start3A_340 : memref<1x10016x128xf32, #tpu.memory_space<hbm>> -> memref<10016x128xf32, #tpu.memory_space<hbm>>
      %dma_start3A_342 = arith.constant 0 : i32
      %dma_start3A_343 = tpu.memref_slice %dma_start3A_341[%add3A_312, %dma_start3A_342] : memref<10016x128xf32, #tpu.memory_space<hbm>> -> memref<48x128xf32, #tpu.memory_space<hbm>>
      %dma_start3A_344 = arith.constant 0 : i32
      %dma_start3A_345 = tpu.memref_slice %arg12[%add3A_312, %dma_start3A_344] : memref<10016x128xf32, #tpu.memory_space<vmem_shared>> -> memref<48x128xf32, #tpu.memory_space<vmem_shared>>
      tpu.enqueue_dma source(%dma_start3A_345 : memref<48x128xf32, #tpu.memory_space<vmem_shared>>) target(%dma_start3A_343 : memref<48x128xf32, #tpu.memory_space<hbm>>) target_semaphore(%run_scoped3A : memref<!tpu.dma_semaphore, #tpu.memory_space<semaphore_mem>>)
      %dma_wait3A_346 = arith.constant 0 : i32
      %dma_wait3A_347 = arith.constant 0 : i32
      %dma_wait3A_348 = tpu.memref_slice %arg4[%arg0, %dma_wait3A_346, %dma_wait3A_347] : memref<2x10016x128xf32, #tpu.memory_space<hbm>> -> memref<1x10016x128xf32, #tpu.memory_space<hbm>>
      %dma_wait3A_349 = tpu.memref_squeeze %dma_wait3A_348 : memref<1x10016x128xf32, #tpu.memory_space<hbm>> -> memref<10016x128xf32, #tpu.memory_space<hbm>>
      %dma_wait3A_350 = arith.constant 0 : i32
      %dma_wait3A_351 = tpu.memref_slice %dma_wait3A_349[%add3A_312, %dma_wait3A_350] : memref<10016x128xf32, #tpu.memory_space<hbm>> -> memref<48x128xf32, #tpu.memory_space<hbm>>
      %dma_wait3A_352 = arith.constant 0 : i32
      %dma_wait3A_353 = tpu.memref_slice %arg12[%add3A_312, %dma_wait3A_352] : memref<10016x128xf32, #tpu.memory_space<vmem_shared>> -> memref<48x128xf32, #tpu.memory_space<vmem_shared>>
      tpu.wait_dma2 semaphore(%run_scoped3A : memref<!tpu.dma_semaphore, #tpu.memory_space<semaphore_mem>>) src(%dma_wait3A_353 : memref<48x128xf32, #tpu.memory_space<vmem_shared>>) dst(%dma_wait3A_351 : memref<48x128xf32, #tpu.memory_space<hbm>>)
      tpu.yield
    }) : () -> ()
    %mul3A_313 = arith.constant 624 : i32
    %mul3A_314 = arith.muli %arg1, %mul3A_313 : i32
    %add3A_315 = arith.constant 384 : i32
    %add3A_316 = arith.addi %mul3A_314, %add3A_315 : i32
    "tpu.region"() ({
      %run_scoped3A = tpu.sem_alloc : memref<!tpu.dma_semaphore, #tpu.memory_space<semaphore_mem>>
      %dma_start3A_338 = arith.constant 0 : i32
      %dma_start3A_339 = arith.constant 0 : i32
      %dma_start3A_340 = tpu.memref_slice %arg4[%arg0, %dma_start3A_338, %dma_start3A_339] : memref<2x10016x128xf32, #tpu.memory_space<hbm>> -> memref<1x10016x128xf32, #tpu.memory_space<hbm>>
      %dma_start3A_341 = tpu.memref_squeeze %dma_start3A_340 : memref<1x10016x128xf32, #tpu.memory_space<hbm>> -> memref<10016x128xf32, #tpu.memory_space<hbm>>
      %dma_start3A_342 = arith.constant 0 : i32
      %dma_start3A_343 = tpu.memref_slice %dma_start3A_341[%add3A_316, %dma_start3A_342] : memref<10016x128xf32, #tpu.memory_space<hbm>> -> memref<48x128xf32, #tpu.memory_space<hbm>>
      %dma_start3A_344 = arith.constant 0 : i32
      %dma_start3A_345 = tpu.memref_slice %arg12[%add3A_316, %dma_start3A_344] : memref<10016x128xf32, #tpu.memory_space<vmem_shared>> -> memref<48x128xf32, #tpu.memory_space<vmem_shared>>
      tpu.enqueue_dma source(%dma_start3A_345 : memref<48x128xf32, #tpu.memory_space<vmem_shared>>) target(%dma_start3A_343 : memref<48x128xf32, #tpu.memory_space<hbm>>) target_semaphore(%run_scoped3A : memref<!tpu.dma_semaphore, #tpu.memory_space<semaphore_mem>>)
      %dma_wait3A_346 = arith.constant 0 : i32
      %dma_wait3A_347 = arith.constant 0 : i32
      %dma_wait3A_348 = tpu.memref_slice %arg4[%arg0, %dma_wait3A_346, %dma_wait3A_347] : memref<2x10016x128xf32, #tpu.memory_space<hbm>> -> memref<1x10016x128xf32, #tpu.memory_space<hbm>>
      %dma_wait3A_349 = tpu.memref_squeeze %dma_wait3A_348 : memref<1x10016x128xf32, #tpu.memory_space<hbm>> -> memref<10016x128xf32, #tpu.memory_space<hbm>>
      %dma_wait3A_350 = arith.constant 0 : i32
      %dma_wait3A_351 = tpu.memref_slice %dma_wait3A_349[%add3A_316, %dma_wait3A_350] : memref<10016x128xf32, #tpu.memory_space<hbm>> -> memref<48x128xf32, #tpu.memory_space<hbm>>
      %dma_wait3A_352 = arith.constant 0 : i32
      %dma_wait3A_353 = tpu.memref_slice %arg12[%add3A_316, %dma_wait3A_352] : memref<10016x128xf32, #tpu.memory_space<vmem_shared>> -> memref<48x128xf32, #tpu.memory_space<vmem_shared>>
      tpu.wait_dma2 semaphore(%run_scoped3A : memref<!tpu.dma_semaphore, #tpu.memory_space<semaphore_mem>>) src(%dma_wait3A_353 : memref<48x128xf32, #tpu.memory_space<vmem_shared>>) dst(%dma_wait3A_351 : memref<48x128xf32, #tpu.memory_space<hbm>>)
      tpu.yield
    }) : () -> ()
    %mul3A_317 = arith.constant 624 : i32
    %mul3A_318 = arith.muli %arg1, %mul3A_317 : i32
    %add3A_319 = arith.constant 432 : i32
    %add3A_320 = arith.addi %mul3A_318, %add3A_319 : i32
    "tpu.region"() ({
      %run_scoped3A = tpu.sem_alloc : memref<!tpu.dma_semaphore, #tpu.memory_space<semaphore_mem>>
      %dma_start3A_338 = arith.constant 0 : i32
      %dma_start3A_339 = arith.constant 0 : i32
      %dma_start3A_340 = tpu.memref_slice %arg4[%arg0, %dma_start3A_338, %dma_start3A_339] : memref<2x10016x128xf32, #tpu.memory_space<hbm>> -> memref<1x10016x128xf32, #tpu.memory_space<hbm>>
      %dma_start3A_341 = tpu.memref_squeeze %dma_start3A_340 : memref<1x10016x128xf32, #tpu.memory_space<hbm>> -> memref<10016x128xf32, #tpu.memory_space<hbm>>
      %dma_start3A_342 = arith.constant 0 : i32
      %dma_start3A_343 = tpu.memref_slice %dma_start3A_341[%add3A_320, %dma_start3A_342] : memref<10016x128xf32, #tpu.memory_space<hbm>> -> memref<48x128xf32, #tpu.memory_space<hbm>>
      %dma_start3A_344 = arith.constant 0 : i32
      %dma_start3A_345 = tpu.memref_slice %arg12[%add3A_320, %dma_start3A_344] : memref<10016x128xf32, #tpu.memory_space<vmem_shared>> -> memref<48x128xf32, #tpu.memory_space<vmem_shared>>
      tpu.enqueue_dma source(%dma_start3A_345 : memref<48x128xf32, #tpu.memory_space<vmem_shared>>) target(%dma_start3A_343 : memref<48x128xf32, #tpu.memory_space<hbm>>) target_semaphore(%run_scoped3A : memref<!tpu.dma_semaphore, #tpu.memory_space<semaphore_mem>>)
      %dma_wait3A_346 = arith.constant 0 : i32
      %dma_wait3A_347 = arith.constant 0 : i32
      %dma_wait3A_348 = tpu.memref_slice %arg4[%arg0, %dma_wait3A_346, %dma_wait3A_347] : memref<2x10016x128xf32, #tpu.memory_space<hbm>> -> memref<1x10016x128xf32, #tpu.memory_space<hbm>>
      %dma_wait3A_349 = tpu.memref_squeeze %dma_wait3A_348 : memref<1x10016x128xf32, #tpu.memory_space<hbm>> -> memref<10016x128xf32, #tpu.memory_space<hbm>>
      %dma_wait3A_350 = arith.constant 0 : i32
      %dma_wait3A_351 = tpu.memref_slice %dma_wait3A_349[%add3A_320, %dma_wait3A_350] : memref<10016x128xf32, #tpu.memory_space<hbm>> -> memref<48x128xf32, #tpu.memory_space<hbm>>
      %dma_wait3A_352 = arith.constant 0 : i32
      %dma_wait3A_353 = tpu.memref_slice %arg12[%add3A_320, %dma_wait3A_352] : memref<10016x128xf32, #tpu.memory_space<vmem_shared>> -> memref<48x128xf32, #tpu.memory_space<vmem_shared>>
      tpu.wait_dma2 semaphore(%run_scoped3A : memref<!tpu.dma_semaphore, #tpu.memory_space<semaphore_mem>>) src(%dma_wait3A_353 : memref<48x128xf32, #tpu.memory_space<vmem_shared>>) dst(%dma_wait3A_351 : memref<48x128xf32, #tpu.memory_space<hbm>>)
      tpu.yield
    }) : () -> ()
    %mul3A_321 = arith.constant 624 : i32
    %mul3A_322 = arith.muli %arg1, %mul3A_321 : i32
    %add3A_323 = arith.constant 480 : i32
    %add3A_324 = arith.addi %mul3A_322, %add3A_323 : i32
    "tpu.region"() ({
      %run_scoped3A = tpu.sem_alloc : memref<!tpu.dma_semaphore, #tpu.memory_space<semaphore_mem>>
      %dma_start3A_338 = arith.constant 0 : i32
      %dma_start3A_339 = arith.constant 0 : i32
      %dma_start3A_340 = tpu.memref_slice %arg4[%arg0, %dma_start3A_338, %dma_start3A_339] : memref<2x10016x128xf32, #tpu.memory_space<hbm>> -> memref<1x10016x128xf32, #tpu.memory_space<hbm>>
      %dma_start3A_341 = tpu.memref_squeeze %dma_start3A_340 : memref<1x10016x128xf32, #tpu.memory_space<hbm>> -> memref<10016x128xf32, #tpu.memory_space<hbm>>
      %dma_start3A_342 = arith.constant 0 : i32
      %dma_start3A_343 = tpu.memref_slice %dma_start3A_341[%add3A_324, %dma_start3A_342] : memref<10016x128xf32, #tpu.memory_space<hbm>> -> memref<48x128xf32, #tpu.memory_space<hbm>>
      %dma_start3A_344 = arith.constant 0 : i32
      %dma_start3A_345 = tpu.memref_slice %arg12[%add3A_324, %dma_start3A_344] : memref<10016x128xf32, #tpu.memory_space<vmem_shared>> -> memref<48x128xf32, #tpu.memory_space<vmem_shared>>
      tpu.enqueue_dma source(%dma_start3A_345 : memref<48x128xf32, #tpu.memory_space<vmem_shared>>) target(%dma_start3A_343 : memref<48x128xf32, #tpu.memory_space<hbm>>) target_semaphore(%run_scoped3A : memref<!tpu.dma_semaphore, #tpu.memory_space<semaphore_mem>>)
      %dma_wait3A_346 = arith.constant 0 : i32
      %dma_wait3A_347 = arith.constant 0 : i32
      %dma_wait3A_348 = tpu.memref_slice %arg4[%arg0, %dma_wait3A_346, %dma_wait3A_347] : memref<2x10016x128xf32, #tpu.memory_space<hbm>> -> memref<1x10016x128xf32, #tpu.memory_space<hbm>>
      %dma_wait3A_349 = tpu.memref_squeeze %dma_wait3A_348 : memref<1x10016x128xf32, #tpu.memory_space<hbm>> -> memref<10016x128xf32, #tpu.memory_space<hbm>>
      %dma_wait3A_350 = arith.constant 0 : i32
      %dma_wait3A_351 = tpu.memref_slice %dma_wait3A_349[%add3A_324, %dma_wait3A_350] : memref<10016x128xf32, #tpu.memory_space<hbm>> -> memref<48x128xf32, #tpu.memory_space<hbm>>
      %dma_wait3A_352 = arith.constant 0 : i32
      %dma_wait3A_353 = tpu.memref_slice %arg12[%add3A_324, %dma_wait3A_352] : memref<10016x128xf32, #tpu.memory_space<vmem_shared>> -> memref<48x128xf32, #tpu.memory_space<vmem_shared>>
      tpu.wait_dma2 semaphore(%run_scoped3A : memref<!tpu.dma_semaphore, #tpu.memory_space<semaphore_mem>>) src(%dma_wait3A_353 : memref<48x128xf32, #tpu.memory_space<vmem_shared>>) dst(%dma_wait3A_351 : memref<48x128xf32, #tpu.memory_space<hbm>>)
      tpu.yield
    }) : () -> ()
    %mul3A_325 = arith.constant 624 : i32
    %mul3A_326 = arith.muli %arg1, %mul3A_325 : i32
    %add3A_327 = arith.constant 528 : i32
    %add3A_328 = arith.addi %mul3A_326, %add3A_327 : i32
    "tpu.region"() ({
      %run_scoped3A = tpu.sem_alloc : memref<!tpu.dma_semaphore, #tpu.memory_space<semaphore_mem>>
      %dma_start3A_338 = arith.constant 0 : i32
      %dma_start3A_339 = arith.constant 0 : i32
      %dma_start3A_340 = tpu.memref_slice %arg4[%arg0, %dma_start3A_338, %dma_start3A_339] : memref<2x10016x128xf32, #tpu.memory_space<hbm>> -> memref<1x10016x128xf32, #tpu.memory_space<hbm>>
      %dma_start3A_341 = tpu.memref_squeeze %dma_start3A_340 : memref<1x10016x128xf32, #tpu.memory_space<hbm>> -> memref<10016x128xf32, #tpu.memory_space<hbm>>
      %dma_start3A_342 = arith.constant 0 : i32
      %dma_start3A_343 = tpu.memref_slice %dma_start3A_341[%add3A_328, %dma_start3A_342] : memref<10016x128xf32, #tpu.memory_space<hbm>> -> memref<48x128xf32, #tpu.memory_space<hbm>>
      %dma_start3A_344 = arith.constant 0 : i32
      %dma_start3A_345 = tpu.memref_slice %arg12[%add3A_328, %dma_start3A_344] : memref<10016x128xf32, #tpu.memory_space<vmem_shared>> -> memref<48x128xf32, #tpu.memory_space<vmem_shared>>
      tpu.enqueue_dma source(%dma_start3A_345 : memref<48x128xf32, #tpu.memory_space<vmem_shared>>) target(%dma_start3A_343 : memref<48x128xf32, #tpu.memory_space<hbm>>) target_semaphore(%run_scoped3A : memref<!tpu.dma_semaphore, #tpu.memory_space<semaphore_mem>>)
      %dma_wait3A_346 = arith.constant 0 : i32
      %dma_wait3A_347 = arith.constant 0 : i32
      %dma_wait3A_348 = tpu.memref_slice %arg4[%arg0, %dma_wait3A_346, %dma_wait3A_347] : memref<2x10016x128xf32, #tpu.memory_space<hbm>> -> memref<1x10016x128xf32, #tpu.memory_space<hbm>>
      %dma_wait3A_349 = tpu.memref_squeeze %dma_wait3A_348 : memref<1x10016x128xf32, #tpu.memory_space<hbm>> -> memref<10016x128xf32, #tpu.memory_space<hbm>>
      %dma_wait3A_350 = arith.constant 0 : i32
      %dma_wait3A_351 = tpu.memref_slice %dma_wait3A_349[%add3A_328, %dma_wait3A_350] : memref<10016x128xf32, #tpu.memory_space<hbm>> -> memref<48x128xf32, #tpu.memory_space<hbm>>
      %dma_wait3A_352 = arith.constant 0 : i32
      %dma_wait3A_353 = tpu.memref_slice %arg12[%add3A_328, %dma_wait3A_352] : memref<10016x128xf32, #tpu.memory_space<vmem_shared>> -> memref<48x128xf32, #tpu.memory_space<vmem_shared>>
      tpu.wait_dma2 semaphore(%run_scoped3A : memref<!tpu.dma_semaphore, #tpu.memory_space<semaphore_mem>>) src(%dma_wait3A_353 : memref<48x128xf32, #tpu.memory_space<vmem_shared>>) dst(%dma_wait3A_351 : memref<48x128xf32, #tpu.memory_space<hbm>>)
      tpu.yield
    }) : () -> ()
    %mul3A_329 = arith.constant 624 : i32
    %mul3A_330 = arith.muli %arg1, %mul3A_329 : i32
    %add3A_331 = arith.constant 576 : i32
    %add3A_332 = arith.addi %mul3A_330, %add3A_331 : i32
    "tpu.region"() ({
      %run_scoped3A = tpu.sem_alloc : memref<!tpu.dma_semaphore, #tpu.memory_space<semaphore_mem>>
      %dma_start3A_338 = arith.constant 0 : i32
      %dma_start3A_339 = arith.constant 0 : i32
      %dma_start3A_340 = tpu.memref_slice %arg4[%arg0, %dma_start3A_338, %dma_start3A_339] : memref<2x10016x128xf32, #tpu.memory_space<hbm>> -> memref<1x10016x128xf32, #tpu.memory_space<hbm>>
      %dma_start3A_341 = tpu.memref_squeeze %dma_start3A_340 : memref<1x10016x128xf32, #tpu.memory_space<hbm>> -> memref<10016x128xf32, #tpu.memory_space<hbm>>
      %dma_start3A_342 = arith.constant 0 : i32
      %dma_start3A_343 = tpu.memref_slice %dma_start3A_341[%add3A_332, %dma_start3A_342] : memref<10016x128xf32, #tpu.memory_space<hbm>> -> memref<48x128xf32, #tpu.memory_space<hbm>>
      %dma_start3A_344 = arith.constant 0 : i32
      %dma_start3A_345 = tpu.memref_slice %arg12[%add3A_332, %dma_start3A_344] : memref<10016x128xf32, #tpu.memory_space<vmem_shared>> -> memref<48x128xf32, #tpu.memory_space<vmem_shared>>
      tpu.enqueue_dma source(%dma_start3A_345 : memref<48x128xf32, #tpu.memory_space<vmem_shared>>) target(%dma_start3A_343 : memref<48x128xf32, #tpu.memory_space<hbm>>) target_semaphore(%run_scoped3A : memref<!tpu.dma_semaphore, #tpu.memory_space<semaphore_mem>>)
      %dma_wait3A_346 = arith.constant 0 : i32
      %dma_wait3A_347 = arith.constant 0 : i32
      %dma_wait3A_348 = tpu.memref_slice %arg4[%arg0, %dma_wait3A_346, %dma_wait3A_347] : memref<2x10016x128xf32, #tpu.memory_space<hbm>> -> memref<1x10016x128xf32, #tpu.memory_space<hbm>>
      %dma_wait3A_349 = tpu.memref_squeeze %dma_wait3A_348 : memref<1x10016x128xf32, #tpu.memory_space<hbm>> -> memref<10016x128xf32, #tpu.memory_space<hbm>>
      %dma_wait3A_350 = arith.constant 0 : i32
      %dma_wait3A_351 = tpu.memref_slice %dma_wait3A_349[%add3A_332, %dma_wait3A_350] : memref<10016x128xf32, #tpu.memory_space<hbm>> -> memref<48x128xf32, #tpu.memory_space<hbm>>
      %dma_wait3A_352 = arith.constant 0 : i32
      %dma_wait3A_353 = tpu.memref_slice %arg12[%add3A_332, %dma_wait3A_352] : memref<10016x128xf32, #tpu.memory_space<vmem_shared>> -> memref<48x128xf32, #tpu.memory_space<vmem_shared>>
      tpu.wait_dma2 semaphore(%run_scoped3A : memref<!tpu.dma_semaphore, #tpu.memory_space<semaphore_mem>>) src(%dma_wait3A_353 : memref<48x128xf32, #tpu.memory_space<vmem_shared>>) dst(%dma_wait3A_351 : memref<48x128xf32, #tpu.memory_space<hbm>>)
      tpu.yield
    }) : () -> ()
    %eq3A_333 = arith.constant 0 : i32
    %eq3A_334 = arith.cmpi eq, %arg1, %eq3A_333 : i32
    %convert_element_type3A_335 = arith.extui %eq3A_334 : i1 to i32
    %cond3A_336 = arith.constant 0 : i32
    %cond3A_337 = arith.cmpi ne, %convert_element_type3A_335, %cond3A_336 : i32
    scf.if %cond3A_337 {
      "tpu.region"() ({
        %run_scoped3A = tpu.sem_alloc : memref<!tpu.dma_semaphore, #tpu.memory_space<semaphore_mem>>
        %dma_start3A_338 = arith.constant 0 : i32
        %dma_start3A_339 = arith.constant 0 : i32
        %dma_start3A_340 = tpu.memref_slice %arg4[%arg0, %dma_start3A_338, %dma_start3A_339] : memref<2x10016x128xf32, #tpu.memory_space<hbm>> -> memref<1x10016x128xf32, #tpu.memory_space<hbm>>
        %dma_start3A_341 = tpu.memref_squeeze %dma_start3A_340 : memref<1x10016x128xf32, #tpu.memory_space<hbm>> -> memref<10016x128xf32, #tpu.memory_space<hbm>>
        %dma_start3A_342 = arith.constant 9984 : i32
        %dma_start3A_343 = arith.constant 0 : i32
        %dma_start3A_344 = tpu.memref_slice %dma_start3A_341[%dma_start3A_342, %dma_start3A_343] : memref<10016x128xf32, #tpu.memory_space<hbm>> -> memref<32x128xf32, #tpu.memory_space<hbm>>
        %dma_start3A_345 = arith.constant 9984 : i32
        %dma_start3A_346 = arith.constant 0 : i32
        %dma_start3A_347 = tpu.memref_slice %arg12[%dma_start3A_345, %dma_start3A_346] : memref<10016x128xf32, #tpu.memory_space<vmem_shared>> -> memref<32x128xf32, #tpu.memory_space<vmem_shared>>
        tpu.enqueue_dma source(%dma_start3A_347 : memref<32x128xf32, #tpu.memory_space<vmem_shared>>) target(%dma_start3A_344 : memref<32x128xf32, #tpu.memory_space<hbm>>) target_semaphore(%run_scoped3A : memref<!tpu.dma_semaphore, #tpu.memory_space<semaphore_mem>>)
        %dma_wait3A_348 = arith.constant 0 : i32
        %dma_wait3A_349 = arith.constant 0 : i32
        %dma_wait3A_350 = tpu.memref_slice %arg4[%arg0, %dma_wait3A_348, %dma_wait3A_349] : memref<2x10016x128xf32, #tpu.memory_space<hbm>> -> memref<1x10016x128xf32, #tpu.memory_space<hbm>>
        %dma_wait3A_351 = tpu.memref_squeeze %dma_wait3A_350 : memref<1x10016x128xf32, #tpu.memory_space<hbm>> -> memref<10016x128xf32, #tpu.memory_space<hbm>>
        %dma_wait3A_352 = arith.constant 9984 : i32
        %dma_wait3A_353 = arith.constant 0 : i32
        %dma_wait3A_354 = tpu.memref_slice %dma_wait3A_351[%dma_wait3A_352, %dma_wait3A_353] : memref<10016x128xf32, #tpu.memory_space<hbm>> -> memref<32x128xf32, #tpu.memory_space<hbm>>
        %dma_wait3A_355 = arith.constant 9984 : i32
        %dma_wait3A_356 = arith.constant 0 : i32
        %dma_wait3A_357 = tpu.memref_slice %arg12[%dma_wait3A_355, %dma_wait3A_356] : memref<10016x128xf32, #tpu.memory_space<vmem_shared>> -> memref<32x128xf32, #tpu.memory_space<vmem_shared>>
        tpu.wait_dma2 semaphore(%run_scoped3A : memref<!tpu.dma_semaphore, #tpu.memory_space<semaphore_mem>>) src(%dma_wait3A_357 : memref<32x128xf32, #tpu.memory_space<vmem_shared>>) dst(%dma_wait3A_354 : memref<32x128xf32, #tpu.memory_space<hbm>>)
        tpu.yield
      }) : () -> ()
    } else {
    }
    return
  }
}

module attributes {stable_mosaic.version = 14 : i64} {
  func.func @body(%arg0: i32, %arg1: memref<1000x128xf32, #tpu.memory_space<vmem>>, %arg2: memref<1000x128xf32, #tpu.memory_space<vmem>>, %arg3: memref<1000x128xf32, #tpu.memory_space<vmem>>, %arg4: memref<128x128xf32, #tpu.memory_space<vmem>>, %arg5: memref<128x128xf32, #tpu.memory_space<vmem>>, %arg6: memref<1x128xf32, #tpu.memory_space<vmem>>, %arg7: memref<1000x128xf32, #tpu.memory_space<vmem>>) attributes {dimension_semantics = [#tpu.dimension_semantics<arbitrary>], iteration_bounds = array<i64: 10>, scalar_prefetch = 0 : i64, scratch_operands = 0 : i64, tpu.core_type = #tpu.core_type<tc>, window_params = [{transform_indices = @transform_0, window_bounds = array<i64: 1000, 128>}, {transform_indices = @transform_1, window_bounds = array<i64: 1000, 128>}, {transform_indices = @transform_2, window_bounds = array<i64: 1000, 128>}, {pipeline_mode = #tpu.pipeline_mode<synchronous>, transform_indices = @transform_3, window_bounds = array<i64: 128, 128>}, {pipeline_mode = #tpu.pipeline_mode<synchronous>, transform_indices = @transform_4, window_bounds = array<i64: 128, 128>}, {pipeline_mode = #tpu.pipeline_mode<synchronous>, transform_indices = @transform_5, window_bounds = array<i64: 1, 128>}, {transform_indices = @transform_6, window_bounds = array<i64: 1000, 128>}]} {
    %get3A = arith.constant 0 : index
    %get3A_0 = arith.constant 0 : index
    %get3A_1 = vector.load %arg2[%get3A, %get3A_0] : memref<1000x128xf32, #tpu.memory_space<vmem>>, vector<1000x128xf32>
    %get3A_2 = arith.constant 0 : index
    %get3A_3 = arith.constant 0 : index
    %get3A_4 = vector.load %arg3[%get3A_2, %get3A_3] : memref<1000x128xf32, #tpu.memory_space<vmem>>, vector<1000x128xf32>
    %add3A = arith.addf %get3A_1, %get3A_4 : vector<1000x128xf32>
    %get3A_5 = arith.constant 0 : index
    %get3A_6 = arith.constant 0 : index
    %get3A_7 = vector.load %arg1[%get3A_5, %get3A_6] : memref<1000x128xf32, #tpu.memory_space<vmem>>, vector<1000x128xf32>
    %add3A_8 = arith.addf %add3A, %get3A_7 : vector<1000x128xf32>
    %mul3A = arith.mulf %add3A, %get3A_7 : vector<1000x128xf32>
    %get3A_9 = arith.constant 0 : index
    %get3A_10 = arith.constant 0 : index
    %get3A_11 = vector.load %arg4[%get3A_9, %get3A_10] : memref<128x128xf32, #tpu.memory_space<vmem>>, vector<128x128xf32>
    %dot_general3A = arith.constant dense<0.000000e+00> : vector<1000x128xf32>
    %dot_general3A_12 = tpu.matmul %add3A_8, %get3A_11, %dot_general3A {dimension_numbers = #tpu.dot_dimension_numbers<[1], [1], [0], [0], [0, 0, 1, 0], [], []>, transpose_lhs_hint = false} : vector<1000x128xf32>, vector<128x128xf32>, vector<1000x128xf32> -> vector<1000x128xf32>
    %get3A_13 = arith.constant 0 : index
    %get3A_14 = arith.constant 0 : index
    %get3A_15 = vector.load %arg5[%get3A_13, %get3A_14] : memref<128x128xf32, #tpu.memory_space<vmem>>, vector<128x128xf32>
    %dot_general3A_16 = arith.constant dense<0.000000e+00> : vector<1000x128xf32>
    %dot_general3A_17 = tpu.matmul %mul3A, %get3A_15, %dot_general3A_16 {dimension_numbers = #tpu.dot_dimension_numbers<[1], [1], [0], [0], [0, 0, 1, 0], [], []>, transpose_lhs_hint = false} : vector<1000x128xf32>, vector<128x128xf32>, vector<1000x128xf32> -> vector<1000x128xf32>
    %add3A_18 = arith.addf %dot_general3A_12, %dot_general3A_17 : vector<1000x128xf32>
    %get3A_19 = arith.constant 0 : index
    %get3A_20 = arith.constant 0 : index
    %get3A_21 = vector.load %arg6[%get3A_19, %get3A_20] : memref<1x128xf32, #tpu.memory_space<vmem>>, vector<1x128xf32>
    %add3A_22 = vector.broadcast %get3A_21 : vector<1x128xf32> to vector<1000x128xf32>
    %add3A_23 = arith.addf %add3A_18, %add3A_22 : vector<1000x128xf32>
    %swap3A = arith.constant 0 : index
    %swap3A_24 = arith.constant 0 : index
    %swap3A_25 = vector.load %arg7[%swap3A, %swap3A_24] : memref<1000x128xf32, #tpu.memory_space<vmem>>, vector<1000x128xf32>
    tpu.vector_store %arg7[%swap3A, %swap3A_24], %add3A_23 {strides = array<i32>} : memref<1000x128xf32, #tpu.memory_space<vmem>>, vector<1000x128xf32>,
    return
  }
  func.func @transform_0(%arg0: i32) -> (i32, i32) {
    %c0_i32 = arith.constant 0 : i32
    %c0_i32_0 = arith.constant 0 : i32
    return %arg0, %c0_i32 : i32, i32
  }
  func.func @transform_1(%arg0: i32) -> (i32, i32) {
    %c0_i32 = arith.constant 0 : i32
    %c0_i32_0 = arith.constant 0 : i32
    return %arg0, %c0_i32 : i32, i32
  }
  func.func @transform_2(%arg0: i32) -> (i32, i32) {
    %c0_i32 = arith.constant 0 : i32
    %c0_i32_0 = arith.constant 0 : i32
    return %arg0, %c0_i32 : i32, i32
  }
  func.func @transform_3(%arg0: i32) -> (i32, i32) {
    %c0_i32 = arith.constant 0 : i32
    %c0_i32_0 = arith.constant 0 : i32
    %c0_i32_1 = arith.constant 0 : i32
    return %c0_i32, %c0_i32_0 : i32, i32
  }
  func.func @transform_4(%arg0: i32) -> (i32, i32) {
    %c0_i32 = arith.constant 0 : i32
    %c0_i32_0 = arith.constant 0 : i32
    %c0_i32_1 = arith.constant 0 : i32
    return %c0_i32, %c0_i32_0 : i32, i32
  }
  func.func @transform_5(%arg0: i32) -> (i32, i32) {
    %c0_i32 = arith.constant 0 : i32
    %c0_i32_0 = arith.constant 0 : i32
    %c0_i32_1 = arith.constant 0 : i32
    return %c0_i32, %c0_i32_0 : i32, i32
  }
  func.func @transform_6(%arg0: i32) -> (i32, i32) {
    %c0_i32 = arith.constant 0 : i32
    %c0_i32_0 = arith.constant 0 : i32
    return %arg0, %c0_i32 : i32, i32
  }
}

</mosaic_0001>

<sc_bundles>
// kernel: kernel.4.cloned.1.call-start
scs
__scs_entry_jumppad:
0x0: {  	(pc) =	sbr.rel $0x88, $3  }
0x1: {  	(tag) =	ssettag $0x0;
	lr =	simm.s32 $0x1  }
0x2: {  	[smem:$0x3F9A] =	sst lr;
	_ =	strace $0xD0000000  }
0x3: {  	_ = 	snop  }
0x4: {  	_ = 	snop  }
0x5: {  	_ = 	snop  }
0x6: {  	_ = 	snop  }
0x7: {  	_ = 	snop  }
__scs_overlays_trampoline_lowered:
0x8: {  	[smem:$0x3FA9] =	sst s0  }
0x9: {  	[smem:$0x3FAA] =	sst s1  }
0xa: {  	[smem:$0x3FAB] =	sst s2  }
0xb: {  	[smem:$0x3FAC] =	sst s3  }
0xc: {  	[smem:$0x3FAD] =	sst s4  }
0xd: {  	[smem:$0x3FAE] =	sst s5  }
0xe: {  	[smem:$0x3FAF] =	sst s6  }
0xf: {  	[smem:$0x3FB0] =	sst s7  }
0x10: {  	[smem:$0x3FB1] =	sst s8  }
0x11: {  	[smem:$0x3FB2] =	sst s9;
	s0 =	simm.s32 @!p0 $0x0  }
0x12: {  	s1 =	sld [smem:$0x3F98];
	s0 =	simm.s32 @p0 $0x1  }
0x13: {  	[smem:$0x3FB3] =	sst s0;
	s0 =	simm.s32 @!p1 $0x0  }
0x14: {  	s2 =	sld [smem:$0x3F97];
	s0 =	simm.s32 @p1 $0x1  }
0x15: {  	[smem:$0x3FB4] =	sst s0;
	s0 =	simm.s32 @!p2 $0x0  }
0x16: {  	s3 =	sld [smem:$0x3FDB];
	s0 =	simm.s32 @p2 $0x1  }
0x17: {  	s4 =	simm.s32 $0x1BF5;
	[smem:$0x3FB6] =	sst s0  }
0x18: {  	s0 =	sld [smem:$0x3F99];
	_ =	swait.ge [sflag:s4], $0x0  }
0x19: {  	s7 =	sld [smem:$0x3F9A]  }
0x1a: {  	s8 =	sadd.s32 $0xFFFFE003, lr  }
0x1b: {  	s9 =	sadd.s32 $0xFFFFFEF7, lr;
	s5 =	simm.s32 $0xFFFFFFFF;
	p2 =	slt.u32 s8, $0xFFFFF086  }
0x1c: {  	p1 =	slt.u32 s9, $0xF7A;
	s5 =	simm.s32 @!p2 $0x0  }
0x1d: {  	s5 =	simm.s32 @p1 $0x1;
	p0 =	seq.s32 s7, s2  }
0x1e: {  	s7 =	smul.u32 @!p0 $0xF7A, s2;
	p2 =	seq.s32 @!p0 s5, $0x0  }
0x1f: {  	s9 =	smul.u32 $0xF7A, s1;
	s8 =	simm.s32 @!p0 $0x1BF5;
	p2 =	por !p2, p0  }
0x20: {  	[sflag:s8] =	ssyncset.s32 @!p0 $0xFFFFF086;
	s6 =	sadd.s32 @!p0 s3, s7;
	s7 =	simm.s32 @!p0 $0x108  }
0x21: {  	s3 =	sadd.s32 s3, s9;
	s6 =	sadd.s32 @!p0 $0x88, s6;
	s7 =	simm.s32 @p2 $0x1082  }
0x22: {  	[simem:s7], [sflag:s8] =	dma.local @!p0 [hbm:s6], $0xF7A  }
0x23: {  	s9 =	sor.u32 $0xD0000000, s2;
	s6 =	simm.s32 $0x108;
	_ =	swait.ge @!p0 [sflag:s8], $0x0  }
0x24: {  	s3 =	sadd.s32 $0x88, s3;
	s6 =	simm.s32 @!p1 $0x1082;
	[sflag:s4] =	ssyncset.s32 $0xFFFFF086  }
0x25: {  	[simem:s6], [sflag:s4] =	dma.local [hbm:s3], $0xF7A  }
0x26: {  	[smem:$0x3F9A] =	sst s1;
	(tag) =	ssettag s2;
	_ =	strace s9  }
0x27: {  	s1 =	sld [smem:$0x3FAA]  }
0x28: {  	s2 =	sld [smem:$0x3FAB]  }
0x29: {  	s4 =	sld [smem:$0x3FAD]  }
0x2a: {  	p0 =	seq.s32 s5, $0x0;
	s5 =	sld [smem:$0x3FAE]  }
0x2b: {  	s6 =	sld [smem:$0x3FAF]  }
0x2c: {  	s7 =	sld [smem:$0x3FB0]  }
0x2d: {  	s3 =	simm.s32 $0x108;
	s8 =	sld [smem:$0x3FB1]  }
0x2e: {  	s3 =	simm.s32 @!p0 $0x1082;
	s9 =	sld [smem:$0x3FB2]  }
0x2f: {  	lr =	sadd.s32 s0, s3;
	s0 =	sld [smem:$0x3FA9]  }
0x30: {  	s3 =	sld [smem:$0x3FAC]  }
0x31: {  	[smem:$0x3FB5] =	sst s10  }
0x32: {  	s10 =	sld [smem:$0x3FB3];
	_ =	sdelay $0x3  }
0x33: {  	p0 =	seq.s32 s10, $0x1;
	s10 =	sld [smem:$0x3FB5];
	_ =	sdelay $0x3  }
0x34: {  	[smem:$0x3FB5] =	sst s10  }
0x35: {  	s10 =	sld [smem:$0x3FB4];
	_ =	sdelay $0x3  }
0x36: {  	p1 =	seq.s32 s10, $0x1;
	s10 =	sld [smem:$0x3FB5];
	_ =	sdelay $0x3  }
0x37: {  	[smem:$0x3FB5] =	sst s10  }
0x38: {  	s10 =	sld [smem:$0x3FB6]  }
0x39: {  	_ = 	snop;
	(pc) =	sbr.ind lr, $3  }
0x3a: {  	_ = 	snop  }
0x3b: {  	_ = 	snop  }
0x3c: {  	p2 =	seq.s32 s10, $0x1;
	s10 =	sld [smem:$0x3FB5]  }
0x3d: {  	_ =	shalt  }
0x3e: {  	_ =	shalt  }
0x3f: {  	_ =	shalt  }
0x40: {  	_ =	shalt  }
0x41: {  	_ =	shalt  }
0x42: {  	_ =	shalt  }
0x43: {  	_ =	shalt  }
0x44: {  	_ =	shalt  }
0x45: {  	_ =	shalt  }
0x46: {  	_ =	shalt  }
0x47: {  	_ =	shalt  }
0x48: {  	_ =	shalt  }
0x49: {  	_ =	shalt  }
0x4a: {  	_ =	shalt  }
0x4b: {  	_ =	shalt  }
0x4c: {  	_ =	shalt  }
0x4d: {  	_ =	shalt  }
0x4e: {  	_ =	shalt  }
0x4f: {  	_ =	shalt  }
0x50: {  	_ =	shalt  }
0x51: {  	_ =	shalt  }
0x52: {  	_ =	shalt  }
0x53: {  	_ =	shalt  }
0x54: {  	_ =	shalt  }
0x55: {  	_ =	shalt  }
0x56: {  	_ =	shalt  }
0x57: {  	_ =	shalt  }
0x58: {  	_ =	shalt  }
0x59: {  	_ =	shalt  }
0x5a: {  	_ =	shalt  }
0x5b: {  	_ =	shalt  }
0x5c: {  	_ =	shalt  }
0x5d: {  	_ =	shalt  }
0x5e: {  	_ =	shalt  }
0x5f: {  	_ =	shalt  }
0x60: {  	_ =	shalt  }
0x61: {  	_ =	shalt  }
0x62: {  	_ =	shalt  }
0x63: {  	_ =	shalt  }
0x64: {  	_ =	shalt  }
0x65: {  	_ =	shalt  }
0x66: {  	_ =	shalt  }
0x67: {  	_ =	shalt  }
0x68: {  	_ =	shalt  }
0x69: {  	_ =	shalt  }
0x6a: {  	_ =	shalt  }
0x6b: {  	_ =	shalt  }
0x6c: {  	_ =	shalt  }
0x6d: {  	_ =	shalt  }
0x6e: {  	_ =	shalt  }
0x6f: {  	_ =	shalt  }
0x70: {  	_ =	shalt  }
0x71: {  	_ =	shalt  }
0x72: {  	_ =	shalt  }
0x73: {  	_ =	shalt  }
0x74: {  	_ =	shalt  }
0x75: {  	_ =	shalt  }
0x76: {  	_ =	shalt  }
0x77: {  	_ =	shalt  }
0x78: {  	_ =	shalt  }
0x79: {  	_ =	shalt  }
0x7a: {  	_ =	shalt  }
0x7b: {  	_ =	shalt  }
0x7c: {  	_ =	shalt  }
0x7d: {  	_ =	shalt  }
0x7e: {  	_ =	shalt  }
0x7f: {  	_ =	shalt  }
0x80: {  	_ =	shalt  }
0x81: {  	_ =	shalt  }
0x82: {  	_ =	shalt  }
0x83: {  	_ =	shalt  }
0x84: {  	_ =	shalt  }
0x85: {  	_ =	shalt  }
0x86: {  	_ =	shalt  }
0x87: {  	_ =	shalt  }
.Lfunc_end0:
.L_simem_size_0:
called_computation_lowered:
.L_overlay_start_0:
0x88: {  	s2 =	sld [smem:$0x3FD9]  }
0x89: {  	s3 =	sld [smem:$0x3FFE];
	_ =	sdelay $0x1  }
0x8a: {  	s1 =	srdreg.scid  }
0x8b: {  	s0 =	sand.u32 $0x1, s1  }
0x8c: {  	s17 =	sshll.u32 s0, $0xA;
	s2 =	sadd.s32 s3, s2  }
0x8d: {  	s2 =	sadd.s32 s2, s17  }
0x8e: {  	[smem:$0x3FC1] =	sst s2  }
0x8f: {  	_ = 	snop  }
0x90: {  	s2 =	sld [smem:$0x3FC9];
	(tm) =	ssettm $0x1  }
0x91: {  	s18 =	sld [smem:$0x3FFB];
	_ =	sdelay $0x3  }
0x92: {  	_ =	strace s18  }
0x93: {  	s3 =	sld [smem:$0x3FFC];
	_ =	sdelay $0x3  }
0x94: {  	_ =	strace s3  }
0x95: {  	s3 =	sld [smem:$0x3FFD];
	_ =	sdelay $0x3  }
0x96: {  	_ =	strace s3  }
0x97: {  	_ =	strace $0x8FFFFFFF  }
0x98: {  	s19 =	sld [smem:$0x3FDB];
	_ =	sdelay $0x1  }
0x99: {  	s4 =	simm.s32 $_scs_section_size  }
0x9a: {  	s5 =	simm.s32 $_size__tile_overlayer_lowered;
	s6 =	simm.s32 $_tile_overlayer_lowered  }
0x9b: {  	s22 =	simm.s32 $0x1BFF;
	s21 =	sshll.u32 s6, $0x1;
	s3 =	sadd.s32 s4, s19  }
0x9c: {  	s7 =	simm.s32 $0x0;
	s20 =	sshll.u32 s5, $0x1;
	s5 =	sadd.s32 s21, s3  }
0x9d: {  	[timem:s7], [sflag:s22] =	dma.local [hbm:s5], s20  }
0x9e: {  	_ =	swait.ge [sflag:s22], s20  }
0x9f: {  	s4 =	ssub.s32 $0x0, s20;
	[sflag:s22] =	ssyncset.done $0x0  }
0xa0: {  	[sflag:s22] =	ssyncadd.s32 s4;
	_ =	sdelay $0x1  }
0xa1: {  	s23 =	simm.s32 $0x1B8B  }
0xa2: {  	_ =	swait.ge [sflag:s23], $0x1  }
0xa3: {  	[sflag:s23] =	ssyncset.done $0x0  }
0xa4: {  	s25 =	simm.s32 $0x1B8E;
	s24 =	sld [smem:$0x3FFE];
	[sflag:s23] =	ssyncadd.s32 $0xFFFFFFFF  }
0xa5: {  	s26 =	simm.s32 $execute0_lowered;
	[smem:$0x3FD2] =	sst s25  }
0xa6: {  	s5 =	sshll.u32 s26, $0x1;
	_ =	strace $0x80000046;
	[dreg:$0x1] =	wrdreg $0xFFFFFFFF  }
0xa7: {  	s28 =	simm.s32 $_size_execute0_lowered;
	s3 =	sadd.s32 s3, s5;
	[dreg:$0x0] =	wrdreg $0x0  }
0xa8: {  	s5 =	sshll.u32 s28, $0x1;
	[dreg:$0x2] =	wrdreg s3  }
0xa9: {  	[dreg:$0x3] =	wrdreg s5  }
0xaa: {  	[dreg:$0x4] =	wrdreg $0xC0  }
0xab: {  	_ =	task [dreg:s7], $0x5FFFF  }
0xac: {  	[dreg:$0x1] =	wrdreg $0xFFFFFFFF  }
0xad: {  	[dreg:$0x0] =	wrdreg $0x60  }
0xae: {  	[dreg:$0x2] =	wrdreg s2  }
0xaf: {  	[dreg:$0x3] =	wrdreg s24  }
0xb0: {  	[dreg:$0x4] =	wrdreg $0x9D000  }
0xb1: {  	[dreg:$0x5] =	wrdreg $0x9  }
0xb2: {  	_ =	task.clear_ibuf [dreg:s7], $0x6FFFF;
	_ =	strace $0x90000046  }
0xb3: {  	s29 =	simm.s32 $0x9;
	_ =	strace $0x80000048  }
0xb4: {  	_ =	swait.ge [sflag:s29], $0x1  }
0xb5: {  	[sflag:s29] =	ssyncadd.s32 $0xFFFFFFFF  }
0xb6: {  	_ =	strace $0x90000048  }
0xb7: {  	_ =	sfence  }
0xb8: {  	s30 =	sld [smem:$0x0];
	_ =	sdelay $0x2  }
0xb9: {  	s31 =	sshll.u32 s1, $0xD;
	s1 =	sshrl.u32 s1, $0x2  }
0xba: {  	s3 =	sand.u32 $0x4000, s31;
	s1 =	sadd.s32 s1, s30  }
0xbb: {  	s0 =	sor.u32 s3, s0;
	s1 =	sshll.u32 s1, $0x11  }
0xbc: {  	s0 =	sor.u32 s1, s0  }
0xbd: {  	s0 =	sadd.s32 $0x8F2B, s0  }
0xbe: {  	[sflag:s0] =	ssyncadd.remote.s32 $0x1  }
0xbf: {  	_ =	sfence.sel $0xFFFF  }
0xc0: {  	[dreg:$0x0] =	wrdreg $0xFFFFFFFF;
	(pc) =	sbr.abs _section_cstart, $3  }
0xc1: {  	[dreg:$0x1] =	wrdreg $0xFFFFFFFF  }
0xc2: {  	_ =	task.clear_ibuf [dreg:s7], $0x2FFFF;
	_ =	strace $0x9FFFFFFF  }
0xc3: {  	(tm) =	ssettm $0x7FFFFFFF  }
tec
execute0_lowered:
.L_overlay_start_1:
0x0: {  	(tag) =	ssettag $0x1  }
0x1: {  	s1 =	rddreg [dreg:$0x0]  }
0x2: {  	s0 =	rddreg [dreg:$0x1]  }
0x3: {  	s2 =	rddreg [dreg:$0x2]  }
0x4: {  	s3 =	simm.s32 $0x0;
	s4 =	srdreg.scid;
	s22 =	stileid.u32  }
0x5: {  	[smem:$0x7FF] =	sst s3;
	s8 =	smul.u32 $0x4E000, s22  }
0x6: {  	s4 =	sand.u32 $0x1, s4;
	s5 =	sadd.s32 $0x1000, s0;
	s9 =	smul.u32 $0x270, s22  }
0x7: {  	s13 =	sshll.u32 s22, $0x1;
	p0 =	sne.s32 s22, $0x0;
	_ =	strace $0x80000047  }
0x8: {  	s6 =	smul.u32 $0x27200, s4;
	s7 =	ssub.s32 $0x2, s4;
	s4 =	sor.u32 s4, s13  }
0x9: {  	s12 =	sshrl.u32 s7, $0x1;
	s8 =	sshrl.u32 s8, $0x2;
	s10 =	sadd.s32 $0x60, s9  }
0xa: {  	s11 =	sadd.s32 $0x90, s9;
	s13 =	sadd.s32 $0xF0, s9;
	s0 =	sadd.s32 s6, s0  }
0xb: {  	s6 =	ssub.s32 s7, s12;
	s14 =	sadd.s32 s8, s2;
	s7 =	sadd.s32 $0x30, s9  }
0xc: {  	s16 =	sshll.u32 s10, $0x7;
	s12 =	sshll.u32 s11, $0x7;
	s19 =	sshll.u32 s13, $0x7  }
0xd: {  	[dreg:$0x4] =	wrdreg s14;
	s15 =	sshll.u32 s7, $0x7;
	s17 =	sadd.s32 s12, s2  }
0xe: {  	s14 =	sadd.s32 $0x120, s9;
	s6 =	smax.u32 s6, $0x1;
	[dreg:$0x7] =	wrdreg s17  }
0xf: {  	s8 =	sadd.s32 s15, s2;
	s15 =	sshll.u32 s14, $0x7;
	[dreg:$0x13] =	wrdreg s6  }
0x10: {  	s17 =	sadd.s32 $0x1B0, s9;
	[dreg:$0x5] =	wrdreg s8;
	s8 =	sadd.s32 s16, s2  }
0x11: {  	s20 =	sadd.s32 s15, s2;
	[dreg:$0x6] =	wrdreg s8;
	s8 =	sadd.s32 $0xC0, s9  }
0x12: {  	s16 =	sadd.s32 $0x180, s9;
	[dreg:$0xa] =	wrdreg s20;
	s18 =	sshll.u32 s8, $0x7  }
0x13: {  	s23 =	sshll.u32 s16, $0x7;
	s8 =	sshll.u32 s8, $0x4;
	s12 =	sadd.s32 s18, s2  }
0x14: {  	s18 =	sshll.u32 s17, $0x7;
	[dreg:$0x8] =	wrdreg s12;
	s12 =	sadd.s32 s19, s2  }
0x15: {  	s24 =	sadd.s32 s18, s2;
	s19 =	sadd.s32 $0x210, s9;
	[dreg:$0x9] =	wrdreg s12  }
0x16: {  	s12 =	sadd.s32 $0x150, s9;
	[dreg:$0xd] =	wrdreg s24;
	s20 =	sshll.u32 s19, $0x7  }
0x17: {  	s21 =	sshll.u32 s12, $0x7;
	s26 =	sadd.s32 s20, s2;
	s12 =	sshll.u32 s12, $0x4  }
0x18: {  	s15 =	sadd.s32 s21, s2;
	s21 =	smul.u32 $0x50, s4;
	[dreg:$0xf] =	wrdreg s26  }
0x19: {  	s4 =	smul.u32 $0x1400, s4;
	[dreg:$0xb] =	wrdreg s15;
	s15 =	sadd.s32 s23, s2  }
0x1a: {  	s26 =	sshll.u32 s19, $0x4;
	s23 =	sadd.s32 $0x29000, s0;
	[dreg:$0xc] =	wrdreg s15  }
0x1b: {  	s15 =	sadd.s32 $0x1E0, s9;
	s8 =	sadd.s32 s8, s23;
	[dreg:$0x12] =	wrdreg s23  }
0x1c: {  	s12 =	sadd.s32 s12, s23;
	s25 =	sshll.u32 s15, $0x7;
	[dreg:$0x18] =	wrdreg s8  }
0x1d: {  	s15 =	sshll.u32 s15, $0x4;
	[dreg:$0x1b] =	wrdreg s12;
	s18 =	sadd.s32 s25, s2  }
0x1e: {  	s9 =	sadd.s32 $0x240, s9;
	s19 =	sadd.s32 s15, s23;
	[dreg:$0xe] =	wrdreg s18  }
0x1f: {  	s25 =	smul.u32 $0x2700, s22;
	s22 =	sadd.s32 s26, s23;
	[dreg:$0x1e] =	wrdreg s19  }
0x20: {  	s28 =	sshll.u32 s9, $0x7;
	s15 =	sadd.s32 $0x138000, s2;
	[dreg:$0x1f] =	wrdreg s22  }
0x21: {  	s24 =	sshll.u32 s17, $0x4;
	s18 =	sadd.s32 s28, s2;
	[smem:$0x7FD] =	sst s15  }
0x22: {  	s9 =	sshll.u32 s9, $0x4;
	[dreg:$0x10] =	wrdreg s18;
	s18 =	sadd.s32 s5, s4  }
0x23: {  	s4 =	sshll.u32 s7, $0x4;
	s7 =	sshll.u32 s10, $0x4;
	s10 =	sshll.u32 s11, $0x4  }
0x24: {  	s11 =	sshll.u32 s13, $0x4;
	s13 =	sshll.u32 s14, $0x4;
	s28 =	sadd.s32 s25, s23  }
0x25: {  	s14 =	sshll.u32 s16, $0x4;
	s16 =	sadd.s32 s24, s23;
	[dreg:$0x14] =	wrdreg s28  }
0x26: {  	s29 =	simm.s32 $0x1;
	s24 =	sadd.s32 s9, s23;
	[dreg:$0x1d] =	wrdreg s16  }
0x27: {  	s30 =	simm.s32 $0x6;
	s31 =	simm.s32 $0x4500;
	[smem:$0x7F9] =	sst s24  }
0x28: {  	s20 =	sor.u32 $0x4, s21;
	s0 =	sadd.s32 s4, s23;
	[dreg:$0x11] =	wrdreg s18  }
0x29: {  	s21 =	sor.u32 $0x5, s21;
	s6 =	sadd.s32 s7, s23;
	[dreg:$0x15] =	wrdreg s0  }
0x2a: {  	s8 =	simm.s32 $0x300;
	s7 =	sadd.s32 s10, s23;
	[dreg:$0x16] =	wrdreg s6  }
0x2b: {  	s19 =	simm.s32 $0x100;
	s10 =	sadd.s32 s11, s23;
	[dreg:$0x17] =	wrdreg s7  }
0x2c: {  	s22 =	simm.s32 $0x400;
	s11 =	sadd.s32 s13, s23;
	[dreg:$0x19] =	wrdreg s10  }
0x2d: {  	s9 =	simm.s32 $0x480;
	s13 =	sadd.s32 s14, s23;
	[dreg:$0x1a] =	wrdreg s11  }
0x2e: {  	s25 =	sadd.s32 $0x40, s18;
	s26 =	sadd.s32 $0x80, s18;
	[dreg:$0x1c] =	wrdreg s13  }
.Ltmp0:
0x2f: {  	s28 =	sadd.s32 $0xC0, s18;
	[smem:$0x7FA] =	sst s25;
	(pc) =	sbr.rel .LBB2_1-.Ltmp0, $4  }
0x30: {  	s4 =	simm.s32 $0x7;
	s23 =	simm.s32 $0x200;
	[smem:$0x7FB] =	sst s26  }
0x31: {  	s24 =	simm.s32 $0x5;
	[smem:$0x7FC] =	sst s28;
	s0 =	simm.s32 $0x8500  }
0x32: {  	s25 =	simm.s32 $0x80;
	s26 =	simm.s32 $0x500;
	s6 =	simm.s32 $0x2  }
0x33: {  	v0 =	vimm.f32 $0.0e+00;
	s7 =	simm.s32 $0x3;
	s10 =	simm.s32 $0x4;
	s11 =	simm.s32 $0x0  }
.LBB2_14:
0x34: {  	_ =	swait.ge [sflag:s10], $0x4000  }
0x35: {  	[sflag:s10] =	ssyncset.done $0x0  }
0x36: {  	[sflag:s10] =	ssyncadd.s32 $0xFFFFC000  }
0x37: {  	s12 =	stileid.u32;
	[bflag:$0x0] =	sbarrier.arrive $0xFFFF  }
0x38: {  	s12 =	sshll.u32 s12, $0x6;
	s13 =	rddreg [dreg:$0x4]  }
0x39: {  	s12 =	sor.u32 $0x1C07, s12;
	s14 =	rddreg [dreg:$0x14];
	s13 =	sshrl.u32 s13, $0x3  }
0x3a: {  	[hbm:s14], [sflag:s12] =	dma.local [spmem:s13], $0x300  }
0x3b: {  	_ =	swait.ge [sflag:s4], $0x300  }
0x3c: {  	[sflag:s4] =	ssyncset.done $0x0;
	s18 =	rddreg [dreg:$0x5]  }
0x3d: {  	s28 =	rddreg [dreg:$0x15];
	[sflag:s4] =	ssyncadd.s32 $0xFFFFFD00;
	s13 =	sshrl.u32 s18, $0x3  }
0x3e: {  	[hbm:s28], [sflag:s12] =	dma.local [spmem:s13], $0x300  }
0x3f: {  	_ =	swait.ge [sflag:s4], $0x300  }
0x40: {  	[sflag:s4] =	ssyncset.done $0x0;
	s14 =	rddreg [dreg:$0x6]  }
0x41: {  	s15 =	rddreg [dreg:$0x16];
	[sflag:s4] =	ssyncadd.s32 $0xFFFFFD00;
	s13 =	sshrl.u32 s14, $0x3  }
0x42: {  	[hbm:s15], [sflag:s12] =	dma.local [spmem:s13], $0x300  }
0x43: {  	_ =	swait.ge [sflag:s4], $0x300  }
0x44: {  	[sflag:s4] =	ssyncset.done $0x0;
	s16 =	rddreg [dreg:$0x7]  }
0x45: {  	s17 =	rddreg [dreg:$0x17];
	[sflag:s4] =	ssyncadd.s32 $0xFFFFFD00;
	s13 =	sshrl.u32 s16, $0x3  }
0x46: {  	[hbm:s17], [sflag:s12] =	dma.local [spmem:s13], $0x300  }
0x47: {  	_ =	swait.ge [sflag:s4], $0x300  }
0x48: {  	[sflag:s4] =	ssyncset.done $0x0;
	s18 =	rddreg [dreg:$0x8]  }
0x49: {  	s28 =	rddreg [dreg:$0x18];
	[sflag:s4] =	ssyncadd.s32 $0xFFFFFD00;
	s13 =	sshrl.u32 s18, $0x3  }
0x4a: {  	[hbm:s28], [sflag:s12] =	dma.local [spmem:s13], $0x300  }
0x4b: {  	_ =	swait.ge [sflag:s4], $0x300  }
0x4c: {  	[sflag:s4] =	ssyncset.done $0x0;
	s14 =	rddreg [dreg:$0x9]  }
0x4d: {  	s15 =	rddreg [dreg:$0x19];
	[sflag:s4] =	ssyncadd.s32 $0xFFFFFD00;
	s13 =	sshrl.u32 s14, $0x3  }
0x4e: {  	[hbm:s15], [sflag:s12] =	dma.local [spmem:s13], $0x300  }
0x4f: {  	_ =	swait.ge [sflag:s4], $0x300  }
0x50: {  	[sflag:s4] =	ssyncset.done $0x0;
	s16 =	rddreg [dreg:$0xa]  }
0x51: {  	s17 =	rddreg [dreg:$0x1a];
	[sflag:s4] =	ssyncadd.s32 $0xFFFFFD00;
	s13 =	sshrl.u32 s16, $0x3  }
0x52: {  	[hbm:s17], [sflag:s12] =	dma.local [spmem:s13], $0x300  }
0x53: {  	_ =	swait.ge [sflag:s4], $0x300  }
0x54: {  	[sflag:s4] =	ssyncset.done $0x0;
	s18 =	rddreg [dreg:$0xb]  }
0x55: {  	s28 =	rddreg [dreg:$0x1b];
	[sflag:s4] =	ssyncadd.s32 $0xFFFFFD00;
	s13 =	sshrl.u32 s18, $0x3  }
0x56: {  	[hbm:s28], [sflag:s12] =	dma.local [spmem:s13], $0x300  }
0x57: {  	_ =	swait.ge [sflag:s4], $0x300  }
0x58: {  	[sflag:s4] =	ssyncset.done $0x0;
	s14 =	rddreg [dreg:$0xc]  }
0x59: {  	s15 =	rddreg [dreg:$0x1c];
	[sflag:s4] =	ssyncadd.s32 $0xFFFFFD00;
	s13 =	sshrl.u32 s14, $0x3  }
0x5a: {  	[hbm:s15], [sflag:s12] =	dma.local [spmem:s13], $0x300  }
0x5b: {  	_ =	swait.ge [sflag:s4], $0x300  }
0x5c: {  	[sflag:s4] =	ssyncset.done $0x0;
	s16 =	rddreg [dreg:$0xd]  }
0x5d: {  	s17 =	rddreg [dreg:$0x1d];
	[sflag:s4] =	ssyncadd.s32 $0xFFFFFD00;
	s13 =	sshrl.u32 s16, $0x3  }
0x5e: {  	[hbm:s17], [sflag:s12] =	dma.local [spmem:s13], $0x300  }
0x5f: {  	_ =	swait.ge [sflag:s4], $0x300  }
0x60: {  	[sflag:s4] =	ssyncset.done $0x0;
	s18 =	rddreg [dreg:$0xe]  }
0x61: {  	s28 =	rddreg [dreg:$0x1e];
	[sflag:s4] =	ssyncadd.s32 $0xFFFFFD00;
	s13 =	sshrl.u32 s18, $0x3  }
0x62: {  	[hbm:s28], [sflag:s12] =	dma.local [spmem:s13], $0x300  }
0x63: {  	_ =	swait.ge [sflag:s4], $0x300  }
0x64: {  	[sflag:s4] =	ssyncset.done $0x0;
	s15 =	rddreg [dreg:$0xf]  }
0x65: {  	s16 =	rddreg [dreg:$0x1f];
	[sflag:s4] =	ssyncadd.s32 $0xFFFFFD00;
	s13 =	sshrl.u32 s15, $0x3  }
0x66: {  	[hbm:s16], [sflag:s12] =	dma.local [spmem:s13], $0x300  }
0x67: {  	_ =	swait.ge [sflag:s4], $0x300  }
0x68: {  	s18 =	sld [smem:$0x7F9]  }
0x69: {  	[sflag:s4] =	ssyncset.done $0x0;
	s17 =	rddreg [dreg:$0x10]  }
0x6a: {  	[sflag:s4] =	ssyncadd.s32 $0xFFFFFD00;
	s13 =	sshrl.u32 s17, $0x3  }
0x6b: {  	[hbm:s18], [sflag:s12] =	dma.local [spmem:s13], $0x300  }
0x6c: {  	_ =	swait.ge [sflag:s4], $0x300  }
0x6d: {  	s15 =	sld [smem:$0x7FD];
	_ =	sdelay $0x1  }
0x6e: {  	[sflag:s4] =	ssyncset.done $0x0;
	s13 =	rddreg [dreg:$0x12]  }
0x6f: {  	[sflag:s4] =	ssyncadd.s32 $0xFFFFFD00;
	s13 =	sadd.s32 @!p0 $0x27000, s13;
	s14 =	sshrl.u32 @!p0 s15, $0x3  }
0x70: {  	[hbm:s13], [sflag:s12] =	dma.local @!p0 [spmem:s14], $0x200  }
0x71: {  	s12 =	simm.s32 @!p0 $0x7  }
0x72: {  	_ =	swait.ge @!p0 [sflag:s12], $0x200  }
0x73: {  	s11 =	sadd.s32 $0x1, s11;
	s28 =	rddreg [dreg:$0x13]  }
0x74: {  	p1 =	sne.s32 s11, s28  }
.Ltmp1:
0x75: {  	_ = 	snop;
	(pc) =	sbr.rel @!p1 .LBB2_15-.Ltmp1, $3  }
0x76: {  	_ =	sdelay $0x1  }
0x77: {  	[sflag:s12] =	ssyncset.done @!p0 $0x0  }
0x78: {  	[sflag:s12] =	ssyncadd.s32 @!p0 $0xFFFFFE00  }
.LBB2_1:
0x79: {  	s12 =	simm.s32 $0x0;
	s13 =	simm.s32 $0x200  }
.LBB2_2:
0x7a: {  	p1 =	sne.s32 s13, $0x5E00;
	[tilespmem:s12+$0x8570] =	vst v0  }
0x7b: {  	[tilespmem:s12+$0x8500] =	vst v0  }
0x7c: {  	[tilespmem:s12+$0x8510] =	vst v0  }
.Ltmp2:
0x7d: {  	[tilespmem:s12+$0x8520] =	vst v0;
	(pc) =	sbr.rel @p1 .LBB2_2-.Ltmp2, $4  }
0x7e: {  	[tilespmem:s12+$0x8530] =	vst v0  }
0x7f: {  	[tilespmem:s12+$0x8540] =	vst v0  }
0x80: {  	[tilespmem:s12+$0x8550] =	vst v0  }
0x81: {  	[tilespmem:s12+$0x8560] =	vst v0;
	s12 =	sshra.s32 s13, $0x2;
	s13 =	sadd.s32 $0x200, s13  }
0x82: {  	[tilespmem:s12+$0x8570] =	vst v0  }
0x83: {  	[tilespmem:s12+$0x8500] =	vst v0  }
0x84: {  	[tilespmem:s12+$0x8510] =	vst v0  }
0x85: {  	[tilespmem:s12+$0x8520] =	vst v0  }
0x86: {  	[tilespmem:s12+$0x8530] =	vst v0  }
0x87: {  	[tilespmem:s12+$0x8540] =	vst v0  }
0x88: {  	[tilespmem:s12+$0x8550] =	vst v0  }
0x89: {  	[tilespmem:s12+$0x8560] =	vst v0;
	s17 =	rddreg [dreg:$0x4]  }
0x8a: {  	[spmem:s17] =	stream.linear.scatter [tilespmem:s0], [sflag:$0x7], $0x1800, $0x38;
	[tilespmem:$0x1D600] =	vst v63  }
0x8b: {  	_ =	swait.ge [sflag:s4], $0x1800  }
0x8c: {  	[sflag:s4] =	ssyncset.done $0x0  }
0x8d: {  	s18 =	rddreg [dreg:$0x5];
	[sflag:s4] =	ssyncadd.s32 $0xFFFFE800  }
0x8e: {  	[spmem:s18] =	stream.linear.scatter [tilespmem:s0], [sflag:$0x7], $0x1800, $0x38;
	[tilespmem:$0x1D600] =	vst v63  }
0x8f: {  	_ =	swait.ge [sflag:s4], $0x1800  }
0x90: {  	[sflag:s4] =	ssyncset.done $0x0  }
0x91: {  	s28 =	rddreg [dreg:$0x6];
	[sflag:s4] =	ssyncadd.s32 $0xFFFFE800  }
0x92: {  	[spmem:s28] =	stream.linear.scatter [tilespmem:s0], [sflag:$0x7], $0x1800, $0x38;
	[tilespmem:$0x1D600] =	vst v63  }
0x93: {  	_ =	swait.ge [sflag:s4], $0x1800  }
0x94: {  	[sflag:s4] =	ssyncset.done $0x0  }
0x95: {  	s13 =	rddreg [dreg:$0x7];
	[sflag:s4] =	ssyncadd.s32 $0xFFFFE800  }
0x96: {  	[spmem:s13] =	stream.linear.scatter [tilespmem:s0], [sflag:$0x7], $0x1800, $0x38;
	[tilespmem:$0x1D600] =	vst v63  }
0x97: {  	_ =	swait.ge [sflag:s4], $0x1800  }
0x98: {  	[sflag:s4] =	ssyncset.done $0x0  }
0x99: {  	s14 =	rddreg [dreg:$0x8];
	[sflag:s4] =	ssyncadd.s32 $0xFFFFE800  }
0x9a: {  	[spmem:s14] =	stream.linear.scatter [tilespmem:s0], [sflag:$0x7], $0x1800, $0x38;
	[tilespmem:$0x1D600] =	vst v63  }
0x9b: {  	_ =	swait.ge [sflag:s4], $0x1800  }
0x9c: {  	[sflag:s4] =	ssyncset.done $0x0  }
0x9d: {  	s16 =	rddreg [dreg:$0x9];
	[sflag:s4] =	ssyncadd.s32 $0xFFFFE800  }
0x9e: {  	[spmem:s16] =	stream.linear.scatter [tilespmem:s0], [sflag:$0x7], $0x1800, $0x38;
	[tilespmem:$0x1D600] =	vst v63  }
0x9f: {  	_ =	swait.ge [sflag:s4], $0x1800  }
0xa0: {  	[sflag:s4] =	ssyncset.done $0x0  }
0xa1: {  	s17 =	rddreg [dreg:$0xa];
	[sflag:s4] =	ssyncadd.s32 $0xFFFFE800  }
0xa2: {  	[spmem:s17] =	stream.linear.scatter [tilespmem:s0], [sflag:$0x7], $0x1800, $0x38;
	[tilespmem:$0x1D600] =	vst v63  }
0xa3: {  	_ =	swait.ge [sflag:s4], $0x1800  }
0xa4: {  	[sflag:s4] =	ssyncset.done $0x0  }
0xa5: {  	s18 =	rddreg [dreg:$0xb];
	[sflag:s4] =	ssyncadd.s32 $0xFFFFE800  }
0xa6: {  	[spmem:s18] =	stream.linear.scatter [tilespmem:s0], [sflag:$0x7], $0x1800, $0x38;
	[tilespmem:$0x1D600] =	vst v63  }
0xa7: {  	_ =	swait.ge [sflag:s4], $0x1800  }
0xa8: {  	[sflag:s4] =	ssyncset.done $0x0  }
0xa9: {  	s28 =	rddreg [dreg:$0xc];
	[sflag:s4] =	ssyncadd.s32 $0xFFFFE800  }
0xaa: {  	[spmem:s28] =	stream.linear.scatter [tilespmem:s0], [sflag:$0x7], $0x1800, $0x38;
	[tilespmem:$0x1D600] =	vst v63  }
0xab: {  	_ =	swait.ge [sflag:s4], $0x1800  }
0xac: {  	[sflag:s4] =	ssyncset.done $0x0  }
0xad: {  	s13 =	rddreg [dreg:$0xd];
	[sflag:s4] =	ssyncadd.s32 $0xFFFFE800  }
0xae: {  	[spmem:s13] =	stream.linear.scatter [tilespmem:s0], [sflag:$0x7], $0x1800, $0x38;
	[tilespmem:$0x1D600] =	vst v63  }
0xaf: {  	_ =	swait.ge [sflag:s4], $0x1800  }
0xb0: {  	[sflag:s4] =	ssyncset.done $0x0  }
0xb1: {  	s14 =	rddreg [dreg:$0xe];
	[sflag:s4] =	ssyncadd.s32 $0xFFFFE800  }
0xb2: {  	[spmem:s14] =	stream.linear.scatter [tilespmem:s0], [sflag:$0x7], $0x1800, $0x38;
	[tilespmem:$0x1D600] =	vst v63  }
0xb3: {  	_ =	swait.ge [sflag:s4], $0x1800  }
0xb4: {  	[sflag:s4] =	ssyncset.done $0x0  }
0xb5: {  	s16 =	rddreg [dreg:$0xf];
	[sflag:s4] =	ssyncadd.s32 $0xFFFFE800  }
0xb6: {  	[spmem:s16] =	stream.linear.scatter [tilespmem:s0], [sflag:$0x7], $0x1800, $0x38;
	[tilespmem:$0x1D600] =	vst v63  }
0xb7: {  	_ =	swait.ge [sflag:s4], $0x1800  }
0xb8: {  	[sflag:s4] =	ssyncset.done $0x0  }
0xb9: {  	s17 =	rddreg [dreg:$0x10];
	[sflag:s4] =	ssyncadd.s32 $0xFFFFE800  }
0xba: {  	[spmem:s17] =	stream.linear.scatter [tilespmem:s0], [sflag:$0x7], $0x1800, $0x38;
	[tilespmem:$0x1D600] =	vst v63  }
0xbb: {  	_ =	swait.ge [sflag:s4], $0x1800  }
0xbc: {  	[sflag:s4] =	ssyncset.done $0x0  }
0xbd: {  	s12 =	simm.s32 @!p0 $0x8500;
	[sflag:s4] =	ssyncadd.s32 $0xFFFFE800  }
0xbe: {  	[spmem:s15] =	stream.linear.scatter @!p0 [tilespmem:s12], [sflag:$0x7], $0x1000, $0x38;
	[tilespmem:$0x1D600] =	vst v63  }
0xbf: {  	s12 =	simm.s32 @!p0 $0x7  }
0xc0: {  	_ =	swait.ge @!p0 [sflag:s12], $0x1000  }
0xc1: {  	[sflag:s12] =	ssyncset.done @!p0 $0x0  }
0xc2: {  	[sflag:s12] =	ssyncadd.s32 @!p0 $0xFFFFF000  }
0xc3: {  	[bflag:$0x0] =	sbarrier.arrive $0xFFFF  }
0xc4: {  	s13 =	rddreg [dreg:$0x11]  }
0xc5: {  	s18 =	simm.s32 $0x0;
	s28 =	sld [smem:$0x7FA]  }
0xc6: {  	[tilespmem:s18], [sflag:$0x5] =	stream.linear.gather [hbm4b:s13+s18], $0x180, $0x38;
	[tilespmem:$0x1D600] =	vst v63  }
0xc7: {  	_ = 	snop  }
0xc8: {  	[tilespmem:s23], [sflag:$0x6] =	stream.linear.gather [hbm4b:s28+s18], $0x180, $0x38;
	[tilespmem:$0x1D600] =	vst v63  }
0xc9: {  	_ =	swait.ge [sflag:s24], $0x180  }
0xca: {  	[sflag:s24] =	ssyncset.done $0x0  }
0xcb: {  	[sflag:s24] =	ssyncadd.s32 $0xFFFFFE80  }
0xcc: {  	[tilespmem:s26], [sflag:$0x1] =	stream.indirect.gather [hbm4b:s1+s25], $0x80, s18, s25, $0xb8;
	[tilespmem:$0x1D600] =	vst v63  }
0xcd: {  	_ =	swait.ge [sflag:s29], $0x4000  }
0xce: {  	[sflag:s29] =	ssyncset.done $0x0  }
0xcf: {  	[sflag:s29] =	ssyncadd.s32 $0xFFFFC000  }
0xd0: {  	v1 =	vld [tilespmem:$0x80]  }
0xd1: {  	v2 =	vld [tilespmem:$0x90]  }
0xd2: {  	v3 =	vld [tilespmem:$0xA0]  }
0xd3: {  	v4 =	vld [tilespmem:$0xB0]  }
0xd4: {  	v5 =	vld [tilespmem:$0xC0]  }
0xd5: {  	[tilespmem:$0x400] =	vst v1;
	v1 =	vld [tilespmem:$0xD0]  }
0xd6: {  	[tilespmem:$0x410] =	vst v2;
	v2 =	vld [tilespmem:$0xE0]  }
0xd7: {  	[tilespmem:$0x420] =	vst v3;
	v3 =	vld [tilespmem:$0xF0]  }
0xd8: {  	[tilespmem:$0x430] =	vst v4  }
0xd9: {  	[tilespmem:$0x440] =	vst v5  }
0xda: {  	[tilespmem:$0x450] =	vst v1  }
0xdb: {  	[tilespmem:$0x460] =	vst v2  }
0xdc: {  	[tilespmem:$0x470] =	vst v3  }
0xdd: {  	_ =	swait.ge [sflag:s30], $0x180  }
0xde: {  	[sflag:s30] =	ssyncset.done $0x0  }
0xdf: {  	s12 =	simm.s32 $0x700;
	s13 =	simm.s32 $0x6;
	v4 =	vmov s18;
	[sflag:s30] =	ssyncadd.s32 $0xFFFFFE80  }
0xe0: {  	v1 =	vand.u32 $0xFFFFFFF8, v4;
	v4 =	vmov s13;
	[tilespmem:s31], [sflag:$0x2] =	stream.indirect.gather [hbm4b:s1+s25], $0x80, s23, s25, $0xb8;
	[tilespmem:$0x1D600] =	vst v63  }
0xe1: {  	v2 =	vand.u32 $0xFFFFFFFE, v4;
	v4 =	vld [tilespmem:s12+$0x170]  }
0xe2: {  	v1 =	vbroadcast v1, $0x0;
	v5 =	vld [tilespmem:s12+$0xFFFFFE00]  }
0xe3: {  	s14 =	simm.s32 $0x1;
	v6 =	vld [tilespmem:s12+$0xFFFFFE10]  }
0xe4: {  	v3 =	vmov s14;
	v7 =	vld [tilespmem:s12+$0xFFFFFE20]  }
0xe5: {  	v3 =	vand.u32 $0xFFFFFFF9, v3;
	v2 =	vbroadcast v2, $0x0;
	v8 =	vld [tilespmem:s12+$0xFFFFFE30]  }
0xe6: {  	v3 =	vbroadcast v3, $0x0;
	v9 =	vld [tilespmem:s12+$0xFFFFFE40]  }
0xe7: {  	v10 =	vld [tilespmem:s12+$0xFFFFFE50]  }
0xe8: {  	v1 =	vld.idx.msk [tilespmem:v1+s19+$0x0], $0xffff  }
0xe9: {  	v11 =	vld [tilespmem:s12+$0xFFFFFE60]  }
0xea: {  	v13 =	vld [tilespmem:s12+$0xFFFFFE80]  }
0xeb: {  	v2 =	vld.idx.msk [tilespmem:v2+s19+$0x0], $0xffff  }
0xec: {  	v3 =	vld.idx.msk [tilespmem:v3+s19+$0x0], $0xffff  }
0xed: {  	v12 =	vld [tilespmem:s12+$0xFFFFFE70];
	v5 =	vmul.f32 v1, v5  }
0xee: {  	v14 =	vld [tilespmem:s12+$0xFFFFFE90];
	v6 =	vmul.f32 v1, v6  }
0xef: {  	v15 =	vld [tilespmem:s12+$0xFFFFFEA0];
	v8 =	vmul.f32 v1, v8;
	[tilespmem:s12+$0xFFFFFE00] =	vst v5  }
0xf0: {  	s15 =	simm.s32 $0x2;
	v16 =	vld [tilespmem:s12+$0xFFFFFEB0];
	v9 =	vmul.f32 v1, v9;
	[tilespmem:s12+$0xFFFFFE10] =	vst v6  }
0xf1: {  	v4 =	vmul.f32 v2, v4;
	v5 =	vmov s15;
	v6 =	vmul.f32 v3, v13;
	v13 =	vld [tilespmem:s12+$0xFFFFFED0];
	[tilespmem:s12+$0xFFFFFE30] =	vst v8  }
0xf2: {  	v8 =	vmul.f32 v1, v10;
	v10 =	vld [tilespmem:s12+$0xFFFFFEF0];
	[tilespmem:s12+$0xFFFFFE40] =	vst v9;
	v5 =	vand.u32 $0xFFFFFFFA, v5  }
0xf3: {  	v9 =	vmul.f32 v1, v11;
	v11 =	vld [tilespmem:s12+$0xFFFFFF00];
	[tilespmem:s12+$0x170] =	vst v4;
	v5 =	vbroadcast v5, $0x0  }
0xf4: {  	v4 =	vmul.f32 v1, v7;
	v7 =	vld [tilespmem:s12+$0xFFFFFEC0];
	[tilespmem:s12+$0xFFFFFE80] =	vst v6  }
0xf5: {  	v1 =	vmul.f32 v1, v12;
	v12 =	vld [tilespmem:s12+$0xFFFFFF20];
	[tilespmem:s12+$0xFFFFFE50] =	vst v8  }
0xf6: {  	s16 =	simm.s32 $0x3;
	v8 =	vld [tilespmem:s12+$0xFFFFFF10];
	[tilespmem:s12+$0xFFFFFE60] =	vst v9  }
0xf7: {  	v6 =	vmov s16;
	v9 =	vmul.f32 v3, v14;
	[tilespmem:s12+$0xFFFFFE20] =	vst v4;
	v4 =	vld [tilespmem:s12+$0xFFFFFEE0]  }
0xf8: {  	v14 =	vld [tilespmem:s12+$0xFFFFFF30];
	v6 =	vand.u32 $0xFFFFFFFB, v6;
	[tilespmem:s12+$0xFFFFFE70] =	vst v1;
	v1 =	vmul.f32 v3, v15  }
0xf9: {  	v6 =	vbroadcast v6, $0x0;
	[tilespmem:s12+$0xFFFFFE90] =	vst v9;
	v9 =	vmul.f32 v3, v16;
	v5 =	vld.idx.msk [tilespmem:v5+s19+$0x0], $0xffff  }
0xfa: {  	v15 =	vld [tilespmem:s12+$0xFFFFFF40];
	[tilespmem:s12+$0xFFFFFEA0] =	vst v1;
	v13 =	vmul.f32 v3, v13  }
0xfb: {  	v7 =	vmul.f32 v3, v7;
	[tilespmem:s12+$0xFFFFFEB0] =	vst v9;
	v9 =	vld [tilespmem:s12+$0xFFFFFF60]  }
0xfc: {  	[tilespmem:s12+$0xFFFFFED0] =	vst v13;
	v13 =	vld [tilespmem:s12+$0xFFFFFFB0];
	v4 =	vmul.f32 v3, v4  }
0xfd: {  	[tilespmem:s12+$0xFFFFFEC0] =	vst v7;
	v7 =	vld [tilespmem:s12+$0xFFFFFF70];
	v3 =	vmul.f32 v3, v10  }
0xfe: {  	v10 =	vld [tilespmem:s12+$0xFFFFFF80];
	[tilespmem:s12+$0xFFFFFEE0] =	vst v4;
	v1 =	vmul.f32 v5, v11  }
0xff: {  	v6 =	vld.idx.msk [tilespmem:v6+s19+$0x0], $0xffff;
	[tilespmem:s12+$0xFFFFFEF0] =	vst v3;
	v4 =	vmul.f32 v5, v8  }
0x100: {  	s17 =	simm.s32 $0x4;
	v11 =	vld [tilespmem:s12+$0xFFFFFF50];
	v3 =	vmul.f32 v5, v12;
	[tilespmem:s12+$0xFFFFFF00] =	vst v1  }
0x101: {  	v8 =	vld [tilespmem:s12+$0xFFFFFF90];
	v9 =	vmul.f32 v5, v9;
	v1 =	vmov s17;
	[tilespmem:s12+$0xFFFFFF10] =	vst v4  }
0x102: {  	v12 =	vld [tilespmem:s12+$0xFFFFFFA0];
	v4 =	vmul.f32 v5, v14;
	[tilespmem:s12+$0xFFFFFF20] =	vst v3;
	v1 =	vand.u32 $0xFFFFFFFC, v1  }
0x103: {  	v3 =	vmul.f32 v5, v15;
	v14 =	vld [tilespmem:s12+$0xFFFFFFC0];
	[tilespmem:s12+$0xFFFFFF60] =	vst v9;
	v1 =	vbroadcast v1, $0x0  }
0x104: {  	v9 =	vld [tilespmem:s12+$0x0];
	[tilespmem:s12+$0xFFFFFF30] =	vst v4;
	v4 =	vmul.f32 v6, v10  }
0x105: {  	s18 =	simm.s32 $0x5;
	v10 =	vld [tilespmem:s12+$0xFFFFFFD0];
	[tilespmem:s12+$0xFFFFFF40] =	vst v3;
	v11 =	vmul.f32 v5, v11  }
0x106: {  	v3 =	vld [tilespmem:s12+$0xFFFFFFE0];
	v5 =	vmul.f32 v5, v7;
	[tilespmem:s12+$0xFFFFFF80] =	vst v4;
	v4 =	vmov s18  }
0x107: {  	v7 =	vld [tilespmem:s12+$0xFFFFFFF0];
	v8 =	vmul.f32 v6, v8;
	[tilespmem:s12+$0xFFFFFF50] =	vst v11;
	v4 =	vand.u32 $0xFFFFFFFD, v4  }
0x108: {  	[tilespmem:s12+$0xFFFFFF70] =	vst v5;
	v5 =	vmul.f32 v6, v12;
	v11 =	vld [tilespmem:s12+$0x10];
	v4 =	vbroadcast v4, $0x0  }
0x109: {  	[tilespmem:s12+$0xFFFFFF90] =	vst v8;
	v8 =	vmul.f32 v6, v13;
	v1 =	vld.idx.msk [tilespmem:v1+s19+$0x0], $0xffff  }
0x10a: {  	v12 =	vld [tilespmem:s12+$0x20];
	[tilespmem:s12+$0xFFFFFFA0] =	vst v5;
	v5 =	vmul.f32 v6, v14  }
0x10b: {  	v13 =	vld [tilespmem:s12+$0x30];
	[tilespmem:s12+$0xFFFFFFB0] =	vst v8;
	v8 =	vmul.f32 v6, v10  }
0x10c: {  	v10 =	vld [tilespmem:s12+$0x40];
	v3 =	vmul.f32 v6, v3;
	[tilespmem:s12+$0xFFFFFFC0] =	vst v5  }
0x10d: {  	v6 =	vmul.f32 v6, v7;
	[tilespmem:s12+$0xFFFFFFD0] =	vst v8;
	v8 =	vld [tilespmem:s12+$0x60]  }
0x10e: {  	[tilespmem:s12+$0xFFFFFFE0] =	vst v3;
	v4 =	vld.idx.msk [tilespmem:v4+s19+$0x0], $0xffff;
	v5 =	vmul.f32 v1, v9  }
0x10f: {  	[tilespmem:s12+$0xFFFFFFF0] =	vst v6;
	v9 =	vld [tilespmem:s12+$0x50];
	v6 =	vmul.f32 v1, v12  }
0x110: {  	v3 =	vmul.f32 v1, v11;
	v11 =	vld [tilespmem:s12+$0x90];
	[tilespmem:s12+$0x0] =	vst v5  }
0x111: {  	v7 =	vld [tilespmem:s12+$0x80];
	[tilespmem:s12+$0x20] =	vst v6;
	v6 =	vmul.f32 v1, v10  }
0x112: {  	v5 =	vld [tilespmem:s12+$0x70];
	[tilespmem:s12+$0x10] =	vst v3;
	v3 =	vmul.f32 v1, v13  }
0x113: {  	v10 =	vld [tilespmem:s12+$0xA0];
	[tilespmem:s12+$0x40] =	vst v6;
	v6 =	vmul.f32 v1, v8  }
0x114: {  	[tilespmem:s12+$0x30] =	vst v3;
	v8 =	vld [tilespmem:s12+$0xC0];
	v3 =	vmul.f32 v1, v9  }
0x115: {  	v9 =	vld [tilespmem:s12+$0xB0];
	v11 =	vmul.f32 v4, v11;
	[tilespmem:s12+$0x60] =	vst v6  }
0x116: {  	v6 =	vld [tilespmem:s12+$0xE0];
	[tilespmem:s12+$0x50] =	vst v3;
	v3 =	vmul.f32 v4, v7  }
0x117: {  	v7 =	vld [tilespmem:s12+$0xD0];
	v5 =	vmul.f32 v1, v5;
	[tilespmem:s12+$0x90] =	vst v11  }
0x118: {  	v11 =	vld [tilespmem:s12+$0x150];
	[tilespmem:s12+$0x80] =	vst v3  }
0x119: {  	[tilespmem:s12+$0x70] =	vst v5;
	v3 =	vmul.f32 v4, v10;
	v5 =	vld [tilespmem:s12+$0xF0]  }
0x11a: {  	v10 =	vld [tilespmem:s12+$0x100];
	v9 =	vmul.f32 v4, v9  }
0x11b: {  	s28 =	simm.s32 $0x7;
	[tilespmem:s12+$0xA0] =	vst v3;
	v3 =	vmul.f32 v4, v8;
	v8 =	vld [tilespmem:s12+$0x110]  }
0x11c: {  	v14 =	vld [tilespmem:s12+$0x180];
	v12 =	vmov s28;
	[tilespmem:s12+$0xB0] =	vst v9;
	v7 =	vmul.f32 v4, v7  }
0x11d: {  	v9 =	vld [tilespmem:s12+$0x120];
	v11 =	vmul.f32 v2, v11;
	[tilespmem:s12+$0xC0] =	vst v3  }
0x11e: {  	s18 =	simm.s32 $0xC;
	v3 =	vmul.f32 v4, v6;
	v6 =	vld [tilespmem:s12+$0x130];
	[tilespmem:s12+$0xD0] =	vst v7;
	v4 =	vmul.f32 v4, v5  }
0x11f: {  	s14 =	simm.s32 $0x8;
	v15 =	vmov s18;
	v5 =	vld [tilespmem:s12+$0x140];
	[tilespmem:s12+$0x150] =	vst v11  }
0x120: {  	s16 =	simm.s32 $0xA;
	s28 =	simm.s32 $0xD;
	v7 =	vmov s14;
	v10 =	vmul.f32 v2, v10;
	[tilespmem:s12+$0xF0] =	vst v4;
	v4 =	vmul.f32 v2, v8;
	v8 =	vld [tilespmem:s12+$0x160]  }
0x121: {  	s15 =	simm.s32 $0xF;
	v18 =	vmov s28;
	v13 =	vmov s16;
	v1 =	vld.idx.msk [tilespmem:v12+s19+$0x0], $0xffff;
	s14 =	simm.s32 $0x9;
	[tilespmem:s12+$0xE0] =	vst v3;
	v7 =	vand.u32 $0xFFFFFFF8, v7  }
0x122: {  	v17 =	vld [tilespmem:s12+$0x190];
	s17 =	simm.s32 $0xB;
	v3 =	vmov s15;
	v12 =	vmov s14;
	[tilespmem:s12+$0x100] =	vst v10;
	v9 =	vmul.f32 v2, v9  }
0x123: {  	v10 =	vmov s17;
	[tilespmem:s12+$0x110] =	vst v4;
	v16 =	vmul.f32 v2, v6;
	v4 =	vbroadcast v7, $0x0;
	v6 =	vld [tilespmem:s12+$0x1A0]  }
0x124: {  	v7 =	vld [tilespmem:s12+$0x1B0];
	[tilespmem:s12+$0x120] =	vst v9;
	v9 =	vmul.f32 v2, v5;
	v5 =	vand.u32 $0xFFFFFFF9, v12;
	v12 =	vand.u32 $0xFFFFFFFA, v13  }
0x125: {  	v13 =	vand.u32 $0xFFFFFFFB, v10;
	[tilespmem:s12+$0x130] =	vst v16;
	v5 =	vbroadcast v5, $0x0;
	v16 =	vmul.f32 v2, v8;
	v8 =	vld [tilespmem:s12+$0x1C0]  }
0x126: {  	v10 =	vbroadcast v12, $0x0;
	[tilespmem:s12+$0x140] =	vst v9;
	v2 =	vand.u32 $0xFFFFFFFC, v15;
	v15 =	vmul.f32 v1, v14;
	v9 =	vld [tilespmem:s12+$0x1D0]  }
0x127: {  	s13 =	simm.s32 $0x10;
	v11 =	vld [tilespmem:s12+$0x1E0];
	s14 =	simm.s32 $0xE;
	v12 =	vbroadcast v13, $0x0;
	v13 =	vmul.f32 v1, v17;
	v14 =	vand.u32 $0xFFFFFFFD, v18;
	[tilespmem:s12+$0x160] =	vst v16  }
.LBB2_4:
0x128: {  	p1 =	slt.u32 s13, $0x78;
	v2 =	vbroadcast v2, $0x0;
	v16 =	vmov s14;
	[tilespmem:s12+$0x180] =	vst v15;
	v6 =	vmul.f32 v1, v6;
	v15 =	vld [tilespmem:s12+$0x1F0]  }
0x129: {  	v14 =	vbroadcast v14, $0x0;
	v16 =	vand.u32 $0xFFFFFFFE, v16;
	v17 =	vld.idx.msk [tilespmem:v3+s19+$0x0], $0xffff;
	[tilespmem:s12+$0x190] =	vst v13;
	v3 =	vmul.f32 v1, v7  }
0x12a: {  	v7 =	vld.idx.msk [tilespmem:v4+s19+$0x0], $0xffff;
	v13 =	vbroadcast v16, $0x0;
	[tilespmem:s12+$0x1A0] =	vst v6;
	v4 =	vmul.f32 v1, v8  }
0x12b: {  	v6 =	vld.idx.msk [tilespmem:v5+s19+$0x0], $0xffff;
	[tilespmem:s12+$0x1B0] =	vst v3;
	v3 =	vmul.f32 v1, v9  }
0x12c: {  	v8 =	vld.idx.msk [tilespmem:v10+s19+$0x0], $0xffff;
	[tilespmem:s12+$0x1C0] =	vst v4;
	v9 =	vmul.f32 v1, v11  }
0x12d: {  	v5 =	vld.idx.msk [tilespmem:v12+s19+$0x0], $0xffff;
	[tilespmem:s12+$0x1D0] =	vst v3;
	v10 =	vmul.f32 v1, v15  }
0x12e: {  	v4 =	vld.idx.msk [tilespmem:v2+s19+$0x0], $0xffff;
	[tilespmem:s12+$0x1E0] =	vst v9  }
0x12f: {  	v1 =	vmov v17;
	v3 =	vld.idx.msk [tilespmem:v14+s19+$0x0], $0xffff;
	[tilespmem:s12+$0x1F0] =	vst v10  }
0x130: {  	s12 =	sadd.s32 $0x400, s12;
	v2 =	vld.idx.msk [tilespmem:v13+s19+$0x0], $0xffff  }
0x131: {  	v9 =	vld [tilespmem:s12+$0x170]  }
0x132: {  	v10 =	vld [tilespmem:s12+$0xFFFFFE00]  }
0x133: {  	v11 =	vld [tilespmem:s12+$0xFFFFFE10]  }
0x134: {  	v12 =	vld [tilespmem:s12+$0xFFFFFE20]  }
0x135: {  	v13 =	vld [tilespmem:s12+$0xFFFFFE30]  }
0x136: {  	v14 =	vld [tilespmem:s12+$0xFFFFFE40];
	v9 =	vmul.f32 v2, v9  }
0x137: {  	v10 =	vmul.f32 v7, v10;
	v15 =	vld [tilespmem:s12+$0xFFFFFE50]  }
0x138: {  	v11 =	vmul.f32 v7, v11;
	v16 =	vld [tilespmem:s12+$0xFFFFFE60];
	[tilespmem:s12+$0x170] =	vst v9  }
0x139: {  	[tilespmem:s12+$0xFFFFFE00] =	vst v10;
	v9 =	vmul.f32 v7, v12;
	v10 =	vld [tilespmem:s12+$0xFFFFFE70]  }
0x13a: {  	[tilespmem:s12+$0xFFFFFE10] =	vst v11;
	v11 =	vmul.f32 v7, v13;
	v12 =	vld [tilespmem:s12+$0xFFFFFE80]  }
0x13b: {  	[tilespmem:s12+$0xFFFFFE20] =	vst v9;
	v9 =	vmul.f32 v7, v14;
	v13 =	vld [tilespmem:s12+$0xFFFFFE90]  }
0x13c: {  	[tilespmem:s12+$0xFFFFFE30] =	vst v11;
	v11 =	vmul.f32 v7, v15;
	v14 =	vld [tilespmem:s12+$0xFFFFFEA0]  }
0x13d: {  	[tilespmem:s12+$0xFFFFFE40] =	vst v9;
	v9 =	vmul.f32 v7, v16;
	v15 =	vld [tilespmem:s12+$0xFFFFFEB0]  }
0x13e: {  	[tilespmem:s12+$0xFFFFFE50] =	vst v11;
	v7 =	vmul.f32 v7, v10;
	v10 =	vld [tilespmem:s12+$0xFFFFFEC0]  }
0x13f: {  	[tilespmem:s12+$0xFFFFFE60] =	vst v9;
	v9 =	vmul.f32 v6, v12;
	v11 =	vld [tilespmem:s12+$0xFFFFFED0]  }
0x140: {  	[tilespmem:s12+$0xFFFFFE70] =	vst v7;
	v7 =	vmul.f32 v6, v13;
	v12 =	vld [tilespmem:s12+$0xFFFFFEE0]  }
0x141: {  	[tilespmem:s12+$0xFFFFFE80] =	vst v9;
	v9 =	vmul.f32 v6, v14;
	v13 =	vld [tilespmem:s12+$0xFFFFFEF0]  }
0x142: {  	[tilespmem:s12+$0xFFFFFE90] =	vst v7;
	v7 =	vmul.f32 v6, v15;
	v14 =	vld [tilespmem:s12+$0xFFFFFF00]  }
0x143: {  	[tilespmem:s12+$0xFFFFFEA0] =	vst v9;
	v9 =	vmul.f32 v6, v10;
	v10 =	vld [tilespmem:s12+$0xFFFFFF10]  }
0x144: {  	[tilespmem:s12+$0xFFFFFEB0] =	vst v7;
	v7 =	vmul.f32 v6, v11;
	v11 =	vld [tilespmem:s12+$0xFFFFFF20]  }
0x145: {  	[tilespmem:s12+$0xFFFFFEC0] =	vst v9;
	v9 =	vmul.f32 v6, v12;
	v12 =	vld [tilespmem:s12+$0xFFFFFF30]  }
0x146: {  	[tilespmem:s12+$0xFFFFFED0] =	vst v7;
	v6 =	vmul.f32 v6, v13;
	v7 =	vld [tilespmem:s12+$0xFFFFFF40]  }
0x147: {  	[tilespmem:s12+$0xFFFFFEE0] =	vst v9;
	v9 =	vmul.f32 v8, v14;
	v13 =	vld [tilespmem:s12+$0xFFFFFF50]  }
0x148: {  	[tilespmem:s12+$0xFFFFFEF0] =	vst v6;
	v6 =	vmul.f32 v8, v10;
	v10 =	vld [tilespmem:s12+$0xFFFFFF60]  }
0x149: {  	[tilespmem:s12+$0xFFFFFF00] =	vst v9;
	v9 =	vmul.f32 v8, v11;
	v11 =	vld [tilespmem:s12+$0xFFFFFF70]  }
0x14a: {  	[tilespmem:s12+$0xFFFFFF10] =	vst v6;
	v6 =	vmul.f32 v8, v12;
	v12 =	vld [tilespmem:s12+$0xFFFFFF80]  }
0x14b: {  	[tilespmem:s12+$0xFFFFFF20] =	vst v9;
	v7 =	vmul.f32 v8, v7;
	v9 =	vld [tilespmem:s12+$0xFFFFFF90]  }
0x14c: {  	[tilespmem:s12+$0xFFFFFF30] =	vst v6;
	v6 =	vmul.f32 v8, v13;
	v13 =	vld [tilespmem:s12+$0xFFFFFFA0]  }
0x14d: {  	[tilespmem:s12+$0xFFFFFF40] =	vst v7;
	v7 =	vmul.f32 v8, v10;
	v10 =	vld [tilespmem:s12+$0xFFFFFFB0]  }
0x14e: {  	[tilespmem:s12+$0xFFFFFF50] =	vst v6;
	v6 =	vmul.f32 v8, v11;
	v8 =	vld [tilespmem:s12+$0xFFFFFFC0]  }
0x14f: {  	[tilespmem:s12+$0xFFFFFF60] =	vst v7;
	v7 =	vmul.f32 v5, v12;
	v11 =	vld [tilespmem:s12+$0xFFFFFFD0]  }
0x150: {  	[tilespmem:s12+$0xFFFFFF70] =	vst v6;
	v6 =	vmul.f32 v5, v9;
	v9 =	vld [tilespmem:s12+$0xFFFFFFE0]  }
0x151: {  	[tilespmem:s12+$0xFFFFFF80] =	vst v7;
	v7 =	vmul.f32 v5, v13;
	v12 =	vld [tilespmem:s12+$0xFFFFFFF0]  }
0x152: {  	[tilespmem:s12+$0xFFFFFF90] =	vst v6;
	v6 =	vmul.f32 v5, v10;
	v10 =	vld [tilespmem:s12+$0x0]  }
0x153: {  	[tilespmem:s12+$0xFFFFFFA0] =	vst v7;
	v7 =	vmul.f32 v5, v8;
	v8 =	vld [tilespmem:s12+$0x10]  }
0x154: {  	[tilespmem:s12+$0xFFFFFFB0] =	vst v6;
	v6 =	vmul.f32 v5, v11;
	v11 =	vld [tilespmem:s12+$0x20]  }
0x155: {  	[tilespmem:s12+$0xFFFFFFC0] =	vst v7;
	v7 =	vmul.f32 v5, v9;
	v9 =	vld [tilespmem:s12+$0x30]  }
0x156: {  	[tilespmem:s12+$0xFFFFFFD0] =	vst v6;
	v5 =	vmul.f32 v5, v12;
	v6 =	vld [tilespmem:s12+$0x40]  }
0x157: {  	[tilespmem:s12+$0xFFFFFFE0] =	vst v7;
	v7 =	vmul.f32 v4, v10;
	v10 =	vld [tilespmem:s12+$0x50]  }
0x158: {  	[tilespmem:s12+$0xFFFFFFF0] =	vst v5;
	v5 =	vmul.f32 v4, v8;
	v8 =	vld [tilespmem:s12+$0x60]  }
0x159: {  	[tilespmem:s12+$0x0] =	vst v7;
	v7 =	vmul.f32 v4, v11;
	v11 =	vld [tilespmem:s12+$0x70]  }
0x15a: {  	[tilespmem:s12+$0x10] =	vst v5;
	v5 =	vmul.f32 v4, v9;
	v9 =	vld [tilespmem:s12+$0x80]  }
0x15b: {  	[tilespmem:s12+$0x20] =	vst v7;
	v6 =	vmul.f32 v4, v6;
	v7 =	vld [tilespmem:s12+$0x90]  }
0x15c: {  	[tilespmem:s12+$0x30] =	vst v5;
	v5 =	vmul.f32 v4, v10;
	v10 =	vld [tilespmem:s12+$0xA0]  }
0x15d: {  	[tilespmem:s12+$0x40] =	vst v6;
	v6 =	vmul.f32 v4, v8;
	v8 =	vld [tilespmem:s12+$0xB0]  }
0x15e: {  	[tilespmem:s12+$0x50] =	vst v5;
	v4 =	vmul.f32 v4, v11;
	v5 =	vld [tilespmem:s12+$0xC0]  }
0x15f: {  	[tilespmem:s12+$0x60] =	vst v6;
	v6 =	vmul.f32 v3, v9;
	v9 =	vld [tilespmem:s12+$0xD0]  }
0x160: {  	[tilespmem:s12+$0x70] =	vst v4;
	v4 =	vmul.f32 v3, v7;
	v7 =	vld [tilespmem:s12+$0xE0]  }
0x161: {  	[tilespmem:s12+$0x80] =	vst v6;
	v6 =	vmul.f32 v3, v10;
	v10 =	vld [tilespmem:s12+$0xF0]  }
0x162: {  	[tilespmem:s12+$0x90] =	vst v4;
	v4 =	vmul.f32 v3, v8;
	v8 =	vld [tilespmem:s12+$0x100]  }
0x163: {  	[tilespmem:s12+$0xA0] =	vst v6;
	v5 =	vmul.f32 v3, v5;
	v6 =	vld [tilespmem:s12+$0x110]  }
0x164: {  	[tilespmem:s12+$0xB0] =	vst v4;
	v4 =	vmul.f32 v3, v9;
	v9 =	vld [tilespmem:s12+$0x120]  }
0x165: {  	[tilespmem:s12+$0xC0] =	vst v5;
	v5 =	vmul.f32 v3, v7;
	v7 =	vld [tilespmem:s12+$0x130]  }
0x166: {  	[tilespmem:s12+$0xD0] =	vst v4;
	v4 =	vmul.f32 v3, v10;
	v10 =	vld [tilespmem:s12+$0x140]  }
0x167: {  	s14 =	sadd.s32 $0x7, s13;
	v3 =	vmov s13;
	[tilespmem:s12+$0xE0] =	vst v5;
	v5 =	vmul.f32 v2, v8;
	v8 =	vld [tilespmem:s12+$0x150]  }
0x168: {  	s15 =	sadd.s32 $0x1, s13;
	s16 =	sadd.s32 $0x2, s13;
	v11 =	vand.u32 $0xFFFFFFF8, v3;
	v3 =	vmov s14;
	[tilespmem:s12+$0xF0] =	vst v4;
	v4 =	vmul.f32 v2, v6;
	v12 =	vld [tilespmem:s12+$0x160]  }
0x169: {  	v14 =	vmov s16;
	v13 =	vmov s15;
	s15 =	sadd.s32 $0x4, s13;
	s14 =	sadd.s32 $0x3, s13;
	[tilespmem:s12+$0x100] =	vst v5;
	v5 =	vmul.f32 v2, v9;
	v9 =	vld [tilespmem:s12+$0x180]  }
0x16a: {  	v16 =	vmov s15;
	v15 =	vmov s14;
	s14 =	sadd.s32 $0x5, s13;
	[tilespmem:s12+$0x110] =	vst v4;
	v7 =	vmul.f32 v2, v7;
	v17 =	vld [tilespmem:s12+$0x190]  }
.Ltmp3:
0x16b: {  	v4 =	vbroadcast v11, $0x0;
	v11 =	vmov s14;
	[tilespmem:s12+$0x120] =	vst v5;
	v10 =	vmul.f32 v2, v10;
	v6 =	vld [tilespmem:s12+$0x1A0];
	(pc) =	sbr.rel @p1 .LBB2_4-.Ltmp3, $4  }
0x16c: {  	v5 =	vand.u32 $0xFFFFFFF9, v13;
	v13 =	vand.u32 $0xFFFFFFFA, v14;
	[tilespmem:s12+$0x130] =	vst v7;
	v14 =	vmul.f32 v2, v8;
	v7 =	vld [tilespmem:s12+$0x1B0]  }
0x16d: {  	v18 =	vand.u32 $0xFFFFFFFB, v15;
	v5 =	vbroadcast v5, $0x0;
	[tilespmem:s12+$0x140] =	vst v10;
	v19 =	vmul.f32 v2, v12;
	v8 =	vld [tilespmem:s12+$0x1C0]  }
0x16e: {  	v10 =	vbroadcast v13, $0x0;
	v2 =	vand.u32 $0xFFFFFFFC, v16;
	[tilespmem:s12+$0x150] =	vst v14;
	v15 =	vmul.f32 v1, v9;
	v9 =	vld [tilespmem:s12+$0x1D0]  }
0x16f: {  	s14 =	sadd.s32 $0x6, s13;
	s13 =	sadd.s32 $0x8, s13;
	v12 =	vbroadcast v18, $0x0;
	v14 =	vand.u32 $0xFFFFFFFD, v11;
	[tilespmem:s12+$0x160] =	vst v19;
	v13 =	vmul.f32 v1, v17;
	v11 =	vld [tilespmem:s12+$0x1E0]  }
0x170: {  	_ =	sdelay $0x2  }
0x171: {  	v16 =	vld [tilespmem:s12+$0x1F0]  }
0x172: {  	v18 =	vld.idx.msk [tilespmem:v4+s19+$0x0], $0xffff  }
0x173: {  	[tilespmem:s12+$0x180] =	vst v15;
	v15 =	vbroadcast v2, $0x0;
	v2 =	vmov s14;
	v10 =	vld.idx.msk [tilespmem:v10+s19+$0x0], $0xffff  }
0x174: {  	v17 =	vand.u32 $0xFFFFFFFE, v2;
	v2 =	vld.idx.msk [tilespmem:v3+s19+$0x0], $0xffff  }
0x175: {  	s13 =	sadd.s32 $0x400, s12;
	v12 =	vld.idx.msk [tilespmem:v12+s19+$0x0], $0xffff  }
0x176: {  	v14 =	vbroadcast v14, $0x0;
	v6 =	vmul.f32 v1, v6;
	[tilespmem:s12+$0x190] =	vst v13;
	v13 =	vld [tilespmem:s13+$0x170]  }
0x177: {  	v7 =	vmul.f32 v1, v7;
	v3 =	vbroadcast v17, $0x0;
	v17 =	vld.idx.msk [tilespmem:v5+s19+$0x0], $0xffff  }
0x178: {  	[tilespmem:s12+$0x1A0] =	vst v6;
	v6 =	vmul.f32 v1, v8;
	v8 =	vld [tilespmem:s13+$0xFFFFFE00]  }
0x179: {  	[tilespmem:s12+$0x1B0] =	vst v7;
	v7 =	vmul.f32 v1, v9;
	v9 =	vld [tilespmem:s13+$0xFFFFFE10]  }
0x17a: {  	[tilespmem:s12+$0x1C0] =	vst v6;
	v6 =	vmul.f32 v1, v11;
	v11 =	vld [tilespmem:s13+$0xFFFFFE20]  }
0x17b: {  	[tilespmem:s12+$0x1D0] =	vst v7;
	v7 =	vld [tilespmem:s13+$0xFFFFFE30]  }
0x17c: {  	v5 =	vld.idx.msk [tilespmem:v15+s19+$0x0], $0xffff  }
0x17d: {  	v1 =	vmul.f32 v1, v16;
	v4 =	vld.idx.msk [tilespmem:v14+s19+$0x0], $0xffff  }
0x17e: {  	[tilespmem:s12+$0x1E0] =	vst v6;
	v6 =	vld [tilespmem:s13+$0xFFFFFE40]  }
0x17f: {  	[tilespmem:s12+$0x1F0] =	vst v1;
	v1 =	vmul.f32 v18, v8;
	v3 =	vld.idx.msk [tilespmem:v3+s19+$0x0], $0xffff  }
0x180: {  	v8 =	vld [tilespmem:s13+$0xFFFFFE50];
	v9 =	vmul.f32 v18, v9  }
0x181: {  	v14 =	vld [tilespmem:s13+$0xFFFFFE60];
	[tilespmem:s13+$0xFFFFFE00] =	vst v1;
	v1 =	vmul.f32 v18, v11  }
0x182: {  	v11 =	vld [tilespmem:s13+$0xFFFFFE70];
	[tilespmem:s13+$0xFFFFFE10] =	vst v9;
	v7 =	vmul.f32 v18, v7  }
0x183: {  	v9 =	vld [tilespmem:s13+$0xFFFFFE80];
	[tilespmem:s13+$0xFFFFFE20] =	vst v1;
	v1 =	vmul.f32 v18, v6  }
0x184: {  	v6 =	vld [tilespmem:s13+$0xFFFFFE90];
	[tilespmem:s13+$0xFFFFFE30] =	vst v7;
	v13 =	vmul.f32 v3, v13  }
0x185: {  	v7 =	vmul.f32 v18, v8;
	v8 =	vld [tilespmem:s13+$0xFFFFFEA0];
	[tilespmem:s13+$0xFFFFFE40] =	vst v1  }
0x186: {  	v1 =	vmul.f32 v18, v14;
	[tilespmem:s13+$0x170] =	vst v13;
	v13 =	vld [tilespmem:s13+$0xFFFFFEB0]  }
0x187: {  	[tilespmem:s13+$0xFFFFFE50] =	vst v7;
	v7 =	vmul.f32 v18, v11;
	v11 =	vld [tilespmem:s13+$0xFFFFFEC0]  }
0x188: {  	[tilespmem:s13+$0xFFFFFE60] =	vst v1;
	v1 =	vmul.f32 v17, v9;
	v9 =	vld [tilespmem:s13+$0xFFFFFED0]  }
0x189: {  	[tilespmem:s13+$0xFFFFFE70] =	vst v7;
	v6 =	vmul.f32 v17, v6;
	v7 =	vld [tilespmem:s13+$0xFFFFFEE0]  }
0x18a: {  	[tilespmem:s13+$0xFFFFFE80] =	vst v1;
	v1 =	vmul.f32 v17, v8;
	v8 =	vld [tilespmem:s13+$0xFFFFFEF0]  }
0x18b: {  	[tilespmem:s13+$0xFFFFFE90] =	vst v6;
	v6 =	vmul.f32 v17, v13;
	v13 =	vld [tilespmem:s13+$0xFFFFFF00]  }
0x18c: {  	[tilespmem:s13+$0xFFFFFEA0] =	vst v1;
	v1 =	vmul.f32 v17, v11;
	v11 =	vld [tilespmem:s13+$0xFFFFFF10]  }
0x18d: {  	[tilespmem:s13+$0xFFFFFEB0] =	vst v6;
	v6 =	vmul.f32 v17, v9;
	v9 =	vld [tilespmem:s13+$0xFFFFFF20]  }
0x18e: {  	[tilespmem:s13+$0xFFFFFEC0] =	vst v1;
	v1 =	vmul.f32 v17, v7;
	v7 =	vld [tilespmem:s13+$0xFFFFFF30]  }
0x18f: {  	[tilespmem:s13+$0xFFFFFED0] =	vst v6;
	v6 =	vmul.f32 v17, v8;
	v8 =	vld [tilespmem:s13+$0xFFFFFF40]  }
0x190: {  	[tilespmem:s13+$0xFFFFFEE0] =	vst v1;
	v1 =	vmul.f32 v10, v13;
	v13 =	vld [tilespmem:s13+$0xFFFFFF50]  }
0x191: {  	[tilespmem:s13+$0xFFFFFEF0] =	vst v6;
	v6 =	vmul.f32 v10, v11;
	v11 =	vld [tilespmem:s13+$0xFFFFFF60]  }
0x192: {  	[tilespmem:s13+$0xFFFFFF00] =	vst v1;
	v1 =	vmul.f32 v10, v9;
	v9 =	vld [tilespmem:s13+$0xFFFFFF70]  }
0x193: {  	[tilespmem:s13+$0xFFFFFF10] =	vst v6;
	v6 =	vmul.f32 v10, v7;
	v7 =	vld [tilespmem:s13+$0xFFFFFF80]  }
0x194: {  	[tilespmem:s13+$0xFFFFFF20] =	vst v1;
	v1 =	vmul.f32 v10, v8;
	v8 =	vld [tilespmem:s13+$0xFFFFFF90]  }
0x195: {  	[tilespmem:s13+$0xFFFFFF30] =	vst v6;
	v6 =	vmul.f32 v10, v13;
	v13 =	vld [tilespmem:s13+$0xFFFFFFA0]  }
0x196: {  	[tilespmem:s13+$0xFFFFFF40] =	vst v1;
	v1 =	vmul.f32 v10, v11;
	v11 =	vld [tilespmem:s13+$0xFFFFFFB0]  }
0x197: {  	[tilespmem:s13+$0xFFFFFF50] =	vst v6;
	v6 =	vmul.f32 v10, v9;
	v9 =	vld [tilespmem:s13+$0xFFFFFFC0]  }
0x198: {  	[tilespmem:s13+$0xFFFFFF60] =	vst v1;
	v1 =	vmul.f32 v12, v7;
	v7 =	vld [tilespmem:s13+$0xFFFFFFD0]  }
0x199: {  	[tilespmem:s13+$0xFFFFFF70] =	vst v6;
	v6 =	vmul.f32 v12, v8;
	v8 =	vld [tilespmem:s13+$0xFFFFFFE0]  }
0x19a: {  	v10 =	vld [tilespmem:s13+$0xFFFFFFF0];
	[tilespmem:s13+$0xFFFFFF80] =	vst v1;
	v1 =	vmul.f32 v12, v13  }
0x19b: {  	[tilespmem:s13+$0xFFFFFF90] =	vst v6;
	v6 =	vmul.f32 v12, v11;
	v11 =	vld [tilespmem:s13+$0x0]  }
0x19c: {  	[tilespmem:s13+$0xFFFFFFA0] =	vst v1;
	v1 =	vmul.f32 v12, v9;
	v9 =	vld [tilespmem:s13+$0x10]  }
0x19d: {  	[tilespmem:s13+$0xFFFFFFB0] =	vst v6;
	v6 =	vmul.f32 v12, v7;
	v7 =	vld [tilespmem:s13+$0x20]  }
0x19e: {  	[tilespmem:s13+$0xFFFFFFC0] =	vst v1;
	v1 =	vmul.f32 v12, v8;
	v8 =	vld [tilespmem:s13+$0x30]  }
0x19f: {  	[tilespmem:s13+$0xFFFFFFD0] =	vst v6;
	v6 =	vmul.f32 v12, v10;
	v10 =	vld [tilespmem:s13+$0x40]  }
0x1a0: {  	[tilespmem:s13+$0xFFFFFFE0] =	vst v1;
	v1 =	vmul.f32 v5, v11;
	v11 =	vld [tilespmem:s13+$0x50]  }
0x1a1: {  	[tilespmem:s13+$0xFFFFFFF0] =	vst v6;
	v6 =	vmul.f32 v5, v9;
	v9 =	vld [tilespmem:s13+$0x60]  }
0x1a2: {  	[tilespmem:s13+$0x0] =	vst v1;
	v1 =	vmul.f32 v5, v7;
	v7 =	vld [tilespmem:s13+$0x70]  }
0x1a3: {  	[tilespmem:s13+$0x10] =	vst v6;
	v6 =	vmul.f32 v5, v8;
	v8 =	vld [tilespmem:s13+$0x80]  }
0x1a4: {  	[tilespmem:s13+$0x20] =	vst v1;
	v1 =	vmul.f32 v5, v10;
	v10 =	vld [tilespmem:s13+$0x90]  }
0x1a5: {  	[tilespmem:s13+$0x30] =	vst v6;
	v6 =	vmul.f32 v5, v11;
	v11 =	vld [tilespmem:s13+$0xA0]  }
0x1a6: {  	[tilespmem:s13+$0x40] =	vst v1;
	v1 =	vmul.f32 v5, v9;
	v9 =	vld [tilespmem:s13+$0xB0]  }
0x1a7: {  	[tilespmem:s13+$0x50] =	vst v6;
	v5 =	vmul.f32 v5, v7;
	v6 =	vld [tilespmem:s13+$0xC0]  }
0x1a8: {  	v7 =	vld [tilespmem:s13+$0xD0];
	[tilespmem:s13+$0x60] =	vst v1;
	v1 =	vmul.f32 v4, v8  }
0x1a9: {  	v8 =	vld [tilespmem:s13+$0xE0];
	[tilespmem:s13+$0x70] =	vst v5;
	v5 =	vmul.f32 v4, v10  }
0x1aa: {  	v10 =	vld [tilespmem:s13+$0xF0];
	[tilespmem:s13+$0x80] =	vst v1;
	v1 =	vmul.f32 v4, v11  }
0x1ab: {  	[tilespmem:s13+$0x90] =	vst v5;
	v5 =	vmul.f32 v4, v9;
	v9 =	vld [tilespmem:s13+$0x100]  }
0x1ac: {  	[tilespmem:s13+$0xA0] =	vst v1;
	v1 =	vmul.f32 v4, v6;
	v6 =	vld [tilespmem:s13+$0x110]  }
0x1ad: {  	[tilespmem:s13+$0xB0] =	vst v5;
	v5 =	vmul.f32 v4, v7;
	v7 =	vld [tilespmem:s13+$0x120]  }
0x1ae: {  	[tilespmem:s13+$0xC0] =	vst v1;
	v1 =	vmul.f32 v4, v8;
	v8 =	vld [tilespmem:s13+$0x130]  }
0x1af: {  	v4 =	vmul.f32 v4, v10;
	[tilespmem:s13+$0xD0] =	vst v5;
	v5 =	vld [tilespmem:s13+$0x140]  }
0x1b0: {  	[tilespmem:s13+$0xE0] =	vst v1;
	v1 =	vmul.f32 v3, v9;
	v9 =	vld [tilespmem:s13+$0x150]  }
0x1b1: {  	[tilespmem:s13+$0xF0] =	vst v4;
	v4 =	vmul.f32 v3, v6;
	v6 =	vld [tilespmem:s13+$0x160]  }
0x1b2: {  	[tilespmem:s13+$0x100] =	vst v1;
	v1 =	vmul.f32 v3, v7;
	v7 =	vld [tilespmem:s13+$0x180]  }
0x1b3: {  	[tilespmem:s13+$0x110] =	vst v4;
	v4 =	vmul.f32 v3, v8;
	v8 =	vld [tilespmem:s13+$0x190]  }
0x1b4: {  	[tilespmem:s13+$0x120] =	vst v1;
	v1 =	vmul.f32 v3, v5;
	v5 =	vld [tilespmem:s13+$0x1A0]  }
0x1b5: {  	[tilespmem:s13+$0x130] =	vst v4;
	v4 =	vmul.f32 v3, v9;
	v9 =	vld [tilespmem:s13+$0x1B0]  }
0x1b6: {  	[tilespmem:s13+$0x140] =	vst v1;
	v1 =	vmul.f32 v3, v6;
	v3 =	vld [tilespmem:s13+$0x1C0]  }
0x1b7: {  	v6 =	vld [tilespmem:s13+$0x1D0];
	[tilespmem:s13+$0x150] =	vst v4;
	v4 =	vmul.f32 v2, v7  }
0x1b8: {  	v7 =	vld [tilespmem:s13+$0x1E0];
	[tilespmem:s13+$0x160] =	vst v1;
	v1 =	vmul.f32 v2, v8  }
0x1b9: {  	[tilespmem:s13+$0x180] =	vst v4;
	v4 =	vmul.f32 v2, v5;
	v5 =	vld [tilespmem:s13+$0x1F0]  }
0x1ba: {  	[tilespmem:s13+$0x190] =	vst v1;
	v1 =	vmul.f32 v2, v9  }
0x1bb: {  	[tilespmem:s13+$0x1A0] =	vst v4;
	v3 =	vmul.f32 v2, v3  }
0x1bc: {  	[tilespmem:s13+$0x1B0] =	vst v1;
	v1 =	vmul.f32 v2, v6  }
0x1bd: {  	[tilespmem:s13+$0x1C0] =	vst v3;
	v3 =	vmul.f32 v2, v7  }
0x1be: {  	[tilespmem:s13+$0x1D0] =	vst v1;
	v1 =	vmul.f32 v2, v5  }
0x1bf: {  	[tilespmem:s13+$0x1E0] =	vst v3  }
0x1c0: {  	[tilespmem:s13+$0x1F0] =	vst v1  }
0x1c1: {  	s13 =	sld [smem:$0x7FB]  }
0x1c2: {  	[spmem:s2] =	stream.indirect.scatter.add.f32 [tilespmem:s26], [sflag:$0x3], $0x80, s22, s25, $0xb8;
	[tilespmem:$0x1D600] =	vst v63  }
0x1c3: {  	s17 =	simm.s32 $0x0  }
0x1c4: {  	[tilespmem:s17], [sflag:$0x5] =	stream.linear.gather [hbm4b:s13+s17], $0x180, $0x38;
	[tilespmem:$0x1D600] =	vst v63  }
0x1c5: {  	_ =	swait.ge [sflag:s6], $0x4000  }
0x1c6: {  	[sflag:s6] =	ssyncset.done $0x0  }
0x1c7: {  	[sflag:s6] =	ssyncadd.s32 $0xFFFFC000  }
0x1c8: {  	v1 =	vld [tilespmem:$0x280]  }
0x1c9: {  	v2 =	vld [tilespmem:$0x290]  }
0x1ca: {  	v3 =	vld [tilespmem:$0x2A0]  }
0x1cb: {  	v4 =	vld [tilespmem:$0x2B0]  }
0x1cc: {  	v5 =	vld [tilespmem:$0x2C0]  }
0x1cd: {  	[tilespmem:$0x480] =	vst v1;
	v1 =	vld [tilespmem:$0x2D0]  }
0x1ce: {  	[tilespmem:$0x490] =	vst v2;
	v2 =	vld [tilespmem:$0x2E0]  }
0x1cf: {  	[tilespmem:$0x4A0] =	vst v3;
	v3 =	vld [tilespmem:$0x2F0]  }
0x1d0: {  	[tilespmem:$0x4B0] =	vst v4  }
0x1d1: {  	[tilespmem:$0x4C0] =	vst v5  }
0x1d2: {  	[tilespmem:$0x4D0] =	vst v1  }
0x1d3: {  	[tilespmem:$0x4E0] =	vst v2  }
0x1d4: {  	s18 =	simm.s32 $0x6;
	[tilespmem:$0x4F0] =	vst v3;
	v1 =	vmov s17  }
0x1d5: {  	v2 =	vmov s18;
	_ =	swait.ge [sflag:s7], $0x4000;
	v1 =	vand.u32 $0xFFFFFFF8, v1  }
0x1d6: {  	v2 =	vand.u32 $0xFFFFFFFE, v2;
	[sflag:s7] =	ssyncset.done $0x0;
	v1 =	vbroadcast v1, $0x0  }
0x1d7: {  	v2 =	vbroadcast v2, $0x0;
	[sflag:s7] =	ssyncadd.s32 $0xFFFFC000  }
0x1d8: {  	_ =	swait.ge [sflag:s24], $0x180  }
0x1d9: {  	[sflag:s24] =	ssyncset.done $0x0  }
0x1da: {  	[sflag:s24] =	ssyncadd.s32 $0xFFFFFE80  }
0x1db: {  	[tilespmem:s26], [sflag:$0x1] =	stream.indirect.gather [hbm4b:s1+s25], $0x80, s17, s25, $0xb8;
	[tilespmem:$0x1D600] =	vst v63  }
0x1dc: {  	v1 =	vld.idx.msk [tilespmem:v1+s8+$0x0], $0xffff  }
0x1dd: {  	s28 =	simm.s32 $0x1;
	s12 =	simm.s32 $0x4700;
	v2 =	vld.idx.msk [tilespmem:v2+s8+$0x0], $0xffff  }
0x1de: {  	v3 =	vmov s28;
	v4 =	vld [tilespmem:s12+$0x170]  }
0x1df: {  	v3 =	vand.u32 $0xFFFFFFF9, v3;
	v5 =	vld [tilespmem:s12+$0xFFFFFE00]  }
0x1e0: {  	v3 =	vbroadcast v3, $0x0;
	v6 =	vld [tilespmem:s12+$0xFFFFFE10]  }
0x1e1: {  	v7 =	vld [tilespmem:s12+$0xFFFFFE20]  }
0x1e2: {  	v8 =	vld [tilespmem:s12+$0xFFFFFE30]  }
0x1e3: {  	v9 =	vld [tilespmem:s12+$0xFFFFFE40]  }
0x1e4: {  	v10 =	vld [tilespmem:s12+$0xFFFFFE50]  }
0x1e5: {  	v11 =	vld [tilespmem:s12+$0xFFFFFE60]  }
0x1e6: {  	v3 =	vld.idx.msk [tilespmem:v3+s8+$0x0], $0xffff  }
0x1e7: {  	v12 =	vld [tilespmem:s12+$0xFFFFFE70]  }
0x1e8: {  	v13 =	vld [tilespmem:s12+$0xFFFFFE80];
	v5 =	vmul.f32 v1, v5  }
0x1e9: {  	v14 =	vld [tilespmem:s12+$0xFFFFFE90];
	v4 =	vmul.f32 v2, v4  }
0x1ea: {  	v15 =	vld [tilespmem:s12+$0xFFFFFEA0];
	v6 =	vmul.f32 v1, v6;
	[tilespmem:s12+$0xFFFFFE00] =	vst v5  }
0x1eb: {  	s14 =	simm.s32 $0x2;
	v16 =	vld [tilespmem:s12+$0xFFFFFEB0];
	v8 =	vmul.f32 v1, v8;
	[tilespmem:s12+$0x170] =	vst v4  }
0x1ec: {  	v9 =	vmul.f32 v1, v9;
	v5 =	vmov s14;
	v4 =	vmul.f32 v1, v7;
	v7 =	vld [tilespmem:s12+$0xFFFFFEC0];
	[tilespmem:s12+$0xFFFFFE10] =	vst v6  }
0x1ed: {  	v6 =	vmul.f32 v3, v13;
	v13 =	vld [tilespmem:s12+$0xFFFFFED0];
	[tilespmem:s12+$0xFFFFFE30] =	vst v8;
	v5 =	vand.u32 $0xFFFFFFFA, v5  }
0x1ee: {  	v8 =	vmul.f32 v1, v10;
	v10 =	vld [tilespmem:s12+$0xFFFFFEF0];
	[tilespmem:s12+$0xFFFFFE40] =	vst v9;
	v5 =	vbroadcast v5, $0x0  }
0x1ef: {  	v9 =	vmul.f32 v1, v11;
	v11 =	vld [tilespmem:s12+$0xFFFFFF00];
	[tilespmem:s12+$0xFFFFFE20] =	vst v4  }
0x1f0: {  	v1 =	vmul.f32 v1, v12;
	v12 =	vld [tilespmem:s12+$0xFFFFFF20];
	[tilespmem:s12+$0xFFFFFE80] =	vst v6  }
0x1f1: {  	s15 =	simm.s32 $0x3;
	v4 =	vld [tilespmem:s12+$0xFFFFFEE0];
	[tilespmem:s12+$0xFFFFFE50] =	vst v8  }
0x1f2: {  	v6 =	vmov s15;
	v8 =	vld [tilespmem:s12+$0xFFFFFF10];
	[tilespmem:s12+$0xFFFFFE60] =	vst v9;
	v9 =	vmul.f32 v3, v14  }
0x1f3: {  	[tilespmem:s12+$0xFFFFFE70] =	vst v1;
	v1 =	vmul.f32 v3, v15;
	v14 =	vld [tilespmem:s12+$0xFFFFFF30];
	v6 =	vand.u32 $0xFFFFFFFB, v6  }
0x1f4: {  	v6 =	vbroadcast v6, $0x0;
	[tilespmem:s12+$0xFFFFFE90] =	vst v9;
	v9 =	vmul.f32 v3, v16;
	v5 =	vld.idx.msk [tilespmem:v5+s8+$0x0], $0xffff  }
0x1f5: {  	v15 =	vld [tilespmem:s12+$0xFFFFFF40];
	[tilespmem:s12+$0xFFFFFEA0] =	vst v1;
	v7 =	vmul.f32 v3, v7  }
0x1f6: {  	v13 =	vmul.f32 v3, v13;
	[tilespmem:s12+$0xFFFFFEB0] =	vst v9;
	v9 =	vld [tilespmem:s12+$0xFFFFFF60]  }
0x1f7: {  	[tilespmem:s12+$0xFFFFFEC0] =	vst v7;
	v4 =	vmul.f32 v3, v4;
	v7 =	vld [tilespmem:s12+$0xFFFFFF70]  }
0x1f8: {  	[tilespmem:s12+$0xFFFFFED0] =	vst v13;
	v3 =	vmul.f32 v3, v10;
	v10 =	vld [tilespmem:s12+$0xFFFFFF80]  }
0x1f9: {  	v13 =	vld [tilespmem:s12+$0xFFFFFFB0];
	[tilespmem:s12+$0xFFFFFEE0] =	vst v4;
	v1 =	vmul.f32 v5, v11  }
0x1fa: {  	[tilespmem:s12+$0xFFFFFEF0] =	vst v3;
	v6 =	vld.idx.msk [tilespmem:v6+s8+$0x0], $0xffff;
	v4 =	vmul.f32 v5, v8  }
0x1fb: {  	s16 =	simm.s32 $0x4;
	v11 =	vld [tilespmem:s12+$0xFFFFFF50];
	v3 =	vmul.f32 v5, v12;
	[tilespmem:s12+$0xFFFFFF00] =	vst v1  }
0x1fc: {  	v8 =	vld [tilespmem:s12+$0xFFFFFF90];
	v9 =	vmul.f32 v5, v9;
	v1 =	vmov s16;
	[tilespmem:s12+$0xFFFFFF10] =	vst v4  }
0x1fd: {  	v12 =	vld [tilespmem:s12+$0xFFFFFFA0];
	v4 =	vmul.f32 v5, v14;
	[tilespmem:s12+$0xFFFFFF20] =	vst v3;
	v1 =	vand.u32 $0xFFFFFFFC, v1  }
0x1fe: {  	v3 =	vmul.f32 v5, v15;
	v14 =	vld [tilespmem:s12+$0xFFFFFFC0];
	[tilespmem:s12+$0xFFFFFF60] =	vst v9;
	v1 =	vbroadcast v1, $0x0  }
0x1ff: {  	v9 =	vld [tilespmem:s12+$0x0];
	[tilespmem:s12+$0xFFFFFF30] =	vst v4;
	v4 =	vmul.f32 v6, v10  }
0x200: {  	s17 =	simm.s32 $0x5;
	v10 =	vld [tilespmem:s12+$0xFFFFFFD0];
	[tilespmem:s12+$0xFFFFFF40] =	vst v3;
	v11 =	vmul.f32 v5, v11  }
0x201: {  	v3 =	vld [tilespmem:s12+$0xFFFFFFE0];
	v5 =	vmul.f32 v5, v7;
	[tilespmem:s12+$0xFFFFFF80] =	vst v4;
	v4 =	vmov s17  }
0x202: {  	v7 =	vld [tilespmem:s12+$0xFFFFFFF0];
	v8 =	vmul.f32 v6, v8;
	[tilespmem:s12+$0xFFFFFF50] =	vst v11;
	v4 =	vand.u32 $0xFFFFFFFD, v4  }
0x203: {  	[tilespmem:s12+$0xFFFFFF70] =	vst v5;
	v5 =	vmul.f32 v6, v12;
	v11 =	vld [tilespmem:s12+$0x10];
	v4 =	vbroadcast v4, $0x0  }
0x204: {  	[tilespmem:s12+$0xFFFFFF90] =	vst v8;
	v8 =	vmul.f32 v6, v13;
	v1 =	vld.idx.msk [tilespmem:v1+s8+$0x0], $0xffff  }
0x205: {  	v12 =	vld [tilespmem:s12+$0x20];
	[tilespmem:s12+$0xFFFFFFA0] =	vst v5;
	v5 =	vmul.f32 v6, v14  }
0x206: {  	v13 =	vld [tilespmem:s12+$0x30];
	[tilespmem:s12+$0xFFFFFFB0] =	vst v8;
	v8 =	vmul.f32 v6, v10  }
0x207: {  	v10 =	vld [tilespmem:s12+$0x40];
	v3 =	vmul.f32 v6, v3;
	[tilespmem:s12+$0xFFFFFFC0] =	vst v5  }
0x208: {  	v6 =	vmul.f32 v6, v7;
	[tilespmem:s12+$0xFFFFFFD0] =	vst v8;
	v8 =	vld [tilespmem:s12+$0x60]  }
0x209: {  	[tilespmem:s12+$0xFFFFFFE0] =	vst v3;
	v4 =	vld.idx.msk [tilespmem:v4+s8+$0x0], $0xffff;
	v5 =	vmul.f32 v1, v9  }
0x20a: {  	[tilespmem:s12+$0xFFFFFFF0] =	vst v6;
	v9 =	vld [tilespmem:s12+$0x50];
	v6 =	vmul.f32 v1, v12  }
0x20b: {  	v3 =	vmul.f32 v1, v11;
	v11 =	vld [tilespmem:s12+$0x90];
	[tilespmem:s12+$0x0] =	vst v5  }
0x20c: {  	v7 =	vld [tilespmem:s12+$0x80];
	[tilespmem:s12+$0x20] =	vst v6;
	v6 =	vmul.f32 v1, v10  }
0x20d: {  	v5 =	vld [tilespmem:s12+$0x70];
	[tilespmem:s12+$0x10] =	vst v3;
	v3 =	vmul.f32 v1, v13  }
0x20e: {  	v10 =	vld [tilespmem:s12+$0xA0];
	[tilespmem:s12+$0x40] =	vst v6;
	v6 =	vmul.f32 v1, v8  }
0x20f: {  	[tilespmem:s12+$0x30] =	vst v3;
	v8 =	vld [tilespmem:s12+$0xC0];
	v3 =	vmul.f32 v1, v9  }
0x210: {  	v9 =	vld [tilespmem:s12+$0xB0];
	v11 =	vmul.f32 v4, v11;
	[tilespmem:s12+$0x60] =	vst v6  }
0x211: {  	v6 =	vld [tilespmem:s12+$0xE0];
	[tilespmem:s12+$0x50] =	vst v3;
	v3 =	vmul.f32 v4, v7  }
0x212: {  	v7 =	vld [tilespmem:s12+$0xD0];
	v5 =	vmul.f32 v1, v5;
	[tilespmem:s12+$0x90] =	vst v11  }
0x213: {  	v11 =	vld [tilespmem:s12+$0x150];
	[tilespmem:s12+$0x80] =	vst v3  }
0x214: {  	[tilespmem:s12+$0x70] =	vst v5;
	v3 =	vmul.f32 v4, v10;
	v5 =	vld [tilespmem:s12+$0xF0]  }
0x215: {  	v10 =	vld [tilespmem:s12+$0x100];
	v9 =	vmul.f32 v4, v9  }
0x216: {  	s18 =	simm.s32 $0x7;
	[tilespmem:s12+$0xA0] =	vst v3;
	v3 =	vmul.f32 v4, v8;
	v8 =	vld [tilespmem:s12+$0x110]  }
0x217: {  	v14 =	vld [tilespmem:s12+$0x180];
	v12 =	vmov s18;
	[tilespmem:s12+$0xB0] =	vst v9;
	v7 =	vmul.f32 v4, v7  }
0x218: {  	v9 =	vld [tilespmem:s12+$0x120];
	v11 =	vmul.f32 v2, v11;
	[tilespmem:s12+$0xC0] =	vst v3  }
0x219: {  	s18 =	simm.s32 $0xC;
	v3 =	vmul.f32 v4, v6;
	v6 =	vld [tilespmem:s12+$0x130];
	[tilespmem:s12+$0xD0] =	vst v7;
	v4 =	vmul.f32 v4, v5  }
0x21a: {  	s28 =	simm.s32 $0x8;
	v15 =	vmov s18;
	v5 =	vld [tilespmem:s12+$0x140];
	[tilespmem:s12+$0x150] =	vst v11  }
0x21b: {  	s15 =	simm.s32 $0xA;
	s16 =	simm.s32 $0x9;
	v7 =	vmov s28;
	v10 =	vmul.f32 v2, v10;
	[tilespmem:s12+$0xF0] =	vst v4;
	v4 =	vmul.f32 v2, v8;
	v8 =	vld [tilespmem:s12+$0x160]  }
0x21c: {  	s14 =	simm.s32 $0xF;
	v13 =	vmov s15;
	v1 =	vld.idx.msk [tilespmem:v12+s8+$0x0], $0xffff;
	v12 =	vmov s16;
	s28 =	simm.s32 $0xD;
	[tilespmem:s12+$0xE0] =	vst v3;
	v7 =	vand.u32 $0xFFFFFFF8, v7  }
0x21d: {  	v17 =	vld [tilespmem:s12+$0x190];
	s17 =	simm.s32 $0xB;
	v3 =	vmov s14;
	v63 =	vmov s28;
	[tilespmem:s12+$0x100] =	vst v10;
	v9 =	vmul.f32 v2, v9  }
0x21e: {  	v10 =	vmov s17;
	[tilespmem:s12+$0x110] =	vst v4;
	v16 =	vmul.f32 v2, v6;
	v4 =	vbroadcast v7, $0x0;
	v6 =	vld [tilespmem:s12+$0x1A0]  }
0x21f: {  	v7 =	vld [tilespmem:s12+$0x1B0];
	[tilespmem:s12+$0x120] =	vst v9;
	v9 =	vmul.f32 v2, v5;
	v5 =	vand.u32 $0xFFFFFFF9, v12;
	v12 =	vand.u32 $0xFFFFFFFA, v13  }
0x220: {  	v13 =	vand.u32 $0xFFFFFFFB, v10;
	[tilespmem:s12+$0x130] =	vst v16;
	v5 =	vbroadcast v5, $0x0;
	v16 =	vmul.f32 v2, v8;
	v8 =	vld [tilespmem:s12+$0x1C0]  }
0x221: {  	v10 =	vbroadcast v12, $0x0;
	[tilespmem:s12+$0x140] =	vst v9;
	v2 =	vand.u32 $0xFFFFFFFC, v15;
	v15 =	vmul.f32 v1, v14;
	v9 =	vld [tilespmem:s12+$0x1D0]  }
0x222: {  	s13 =	simm.s32 $0x10;
	v11 =	vld [tilespmem:s12+$0x1E0];
	s14 =	simm.s32 $0xE;
	v12 =	vbroadcast v13, $0x0;
	v13 =	vmul.f32 v1, v17;
	v14 =	vand.u32 $0xFFFFFFFD, v63;
	[tilespmem:s12+$0x160] =	vst v16  }
.LBB2_6:
0x223: {  	p1 =	slt.u32 s13, $0x78;
	v2 =	vbroadcast v2, $0x0;
	v16 =	vmov s14;
	[tilespmem:s12+$0x180] =	vst v15;
	v6 =	vmul.f32 v1, v6;
	v15 =	vld [tilespmem:s12+$0x1F0]  }
0x224: {  	v14 =	vbroadcast v14, $0x0;
	v16 =	vand.u32 $0xFFFFFFFE, v16;
	v17 =	vld.idx.msk [tilespmem:v3+s8+$0x0], $0xffff;
	[tilespmem:s12+$0x190] =	vst v13;
	v3 =	vmul.f32 v1, v7  }
0x225: {  	v7 =	vld.idx.msk [tilespmem:v4+s8+$0x0], $0xffff;
	v13 =	vbroadcast v16, $0x0;
	[tilespmem:s12+$0x1A0] =	vst v6;
	v4 =	vmul.f32 v1, v8  }
0x226: {  	v6 =	vld.idx.msk [tilespmem:v5+s8+$0x0], $0xffff;
	[tilespmem:s12+$0x1B0] =	vst v3;
	v3 =	vmul.f32 v1, v9  }
0x227: {  	v8 =	vld.idx.msk [tilespmem:v10+s8+$0x0], $0xffff;
	[tilespmem:s12+$0x1C0] =	vst v4;
	v9 =	vmul.f32 v1, v11  }
0x228: {  	v5 =	vld.idx.msk [tilespmem:v12+s8+$0x0], $0xffff;
	[tilespmem:s12+$0x1D0] =	vst v3;
	v10 =	vmul.f32 v1, v15  }
0x229: {  	v4 =	vld.idx.msk [tilespmem:v2+s8+$0x0], $0xffff;
	[tilespmem:s12+$0x1E0] =	vst v9  }
0x22a: {  	v1 =	vmov v17;
	v3 =	vld.idx.msk [tilespmem:v14+s8+$0x0], $0xffff;
	[tilespmem:s12+$0x1F0] =	vst v10  }
0x22b: {  	s12 =	sadd.s32 $0x400, s12;
	v2 =	vld.idx.msk [tilespmem:v13+s8+$0x0], $0xffff  }
0x22c: {  	v9 =	vld [tilespmem:s12+$0x170]  }
0x22d: {  	v10 =	vld [tilespmem:s12+$0xFFFFFE00]  }
0x22e: {  	v11 =	vld [tilespmem:s12+$0xFFFFFE10]  }
0x22f: {  	v12 =	vld [tilespmem:s12+$0xFFFFFE20]  }
0x230: {  	v13 =	vld [tilespmem:s12+$0xFFFFFE30]  }
0x231: {  	v14 =	vld [tilespmem:s12+$0xFFFFFE40];
	v9 =	vmul.f32 v2, v9  }
0x232: {  	v10 =	vmul.f32 v7, v10;
	v15 =	vld [tilespmem:s12+$0xFFFFFE50]  }
0x233: {  	v11 =	vmul.f32 v7, v11;
	v16 =	vld [tilespmem:s12+$0xFFFFFE60];
	[tilespmem:s12+$0x170] =	vst v9  }
0x234: {  	[tilespmem:s12+$0xFFFFFE00] =	vst v10;
	v9 =	vmul.f32 v7, v12;
	v10 =	vld [tilespmem:s12+$0xFFFFFE70]  }
0x235: {  	[tilespmem:s12+$0xFFFFFE10] =	vst v11;
	v11 =	vmul.f32 v7, v13;
	v12 =	vld [tilespmem:s12+$0xFFFFFE80]  }
0x236: {  	[tilespmem:s12+$0xFFFFFE20] =	vst v9;
	v9 =	vmul.f32 v7, v14;
	v13 =	vld [tilespmem:s12+$0xFFFFFE90]  }
0x237: {  	[tilespmem:s12+$0xFFFFFE30] =	vst v11;
	v11 =	vmul.f32 v7, v15;
	v14 =	vld [tilespmem:s12+$0xFFFFFEA0]  }
0x238: {  	[tilespmem:s12+$0xFFFFFE40] =	vst v9;
	v9 =	vmul.f32 v7, v16;
	v15 =	vld [tilespmem:s12+$0xFFFFFEB0]  }
0x239: {  	[tilespmem:s12+$0xFFFFFE50] =	vst v11;
	v7 =	vmul.f32 v7, v10;
	v10 =	vld [tilespmem:s12+$0xFFFFFEC0]  }
0x23a: {  	[tilespmem:s12+$0xFFFFFE60] =	vst v9;
	v9 =	vmul.f32 v6, v12;
	v11 =	vld [tilespmem:s12+$0xFFFFFED0]  }
0x23b: {  	[tilespmem:s12+$0xFFFFFE70] =	vst v7;
	v7 =	vmul.f32 v6, v13;
	v12 =	vld [tilespmem:s12+$0xFFFFFEE0]  }
0x23c: {  	[tilespmem:s12+$0xFFFFFE80] =	vst v9;
	v9 =	vmul.f32 v6, v14;
	v13 =	vld [tilespmem:s12+$0xFFFFFEF0]  }
0x23d: {  	[tilespmem:s12+$0xFFFFFE90] =	vst v7;
	v7 =	vmul.f32 v6, v15;
	v14 =	vld [tilespmem:s12+$0xFFFFFF00]  }
0x23e: {  	[tilespmem:s12+$0xFFFFFEA0] =	vst v9;
	v9 =	vmul.f32 v6, v10;
	v10 =	vld [tilespmem:s12+$0xFFFFFF10]  }
0x23f: {  	[tilespmem:s12+$0xFFFFFEB0] =	vst v7;
	v7 =	vmul.f32 v6, v11;
	v11 =	vld [tilespmem:s12+$0xFFFFFF20]  }
0x240: {  	[tilespmem:s12+$0xFFFFFEC0] =	vst v9;
	v9 =	vmul.f32 v6, v12;
	v12 =	vld [tilespmem:s12+$0xFFFFFF30]  }
0x241: {  	[tilespmem:s12+$0xFFFFFED0] =	vst v7;
	v6 =	vmul.f32 v6, v13;
	v7 =	vld [tilespmem:s12+$0xFFFFFF40]  }
0x242: {  	[tilespmem:s12+$0xFFFFFEE0] =	vst v9;
	v9 =	vmul.f32 v8, v14;
	v13 =	vld [tilespmem:s12+$0xFFFFFF50]  }
0x243: {  	[tilespmem:s12+$0xFFFFFEF0] =	vst v6;
	v6 =	vmul.f32 v8, v10;
	v10 =	vld [tilespmem:s12+$0xFFFFFF60]  }
0x244: {  	[tilespmem:s12+$0xFFFFFF00] =	vst v9;
	v9 =	vmul.f32 v8, v11;
	v11 =	vld [tilespmem:s12+$0xFFFFFF70]  }
0x245: {  	[tilespmem:s12+$0xFFFFFF10] =	vst v6;
	v6 =	vmul.f32 v8, v12;
	v12 =	vld [tilespmem:s12+$0xFFFFFF80]  }
0x246: {  	[tilespmem:s12+$0xFFFFFF20] =	vst v9;
	v7 =	vmul.f32 v8, v7;
	v9 =	vld [tilespmem:s12+$0xFFFFFF90]  }
0x247: {  	[tilespmem:s12+$0xFFFFFF30] =	vst v6;
	v6 =	vmul.f32 v8, v13;
	v13 =	vld [tilespmem:s12+$0xFFFFFFA0]  }
0x248: {  	[tilespmem:s12+$0xFFFFFF40] =	vst v7;
	v7 =	vmul.f32 v8, v10;
	v10 =	vld [tilespmem:s12+$0xFFFFFFB0]  }
0x249: {  	[tilespmem:s12+$0xFFFFFF50] =	vst v6;
	v6 =	vmul.f32 v8, v11;
	v8 =	vld [tilespmem:s12+$0xFFFFFFC0]  }
0x24a: {  	[tilespmem:s12+$0xFFFFFF60] =	vst v7;
	v7 =	vmul.f32 v5, v12;
	v11 =	vld [tilespmem:s12+$0xFFFFFFD0]  }
0x24b: {  	[tilespmem:s12+$0xFFFFFF70] =	vst v6;
	v6 =	vmul.f32 v5, v9;
	v9 =	vld [tilespmem:s12+$0xFFFFFFE0]  }
0x24c: {  	[tilespmem:s12+$0xFFFFFF80] =	vst v7;
	v7 =	vmul.f32 v5, v13;
	v12 =	vld [tilespmem:s12+$0xFFFFFFF0]  }
0x24d: {  	[tilespmem:s12+$0xFFFFFF90] =	vst v6;
	v6 =	vmul.f32 v5, v10;
	v10 =	vld [tilespmem:s12+$0x0]  }
0x24e: {  	[tilespmem:s12+$0xFFFFFFA0] =	vst v7;
	v7 =	vmul.f32 v5, v8;
	v8 =	vld [tilespmem:s12+$0x10]  }
0x24f: {  	[tilespmem:s12+$0xFFFFFFB0] =	vst v6;
	v6 =	vmul.f32 v5, v11;
	v11 =	vld [tilespmem:s12+$0x20]  }
0x250: {  	[tilespmem:s12+$0xFFFFFFC0] =	vst v7;
	v7 =	vmul.f32 v5, v9;
	v9 =	vld [tilespmem:s12+$0x30]  }
0x251: {  	[tilespmem:s12+$0xFFFFFFD0] =	vst v6;
	v5 =	vmul.f32 v5, v12;
	v6 =	vld [tilespmem:s12+$0x40]  }
0x252: {  	[tilespmem:s12+$0xFFFFFFE0] =	vst v7;
	v7 =	vmul.f32 v4, v10;
	v10 =	vld [tilespmem:s12+$0x50]  }
0x253: {  	[tilespmem:s12+$0xFFFFFFF0] =	vst v5;
	v5 =	vmul.f32 v4, v8;
	v8 =	vld [tilespmem:s12+$0x60]  }
0x254: {  	[tilespmem:s12+$0x0] =	vst v7;
	v7 =	vmul.f32 v4, v11;
	v11 =	vld [tilespmem:s12+$0x70]  }
0x255: {  	[tilespmem:s12+$0x10] =	vst v5;
	v5 =	vmul.f32 v4, v9;
	v9 =	vld [tilespmem:s12+$0x80]  }
0x256: {  	[tilespmem:s12+$0x20] =	vst v7;
	v6 =	vmul.f32 v4, v6;
	v7 =	vld [tilespmem:s12+$0x90]  }
0x257: {  	[tilespmem:s12+$0x30] =	vst v5;
	v5 =	vmul.f32 v4, v10;
	v10 =	vld [tilespmem:s12+$0xA0]  }
0x258: {  	[tilespmem:s12+$0x40] =	vst v6;
	v6 =	vmul.f32 v4, v8;
	v8 =	vld [tilespmem:s12+$0xB0]  }
0x259: {  	[tilespmem:s12+$0x50] =	vst v5;
	v4 =	vmul.f32 v4, v11;
	v5 =	vld [tilespmem:s12+$0xC0]  }
0x25a: {  	[tilespmem:s12+$0x60] =	vst v6;
	v6 =	vmul.f32 v3, v9;
	v9 =	vld [tilespmem:s12+$0xD0]  }
0x25b: {  	[tilespmem:s12+$0x70] =	vst v4;
	v4 =	vmul.f32 v3, v7;
	v7 =	vld [tilespmem:s12+$0xE0]  }
0x25c: {  	[tilespmem:s12+$0x80] =	vst v6;
	v6 =	vmul.f32 v3, v10;
	v10 =	vld [tilespmem:s12+$0xF0]  }
0x25d: {  	[tilespmem:s12+$0x90] =	vst v4;
	v4 =	vmul.f32 v3, v8;
	v8 =	vld [tilespmem:s12+$0x100]  }
0x25e: {  	[tilespmem:s12+$0xA0] =	vst v6;
	v5 =	vmul.f32 v3, v5;
	v6 =	vld [tilespmem:s12+$0x110]  }
0x25f: {  	[tilespmem:s12+$0xB0] =	vst v4;
	v4 =	vmul.f32 v3, v9;
	v9 =	vld [tilespmem:s12+$0x120]  }
0x260: {  	[tilespmem:s12+$0xC0] =	vst v5;
	v5 =	vmul.f32 v3, v7;
	v7 =	vld [tilespmem:s12+$0x130]  }
0x261: {  	[tilespmem:s12+$0xD0] =	vst v4;
	v4 =	vmul.f32 v3, v10;
	v10 =	vld [tilespmem:s12+$0x140]  }
0x262: {  	s14 =	sadd.s32 $0x7, s13;
	v3 =	vmov s13;
	[tilespmem:s12+$0xE0] =	vst v5;
	v5 =	vmul.f32 v2, v8;
	v8 =	vld [tilespmem:s12+$0x150]  }
0x263: {  	s15 =	sadd.s32 $0x1, s13;
	s16 =	sadd.s32 $0x2, s13;
	v11 =	vand.u32 $0xFFFFFFF8, v3;
	v3 =	vmov s14;
	[tilespmem:s12+$0xF0] =	vst v4;
	v4 =	vmul.f32 v2, v6;
	v12 =	vld [tilespmem:s12+$0x160]  }
0x264: {  	v14 =	vmov s16;
	v13 =	vmov s15;
	s15 =	sadd.s32 $0x4, s13;
	s14 =	sadd.s32 $0x3, s13;
	[tilespmem:s12+$0x100] =	vst v5;
	v5 =	vmul.f32 v2, v9;
	v9 =	vld [tilespmem:s12+$0x180]  }
0x265: {  	v16 =	vmov s15;
	v15 =	vmov s14;
	s14 =	sadd.s32 $0x5, s13;
	[tilespmem:s12+$0x110] =	vst v4;
	v7 =	vmul.f32 v2, v7;
	v17 =	vld [tilespmem:s12+$0x190]  }
.Ltmp4:
0x266: {  	v4 =	vbroadcast v11, $0x0;
	v11 =	vmov s14;
	[tilespmem:s12+$0x120] =	vst v5;
	v10 =	vmul.f32 v2, v10;
	v6 =	vld [tilespmem:s12+$0x1A0];
	(pc) =	sbr.rel @p1 .LBB2_6-.Ltmp4, $4  }
0x267: {  	v5 =	vand.u32 $0xFFFFFFF9, v13;
	v13 =	vand.u32 $0xFFFFFFFA, v14;
	[tilespmem:s12+$0x130] =	vst v7;
	v14 =	vmul.f32 v2, v8;
	v7 =	vld [tilespmem:s12+$0x1B0]  }
0x268: {  	v18 =	vand.u32 $0xFFFFFFFB, v15;
	v5 =	vbroadcast v5, $0x0;
	[tilespmem:s12+$0x140] =	vst v10;
	v19 =	vmul.f32 v2, v12;
	v8 =	vld [tilespmem:s12+$0x1C0]  }
0x269: {  	v10 =	vbroadcast v13, $0x0;
	v2 =	vand.u32 $0xFFFFFFFC, v16;
	[tilespmem:s12+$0x150] =	vst v14;
	v15 =	vmul.f32 v1, v9;
	v9 =	vld [tilespmem:s12+$0x1D0]  }
0x26a: {  	s14 =	sadd.s32 $0x6, s13;
	s13 =	sadd.s32 $0x8, s13;
	v12 =	vbroadcast v18, $0x0;
	v14 =	vand.u32 $0xFFFFFFFD, v11;
	[tilespmem:s12+$0x160] =	vst v19;
	v13 =	vmul.f32 v1, v17;
	v11 =	vld [tilespmem:s12+$0x1E0]  }
0x26b: {  	_ =	sdelay $0x2  }
0x26c: {  	v16 =	vld [tilespmem:s12+$0x1F0]  }
0x26d: {  	v18 =	vld.idx.msk [tilespmem:v4+s8+$0x0], $0xffff  }
0x26e: {  	v23 =	vld.idx.msk [tilespmem:v5+s8+$0x0], $0xffff  }
0x26f: {  	v22 =	vbroadcast v2, $0x0;
	v2 =	vmov s14;
	v10 =	vld.idx.msk [tilespmem:v10+s8+$0x0], $0xffff  }
0x270: {  	v17 =	vand.u32 $0xFFFFFFFE, v2;
	v2 =	vld.idx.msk [tilespmem:v3+s8+$0x0], $0xffff  }
0x271: {  	s13 =	sadd.s32 $0x400, s12;
	v12 =	vld.idx.msk [tilespmem:v12+s8+$0x0], $0xffff  }
0x272: {  	v24 =	vld [tilespmem:s13+$0x170]  }
0x273: {  	v26 =	vld [tilespmem:s13+$0xFFFFFE00]  }
0x274: {  	v28 =	vld [tilespmem:s13+$0xFFFFFE10]  }
0x275: {  	[tilespmem:s12+$0x180] =	vst v15;
	v6 =	vmul.f32 v1, v6;
	v30 =	vld [tilespmem:s13+$0xFFFFFE20]  }
0x276: {  	[tilespmem:s12+$0x190] =	vst v13;
	v7 =	vmul.f32 v1, v7;
	v31 =	vld [tilespmem:s13+$0xFFFFFE30]  }
0x277: {  	v32 =	vld [tilespmem:s13+$0xFFFFFE40];
	[tilespmem:s12+$0x1A0] =	vst v6;
	v25 =	vmul.f32 v1, v8  }
0x278: {  	v33 =	vld [tilespmem:s13+$0xFFFFFE50];
	[tilespmem:s12+$0x1B0] =	vst v7;
	v27 =	vmul.f32 v1, v9  }
0x279: {  	v34 =	vld [tilespmem:s13+$0xFFFFFE60];
	[tilespmem:s12+$0x1C0] =	vst v25;
	v29 =	vmul.f32 v1, v11  }
0x27a: {  	v35 =	vld [tilespmem:s13+$0xFFFFFE70];
	[tilespmem:s12+$0x1D0] =	vst v27;
	v1 =	vmul.f32 v1, v16  }
0x27b: {  	v36 =	vld [tilespmem:s13+$0xFFFFFE80];
	[tilespmem:s12+$0x1E0] =	vst v29;
	v9 =	vmul.f32 v18, v28  }
0x27c: {  	v37 =	vld [tilespmem:s13+$0xFFFFFE90];
	[tilespmem:s12+$0x1F0] =	vst v1;
	v1 =	vmul.f32 v18, v26  }
0x27d: {  	v39 =	vld [tilespmem:s13+$0xFFFFFEA0];
	v7 =	vmul.f32 v18, v31;
	[tilespmem:s13+$0xFFFFFE10] =	vst v9  }
0x27e: {  	v40 =	vld [tilespmem:s13+$0xFFFFFEB0];
	[tilespmem:s13+$0xFFFFFE00] =	vst v1;
	v1 =	vmul.f32 v18, v30  }
0x27f: {  	v42 =	vld [tilespmem:s13+$0xFFFFFEC0];
	v38 =	vmul.f32 v18, v33;
	[tilespmem:s13+$0xFFFFFE30] =	vst v7  }
0x280: {  	v43 =	vld [tilespmem:s13+$0xFFFFFED0];
	[tilespmem:s13+$0xFFFFFE20] =	vst v1;
	v1 =	vmul.f32 v18, v32  }
0x281: {  	v44 =	vld [tilespmem:s13+$0xFFFFFEE0];
	v41 =	vmul.f32 v18, v35;
	[tilespmem:s13+$0xFFFFFE50] =	vst v38  }
0x282: {  	v45 =	vld [tilespmem:s13+$0xFFFFFEF0];
	[tilespmem:s13+$0xFFFFFE40] =	vst v1;
	v1 =	vmul.f32 v18, v34  }
0x283: {  	v47 =	vld [tilespmem:s13+$0xFFFFFF00];
	v6 =	vmul.f32 v23, v37;
	[tilespmem:s13+$0xFFFFFE70] =	vst v41  }
0x284: {  	v48 =	vld [tilespmem:s13+$0xFFFFFF10];
	[tilespmem:s13+$0xFFFFFE60] =	vst v1;
	v1 =	vmul.f32 v23, v36  }
0x285: {  	v50 =	vld [tilespmem:s13+$0xFFFFFF20];
	v46 =	vmul.f32 v23, v40;
	[tilespmem:s13+$0xFFFFFE90] =	vst v6  }
0x286: {  	v51 =	vld [tilespmem:s13+$0xFFFFFF30];
	[tilespmem:s13+$0xFFFFFE80] =	vst v1;
	v1 =	vmul.f32 v23, v39  }
0x287: {  	v53 =	vld [tilespmem:s13+$0xFFFFFF40];
	v49 =	vmul.f32 v23, v43;
	[tilespmem:s13+$0xFFFFFEB0] =	vst v46  }
0x288: {  	v54 =	vld [tilespmem:s13+$0xFFFFFF50];
	[tilespmem:s13+$0xFFFFFEA0] =	vst v1;
	v1 =	vmul.f32 v23, v42  }
0x289: {  	v56 =	vld [tilespmem:s13+$0xFFFFFF60];
	v52 =	vmul.f32 v23, v45;
	[tilespmem:s13+$0xFFFFFED0] =	vst v49  }
0x28a: {  	v57 =	vld [tilespmem:s13+$0xFFFFFF70];
	[tilespmem:s13+$0xFFFFFEC0] =	vst v1;
	v1 =	vmul.f32 v23, v44  }
0x28b: {  	v14 =	vbroadcast v14, $0x0;
	v59 =	vld [tilespmem:s13+$0xFFFFFF80];
	v55 =	vmul.f32 v10, v48;
	[tilespmem:s13+$0xFFFFFEF0] =	vst v52  }
0x28c: {  	v60 =	vld [tilespmem:s13+$0xFFFFFF90];
	[tilespmem:s13+$0xFFFFFEE0] =	vst v1;
	v1 =	vmul.f32 v10, v47  }
0x28d: {  	v62 =	vld [tilespmem:s13+$0xFFFFFFA0];
	v58 =	vmul.f32 v10, v51;
	[tilespmem:s13+$0xFFFFFF10] =	vst v55  }
0x28e: {  	v63 =	vld [tilespmem:s13+$0xFFFFFFB0];
	v3 =	vbroadcast v17, $0x0;
	[tilespmem:s13+$0xFFFFFF00] =	vst v1;
	v1 =	vmul.f32 v10, v50  }
0x28f: {  	v15 =	vld [tilespmem:s13+$0xFFFFFFC0];
	v61 =	vmul.f32 v10, v54;
	[tilespmem:s13+$0xFFFFFF30] =	vst v58  }
0x290: {  	v19 =	vld [tilespmem:s13+$0xFFFFFFF0];
	[tilespmem:s13+$0xFFFFFF20] =	vst v1;
	v1 =	vmul.f32 v10, v53  }
0x291: {  	v4 =	vld.idx.msk [tilespmem:v14+s8+$0x0], $0xffff;
	v14 =	vmul.f32 v10, v57;
	[tilespmem:s13+$0xFFFFFF50] =	vst v61  }
0x292: {  	v5 =	vld.idx.msk [tilespmem:v22+s8+$0x0], $0xffff;
	[tilespmem:s13+$0xFFFFFF40] =	vst v1;
	v1 =	vmul.f32 v10, v56  }
0x293: {  	v17 =	vmul.f32 v12, v60;
	v22 =	vld [tilespmem:s13+$0x10];
	[tilespmem:s13+$0xFFFFFF70] =	vst v14  }
0x294: {  	v3 =	vld.idx.msk [tilespmem:v3+s8+$0x0], $0xffff;
	[tilespmem:s13+$0xFFFFFF60] =	vst v1;
	v1 =	vmul.f32 v12, v59  }
0x295: {  	v20 =	vmul.f32 v12, v63;
	[tilespmem:s13+$0xFFFFFF90] =	vst v17;
	v18 =	vld [tilespmem:s13+$0xFFFFFFE0]  }
0x296: {  	v25 =	vld [tilespmem:s13+$0x30];
	[tilespmem:s13+$0xFFFFFF80] =	vst v1;
	v1 =	vmul.f32 v12, v62  }
0x297: {  	v21 =	vld [tilespmem:s13+$0x0];
	v26 =	vmul.f32 v12, v19;
	[tilespmem:s13+$0xFFFFFFB0] =	vst v20  }
0x298: {  	v28 =	vld [tilespmem:s13+$0x50];
	[tilespmem:s13+$0xFFFFFFA0] =	vst v1;
	v1 =	vmul.f32 v12, v15  }
0x299: {  	[tilespmem:s13+$0xFFFFFFF0] =	vst v26;
	v29 =	vmul.f32 v5, v22;
	v13 =	vmul.f32 v3, v24;
	v24 =	vld [tilespmem:s13+$0x20]  }
0x29a: {  	v37 =	vld [tilespmem:s13+$0xB0];
	[tilespmem:s13+$0xFFFFFFC0] =	vst v1;
	v1 =	vmul.f32 v12, v18  }
0x29b: {  	v27 =	vld [tilespmem:s13+$0x40];
	v32 =	vmul.f32 v5, v25;
	[tilespmem:s13+$0x10] =	vst v29  }
0x29c: {  	[tilespmem:s13+$0xFFFFFFE0] =	vst v1;
	v1 =	vmul.f32 v5, v21  }
0x29d: {  	v30 =	vld [tilespmem:s13+$0x60];
	v35 =	vmul.f32 v5, v28;
	[tilespmem:s13+$0x30] =	vst v32  }
0x29e: {  	v45 =	vld [tilespmem:s13+$0x110];
	[tilespmem:s13+$0x0] =	vst v1;
	v1 =	vmul.f32 v5, v24  }
0x29f: {  	v33 =	vld [tilespmem:s13+$0x80];
	v43 =	vmul.f32 v4, v37;
	[tilespmem:s13+$0x50] =	vst v35  }
0x2a0: {  	v48 =	vld [tilespmem:s13+$0x130];
	[tilespmem:s13+$0x20] =	vst v1;
	v1 =	vmul.f32 v5, v27  }
0x2a1: {  	[tilespmem:s13+$0xB0] =	vst v43;
	v36 =	vld [tilespmem:s13+$0xA0]  }
0x2a2: {  	v34 =	vld [tilespmem:s13+$0x90];
	[tilespmem:s13+$0x40] =	vst v1;
	v1 =	vmul.f32 v5, v30  }
0x2a3: {  	v38 =	vld [tilespmem:s13+$0xC0];
	v51 =	vmul.f32 v3, v45;
	[tilespmem:s13+$0x170] =	vst v13  }
0x2a4: {  	v16 =	vld [tilespmem:s13+$0xFFFFFFD0];
	[tilespmem:s13+$0x60] =	vst v1;
	v1 =	vmul.f32 v4, v33  }
0x2a5: {  	v41 =	vld [tilespmem:s13+$0xE0];
	v54 =	vmul.f32 v3, v48;
	[tilespmem:s13+$0x110] =	vst v51  }
0x2a6: {  	v39 =	vld [tilespmem:s13+$0xD0];
	[tilespmem:s13+$0x80] =	vst v1;
	v1 =	vmul.f32 v4, v36  }
0x2a7: {  	[tilespmem:s13+$0x130] =	vst v54;
	v40 =	vmul.f32 v4, v34;
	v44 =	vld [tilespmem:s13+$0x100]  }
0x2a8: {  	v50 =	vld [tilespmem:s13+$0x150];
	[tilespmem:s13+$0xA0] =	vst v1;
	v1 =	vmul.f32 v4, v38  }
0x2a9: {  	[tilespmem:s13+$0x90] =	vst v40;
	v23 =	vmul.f32 v12, v16;
	v47 =	vld [tilespmem:s13+$0x120]  }
0x2aa: {  	v53 =	vld [tilespmem:s13+$0x180];
	[tilespmem:s13+$0xC0] =	vst v1;
	v1 =	vmul.f32 v4, v41  }
0x2ab: {  	v49 =	vld [tilespmem:s13+$0x140];
	v46 =	vmul.f32 v4, v39;
	[tilespmem:s13+$0xFFFFFFD0] =	vst v23  }
0x2ac: {  	v56 =	vld [tilespmem:s13+$0x1A0];
	[tilespmem:s13+$0xE0] =	vst v1;
	v1 =	vmul.f32 v3, v44  }
0x2ad: {  	v52 =	vld [tilespmem:s13+$0x160];
	[tilespmem:s13+$0xD0] =	vst v46;
	v57 =	vmul.f32 v3, v50  }
0x2ae: {  	v31 =	vld [tilespmem:s13+$0x70];
	[tilespmem:s13+$0x100] =	vst v1;
	v1 =	vmul.f32 v3, v47  }
0x2af: {  	v55 =	vld [tilespmem:s13+$0x190];
	[tilespmem:s13+$0x150] =	vst v57;
	v59 =	vmul.f32 v2, v53  }
0x2b0: {  	v42 =	vld [tilespmem:s13+$0xF0];
	[tilespmem:s13+$0x120] =	vst v1;
	v1 =	vmul.f32 v3, v49  }
0x2b1: {  	v58 =	vld [tilespmem:s13+$0x1B0];
	[tilespmem:s13+$0x180] =	vst v59;
	v62 =	vmul.f32 v2, v56  }
0x2b2: {  	[tilespmem:s13+$0x140] =	vst v1;
	v1 =	vmul.f32 v3, v52;
	v3 =	vld [tilespmem:s13+$0x1C0]  }
0x2b3: {  	v60 =	vld [tilespmem:s13+$0x1D0];
	[tilespmem:s13+$0x1A0] =	vst v62;
	v5 =	vmul.f32 v5, v31  }
0x2b4: {  	v61 =	vld [tilespmem:s13+$0x1E0];
	[tilespmem:s13+$0x160] =	vst v1;
	v1 =	vmul.f32 v2, v55  }
0x2b5: {  	v63 =	vld [tilespmem:s13+$0x1F0];
	[tilespmem:s13+$0x70] =	vst v5;
	v4 =	vmul.f32 v4, v42  }
0x2b6: {  	[tilespmem:s13+$0x190] =	vst v1;
	v1 =	vmul.f32 v2, v58  }
0x2b7: {  	[tilespmem:s13+$0xF0] =	vst v4;
	v3 =	vmul.f32 v2, v3  }
0x2b8: {  	[tilespmem:s13+$0x1B0] =	vst v1;
	v1 =	vmul.f32 v2, v60  }
0x2b9: {  	[tilespmem:s13+$0x1C0] =	vst v3;
	v3 =	vmul.f32 v2, v61  }
0x2ba: {  	[tilespmem:s13+$0x1D0] =	vst v1;
	v1 =	vmul.f32 v2, v63  }
0x2bb: {  	[tilespmem:s13+$0x1E0] =	vst v3  }
0x2bc: {  	[tilespmem:s13+$0x1F0] =	vst v1  }
0x2bd: {  	s13 =	sld [smem:$0x7FC]  }
0x2be: {  	[spmem:s2] =	stream.indirect.scatter.add.f32 [tilespmem:s31], [sflag:$0x4], $0x80, s9, s25, $0xb8;
	[tilespmem:$0x1D600] =	vst v63  }
0x2bf: {  	s12 =	simm.s32 $0x0  }
0x2c0: {  	[tilespmem:s23], [sflag:$0x6] =	stream.linear.gather [hbm4b:s13+s12], $0x180, $0x38;
	[tilespmem:$0x1D600] =	vst v63  }
0x2c1: {  	s13 =	simm.s32 $0x0  }
.LBB2_8:
0x2c2: {  	_ =	swait.ge [sflag:s29], $0x4000  }
0x2c3: {  	[sflag:s29] =	ssyncset.done $0x0  }
0x2c4: {  	[sflag:s29] =	ssyncadd.s32 $0xFFFFC000  }
0x2c5: {  	v1 =	vld [tilespmem:$0x80]  }
0x2c6: {  	v2 =	vld [tilespmem:$0x90]  }
0x2c7: {  	v3 =	vld [tilespmem:$0xA0]  }
0x2c8: {  	v4 =	vld [tilespmem:$0xB0]  }
0x2c9: {  	v5 =	vld [tilespmem:$0xC0]  }
0x2ca: {  	[tilespmem:$0x400] =	vst v1;
	v1 =	vld [tilespmem:$0xD0]  }
0x2cb: {  	[tilespmem:$0x410] =	vst v2;
	v2 =	vld [tilespmem:$0xE0]  }
0x2cc: {  	[tilespmem:$0x420] =	vst v3;
	v3 =	vld [tilespmem:$0xF0]  }
0x2cd: {  	[tilespmem:$0x430] =	vst v4  }
0x2ce: {  	[tilespmem:$0x440] =	vst v5  }
0x2cf: {  	[tilespmem:$0x450] =	vst v1  }
0x2d0: {  	[tilespmem:$0x460] =	vst v2  }
0x2d1: {  	s14 =	simm.s32 $0x6;
	[tilespmem:$0x470] =	vst v3;
	v1 =	vmov s12  }
0x2d2: {  	v2 =	vmov s14;
	_ =	swait.ge [sflag:s10], $0x4000;
	v1 =	vand.u32 $0xFFFFFFF8, v1  }
0x2d3: {  	v2 =	vand.u32 $0xFFFFFFFE, v2;
	[sflag:s10] =	ssyncset.done $0x0;
	v1 =	vbroadcast v1, $0x0  }
0x2d4: {  	v2 =	vbroadcast v2, $0x0;
	[sflag:s10] =	ssyncadd.s32 $0xFFFFC000  }
0x2d5: {  	_ =	swait.ge [sflag:s30], $0x180  }
0x2d6: {  	[sflag:s30] =	ssyncset.done $0x0  }
0x2d7: {  	[sflag:s30] =	ssyncadd.s32 $0xFFFFFE80  }
0x2d8: {  	[tilespmem:s31], [sflag:$0x2] =	stream.indirect.gather [hbm4b:s1+s25], $0x80, s23, s25, $0xb8;
	[tilespmem:$0x1D600] =	vst v63  }
0x2d9: {  	v1 =	vld.idx.msk [tilespmem:v1+s19+$0x0], $0xffff  }
0x2da: {  	s15 =	simm.s32 $0x1;
	s14 =	simm.s32 $0x700;
	v2 =	vld.idx.msk [tilespmem:v2+s19+$0x0], $0xffff  }
0x2db: {  	v3 =	vmov s15;
	v4 =	vld [tilespmem:s14+$0x170]  }
0x2dc: {  	v3 =	vand.u32 $0xFFFFFFF9, v3;
	v5 =	vld [tilespmem:s14+$0xFFFFFE00]  }
0x2dd: {  	v3 =	vbroadcast v3, $0x0;
	v6 =	vld [tilespmem:s14+$0xFFFFFE10]  }
0x2de: {  	v7 =	vld [tilespmem:s14+$0xFFFFFE20]  }
0x2df: {  	v8 =	vld [tilespmem:s14+$0xFFFFFE30]  }
0x2e0: {  	v9 =	vld [tilespmem:s14+$0xFFFFFE40]  }
0x2e1: {  	v10 =	vld [tilespmem:s14+$0xFFFFFE50]  }
0x2e2: {  	v11 =	vld [tilespmem:s14+$0xFFFFFE60]  }
0x2e3: {  	v3 =	vld.idx.msk [tilespmem:v3+s19+$0x0], $0xffff  }
0x2e4: {  	v12 =	vld [tilespmem:s14+$0xFFFFFE70]  }
0x2e5: {  	v13 =	vld [tilespmem:s14+$0xFFFFFE80];
	v5 =	vmul.f32 v1, v5  }
0x2e6: {  	v14 =	vld [tilespmem:s14+$0xFFFFFE90];
	v4 =	vmul.f32 v2, v4  }
0x2e7: {  	v15 =	vld [tilespmem:s14+$0xFFFFFEA0];
	v6 =	vmul.f32 v1, v6;
	[tilespmem:s14+$0xFFFFFE00] =	vst v5  }
0x2e8: {  	s17 =	simm.s32 $0x2;
	v16 =	vld [tilespmem:s14+$0xFFFFFEB0];
	v8 =	vmul.f32 v1, v8;
	[tilespmem:s14+$0x170] =	vst v4  }
0x2e9: {  	v9 =	vmul.f32 v1, v9;
	v5 =	vmov s17;
	v4 =	vmul.f32 v1, v7;
	v7 =	vld [tilespmem:s14+$0xFFFFFEC0];
	[tilespmem:s14+$0xFFFFFE10] =	vst v6  }
0x2ea: {  	v6 =	vmul.f32 v3, v13;
	v13 =	vld [tilespmem:s14+$0xFFFFFED0];
	[tilespmem:s14+$0xFFFFFE30] =	vst v8;
	v5 =	vand.u32 $0xFFFFFFFA, v5  }
0x2eb: {  	v8 =	vmul.f32 v1, v10;
	v10 =	vld [tilespmem:s14+$0xFFFFFEF0];
	[tilespmem:s14+$0xFFFFFE40] =	vst v9;
	v5 =	vbroadcast v5, $0x0  }
0x2ec: {  	v9 =	vmul.f32 v1, v11;
	v11 =	vld [tilespmem:s14+$0xFFFFFF00];
	[tilespmem:s14+$0xFFFFFE20] =	vst v4  }
0x2ed: {  	v1 =	vmul.f32 v1, v12;
	v12 =	vld [tilespmem:s14+$0xFFFFFF20];
	[tilespmem:s14+$0xFFFFFE80] =	vst v6  }
0x2ee: {  	s18 =	simm.s32 $0x3;
	v4 =	vld [tilespmem:s14+$0xFFFFFEE0];
	[tilespmem:s14+$0xFFFFFE50] =	vst v8  }
0x2ef: {  	v6 =	vmov s18;
	v8 =	vld [tilespmem:s14+$0xFFFFFF10];
	[tilespmem:s14+$0xFFFFFE60] =	vst v9;
	v9 =	vmul.f32 v3, v14  }
0x2f0: {  	[tilespmem:s14+$0xFFFFFE70] =	vst v1;
	v1 =	vmul.f32 v3, v15;
	v14 =	vld [tilespmem:s14+$0xFFFFFF30];
	v6 =	vand.u32 $0xFFFFFFFB, v6  }
0x2f1: {  	v6 =	vbroadcast v6, $0x0;
	[tilespmem:s14+$0xFFFFFE90] =	vst v9;
	v9 =	vmul.f32 v3, v16;
	v5 =	vld.idx.msk [tilespmem:v5+s19+$0x0], $0xffff  }
0x2f2: {  	v15 =	vld [tilespmem:s14+$0xFFFFFF40];
	[tilespmem:s14+$0xFFFFFEA0] =	vst v1;
	v7 =	vmul.f32 v3, v7  }
0x2f3: {  	v13 =	vmul.f32 v3, v13;
	[tilespmem:s14+$0xFFFFFEB0] =	vst v9;
	v9 =	vld [tilespmem:s14+$0xFFFFFF60]  }
0x2f4: {  	[tilespmem:s14+$0xFFFFFEC0] =	vst v7;
	v4 =	vmul.f32 v3, v4;
	v7 =	vld [tilespmem:s14+$0xFFFFFF70]  }
0x2f5: {  	[tilespmem:s14+$0xFFFFFED0] =	vst v13;
	v3 =	vmul.f32 v3, v10;
	v10 =	vld [tilespmem:s14+$0xFFFFFF80]  }
0x2f6: {  	v13 =	vld [tilespmem:s14+$0xFFFFFFB0];
	[tilespmem:s14+$0xFFFFFEE0] =	vst v4;
	v1 =	vmul.f32 v5, v11  }
0x2f7: {  	[tilespmem:s14+$0xFFFFFEF0] =	vst v3;
	v6 =	vld.idx.msk [tilespmem:v6+s19+$0x0], $0xffff;
	v4 =	vmul.f32 v5, v8  }
0x2f8: {  	s28 =	simm.s32 $0x4;
	v11 =	vld [tilespmem:s14+$0xFFFFFF50];
	v3 =	vmul.f32 v5, v12;
	[tilespmem:s14+$0xFFFFFF00] =	vst v1  }
0x2f9: {  	v8 =	vld [tilespmem:s14+$0xFFFFFF90];
	v9 =	vmul.f32 v5, v9;
	v1 =	vmov s28;
	[tilespmem:s14+$0xFFFFFF10] =	vst v4  }
0x2fa: {  	v12 =	vld [tilespmem:s14+$0xFFFFFFA0];
	v4 =	vmul.f32 v5, v14;
	[tilespmem:s14+$0xFFFFFF20] =	vst v3;
	v1 =	vand.u32 $0xFFFFFFFC, v1  }
0x2fb: {  	v3 =	vmul.f32 v5, v15;
	v14 =	vld [tilespmem:s14+$0xFFFFFFC0];
	[tilespmem:s14+$0xFFFFFF60] =	vst v9;
	v1 =	vbroadcast v1, $0x0  }
0x2fc: {  	v9 =	vld [tilespmem:s14+$0x0];
	[tilespmem:s14+$0xFFFFFF30] =	vst v4;
	v4 =	vmul.f32 v6, v10  }
0x2fd: {  	s16 =	simm.s32 $0x5;
	v10 =	vld [tilespmem:s14+$0xFFFFFFD0];
	[tilespmem:s14+$0xFFFFFF40] =	vst v3;
	v11 =	vmul.f32 v5, v11  }
0x2fe: {  	v3 =	vld [tilespmem:s14+$0xFFFFFFE0];
	v5 =	vmul.f32 v5, v7;
	[tilespmem:s14+$0xFFFFFF80] =	vst v4;
	v4 =	vmov s16  }
0x2ff: {  	v7 =	vld [tilespmem:s14+$0xFFFFFFF0];
	v8 =	vmul.f32 v6, v8;
	[tilespmem:s14+$0xFFFFFF50] =	vst v11;
	v4 =	vand.u32 $0xFFFFFFFD, v4  }
0x300: {  	[tilespmem:s14+$0xFFFFFF70] =	vst v5;
	v5 =	vmul.f32 v6, v12;
	v11 =	vld [tilespmem:s14+$0x10];
	v4 =	vbroadcast v4, $0x0  }
0x301: {  	[tilespmem:s14+$0xFFFFFF90] =	vst v8;
	v8 =	vmul.f32 v6, v13;
	v1 =	vld.idx.msk [tilespmem:v1+s19+$0x0], $0xffff  }
0x302: {  	v12 =	vld [tilespmem:s14+$0x20];
	[tilespmem:s14+$0xFFFFFFA0] =	vst v5;
	v5 =	vmul.f32 v6, v14  }
0x303: {  	v13 =	vld [tilespmem:s14+$0x30];
	[tilespmem:s14+$0xFFFFFFB0] =	vst v8;
	v8 =	vmul.f32 v6, v10  }
0x304: {  	v10 =	vld [tilespmem:s14+$0x40];
	v3 =	vmul.f32 v6, v3;
	[tilespmem:s14+$0xFFFFFFC0] =	vst v5  }
0x305: {  	v6 =	vmul.f32 v6, v7;
	[tilespmem:s14+$0xFFFFFFD0] =	vst v8;
	v8 =	vld [tilespmem:s14+$0x60]  }
0x306: {  	[tilespmem:s14+$0xFFFFFFE0] =	vst v3;
	v4 =	vld.idx.msk [tilespmem:v4+s19+$0x0], $0xffff;
	v5 =	vmul.f32 v1, v9  }
0x307: {  	[tilespmem:s14+$0xFFFFFFF0] =	vst v6;
	v9 =	vld [tilespmem:s14+$0x50];
	v6 =	vmul.f32 v1, v12  }
0x308: {  	v3 =	vmul.f32 v1, v11;
	v11 =	vld [tilespmem:s14+$0x90];
	[tilespmem:s14+$0x0] =	vst v5  }
0x309: {  	v7 =	vld [tilespmem:s14+$0x80];
	[tilespmem:s14+$0x20] =	vst v6;
	v6 =	vmul.f32 v1, v10  }
0x30a: {  	v5 =	vld [tilespmem:s14+$0x70];
	[tilespmem:s14+$0x10] =	vst v3;
	v3 =	vmul.f32 v1, v13  }
0x30b: {  	v10 =	vld [tilespmem:s14+$0xA0];
	[tilespmem:s14+$0x40] =	vst v6;
	v6 =	vmul.f32 v1, v8  }
0x30c: {  	[tilespmem:s14+$0x30] =	vst v3;
	v8 =	vld [tilespmem:s14+$0xC0];
	v3 =	vmul.f32 v1, v9  }
0x30d: {  	v9 =	vld [tilespmem:s14+$0xB0];
	v11 =	vmul.f32 v4, v11;
	[tilespmem:s14+$0x60] =	vst v6  }
0x30e: {  	v6 =	vld [tilespmem:s14+$0xE0];
	[tilespmem:s14+$0x50] =	vst v3;
	v3 =	vmul.f32 v4, v7  }
0x30f: {  	v7 =	vld [tilespmem:s14+$0xD0];
	v5 =	vmul.f32 v1, v5;
	[tilespmem:s14+$0x90] =	vst v11  }
0x310: {  	v11 =	vld [tilespmem:s14+$0x150];
	[tilespmem:s14+$0x80] =	vst v3  }
0x311: {  	[tilespmem:s14+$0x70] =	vst v5;
	v3 =	vmul.f32 v4, v10;
	v5 =	vld [tilespmem:s14+$0xF0]  }
0x312: {  	v10 =	vld [tilespmem:s14+$0x100];
	v9 =	vmul.f32 v4, v9  }
0x313: {  	s17 =	simm.s32 $0x7;
	[tilespmem:s14+$0xA0] =	vst v3;
	v3 =	vmul.f32 v4, v8;
	v8 =	vld [tilespmem:s14+$0x110]  }
0x314: {  	v14 =	vld [tilespmem:s14+$0x180];
	v12 =	vmov s17;
	[tilespmem:s14+$0xB0] =	vst v9;
	v7 =	vmul.f32 v4, v7  }
0x315: {  	v9 =	vld [tilespmem:s14+$0x120];
	v11 =	vmul.f32 v2, v11;
	[tilespmem:s14+$0xC0] =	vst v3  }
0x316: {  	s17 =	simm.s32 $0xA;
	v3 =	vmul.f32 v4, v6;
	v6 =	vld [tilespmem:s14+$0x130];
	[tilespmem:s14+$0xD0] =	vst v7;
	v4 =	vmul.f32 v4, v5  }
0x317: {  	s18 =	simm.s32 $0x8;
	v13 =	vmov s17;
	v5 =	vld [tilespmem:s14+$0x140];
	[tilespmem:s14+$0x150] =	vst v11  }
0x318: {  	s28 =	simm.s32 $0xF;
	s16 =	simm.s32 $0x9;
	v7 =	vmov s18;
	v10 =	vmul.f32 v2, v10;
	[tilespmem:s14+$0xF0] =	vst v4;
	v4 =	vmul.f32 v2, v8;
	v8 =	vld [tilespmem:s14+$0x160]  }
0x319: {  	s17 =	simm.s32 $0xB;
	v1 =	vld.idx.msk [tilespmem:v12+s19+$0x0], $0xffff;
	v12 =	vmov s16;
	s18 =	simm.s32 $0xC;
	[tilespmem:s14+$0xE0] =	vst v3;
	v7 =	vand.u32 $0xFFFFFFF8, v7;
	v3 =	vmov s28  }
0x31a: {  	v17 =	vld [tilespmem:s14+$0x190];
	v15 =	vmov s18;
	s28 =	simm.s32 $0xD;
	[tilespmem:s14+$0x100] =	vst v10;
	v10 =	vmov s17;
	v9 =	vmul.f32 v2, v9  }
0x31b: {  	v18 =	vmov s28;
	[tilespmem:s14+$0x110] =	vst v4;
	v16 =	vmul.f32 v2, v6;
	v4 =	vbroadcast v7, $0x0;
	v6 =	vld [tilespmem:s14+$0x1A0]  }
0x31c: {  	v7 =	vld [tilespmem:s14+$0x1B0];
	[tilespmem:s14+$0x120] =	vst v9;
	v9 =	vmul.f32 v2, v5;
	v5 =	vand.u32 $0xFFFFFFF9, v12;
	v12 =	vand.u32 $0xFFFFFFFA, v13  }
0x31d: {  	v13 =	vand.u32 $0xFFFFFFFB, v10;
	[tilespmem:s14+$0x130] =	vst v16;
	v5 =	vbroadcast v5, $0x0;
	v16 =	vmul.f32 v2, v8;
	v8 =	vld [tilespmem:s14+$0x1C0]  }
0x31e: {  	v10 =	vbroadcast v12, $0x0;
	[tilespmem:s14+$0x140] =	vst v9;
	v2 =	vand.u32 $0xFFFFFFFC, v15;
	v15 =	vmul.f32 v1, v14;
	v9 =	vld [tilespmem:s14+$0x1D0]  }
0x31f: {  	s15 =	simm.s32 $0x10;
	s16 =	simm.s32 $0xE;
	v11 =	vld [tilespmem:s14+$0x1E0];
	v12 =	vbroadcast v13, $0x0;
	v13 =	vmul.f32 v1, v17;
	v14 =	vand.u32 $0xFFFFFFFD, v18;
	[tilespmem:s14+$0x160] =	vst v16  }
.LBB2_9:
0x320: {  	p1 =	slt.u32 s15, $0x78;
	v2 =	vbroadcast v2, $0x0;
	v16 =	vmov s16;
	[tilespmem:s14+$0x180] =	vst v15;
	v6 =	vmul.f32 v1, v6;
	v15 =	vld [tilespmem:s14+$0x1F0]  }
0x321: {  	v14 =	vbroadcast v14, $0x0;
	v16 =	vand.u32 $0xFFFFFFFE, v16;
	v17 =	vld.idx.msk [tilespmem:v3+s19+$0x0], $0xffff;
	[tilespmem:s14+$0x190] =	vst v13;
	v3 =	vmul.f32 v1, v7  }
0x322: {  	v7 =	vld.idx.msk [tilespmem:v4+s19+$0x0], $0xffff;
	v13 =	vbroadcast v16, $0x0;
	[tilespmem:s14+$0x1A0] =	vst v6;
	v4 =	vmul.f32 v1, v8  }
0x323: {  	v6 =	vld.idx.msk [tilespmem:v5+s19+$0x0], $0xffff;
	[tilespmem:s14+$0x1B0] =	vst v3;
	v3 =	vmul.f32 v1, v9  }
0x324: {  	v8 =	vld.idx.msk [tilespmem:v10+s19+$0x0], $0xffff;
	[tilespmem:s14+$0x1C0] =	vst v4;
	v9 =	vmul.f32 v1, v11  }
0x325: {  	v5 =	vld.idx.msk [tilespmem:v12+s19+$0x0], $0xffff;
	[tilespmem:s14+$0x1D0] =	vst v3;
	v10 =	vmul.f32 v1, v15  }
0x326: {  	v4 =	vld.idx.msk [tilespmem:v2+s19+$0x0], $0xffff;
	[tilespmem:s14+$0x1E0] =	vst v9  }
0x327: {  	v1 =	vmov v17;
	v3 =	vld.idx.msk [tilespmem:v14+s19+$0x0], $0xffff;
	[tilespmem:s14+$0x1F0] =	vst v10  }
0x328: {  	s14 =	sadd.s32 $0x400, s14;
	v2 =	vld.idx.msk [tilespmem:v13+s19+$0x0], $0xffff  }
0x329: {  	v9 =	vld [tilespmem:s14+$0x170]  }
0x32a: {  	v10 =	vld [tilespmem:s14+$0xFFFFFE00]  }
0x32b: {  	v11 =	vld [tilespmem:s14+$0xFFFFFE10]  }
0x32c: {  	v12 =	vld [tilespmem:s14+$0xFFFFFE20]  }
0x32d: {  	v13 =	vld [tilespmem:s14+$0xFFFFFE30]  }
0x32e: {  	v14 =	vld [tilespmem:s14+$0xFFFFFE40];
	v9 =	vmul.f32 v2, v9  }
0x32f: {  	v10 =	vmul.f32 v7, v10;
	v15 =	vld [tilespmem:s14+$0xFFFFFE50]  }
0x330: {  	v11 =	vmul.f32 v7, v11;
	v16 =	vld [tilespmem:s14+$0xFFFFFE60];
	[tilespmem:s14+$0x170] =	vst v9  }
0x331: {  	[tilespmem:s14+$0xFFFFFE00] =	vst v10;
	v9 =	vmul.f32 v7, v12;
	v10 =	vld [tilespmem:s14+$0xFFFFFE70]  }
0x332: {  	[tilespmem:s14+$0xFFFFFE10] =	vst v11;
	v11 =	vmul.f32 v7, v13;
	v12 =	vld [tilespmem:s14+$0xFFFFFE80]  }
0x333: {  	[tilespmem:s14+$0xFFFFFE20] =	vst v9;
	v9 =	vmul.f32 v7, v14;
	v13 =	vld [tilespmem:s14+$0xFFFFFE90]  }
0x334: {  	[tilespmem:s14+$0xFFFFFE30] =	vst v11;
	v11 =	vmul.f32 v7, v15;
	v14 =	vld [tilespmem:s14+$0xFFFFFEA0]  }
0x335: {  	[tilespmem:s14+$0xFFFFFE40] =	vst v9;
	v9 =	vmul.f32 v7, v16;
	v15 =	vld [tilespmem:s14+$0xFFFFFEB0]  }
0x336: {  	[tilespmem:s14+$0xFFFFFE50] =	vst v11;
	v7 =	vmul.f32 v7, v10;
	v10 =	vld [tilespmem:s14+$0xFFFFFEC0]  }
0x337: {  	[tilespmem:s14+$0xFFFFFE60] =	vst v9;
	v9 =	vmul.f32 v6, v12;
	v11 =	vld [tilespmem:s14+$0xFFFFFED0]  }
0x338: {  	[tilespmem:s14+$0xFFFFFE70] =	vst v7;
	v7 =	vmul.f32 v6, v13;
	v12 =	vld [tilespmem:s14+$0xFFFFFEE0]  }
0x339: {  	[tilespmem:s14+$0xFFFFFE80] =	vst v9;
	v9 =	vmul.f32 v6, v14;
	v13 =	vld [tilespmem:s14+$0xFFFFFEF0]  }
0x33a: {  	[tilespmem:s14+$0xFFFFFE90] =	vst v7;
	v7 =	vmul.f32 v6, v15;
	v14 =	vld [tilespmem:s14+$0xFFFFFF00]  }
0x33b: {  	[tilespmem:s14+$0xFFFFFEA0] =	vst v9;
	v9 =	vmul.f32 v6, v10;
	v10 =	vld [tilespmem:s14+$0xFFFFFF10]  }
0x33c: {  	[tilespmem:s14+$0xFFFFFEB0] =	vst v7;
	v7 =	vmul.f32 v6, v11;
	v11 =	vld [tilespmem:s14+$0xFFFFFF20]  }
0x33d: {  	[tilespmem:s14+$0xFFFFFEC0] =	vst v9;
	v9 =	vmul.f32 v6, v12;
	v12 =	vld [tilespmem:s14+$0xFFFFFF30]  }
0x33e: {  	[tilespmem:s14+$0xFFFFFED0] =	vst v7;
	v6 =	vmul.f32 v6, v13;
	v7 =	vld [tilespmem:s14+$0xFFFFFF40]  }
0x33f: {  	[tilespmem:s14+$0xFFFFFEE0] =	vst v9;
	v9 =	vmul.f32 v8, v14;
	v13 =	vld [tilespmem:s14+$0xFFFFFF50]  }
0x340: {  	[tilespmem:s14+$0xFFFFFEF0] =	vst v6;
	v6 =	vmul.f32 v8, v10;
	v10 =	vld [tilespmem:s14+$0xFFFFFF60]  }
0x341: {  	[tilespmem:s14+$0xFFFFFF00] =	vst v9;
	v9 =	vmul.f32 v8, v11;
	v11 =	vld [tilespmem:s14+$0xFFFFFF70]  }
0x342: {  	[tilespmem:s14+$0xFFFFFF10] =	vst v6;
	v6 =	vmul.f32 v8, v12;
	v12 =	vld [tilespmem:s14+$0xFFFFFF80]  }
0x343: {  	[tilespmem:s14+$0xFFFFFF20] =	vst v9;
	v7 =	vmul.f32 v8, v7;
	v9 =	vld [tilespmem:s14+$0xFFFFFF90]  }
0x344: {  	[tilespmem:s14+$0xFFFFFF30] =	vst v6;
	v6 =	vmul.f32 v8, v13;
	v13 =	vld [tilespmem:s14+$0xFFFFFFA0]  }
0x345: {  	[tilespmem:s14+$0xFFFFFF40] =	vst v7;
	v7 =	vmul.f32 v8, v10;
	v10 =	vld [tilespmem:s14+$0xFFFFFFB0]  }
0x346: {  	[tilespmem:s14+$0xFFFFFF50] =	vst v6;
	v6 =	vmul.f32 v8, v11;
	v8 =	vld [tilespmem:s14+$0xFFFFFFC0]  }
0x347: {  	[tilespmem:s14+$0xFFFFFF60] =	vst v7;
	v7 =	vmul.f32 v5, v12;
	v11 =	vld [tilespmem:s14+$0xFFFFFFD0]  }
0x348: {  	[tilespmem:s14+$0xFFFFFF70] =	vst v6;
	v6 =	vmul.f32 v5, v9;
	v9 =	vld [tilespmem:s14+$0xFFFFFFE0]  }
0x349: {  	[tilespmem:s14+$0xFFFFFF80] =	vst v7;
	v7 =	vmul.f32 v5, v13;
	v12 =	vld [tilespmem:s14+$0xFFFFFFF0]  }
0x34a: {  	[tilespmem:s14+$0xFFFFFF90] =	vst v6;
	v6 =	vmul.f32 v5, v10;
	v10 =	vld [tilespmem:s14+$0x0]  }
0x34b: {  	[tilespmem:s14+$0xFFFFFFA0] =	vst v7;
	v7 =	vmul.f32 v5, v8;
	v8 =	vld [tilespmem:s14+$0x10]  }
0x34c: {  	[tilespmem:s14+$0xFFFFFFB0] =	vst v6;
	v6 =	vmul.f32 v5, v11;
	v11 =	vld [tilespmem:s14+$0x20]  }
0x34d: {  	[tilespmem:s14+$0xFFFFFFC0] =	vst v7;
	v7 =	vmul.f32 v5, v9;
	v9 =	vld [tilespmem:s14+$0x30]  }
0x34e: {  	[tilespmem:s14+$0xFFFFFFD0] =	vst v6;
	v5 =	vmul.f32 v5, v12;
	v6 =	vld [tilespmem:s14+$0x40]  }
0x34f: {  	[tilespmem:s14+$0xFFFFFFE0] =	vst v7;
	v7 =	vmul.f32 v4, v10;
	v10 =	vld [tilespmem:s14+$0x50]  }
0x350: {  	[tilespmem:s14+$0xFFFFFFF0] =	vst v5;
	v5 =	vmul.f32 v4, v8;
	v8 =	vld [tilespmem:s14+$0x60]  }
0x351: {  	[tilespmem:s14+$0x0] =	vst v7;
	v7 =	vmul.f32 v4, v11;
	v11 =	vld [tilespmem:s14+$0x70]  }
0x352: {  	[tilespmem:s14+$0x10] =	vst v5;
	v5 =	vmul.f32 v4, v9;
	v9 =	vld [tilespmem:s14+$0x80]  }
0x353: {  	[tilespmem:s14+$0x20] =	vst v7;
	v6 =	vmul.f32 v4, v6;
	v7 =	vld [tilespmem:s14+$0x90]  }
0x354: {  	[tilespmem:s14+$0x30] =	vst v5;
	v5 =	vmul.f32 v4, v10;
	v10 =	vld [tilespmem:s14+$0xA0]  }
0x355: {  	[tilespmem:s14+$0x40] =	vst v6;
	v6 =	vmul.f32 v4, v8;
	v8 =	vld [tilespmem:s14+$0xB0]  }
0x356: {  	[tilespmem:s14+$0x50] =	vst v5;
	v4 =	vmul.f32 v4, v11;
	v5 =	vld [tilespmem:s14+$0xC0]  }
0x357: {  	[tilespmem:s14+$0x60] =	vst v6;
	v6 =	vmul.f32 v3, v9;
	v9 =	vld [tilespmem:s14+$0xD0]  }
0x358: {  	[tilespmem:s14+$0x70] =	vst v4;
	v4 =	vmul.f32 v3, v7;
	v7 =	vld [tilespmem:s14+$0xE0]  }
0x359: {  	[tilespmem:s14+$0x80] =	vst v6;
	v6 =	vmul.f32 v3, v10;
	v10 =	vld [tilespmem:s14+$0xF0]  }
0x35a: {  	[tilespmem:s14+$0x90] =	vst v4;
	v4 =	vmul.f32 v3, v8;
	v8 =	vld [tilespmem:s14+$0x100]  }
0x35b: {  	[tilespmem:s14+$0xA0] =	vst v6;
	v5 =	vmul.f32 v3, v5;
	v6 =	vld [tilespmem:s14+$0x110]  }
0x35c: {  	[tilespmem:s14+$0xB0] =	vst v4;
	v4 =	vmul.f32 v3, v9;
	v9 =	vld [tilespmem:s14+$0x120]  }
0x35d: {  	[tilespmem:s14+$0xC0] =	vst v5;
	v5 =	vmul.f32 v3, v7;
	v7 =	vld [tilespmem:s14+$0x130]  }
0x35e: {  	[tilespmem:s14+$0xD0] =	vst v4;
	v4 =	vmul.f32 v3, v10;
	v10 =	vld [tilespmem:s14+$0x140]  }
0x35f: {  	s16 =	sadd.s32 $0x7, s15;
	v3 =	vmov s15;
	[tilespmem:s14+$0xE0] =	vst v5;
	v5 =	vmul.f32 v2, v8;
	v8 =	vld [tilespmem:s14+$0x150]  }
0x360: {  	s17 =	sadd.s32 $0x1, s15;
	s18 =	sadd.s32 $0x2, s15;
	v11 =	vand.u32 $0xFFFFFFF8, v3;
	v3 =	vmov s16;
	[tilespmem:s14+$0xF0] =	vst v4;
	v4 =	vmul.f32 v2, v6;
	v12 =	vld [tilespmem:s14+$0x160]  }
0x361: {  	v14 =	vmov s18;
	v13 =	vmov s17;
	s17 =	sadd.s32 $0x4, s15;
	s16 =	sadd.s32 $0x3, s15;
	[tilespmem:s14+$0x100] =	vst v5;
	v5 =	vmul.f32 v2, v9;
	v9 =	vld [tilespmem:s14+$0x180]  }
0x362: {  	v16 =	vmov s17;
	v15 =	vmov s16;
	s16 =	sadd.s32 $0x5, s15;
	[tilespmem:s14+$0x110] =	vst v4;
	v7 =	vmul.f32 v2, v7;
	v17 =	vld [tilespmem:s14+$0x190]  }
.Ltmp5:
0x363: {  	v4 =	vbroadcast v11, $0x0;
	v11 =	vmov s16;
	[tilespmem:s14+$0x120] =	vst v5;
	v10 =	vmul.f32 v2, v10;
	v6 =	vld [tilespmem:s14+$0x1A0];
	(pc) =	sbr.rel @p1 .LBB2_9-.Ltmp5, $4  }
0x364: {  	v5 =	vand.u32 $0xFFFFFFF9, v13;
	v13 =	vand.u32 $0xFFFFFFFA, v14;
	[tilespmem:s14+$0x130] =	vst v7;
	v14 =	vmul.f32 v2, v8;
	v7 =	vld [tilespmem:s14+$0x1B0]  }
0x365: {  	v18 =	vand.u32 $0xFFFFFFFB, v15;
	v5 =	vbroadcast v5, $0x0;
	[tilespmem:s14+$0x140] =	vst v10;
	v19 =	vmul.f32 v2, v12;
	v8 =	vld [tilespmem:s14+$0x1C0]  }
0x366: {  	v10 =	vbroadcast v13, $0x0;
	v2 =	vand.u32 $0xFFFFFFFC, v16;
	[tilespmem:s14+$0x150] =	vst v14;
	v15 =	vmul.f32 v1, v9;
	v9 =	vld [tilespmem:s14+$0x1D0]  }
0x367: {  	s16 =	sadd.s32 $0x6, s15;
	s15 =	sadd.s32 $0x8, s15;
	v12 =	vbroadcast v18, $0x0;
	v14 =	vand.u32 $0xFFFFFFFD, v11;
	[tilespmem:s14+$0x160] =	vst v19;
	v13 =	vmul.f32 v1, v17;
	v11 =	vld [tilespmem:s14+$0x1E0]  }
0x368: {  	_ =	sdelay $0x2  }
0x369: {  	v16 =	vld [tilespmem:s14+$0x1F0]  }
0x36a: {  	v18 =	vld.idx.msk [tilespmem:v4+s19+$0x0], $0xffff  }
0x36b: {  	[tilespmem:s14+$0x180] =	vst v15;
	v15 =	vbroadcast v2, $0x0;
	v2 =	vmov s16;
	v10 =	vld.idx.msk [tilespmem:v10+s19+$0x0], $0xffff  }
0x36c: {  	v17 =	vand.u32 $0xFFFFFFFE, v2;
	v2 =	vld.idx.msk [tilespmem:v3+s19+$0x0], $0xffff  }
0x36d: {  	s15 =	sadd.s32 $0x400, s14;
	v12 =	vld.idx.msk [tilespmem:v12+s19+$0x0], $0xffff  }
0x36e: {  	v14 =	vbroadcast v14, $0x0;
	v6 =	vmul.f32 v1, v6;
	[tilespmem:s14+$0x190] =	vst v13;
	v13 =	vld [tilespmem:s15+$0x170]  }
0x36f: {  	v7 =	vmul.f32 v1, v7;
	v3 =	vbroadcast v17, $0x0;
	v17 =	vld.idx.msk [tilespmem:v5+s19+$0x0], $0xffff  }
0x370: {  	[tilespmem:s14+$0x1A0] =	vst v6;
	v6 =	vmul.f32 v1, v8;
	v8 =	vld [tilespmem:s15+$0xFFFFFE00]  }
0x371: {  	[tilespmem:s14+$0x1B0] =	vst v7;
	v7 =	vmul.f32 v1, v9;
	v9 =	vld [tilespmem:s15+$0xFFFFFE10]  }
0x372: {  	[tilespmem:s14+$0x1C0] =	vst v6;
	v6 =	vmul.f32 v1, v11;
	v11 =	vld [tilespmem:s15+$0xFFFFFE20]  }
0x373: {  	[tilespmem:s14+$0x1D0] =	vst v7;
	v7 =	vld [tilespmem:s15+$0xFFFFFE30]  }
0x374: {  	v5 =	vld.idx.msk [tilespmem:v15+s19+$0x0], $0xffff  }
0x375: {  	v1 =	vmul.f32 v1, v16;
	v4 =	vld.idx.msk [tilespmem:v14+s19+$0x0], $0xffff  }
0x376: {  	[tilespmem:s14+$0x1E0] =	vst v6;
	v6 =	vld [tilespmem:s15+$0xFFFFFE40]  }
0x377: {  	[tilespmem:s14+$0x1F0] =	vst v1;
	v1 =	vmul.f32 v18, v8;
	v3 =	vld.idx.msk [tilespmem:v3+s19+$0x0], $0xffff  }
0x378: {  	v8 =	vld [tilespmem:s15+$0xFFFFFE50];
	v9 =	vmul.f32 v18, v9  }
0x379: {  	v14 =	vld [tilespmem:s15+$0xFFFFFE60];
	[tilespmem:s15+$0xFFFFFE00] =	vst v1;
	v1 =	vmul.f32 v18, v11  }
0x37a: {  	v11 =	vld [tilespmem:s15+$0xFFFFFE70];
	[tilespmem:s15+$0xFFFFFE10] =	vst v9;
	v7 =	vmul.f32 v18, v7  }
0x37b: {  	v9 =	vld [tilespmem:s15+$0xFFFFFE80];
	[tilespmem:s15+$0xFFFFFE20] =	vst v1;
	v1 =	vmul.f32 v18, v6  }
0x37c: {  	v6 =	vld [tilespmem:s15+$0xFFFFFE90];
	[tilespmem:s15+$0xFFFFFE30] =	vst v7;
	v13 =	vmul.f32 v3, v13  }
0x37d: {  	v7 =	vmul.f32 v18, v8;
	v8 =	vld [tilespmem:s15+$0xFFFFFEA0];
	[tilespmem:s15+$0xFFFFFE40] =	vst v1  }
0x37e: {  	v1 =	vmul.f32 v18, v14;
	[tilespmem:s15+$0x170] =	vst v13;
	v13 =	vld [tilespmem:s15+$0xFFFFFEB0]  }
0x37f: {  	[tilespmem:s15+$0xFFFFFE50] =	vst v7;
	v7 =	vmul.f32 v18, v11;
	v11 =	vld [tilespmem:s15+$0xFFFFFEC0]  }
0x380: {  	[tilespmem:s15+$0xFFFFFE60] =	vst v1;
	v1 =	vmul.f32 v17, v9;
	v9 =	vld [tilespmem:s15+$0xFFFFFED0]  }
0x381: {  	[tilespmem:s15+$0xFFFFFE70] =	vst v7;
	v6 =	vmul.f32 v17, v6;
	v7 =	vld [tilespmem:s15+$0xFFFFFEE0]  }
0x382: {  	[tilespmem:s15+$0xFFFFFE80] =	vst v1;
	v1 =	vmul.f32 v17, v8;
	v8 =	vld [tilespmem:s15+$0xFFFFFEF0]  }
0x383: {  	[tilespmem:s15+$0xFFFFFE90] =	vst v6;
	v6 =	vmul.f32 v17, v13;
	v13 =	vld [tilespmem:s15+$0xFFFFFF00]  }
0x384: {  	[tilespmem:s15+$0xFFFFFEA0] =	vst v1;
	v1 =	vmul.f32 v17, v11;
	v11 =	vld [tilespmem:s15+$0xFFFFFF10]  }
0x385: {  	[tilespmem:s15+$0xFFFFFEB0] =	vst v6;
	v6 =	vmul.f32 v17, v9;
	v9 =	vld [tilespmem:s15+$0xFFFFFF20]  }
0x386: {  	[tilespmem:s15+$0xFFFFFEC0] =	vst v1;
	v1 =	vmul.f32 v17, v7;
	v7 =	vld [tilespmem:s15+$0xFFFFFF30]  }
0x387: {  	[tilespmem:s15+$0xFFFFFED0] =	vst v6;
	v6 =	vmul.f32 v17, v8;
	v8 =	vld [tilespmem:s15+$0xFFFFFF40]  }
0x388: {  	[tilespmem:s15+$0xFFFFFEE0] =	vst v1;
	v1 =	vmul.f32 v10, v13;
	v13 =	vld [tilespmem:s15+$0xFFFFFF50]  }
0x389: {  	[tilespmem:s15+$0xFFFFFEF0] =	vst v6;
	v6 =	vmul.f32 v10, v11;
	v11 =	vld [tilespmem:s15+$0xFFFFFF60]  }
0x38a: {  	[tilespmem:s15+$0xFFFFFF00] =	vst v1;
	v1 =	vmul.f32 v10, v9;
	v9 =	vld [tilespmem:s15+$0xFFFFFF70]  }
0x38b: {  	[tilespmem:s15+$0xFFFFFF10] =	vst v6;
	v6 =	vmul.f32 v10, v7;
	v7 =	vld [tilespmem:s15+$0xFFFFFF80]  }
0x38c: {  	[tilespmem:s15+$0xFFFFFF20] =	vst v1;
	v1 =	vmul.f32 v10, v8;
	v8 =	vld [tilespmem:s15+$0xFFFFFF90]  }
0x38d: {  	[tilespmem:s15+$0xFFFFFF30] =	vst v6;
	v6 =	vmul.f32 v10, v13;
	v13 =	vld [tilespmem:s15+$0xFFFFFFA0]  }
0x38e: {  	[tilespmem:s15+$0xFFFFFF40] =	vst v1;
	v1 =	vmul.f32 v10, v11;
	v11 =	vld [tilespmem:s15+$0xFFFFFFB0]  }
0x38f: {  	[tilespmem:s15+$0xFFFFFF50] =	vst v6;
	v6 =	vmul.f32 v10, v9;
	v9 =	vld [tilespmem:s15+$0xFFFFFFC0]  }
0x390: {  	[tilespmem:s15+$0xFFFFFF60] =	vst v1;
	v1 =	vmul.f32 v12, v7;
	v7 =	vld [tilespmem:s15+$0xFFFFFFD0]  }
0x391: {  	[tilespmem:s15+$0xFFFFFF70] =	vst v6;
	v6 =	vmul.f32 v12, v8;
	v8 =	vld [tilespmem:s15+$0xFFFFFFE0]  }
0x392: {  	v10 =	vld [tilespmem:s15+$0xFFFFFFF0];
	[tilespmem:s15+$0xFFFFFF80] =	vst v1;
	v1 =	vmul.f32 v12, v13  }
0x393: {  	[tilespmem:s15+$0xFFFFFF90] =	vst v6;
	v6 =	vmul.f32 v12, v11;
	v11 =	vld [tilespmem:s15+$0x0]  }
0x394: {  	[tilespmem:s15+$0xFFFFFFA0] =	vst v1;
	v1 =	vmul.f32 v12, v9;
	v9 =	vld [tilespmem:s15+$0x10]  }
0x395: {  	[tilespmem:s15+$0xFFFFFFB0] =	vst v6;
	v6 =	vmul.f32 v12, v7;
	v7 =	vld [tilespmem:s15+$0x20]  }
0x396: {  	[tilespmem:s15+$0xFFFFFFC0] =	vst v1;
	v1 =	vmul.f32 v12, v8;
	v8 =	vld [tilespmem:s15+$0x30]  }
0x397: {  	[tilespmem:s15+$0xFFFFFFD0] =	vst v6;
	v6 =	vmul.f32 v12, v10;
	v10 =	vld [tilespmem:s15+$0x40]  }
0x398: {  	[tilespmem:s15+$0xFFFFFFE0] =	vst v1;
	v1 =	vmul.f32 v5, v11;
	v11 =	vld [tilespmem:s15+$0x50]  }
0x399: {  	[tilespmem:s15+$0xFFFFFFF0] =	vst v6;
	v6 =	vmul.f32 v5, v9;
	v9 =	vld [tilespmem:s15+$0x60]  }
0x39a: {  	[tilespmem:s15+$0x0] =	vst v1;
	v1 =	vmul.f32 v5, v7;
	v7 =	vld [tilespmem:s15+$0x70]  }
0x39b: {  	[tilespmem:s15+$0x10] =	vst v6;
	v6 =	vmul.f32 v5, v8;
	v8 =	vld [tilespmem:s15+$0x80]  }
0x39c: {  	[tilespmem:s15+$0x20] =	vst v1;
	v1 =	vmul.f32 v5, v10;
	v10 =	vld [tilespmem:s15+$0x90]  }
0x39d: {  	[tilespmem:s15+$0x30] =	vst v6;
	v6 =	vmul.f32 v5, v11;
	v11 =	vld [tilespmem:s15+$0xA0]  }
0x39e: {  	[tilespmem:s15+$0x40] =	vst v1;
	v1 =	vmul.f32 v5, v9;
	v9 =	vld [tilespmem:s15+$0xB0]  }
0x39f: {  	[tilespmem:s15+$0x50] =	vst v6;
	v5 =	vmul.f32 v5, v7;
	v6 =	vld [tilespmem:s15+$0xC0]  }
0x3a0: {  	v7 =	vld [tilespmem:s15+$0xD0];
	[tilespmem:s15+$0x60] =	vst v1;
	v1 =	vmul.f32 v4, v8  }
0x3a1: {  	v8 =	vld [tilespmem:s15+$0xE0];
	[tilespmem:s15+$0x70] =	vst v5;
	v5 =	vmul.f32 v4, v10  }
0x3a2: {  	v10 =	vld [tilespmem:s15+$0xF0];
	[tilespmem:s15+$0x80] =	vst v1;
	v1 =	vmul.f32 v4, v11  }
0x3a3: {  	[tilespmem:s15+$0x90] =	vst v5;
	v5 =	vmul.f32 v4, v9;
	v9 =	vld [tilespmem:s15+$0x100]  }
0x3a4: {  	[tilespmem:s15+$0xA0] =	vst v1;
	v1 =	vmul.f32 v4, v6;
	v6 =	vld [tilespmem:s15+$0x110]  }
0x3a5: {  	[tilespmem:s15+$0xB0] =	vst v5;
	v5 =	vmul.f32 v4, v7;
	v7 =	vld [tilespmem:s15+$0x120]  }
0x3a6: {  	[tilespmem:s15+$0xC0] =	vst v1;
	v1 =	vmul.f32 v4, v8;
	v8 =	vld [tilespmem:s15+$0x130]  }
0x3a7: {  	v4 =	vmul.f32 v4, v10;
	[tilespmem:s15+$0xD0] =	vst v5;
	v5 =	vld [tilespmem:s15+$0x140]  }
0x3a8: {  	[tilespmem:s15+$0xE0] =	vst v1;
	v1 =	vmul.f32 v3, v9;
	v9 =	vld [tilespmem:s15+$0x150]  }
0x3a9: {  	[tilespmem:s15+$0xF0] =	vst v4;
	v4 =	vmul.f32 v3, v6;
	v6 =	vld [tilespmem:s15+$0x160]  }
0x3aa: {  	[tilespmem:s15+$0x100] =	vst v1;
	v1 =	vmul.f32 v3, v7;
	v7 =	vld [tilespmem:s15+$0x180]  }
0x3ab: {  	[tilespmem:s15+$0x110] =	vst v4;
	v4 =	vmul.f32 v3, v8;
	v8 =	vld [tilespmem:s15+$0x190]  }
0x3ac: {  	[tilespmem:s15+$0x120] =	vst v1;
	v1 =	vmul.f32 v3, v5;
	v5 =	vld [tilespmem:s15+$0x1A0]  }
0x3ad: {  	[tilespmem:s15+$0x130] =	vst v4;
	v4 =	vmul.f32 v3, v9;
	v9 =	vld [tilespmem:s15+$0x1B0]  }
0x3ae: {  	[tilespmem:s15+$0x140] =	vst v1;
	v1 =	vmul.f32 v3, v6;
	v3 =	vld [tilespmem:s15+$0x1C0]  }
0x3af: {  	v6 =	vld [tilespmem:s15+$0x1D0];
	[tilespmem:s15+$0x150] =	vst v4;
	v4 =	vmul.f32 v2, v7  }
0x3b0: {  	v7 =	vld [tilespmem:s15+$0x1E0];
	[tilespmem:s15+$0x160] =	vst v1;
	v1 =	vmul.f32 v2, v8  }
0x3b1: {  	[tilespmem:s15+$0x180] =	vst v4;
	v4 =	vmul.f32 v2, v5;
	v5 =	vld [tilespmem:s15+$0x1F0]  }
0x3b2: {  	[tilespmem:s15+$0x190] =	vst v1;
	v1 =	vmul.f32 v2, v9  }
0x3b3: {  	[tilespmem:s15+$0x1A0] =	vst v4;
	v3 =	vmul.f32 v2, v3  }
0x3b4: {  	[tilespmem:s15+$0x1B0] =	vst v1;
	v1 =	vmul.f32 v2, v6  }
0x3b5: {  	[tilespmem:s15+$0x1C0] =	vst v3;
	v3 =	vmul.f32 v2, v7  }
0x3b6: {  	[tilespmem:s15+$0x1D0] =	vst v1;
	v1 =	vmul.f32 v2, v5  }
0x3b7: {  	p1 =	seq.s32 s13, $0x26;
	s14 =	sshll.u32 s13, $0x1;
	[tilespmem:s15+$0x1E0] =	vst v3  }
0x3b8: {  	[tilespmem:s15+$0x1F0] =	vst v1;
	s15 =	sadd.s32 @!p1 s14, s20  }
0x3b9: {  	[spmem:s2] =	stream.indirect.scatter.add.f32 [tilespmem:s26], [sflag:$0x3], $0x80, s22, s25, $0xb8;
	[tilespmem:$0x1D600] =	vst v63  }
0x3ba: {  	s15 =	sshll.u32 @!p1 s15, $0x6  }
0x3bb: {  	s15 =	sand.u32 @!p1 $0x1FFFFF80, s15  }
0x3bc: {  	s16 =	simm.s32 @!p1 $0x0;
	s15 =	sadd.s32 @!p1 s5, s15  }
0x3bd: {  	[tilespmem:s16], [sflag:$0x5] =	stream.linear.gather @!p1 [hbm4b:s15+s16], $0x180, $0x38;
	[tilespmem:$0x1D600] =	vst v63  }
0x3be: {  	_ =	swait.ge [sflag:s6], $0x4000  }
0x3bf: {  	[sflag:s6] =	ssyncset.done $0x0  }
0x3c0: {  	[sflag:s6] =	ssyncadd.s32 $0xFFFFC000  }
0x3c1: {  	v1 =	vld [tilespmem:$0x280]  }
0x3c2: {  	v2 =	vld [tilespmem:$0x290]  }
0x3c3: {  	v3 =	vld [tilespmem:$0x2A0]  }
0x3c4: {  	v4 =	vld [tilespmem:$0x2B0]  }
0x3c5: {  	v5 =	vld [tilespmem:$0x2C0]  }
0x3c6: {  	[tilespmem:$0x480] =	vst v1;
	v1 =	vld [tilespmem:$0x2D0]  }
0x3c7: {  	[tilespmem:$0x490] =	vst v2;
	v2 =	vld [tilespmem:$0x2E0]  }
0x3c8: {  	[tilespmem:$0x4A0] =	vst v3;
	v3 =	vld [tilespmem:$0x2F0]  }
0x3c9: {  	[tilespmem:$0x4B0] =	vst v4  }
0x3ca: {  	[tilespmem:$0x4C0] =	vst v5  }
0x3cb: {  	[tilespmem:$0x4D0] =	vst v1  }
0x3cc: {  	s17 =	simm.s32 $0x0;
	[tilespmem:$0x4E0] =	vst v2  }
0x3cd: {  	s18 =	simm.s32 $0x6;
	[tilespmem:$0x4F0] =	vst v3;
	v1 =	vmov s17  }
0x3ce: {  	v2 =	vmov s18;
	_ =	swait.ge [sflag:s7], $0x4000;
	v1 =	vand.u32 $0xFFFFFFF8, v1  }
0x3cf: {  	v2 =	vand.u32 $0xFFFFFFFE, v2;
	[sflag:s7] =	ssyncset.done $0x0;
	v1 =	vbroadcast v1, $0x0  }
0x3d0: {  	s15 =	simm.s32 @!p1 $0x5;
	v2 =	vbroadcast v2, $0x0;
	[sflag:s7] =	ssyncadd.s32 $0xFFFFC000  }
0x3d1: {  	_ =	swait.ge @!p1 [sflag:s15], $0x180  }
0x3d2: {  	[sflag:s15] =	ssyncset.done @!p1 $0x0  }
0x3d3: {  	s17 =	simm.s32 @!p1 $0x500;
	[sflag:s15] =	ssyncadd.s32 @!p1 $0xFFFFFE80;
	s15 =	simm.s32 @!p1 $0x80  }
0x3d4: {  	[tilespmem:s17], [sflag:$0x1] =	stream.indirect.gather @!p1 [hbm4b:s1+s15], $0x80, s16, s15, $0xb8;
	[tilespmem:$0x1D600] =	vst v63  }
0x3d5: {  	v1 =	vld.idx.msk [tilespmem:v1+s8+$0x0], $0xffff  }
0x3d6: {  	s28 =	simm.s32 $0x1;
	s15 =	simm.s32 $0x4700;
	v2 =	vld.idx.msk [tilespmem:v2+s8+$0x0], $0xffff  }
0x3d7: {  	v3 =	vmov s28;
	v4 =	vld [tilespmem:s15+$0x170]  }
0x3d8: {  	v3 =	vand.u32 $0xFFFFFFF9, v3;
	v5 =	vld [tilespmem:s15+$0xFFFFFE00]  }
0x3d9: {  	v3 =	vbroadcast v3, $0x0;
	v6 =	vld [tilespmem:s15+$0xFFFFFE10]  }
0x3da: {  	v7 =	vld [tilespmem:s15+$0xFFFFFE20]  }
0x3db: {  	v8 =	vld [tilespmem:s15+$0xFFFFFE30]  }
0x3dc: {  	v9 =	vld [tilespmem:s15+$0xFFFFFE40]  }
0x3dd: {  	v10 =	vld [tilespmem:s15+$0xFFFFFE50]  }
0x3de: {  	v11 =	vld [tilespmem:s15+$0xFFFFFE60]  }
0x3df: {  	v3 =	vld.idx.msk [tilespmem:v3+s8+$0x0], $0xffff  }
0x3e0: {  	v12 =	vld [tilespmem:s15+$0xFFFFFE70]  }
0x3e1: {  	v13 =	vld [tilespmem:s15+$0xFFFFFE80];
	v5 =	vmul.f32 v1, v5  }
0x3e2: {  	v14 =	vld [tilespmem:s15+$0xFFFFFE90];
	v4 =	vmul.f32 v2, v4  }
0x3e3: {  	v15 =	vld [tilespmem:s15+$0xFFFFFEA0];
	v6 =	vmul.f32 v1, v6;
	[tilespmem:s15+$0xFFFFFE00] =	vst v5  }
0x3e4: {  	s17 =	simm.s32 $0x2;
	v16 =	vld [tilespmem:s15+$0xFFFFFEB0];
	v8 =	vmul.f32 v1, v8;
	[tilespmem:s15+$0x170] =	vst v4  }
0x3e5: {  	v9 =	vmul.f32 v1, v9;
	v5 =	vmov s17;
	v4 =	vmul.f32 v1, v7;
	v7 =	vld [tilespmem:s15+$0xFFFFFEC0];
	[tilespmem:s15+$0xFFFFFE10] =	vst v6  }
0x3e6: {  	v6 =	vmul.f32 v3, v13;
	v13 =	vld [tilespmem:s15+$0xFFFFFED0];
	[tilespmem:s15+$0xFFFFFE30] =	vst v8;
	v5 =	vand.u32 $0xFFFFFFFA, v5  }
0x3e7: {  	v8 =	vmul.f32 v1, v10;
	v10 =	vld [tilespmem:s15+$0xFFFFFEF0];
	[tilespmem:s15+$0xFFFFFE40] =	vst v9;
	v5 =	vbroadcast v5, $0x0  }
0x3e8: {  	v9 =	vmul.f32 v1, v11;
	v11 =	vld [tilespmem:s15+$0xFFFFFF00];
	[tilespmem:s15+$0xFFFFFE20] =	vst v4  }
0x3e9: {  	v1 =	vmul.f32 v1, v12;
	v12 =	vld [tilespmem:s15+$0xFFFFFF20];
	[tilespmem:s15+$0xFFFFFE80] =	vst v6  }
0x3ea: {  	s18 =	simm.s32 $0x3;
	v4 =	vld [tilespmem:s15+$0xFFFFFEE0];
	[tilespmem:s15+$0xFFFFFE50] =	vst v8  }
0x3eb: {  	v6 =	vmov s18;
	v8 =	vld [tilespmem:s15+$0xFFFFFF10];
	[tilespmem:s15+$0xFFFFFE60] =	vst v9;
	v9 =	vmul.f32 v3, v14  }
0x3ec: {  	[tilespmem:s15+$0xFFFFFE70] =	vst v1;
	v1 =	vmul.f32 v3, v15;
	v14 =	vld [tilespmem:s15+$0xFFFFFF30];
	v6 =	vand.u32 $0xFFFFFFFB, v6  }
0x3ed: {  	v6 =	vbroadcast v6, $0x0;
	[tilespmem:s15+$0xFFFFFE90] =	vst v9;
	v9 =	vmul.f32 v3, v16;
	v5 =	vld.idx.msk [tilespmem:v5+s8+$0x0], $0xffff  }
0x3ee: {  	v15 =	vld [tilespmem:s15+$0xFFFFFF40];
	[tilespmem:s15+$0xFFFFFEA0] =	vst v1;
	v7 =	vmul.f32 v3, v7  }
0x3ef: {  	v13 =	vmul.f32 v3, v13;
	[tilespmem:s15+$0xFFFFFEB0] =	vst v9;
	v9 =	vld [tilespmem:s15+$0xFFFFFF60]  }
0x3f0: {  	[tilespmem:s15+$0xFFFFFEC0] =	vst v7;
	v4 =	vmul.f32 v3, v4;
	v7 =	vld [tilespmem:s15+$0xFFFFFF70]  }
0x3f1: {  	[tilespmem:s15+$0xFFFFFED0] =	vst v13;
	v3 =	vmul.f32 v3, v10;
	v10 =	vld [tilespmem:s15+$0xFFFFFF80]  }
0x3f2: {  	v13 =	vld [tilespmem:s15+$0xFFFFFFB0];
	[tilespmem:s15+$0xFFFFFEE0] =	vst v4;
	v1 =	vmul.f32 v5, v11  }
0x3f3: {  	[tilespmem:s15+$0xFFFFFEF0] =	vst v3;
	v6 =	vld.idx.msk [tilespmem:v6+s8+$0x0], $0xffff;
	v4 =	vmul.f32 v5, v8  }
0x3f4: {  	s28 =	simm.s32 $0x4;
	v11 =	vld [tilespmem:s15+$0xFFFFFF50];
	v3 =	vmul.f32 v5, v12;
	[tilespmem:s15+$0xFFFFFF00] =	vst v1  }
0x3f5: {  	v8 =	vld [tilespmem:s15+$0xFFFFFF90];
	v9 =	vmul.f32 v5, v9;
	v1 =	vmov s28;
	[tilespmem:s15+$0xFFFFFF10] =	vst v4  }
0x3f6: {  	v12 =	vld [tilespmem:s15+$0xFFFFFFA0];
	v4 =	vmul.f32 v5, v14;
	[tilespmem:s15+$0xFFFFFF20] =	vst v3;
	v1 =	vand.u32 $0xFFFFFFFC, v1  }
0x3f7: {  	v3 =	vmul.f32 v5, v15;
	v14 =	vld [tilespmem:s15+$0xFFFFFFC0];
	[tilespmem:s15+$0xFFFFFF60] =	vst v9;
	v1 =	vbroadcast v1, $0x0  }
0x3f8: {  	v9 =	vld [tilespmem:s15+$0x0];
	[tilespmem:s15+$0xFFFFFF30] =	vst v4;
	v4 =	vmul.f32 v6, v10  }
0x3f9: {  	s17 =	simm.s32 $0x5;
	v10 =	vld [tilespmem:s15+$0xFFFFFFD0];
	[tilespmem:s15+$0xFFFFFF40] =	vst v3;
	v11 =	vmul.f32 v5, v11  }
0x3fa: {  	v3 =	vld [tilespmem:s15+$0xFFFFFFE0];
	v5 =	vmul.f32 v5, v7;
	[tilespmem:s15+$0xFFFFFF80] =	vst v4;
	v4 =	vmov s17  }
0x3fb: {  	v7 =	vld [tilespmem:s15+$0xFFFFFFF0];
	v8 =	vmul.f32 v6, v8;
	[tilespmem:s15+$0xFFFFFF50] =	vst v11;
	v4 =	vand.u32 $0xFFFFFFFD, v4  }
0x3fc: {  	[tilespmem:s15+$0xFFFFFF70] =	vst v5;
	v5 =	vmul.f32 v6, v12;
	v11 =	vld [tilespmem:s15+$0x10];
	v4 =	vbroadcast v4, $0x0  }
0x3fd: {  	[tilespmem:s15+$0xFFFFFF90] =	vst v8;
	v8 =	vmul.f32 v6, v13;
	v1 =	vld.idx.msk [tilespmem:v1+s8+$0x0], $0xffff  }
0x3fe: {  	v12 =	vld [tilespmem:s15+$0x20];
	[tilespmem:s15+$0xFFFFFFA0] =	vst v5;
	v5 =	vmul.f32 v6, v14  }
0x3ff: {  	v13 =	vld [tilespmem:s15+$0x30];
	[tilespmem:s15+$0xFFFFFFB0] =	vst v8;
	v8 =	vmul.f32 v6, v10  }
0x400: {  	v10 =	vld [tilespmem:s15+$0x40];
	v3 =	vmul.f32 v6, v3;
	[tilespmem:s15+$0xFFFFFFC0] =	vst v5  }
0x401: {  	v6 =	vmul.f32 v6, v7;
	[tilespmem:s15+$0xFFFFFFD0] =	vst v8;
	v8 =	vld [tilespmem:s15+$0x60]  }
0x402: {  	[tilespmem:s15+$0xFFFFFFE0] =	vst v3;
	v4 =	vld.idx.msk [tilespmem:v4+s8+$0x0], $0xffff;
	v5 =	vmul.f32 v1, v9  }
0x403: {  	[tilespmem:s15+$0xFFFFFFF0] =	vst v6;
	v9 =	vld [tilespmem:s15+$0x50];
	v6 =	vmul.f32 v1, v12  }
0x404: {  	v3 =	vmul.f32 v1, v11;
	v11 =	vld [tilespmem:s15+$0x90];
	[tilespmem:s15+$0x0] =	vst v5  }
0x405: {  	v7 =	vld [tilespmem:s15+$0x80];
	[tilespmem:s15+$0x20] =	vst v6;
	v6 =	vmul.f32 v1, v10  }
0x406: {  	v5 =	vld [tilespmem:s15+$0x70];
	[tilespmem:s15+$0x10] =	vst v3;
	v3 =	vmul.f32 v1, v13  }
0x407: {  	v10 =	vld [tilespmem:s15+$0xA0];
	[tilespmem:s15+$0x40] =	vst v6;
	v6 =	vmul.f32 v1, v8  }
0x408: {  	[tilespmem:s15+$0x30] =	vst v3;
	v8 =	vld [tilespmem:s15+$0xC0];
	v3 =	vmul.f32 v1, v9  }
0x409: {  	v9 =	vld [tilespmem:s15+$0xB0];
	v11 =	vmul.f32 v4, v11;
	[tilespmem:s15+$0x60] =	vst v6  }
0x40a: {  	v6 =	vld [tilespmem:s15+$0xE0];
	[tilespmem:s15+$0x50] =	vst v3;
	v3 =	vmul.f32 v4, v7  }
0x40b: {  	v7 =	vld [tilespmem:s15+$0xD0];
	v5 =	vmul.f32 v1, v5;
	[tilespmem:s15+$0x90] =	vst v11  }
0x40c: {  	v11 =	vld [tilespmem:s15+$0x150];
	[tilespmem:s15+$0x80] =	vst v3  }
0x40d: {  	[tilespmem:s15+$0x70] =	vst v5;
	v3 =	vmul.f32 v4, v10;
	v5 =	vld [tilespmem:s15+$0xF0]  }
0x40e: {  	v10 =	vld [tilespmem:s15+$0x100];
	v9 =	vmul.f32 v4, v9  }
0x40f: {  	s18 =	simm.s32 $0x7;
	[tilespmem:s15+$0xA0] =	vst v3;
	v3 =	vmul.f32 v4, v8;
	v8 =	vld [tilespmem:s15+$0x110]  }
0x410: {  	v14 =	vld [tilespmem:s15+$0x180];
	v12 =	vmov s18;
	[tilespmem:s15+$0xB0] =	vst v9;
	v7 =	vmul.f32 v4, v7  }
0x411: {  	v9 =	vld [tilespmem:s15+$0x120];
	v11 =	vmul.f32 v2, v11;
	[tilespmem:s15+$0xC0] =	vst v3  }
0x412: {  	s18 =	simm.s32 $0xA;
	v3 =	vmul.f32 v4, v6;
	v6 =	vld [tilespmem:s15+$0x130];
	[tilespmem:s15+$0xD0] =	vst v7;
	v4 =	vmul.f32 v4, v5  }
0x413: {  	s28 =	simm.s32 $0x8;
	v13 =	vmov s18;
	v5 =	vld [tilespmem:s15+$0x140];
	[tilespmem:s15+$0x150] =	vst v11  }
0x414: {  	s17 =	simm.s32 $0xF;
	s18 =	simm.s32 $0xC;
	v7 =	vmov s28;
	v10 =	vmul.f32 v2, v10;
	[tilespmem:s15+$0xF0] =	vst v4;
	v4 =	vmul.f32 v2, v8;
	v8 =	vld [tilespmem:s15+$0x160]  }
0x415: {  	v15 =	vmov s18;
	v1 =	vld.idx.msk [tilespmem:v12+s8+$0x0], $0xffff;
	s28 =	simm.s32 $0x9;
	[tilespmem:s15+$0xE0] =	vst v3;
	v7 =	vand.u32 $0xFFFFFFF8, v7;
	v3 =	vmov s17;
	s17 =	simm.s32 $0xB  }
0x416: {  	v17 =	vld [tilespmem:s15+$0x190];
	v12 =	vmov s28;
	s28 =	simm.s32 $0xD;
	[tilespmem:s15+$0x100] =	vst v10;
	v10 =	vmov s17;
	v9 =	vmul.f32 v2, v9  }
0x417: {  	v63 =	vmov s28;
	[tilespmem:s15+$0x110] =	vst v4;
	v16 =	vmul.f32 v2, v6;
	v4 =	vbroadcast v7, $0x0;
	v6 =	vld [tilespmem:s15+$0x1A0]  }
0x418: {  	v7 =	vld [tilespmem:s15+$0x1B0];
	[tilespmem:s15+$0x120] =	vst v9;
	v9 =	vmul.f32 v2, v5;
	v5 =	vand.u32 $0xFFFFFFF9, v12;
	v12 =	vand.u32 $0xFFFFFFFA, v13  }
0x419: {  	v13 =	vand.u32 $0xFFFFFFFB, v10;
	[tilespmem:s15+$0x130] =	vst v16;
	v5 =	vbroadcast v5, $0x0;
	v16 =	vmul.f32 v2, v8;
	v8 =	vld [tilespmem:s15+$0x1C0]  }
0x41a: {  	v10 =	vbroadcast v12, $0x0;
	[tilespmem:s15+$0x140] =	vst v9;
	v2 =	vand.u32 $0xFFFFFFFC, v15;
	v15 =	vmul.f32 v1, v14;
	v9 =	vld [tilespmem:s15+$0x1D0]  }
0x41b: {  	s16 =	simm.s32 $0x10;
	v11 =	vld [tilespmem:s15+$0x1E0];
	s17 =	simm.s32 $0xE;
	v12 =	vbroadcast v13, $0x0;
	v13 =	vmul.f32 v1, v17;
	v14 =	vand.u32 $0xFFFFFFFD, v63;
	[tilespmem:s15+$0x160] =	vst v16  }
.LBB2_11:
0x41c: {  	p2 =	slt.u32 s16, $0x78;
	v2 =	vbroadcast v2, $0x0;
	v16 =	vmov s17;
	[tilespmem:s15+$0x180] =	vst v15;
	v6 =	vmul.f32 v1, v6;
	v15 =	vld [tilespmem:s15+$0x1F0]  }
0x41d: {  	v14 =	vbroadcast v14, $0x0;
	v16 =	vand.u32 $0xFFFFFFFE, v16;
	v17 =	vld.idx.msk [tilespmem:v3+s8+$0x0], $0xffff;
	[tilespmem:s15+$0x190] =	vst v13;
	v3 =	vmul.f32 v1, v7  }
0x41e: {  	v7 =	vld.idx.msk [tilespmem:v4+s8+$0x0], $0xffff;
	v13 =	vbroadcast v16, $0x0;
	[tilespmem:s15+$0x1A0] =	vst v6;
	v4 =	vmul.f32 v1, v8  }
0x41f: {  	v6 =	vld.idx.msk [tilespmem:v5+s8+$0x0], $0xffff;
	[tilespmem:s15+$0x1B0] =	vst v3;
	v3 =	vmul.f32 v1, v9  }
0x420: {  	v8 =	vld.idx.msk [tilespmem:v10+s8+$0x0], $0xffff;
	[tilespmem:s15+$0x1C0] =	vst v4;
	v9 =	vmul.f32 v1, v11  }
0x421: {  	v5 =	vld.idx.msk [tilespmem:v12+s8+$0x0], $0xffff;
	[tilespmem:s15+$0x1D0] =	vst v3;
	v10 =	vmul.f32 v1, v15  }
0x422: {  	v4 =	vld.idx.msk [tilespmem:v2+s8+$0x0], $0xffff;
	[tilespmem:s15+$0x1E0] =	vst v9  }
0x423: {  	v1 =	vmov v17;
	v3 =	vld.idx.msk [tilespmem:v14+s8+$0x0], $0xffff;
	[tilespmem:s15+$0x1F0] =	vst v10  }
0x424: {  	s15 =	sadd.s32 $0x400, s15;
	v2 =	vld.idx.msk [tilespmem:v13+s8+$0x0], $0xffff  }
0x425: {  	v9 =	vld [tilespmem:s15+$0x170]  }
0x426: {  	v10 =	vld [tilespmem:s15+$0xFFFFFE00]  }
0x427: {  	v11 =	vld [tilespmem:s15+$0xFFFFFE10]  }
0x428: {  	v12 =	vld [tilespmem:s15+$0xFFFFFE20]  }
0x429: {  	v13 =	vld [tilespmem:s15+$0xFFFFFE30]  }
0x42a: {  	v14 =	vld [tilespmem:s15+$0xFFFFFE40];
	v9 =	vmul.f32 v2, v9  }
0x42b: {  	v10 =	vmul.f32 v7, v10;
	v15 =	vld [tilespmem:s15+$0xFFFFFE50]  }
0x42c: {  	v11 =	vmul.f32 v7, v11;
	v16 =	vld [tilespmem:s15+$0xFFFFFE60];
	[tilespmem:s15+$0x170] =	vst v9  }
0x42d: {  	[tilespmem:s15+$0xFFFFFE00] =	vst v10;
	v9 =	vmul.f32 v7, v12;
	v10 =	vld [tilespmem:s15+$0xFFFFFE70]  }
0x42e: {  	[tilespmem:s15+$0xFFFFFE10] =	vst v11;
	v11 =	vmul.f32 v7, v13;
	v12 =	vld [tilespmem:s15+$0xFFFFFE80]  }
0x42f: {  	[tilespmem:s15+$0xFFFFFE20] =	vst v9;
	v9 =	vmul.f32 v7, v14;
	v13 =	vld [tilespmem:s15+$0xFFFFFE90]  }
0x430: {  	[tilespmem:s15+$0xFFFFFE30] =	vst v11;
	v11 =	vmul.f32 v7, v15;
	v14 =	vld [tilespmem:s15+$0xFFFFFEA0]  }
0x431: {  	[tilespmem:s15+$0xFFFFFE40] =	vst v9;
	v9 =	vmul.f32 v7, v16;
	v15 =	vld [tilespmem:s15+$0xFFFFFEB0]  }
0x432: {  	[tilespmem:s15+$0xFFFFFE50] =	vst v11;
	v7 =	vmul.f32 v7, v10;
	v10 =	vld [tilespmem:s15+$0xFFFFFEC0]  }
0x433: {  	[tilespmem:s15+$0xFFFFFE60] =	vst v9;
	v9 =	vmul.f32 v6, v12;
	v11 =	vld [tilespmem:s15+$0xFFFFFED0]  }
0x434: {  	[tilespmem:s15+$0xFFFFFE70] =	vst v7;
	v7 =	vmul.f32 v6, v13;
	v12 =	vld [tilespmem:s15+$0xFFFFFEE0]  }
0x435: {  	[tilespmem:s15+$0xFFFFFE80] =	vst v9;
	v9 =	vmul.f32 v6, v14;
	v13 =	vld [tilespmem:s15+$0xFFFFFEF0]  }
0x436: {  	[tilespmem:s15+$0xFFFFFE90] =	vst v7;
	v7 =	vmul.f32 v6, v15;
	v14 =	vld [tilespmem:s15+$0xFFFFFF00]  }
0x437: {  	[tilespmem:s15+$0xFFFFFEA0] =	vst v9;
	v9 =	vmul.f32 v6, v10;
	v10 =	vld [tilespmem:s15+$0xFFFFFF10]  }
0x438: {  	[tilespmem:s15+$0xFFFFFEB0] =	vst v7;
	v7 =	vmul.f32 v6, v11;
	v11 =	vld [tilespmem:s15+$0xFFFFFF20]  }
0x439: {  	[tilespmem:s15+$0xFFFFFEC0] =	vst v9;
	v9 =	vmul.f32 v6, v12;
	v12 =	vld [tilespmem:s15+$0xFFFFFF30]  }
0x43a: {  	[tilespmem:s15+$0xFFFFFED0] =	vst v7;
	v6 =	vmul.f32 v6, v13;
	v7 =	vld [tilespmem:s15+$0xFFFFFF40]  }
0x43b: {  	[tilespmem:s15+$0xFFFFFEE0] =	vst v9;
	v9 =	vmul.f32 v8, v14;
	v13 =	vld [tilespmem:s15+$0xFFFFFF50]  }
0x43c: {  	[tilespmem:s15+$0xFFFFFEF0] =	vst v6;
	v6 =	vmul.f32 v8, v10;
	v10 =	vld [tilespmem:s15+$0xFFFFFF60]  }
0x43d: {  	[tilespmem:s15+$0xFFFFFF00] =	vst v9;
	v9 =	vmul.f32 v8, v11;
	v11 =	vld [tilespmem:s15+$0xFFFFFF70]  }
0x43e: {  	[tilespmem:s15+$0xFFFFFF10] =	vst v6;
	v6 =	vmul.f32 v8, v12;
	v12 =	vld [tilespmem:s15+$0xFFFFFF80]  }
0x43f: {  	[tilespmem:s15+$0xFFFFFF20] =	vst v9;
	v7 =	vmul.f32 v8, v7;
	v9 =	vld [tilespmem:s15+$0xFFFFFF90]  }
0x440: {  	[tilespmem:s15+$0xFFFFFF30] =	vst v6;
	v6 =	vmul.f32 v8, v13;
	v13 =	vld [tilespmem:s15+$0xFFFFFFA0]  }
0x441: {  	[tilespmem:s15+$0xFFFFFF40] =	vst v7;
	v7 =	vmul.f32 v8, v10;
	v10 =	vld [tilespmem:s15+$0xFFFFFFB0]  }
0x442: {  	[tilespmem:s15+$0xFFFFFF50] =	vst v6;
	v6 =	vmul.f32 v8, v11;
	v8 =	vld [tilespmem:s15+$0xFFFFFFC0]  }
0x443: {  	[tilespmem:s15+$0xFFFFFF60] =	vst v7;
	v7 =	vmul.f32 v5, v12;
	v11 =	vld [tilespmem:s15+$0xFFFFFFD0]  }
0x444: {  	[tilespmem:s15+$0xFFFFFF70] =	vst v6;
	v6 =	vmul.f32 v5, v9;
	v9 =	vld [tilespmem:s15+$0xFFFFFFE0]  }
0x445: {  	[tilespmem:s15+$0xFFFFFF80] =	vst v7;
	v7 =	vmul.f32 v5, v13;
	v12 =	vld [tilespmem:s15+$0xFFFFFFF0]  }
0x446: {  	[tilespmem:s15+$0xFFFFFF90] =	vst v6;
	v6 =	vmul.f32 v5, v10;
	v10 =	vld [tilespmem:s15+$0x0]  }
0x447: {  	[tilespmem:s15+$0xFFFFFFA0] =	vst v7;
	v7 =	vmul.f32 v5, v8;
	v8 =	vld [tilespmem:s15+$0x10]  }
0x448: {  	[tilespmem:s15+$0xFFFFFFB0] =	vst v6;
	v6 =	vmul.f32 v5, v11;
	v11 =	vld [tilespmem:s15+$0x20]  }
0x449: {  	[tilespmem:s15+$0xFFFFFFC0] =	vst v7;
	v7 =	vmul.f32 v5, v9;
	v9 =	vld [tilespmem:s15+$0x30]  }
0x44a: {  	[tilespmem:s15+$0xFFFFFFD0] =	vst v6;
	v5 =	vmul.f32 v5, v12;
	v6 =	vld [tilespmem:s15+$0x40]  }
0x44b: {  	[tilespmem:s15+$0xFFFFFFE0] =	vst v7;
	v7 =	vmul.f32 v4, v10;
	v10 =	vld [tilespmem:s15+$0x50]  }
0x44c: {  	[tilespmem:s15+$0xFFFFFFF0] =	vst v5;
	v5 =	vmul.f32 v4, v8;
	v8 =	vld [tilespmem:s15+$0x60]  }
0x44d: {  	[tilespmem:s15+$0x0] =	vst v7;
	v7 =	vmul.f32 v4, v11;
	v11 =	vld [tilespmem:s15+$0x70]  }
0x44e: {  	[tilespmem:s15+$0x10] =	vst v5;
	v5 =	vmul.f32 v4, v9;
	v9 =	vld [tilespmem:s15+$0x80]  }
0x44f: {  	[tilespmem:s15+$0x20] =	vst v7;
	v6 =	vmul.f32 v4, v6;
	v7 =	vld [tilespmem:s15+$0x90]  }
0x450: {  	[tilespmem:s15+$0x30] =	vst v5;
	v5 =	vmul.f32 v4, v10;
	v10 =	vld [tilespmem:s15+$0xA0]  }
0x451: {  	[tilespmem:s15+$0x40] =	vst v6;
	v6 =	vmul.f32 v4, v8;
	v8 =	vld [tilespmem:s15+$0xB0]  }
0x452: {  	[tilespmem:s15+$0x50] =	vst v5;
	v4 =	vmul.f32 v4, v11;
	v5 =	vld [tilespmem:s15+$0xC0]  }
0x453: {  	[tilespmem:s15+$0x60] =	vst v6;
	v6 =	vmul.f32 v3, v9;
	v9 =	vld [tilespmem:s15+$0xD0]  }
0x454: {  	[tilespmem:s15+$0x70] =	vst v4;
	v4 =	vmul.f32 v3, v7;
	v7 =	vld [tilespmem:s15+$0xE0]  }
0x455: {  	[tilespmem:s15+$0x80] =	vst v6;
	v6 =	vmul.f32 v3, v10;
	v10 =	vld [tilespmem:s15+$0xF0]  }
0x456: {  	[tilespmem:s15+$0x90] =	vst v4;
	v4 =	vmul.f32 v3, v8;
	v8 =	vld [tilespmem:s15+$0x100]  }
0x457: {  	[tilespmem:s15+$0xA0] =	vst v6;
	v5 =	vmul.f32 v3, v5;
	v6 =	vld [tilespmem:s15+$0x110]  }
0x458: {  	[tilespmem:s15+$0xB0] =	vst v4;
	v4 =	vmul.f32 v3, v9;
	v9 =	vld [tilespmem:s15+$0x120]  }
0x459: {  	[tilespmem:s15+$0xC0] =	vst v5;
	v5 =	vmul.f32 v3, v7;
	v7 =	vld [tilespmem:s15+$0x130]  }
0x45a: {  	[tilespmem:s15+$0xD0] =	vst v4;
	v4 =	vmul.f32 v3, v10;
	v10 =	vld [tilespmem:s15+$0x140]  }
0x45b: {  	s17 =	sadd.s32 $0x7, s16;
	v3 =	vmov s16;
	[tilespmem:s15+$0xE0] =	vst v5;
	v5 =	vmul.f32 v2, v8;
	v8 =	vld [tilespmem:s15+$0x150]  }
0x45c: {  	s18 =	sadd.s32 $0x1, s16;
	s28 =	sadd.s32 $0x2, s16;
	v11 =	vand.u32 $0xFFFFFFF8, v3;
	v3 =	vmov s17;
	[tilespmem:s15+$0xF0] =	vst v4;
	v4 =	vmul.f32 v2, v6;
	v12 =	vld [tilespmem:s15+$0x160]  }
0x45d: {  	v14 =	vmov s28;
	v13 =	vmov s18;
	s18 =	sadd.s32 $0x4, s16;
	s17 =	sadd.s32 $0x3, s16;
	[tilespmem:s15+$0x100] =	vst v5;
	v5 =	vmul.f32 v2, v9;
	v9 =	vld [tilespmem:s15+$0x180]  }
0x45e: {  	v16 =	vmov s18;
	v15 =	vmov s17;
	s17 =	sadd.s32 $0x5, s16;
	[tilespmem:s15+$0x110] =	vst v4;
	v7 =	vmul.f32 v2, v7;
	v17 =	vld [tilespmem:s15+$0x190]  }
.Ltmp6:
0x45f: {  	v4 =	vbroadcast v11, $0x0;
	v11 =	vmov s17;
	[tilespmem:s15+$0x120] =	vst v5;
	v10 =	vmul.f32 v2, v10;
	v6 =	vld [tilespmem:s15+$0x1A0];
	(pc) =	sbr.rel @p2 .LBB2_11-.Ltmp6, $4  }
0x460: {  	v5 =	vand.u32 $0xFFFFFFF9, v13;
	v13 =	vand.u32 $0xFFFFFFFA, v14;
	[tilespmem:s15+$0x130] =	vst v7;
	v14 =	vmul.f32 v2, v8;
	v7 =	vld [tilespmem:s15+$0x1B0]  }
0x461: {  	v18 =	vand.u32 $0xFFFFFFFB, v15;
	v5 =	vbroadcast v5, $0x0;
	[tilespmem:s15+$0x140] =	vst v10;
	v19 =	vmul.f32 v2, v12;
	v8 =	vld [tilespmem:s15+$0x1C0]  }
0x462: {  	v10 =	vbroadcast v13, $0x0;
	v2 =	vand.u32 $0xFFFFFFFC, v16;
	[tilespmem:s15+$0x150] =	vst v14;
	v15 =	vmul.f32 v1, v9;
	v9 =	vld [tilespmem:s15+$0x1D0]  }
0x463: {  	s17 =	sadd.s32 $0x6, s16;
	s16 =	sadd.s32 $0x8, s16;
	v12 =	vbroadcast v18, $0x0;
	v14 =	vand.u32 $0xFFFFFFFD, v11;
	[tilespmem:s15+$0x160] =	vst v19;
	v13 =	vmul.f32 v1, v17;
	v11 =	vld [tilespmem:s15+$0x1E0]  }
0x464: {  	_ =	sdelay $0x2  }
0x465: {  	v16 =	vld [tilespmem:s15+$0x1F0]  }
0x466: {  	v18 =	vld.idx.msk [tilespmem:v4+s8+$0x0], $0xffff  }
0x467: {  	v23 =	vld.idx.msk [tilespmem:v5+s8+$0x0], $0xffff  }
0x468: {  	v22 =	vbroadcast v2, $0x0;
	v2 =	vmov s17;
	v10 =	vld.idx.msk [tilespmem:v10+s8+$0x0], $0xffff  }
0x469: {  	v17 =	vand.u32 $0xFFFFFFFE, v2;
	v2 =	vld.idx.msk [tilespmem:v3+s8+$0x0], $0xffff  }
0x46a: {  	s16 =	sadd.s32 $0x400, s15;
	v12 =	vld.idx.msk [tilespmem:v12+s8+$0x0], $0xffff  }
0x46b: {  	v24 =	vld [tilespmem:s16+$0x170]  }
0x46c: {  	v26 =	vld [tilespmem:s16+$0xFFFFFE00]  }
0x46d: {  	v28 =	vld [tilespmem:s16+$0xFFFFFE10]  }
0x46e: {  	[tilespmem:s15+$0x180] =	vst v15;
	v6 =	vmul.f32 v1, v6;
	v30 =	vld [tilespmem:s16+$0xFFFFFE20]  }
0x46f: {  	[tilespmem:s15+$0x190] =	vst v13;
	v7 =	vmul.f32 v1, v7;
	v31 =	vld [tilespmem:s16+$0xFFFFFE30]  }
0x470: {  	v32 =	vld [tilespmem:s16+$0xFFFFFE40];
	[tilespmem:s15+$0x1A0] =	vst v6;
	v25 =	vmul.f32 v1, v8  }
0x471: {  	v33 =	vld [tilespmem:s16+$0xFFFFFE50];
	[tilespmem:s15+$0x1B0] =	vst v7;
	v27 =	vmul.f32 v1, v9  }
0x472: {  	v34 =	vld [tilespmem:s16+$0xFFFFFE60];
	[tilespmem:s15+$0x1C0] =	vst v25;
	v29 =	vmul.f32 v1, v11  }
0x473: {  	v35 =	vld [tilespmem:s16+$0xFFFFFE70];
	[tilespmem:s15+$0x1D0] =	vst v27;
	v1 =	vmul.f32 v1, v16  }
0x474: {  	v36 =	vld [tilespmem:s16+$0xFFFFFE80];
	[tilespmem:s15+$0x1E0] =	vst v29;
	v9 =	vmul.f32 v18, v28  }
0x475: {  	v37 =	vld [tilespmem:s16+$0xFFFFFE90];
	[tilespmem:s15+$0x1F0] =	vst v1;
	v1 =	vmul.f32 v18, v26  }
0x476: {  	v39 =	vld [tilespmem:s16+$0xFFFFFEA0];
	v7 =	vmul.f32 v18, v31;
	[tilespmem:s16+$0xFFFFFE10] =	vst v9  }
0x477: {  	v40 =	vld [tilespmem:s16+$0xFFFFFEB0];
	[tilespmem:s16+$0xFFFFFE00] =	vst v1;
	v1 =	vmul.f32 v18, v30  }
0x478: {  	v42 =	vld [tilespmem:s16+$0xFFFFFEC0];
	v38 =	vmul.f32 v18, v33;
	[tilespmem:s16+$0xFFFFFE30] =	vst v7  }
0x479: {  	v43 =	vld [tilespmem:s16+$0xFFFFFED0];
	[tilespmem:s16+$0xFFFFFE20] =	vst v1;
	v1 =	vmul.f32 v18, v32  }
0x47a: {  	v44 =	vld [tilespmem:s16+$0xFFFFFEE0];
	v41 =	vmul.f32 v18, v35;
	[tilespmem:s16+$0xFFFFFE50] =	vst v38  }
0x47b: {  	v45 =	vld [tilespmem:s16+$0xFFFFFEF0];
	[tilespmem:s16+$0xFFFFFE40] =	vst v1;
	v1 =	vmul.f32 v18, v34  }
0x47c: {  	v47 =	vld [tilespmem:s16+$0xFFFFFF00];
	v6 =	vmul.f32 v23, v37;
	[tilespmem:s16+$0xFFFFFE70] =	vst v41  }
0x47d: {  	v48 =	vld [tilespmem:s16+$0xFFFFFF10];
	[tilespmem:s16+$0xFFFFFE60] =	vst v1;
	v1 =	vmul.f32 v23, v36  }
0x47e: {  	v50 =	vld [tilespmem:s16+$0xFFFFFF20];
	v46 =	vmul.f32 v23, v40;
	[tilespmem:s16+$0xFFFFFE90] =	vst v6  }
0x47f: {  	v51 =	vld [tilespmem:s16+$0xFFFFFF30];
	[tilespmem:s16+$0xFFFFFE80] =	vst v1;
	v1 =	vmul.f32 v23, v39  }
0x480: {  	v53 =	vld [tilespmem:s16+$0xFFFFFF40];
	v49 =	vmul.f32 v23, v43;
	[tilespmem:s16+$0xFFFFFEB0] =	vst v46  }
0x481: {  	v54 =	vld [tilespmem:s16+$0xFFFFFF50];
	[tilespmem:s16+$0xFFFFFEA0] =	vst v1;
	v1 =	vmul.f32 v23, v42  }
0x482: {  	v56 =	vld [tilespmem:s16+$0xFFFFFF60];
	v52 =	vmul.f32 v23, v45;
	[tilespmem:s16+$0xFFFFFED0] =	vst v49  }
0x483: {  	v57 =	vld [tilespmem:s16+$0xFFFFFF70];
	[tilespmem:s16+$0xFFFFFEC0] =	vst v1;
	v1 =	vmul.f32 v23, v44  }
0x484: {  	v14 =	vbroadcast v14, $0x0;
	v59 =	vld [tilespmem:s16+$0xFFFFFF80];
	v55 =	vmul.f32 v10, v48;
	[tilespmem:s16+$0xFFFFFEF0] =	vst v52  }
0x485: {  	v60 =	vld [tilespmem:s16+$0xFFFFFF90];
	[tilespmem:s16+$0xFFFFFEE0] =	vst v1;
	v1 =	vmul.f32 v10, v47  }
0x486: {  	v62 =	vld [tilespmem:s16+$0xFFFFFFA0];
	v58 =	vmul.f32 v10, v51;
	[tilespmem:s16+$0xFFFFFF10] =	vst v55  }
0x487: {  	v63 =	vld [tilespmem:s16+$0xFFFFFFB0];
	v3 =	vbroadcast v17, $0x0;
	[tilespmem:s16+$0xFFFFFF00] =	vst v1;
	v1 =	vmul.f32 v10, v50  }
0x488: {  	v15 =	vld [tilespmem:s16+$0xFFFFFFC0];
	v61 =	vmul.f32 v10, v54;
	[tilespmem:s16+$0xFFFFFF30] =	vst v58  }
0x489: {  	v19 =	vld [tilespmem:s16+$0xFFFFFFF0];
	[tilespmem:s16+$0xFFFFFF20] =	vst v1;
	v1 =	vmul.f32 v10, v53  }
0x48a: {  	v4 =	vld.idx.msk [tilespmem:v14+s8+$0x0], $0xffff;
	v14 =	vmul.f32 v10, v57;
	[tilespmem:s16+$0xFFFFFF50] =	vst v61  }
0x48b: {  	v5 =	vld.idx.msk [tilespmem:v22+s8+$0x0], $0xffff;
	[tilespmem:s16+$0xFFFFFF40] =	vst v1;
	v1 =	vmul.f32 v10, v56  }
0x48c: {  	v17 =	vmul.f32 v12, v60;
	v22 =	vld [tilespmem:s16+$0x10];
	[tilespmem:s16+$0xFFFFFF70] =	vst v14  }
0x48d: {  	v3 =	vld.idx.msk [tilespmem:v3+s8+$0x0], $0xffff;
	[tilespmem:s16+$0xFFFFFF60] =	vst v1;
	v1 =	vmul.f32 v12, v59  }
0x48e: {  	v20 =	vmul.f32 v12, v63;
	[tilespmem:s16+$0xFFFFFF90] =	vst v17;
	v18 =	vld [tilespmem:s16+$0xFFFFFFE0]  }
0x48f: {  	v25 =	vld [tilespmem:s16+$0x30];
	[tilespmem:s16+$0xFFFFFF80] =	vst v1;
	v1 =	vmul.f32 v12, v62  }
0x490: {  	v21 =	vld [tilespmem:s16+$0x0];
	v26 =	vmul.f32 v12, v19;
	[tilespmem:s16+$0xFFFFFFB0] =	vst v20  }
0x491: {  	v28 =	vld [tilespmem:s16+$0x50];
	[tilespmem:s16+$0xFFFFFFA0] =	vst v1;
	v1 =	vmul.f32 v12, v15  }
0x492: {  	[tilespmem:s16+$0xFFFFFFF0] =	vst v26;
	v29 =	vmul.f32 v5, v22;
	v13 =	vmul.f32 v3, v24;
	v24 =	vld [tilespmem:s16+$0x20]  }
0x493: {  	v37 =	vld [tilespmem:s16+$0xB0];
	[tilespmem:s16+$0xFFFFFFC0] =	vst v1;
	v1 =	vmul.f32 v12, v18  }
0x494: {  	v27 =	vld [tilespmem:s16+$0x40];
	v32 =	vmul.f32 v5, v25;
	[tilespmem:s16+$0x10] =	vst v29  }
0x495: {  	[tilespmem:s16+$0xFFFFFFE0] =	vst v1;
	v1 =	vmul.f32 v5, v21  }
0x496: {  	v30 =	vld [tilespmem:s16+$0x60];
	v35 =	vmul.f32 v5, v28;
	[tilespmem:s16+$0x30] =	vst v32  }
0x497: {  	v45 =	vld [tilespmem:s16+$0x110];
	[tilespmem:s16+$0x0] =	vst v1;
	v1 =	vmul.f32 v5, v24  }
0x498: {  	v33 =	vld [tilespmem:s16+$0x80];
	v43 =	vmul.f32 v4, v37;
	[tilespmem:s16+$0x50] =	vst v35  }
0x499: {  	v48 =	vld [tilespmem:s16+$0x130];
	[tilespmem:s16+$0x20] =	vst v1;
	v1 =	vmul.f32 v5, v27  }
0x49a: {  	[tilespmem:s16+$0xB0] =	vst v43;
	v36 =	vld [tilespmem:s16+$0xA0]  }
0x49b: {  	v34 =	vld [tilespmem:s16+$0x90];
	[tilespmem:s16+$0x40] =	vst v1;
	v1 =	vmul.f32 v5, v30  }
0x49c: {  	v38 =	vld [tilespmem:s16+$0xC0];
	v51 =	vmul.f32 v3, v45;
	[tilespmem:s16+$0x170] =	vst v13  }
0x49d: {  	v16 =	vld [tilespmem:s16+$0xFFFFFFD0];
	[tilespmem:s16+$0x60] =	vst v1;
	v1 =	vmul.f32 v4, v33  }
0x49e: {  	v41 =	vld [tilespmem:s16+$0xE0];
	v54 =	vmul.f32 v3, v48;
	[tilespmem:s16+$0x110] =	vst v51  }
0x49f: {  	v39 =	vld [tilespmem:s16+$0xD0];
	[tilespmem:s16+$0x80] =	vst v1;
	v1 =	vmul.f32 v4, v36  }
0x4a0: {  	[tilespmem:s16+$0x130] =	vst v54;
	v40 =	vmul.f32 v4, v34;
	v44 =	vld [tilespmem:s16+$0x100]  }
0x4a1: {  	v50 =	vld [tilespmem:s16+$0x150];
	[tilespmem:s16+$0xA0] =	vst v1;
	v1 =	vmul.f32 v4, v38  }
0x4a2: {  	[tilespmem:s16+$0x90] =	vst v40;
	v23 =	vmul.f32 v12, v16;
	v47 =	vld [tilespmem:s16+$0x120]  }
0x4a3: {  	v53 =	vld [tilespmem:s16+$0x180];
	[tilespmem:s16+$0xC0] =	vst v1;
	v1 =	vmul.f32 v4, v41  }
0x4a4: {  	v49 =	vld [tilespmem:s16+$0x140];
	v46 =	vmul.f32 v4, v39;
	[tilespmem:s16+$0xFFFFFFD0] =	vst v23  }
0x4a5: {  	v56 =	vld [tilespmem:s16+$0x1A0];
	[tilespmem:s16+$0xE0] =	vst v1;
	v1 =	vmul.f32 v3, v44  }
0x4a6: {  	v52 =	vld [tilespmem:s16+$0x160];
	[tilespmem:s16+$0xD0] =	vst v46;
	v57 =	vmul.f32 v3, v50  }
0x4a7: {  	v31 =	vld [tilespmem:s16+$0x70];
	[tilespmem:s16+$0x100] =	vst v1;
	v1 =	vmul.f32 v3, v47  }
0x4a8: {  	v55 =	vld [tilespmem:s16+$0x190];
	[tilespmem:s16+$0x150] =	vst v57;
	v59 =	vmul.f32 v2, v53  }
0x4a9: {  	v42 =	vld [tilespmem:s16+$0xF0];
	[tilespmem:s16+$0x120] =	vst v1;
	v1 =	vmul.f32 v3, v49  }
0x4aa: {  	v58 =	vld [tilespmem:s16+$0x1B0];
	[tilespmem:s16+$0x180] =	vst v59;
	v62 =	vmul.f32 v2, v56  }
0x4ab: {  	[tilespmem:s16+$0x140] =	vst v1;
	v1 =	vmul.f32 v3, v52;
	v3 =	vld [tilespmem:s16+$0x1C0]  }
0x4ac: {  	v60 =	vld [tilespmem:s16+$0x1D0];
	[tilespmem:s16+$0x1A0] =	vst v62;
	v5 =	vmul.f32 v5, v31  }
0x4ad: {  	v61 =	vld [tilespmem:s16+$0x1E0];
	[tilespmem:s16+$0x160] =	vst v1;
	v1 =	vmul.f32 v2, v55  }
0x4ae: {  	v63 =	vld [tilespmem:s16+$0x1F0];
	[tilespmem:s16+$0x70] =	vst v5;
	v4 =	vmul.f32 v4, v42  }
0x4af: {  	[tilespmem:s16+$0x190] =	vst v1;
	v1 =	vmul.f32 v2, v58  }
0x4b0: {  	[tilespmem:s16+$0xF0] =	vst v4;
	v3 =	vmul.f32 v2, v3  }
0x4b1: {  	[tilespmem:s16+$0x1B0] =	vst v1;
	v1 =	vmul.f32 v2, v60  }
.Ltmp7:
0x4b2: {  	[tilespmem:s16+$0x1C0] =	vst v3;
	v3 =	vmul.f32 v2, v61;
	(pc) =	sbr.rel @p1 .LBB2_14-.Ltmp7, $4  }
0x4b3: {  	[tilespmem:s16+$0x1D0] =	vst v1;
	v1 =	vmul.f32 v2, v63  }
0x4b4: {  	[tilespmem:s16+$0x1E0] =	vst v3  }
0x4b5: {  	[tilespmem:s16+$0x1F0] =	vst v1  }
0x4b6: {  	[spmem:s2] =	stream.indirect.scatter.add.f32 [tilespmem:s31], [sflag:$0x4], $0x80, s9, s25, $0xb8;
	[tilespmem:$0x1D600] =	vst v63  }
.Ltmp8:
0x4b7: {  	s14 =	sadd.s32 s14, s21;
	(pc) =	sbr.rel .LBB2_8-.Ltmp8, $4  }
0x4b8: {  	s14 =	sshll.u32 s14, $0x6  }
0x4b9: {  	s14 =	sand.u32 $0x1FFFFFC0, s14  }
0x4ba: {  	s13 =	sadd.s32 $0x1, s13;
	s14 =	sadd.s32 s5, s14  }
0x4bb: {  	[tilespmem:s23], [sflag:$0x6] =	stream.linear.gather [hbm4b:s14+s3], $0x180, $0x38;
	[tilespmem:$0x1D600] =	vst v63  }
.LBB2_15:
0x4bc: {  	_ =	sfence.sel $0x180000  }
0x4bd: {  	[bflag:$0x0] =	sbarrier.arrive $0xFFFF  }
0x4be: {  	_ =	strace $0x90000047  }
0x4bf: {  	[bflag:$0x2] =	sbarrier.arrive $0xFFFF  }
0x4c0: {  	s0 =	rddreg [dreg:$0x3]  }
0x4c1: {  	s0 =	sadd.s32 @!p0 $0x100000, s0  }
0x4c2: {  	[sflag:s0] =	ssyncadd.tile.s32 @!p0 $0x1;
	_ =	shalt  }
.Lfunc_end2:
_tile_overlayer_lowered:
.L_overlay_start_2:
0x4c3: {  	(tag) =	ssettag $0x2  }
0x4c4: {  	s0 =	rddreg [dreg:$0x0];
	s2 =	stileid.u32  }
0x4c5: {  	s1 =	rddreg [dreg:$0x1];
	p0 =	sne.s32 s2, $0x0  }
0x4c6: {  	s3 =	rddreg [dreg:$0x2];
	[bflag:$0x3] =	sbarrier.arrive $0xFFFF;
	s2 =	simm.s32 @!p0 $0x1C07  }
0x4c7: {  	[timem:s3], [sflag:s2] =	dma.local @!p0 [hbm:s0], s1  }
0x4c8: {  	s0 =	simm.s32 @!p0 $0x7  }
0x4c9: {  	_ =	swait.ge @!p0 [sflag:s0], s1  }
0x4ca: {  	s1 =	ssub.s32 @!p0 $0x0, s1;
	[sflag:s0] =	ssyncset.done @!p0 $0x0  }
0x4cb: {  	[sflag:s0] =	ssyncadd.s32 @!p0 s1  }
0x4cc: {  	[bflag:$0x3] =	sbarrier.arrive $0xFFFF  }
0x4cd: {  	_ =	shalt  }

</sc_bundles>
